<compile_context>
chip_gen: v7x
topology: tpu7x:2x2x1
jax: 0.10.2.dev20260603
libtpu: 0.0.44.dev20260713+nightly
codegen_flags: <defaults>
</compile_context>

<pallas_src>
import jax
import jax.numpy as jnp
from jax import lax
from jax.experimental import pallas as pl
from jax.experimental.pallas import tpu as pltpu
from jax.experimental.pallas import tpu_sc as plsc

N = 10000
E = 640000
NODE_DIM = 128
EDGE_DIM = 16
EMB = 16
HEADS = 2
HC = EMB * HEADS
HID = 32
OUT = 2

NC = 2
NS = 16
NW = NC * NS

ROW = 128
RPS = 8
SUP = ROW * RPS
NSUP = E // SUP
KMAX = -(-NSUP // NW)
QROWS = 8
QE = ROW * QROWS
NPAD = 10240
NPS = NPAD // NS

_sc_mesh = plsc.VectorSubcoreMesh(
    core_axis_name="c", subcore_axis_name="s", num_cores=NC, num_subcores=NS)
_sc_params = pltpu.CompilerParams(use_tc_tiling_on_sc=False)


def _worker_id():
  return lax.axis_index("s") * NC + lax.axis_index("c")




def _sc_gather_body(src3, dst3, xl, xr,
                    gl, gr,
                    idxs, idxd, bufl, bufr, sem):
  wid = _worker_id()

  def body(k, _):
    sblk = wid + k * NW

    @pl.when(sblk < NSUP)
    def _():
      e0 = sblk * SUP
      ic = [pltpu.async_copy(src3.at[sblk], idxs, sem),
            pltpu.async_copy(dst3.at[sblk], idxd, sem)]
      for cp in ic:
        cp.wait()
      cps = []
      for j in range(RPS):
        cps.append(pltpu.async_copy(
            xl.at[idxs.at[j]], bufl.at[pl.ds(j * ROW, ROW)], sem))
        cps.append(pltpu.async_copy(
            xr.at[idxd.at[j]], bufr.at[pl.ds(j * ROW, ROW)], sem))
      for cp in cps:
        cp.wait()
      oc = [pltpu.async_copy(bufl, gl.at[pl.ds(e0, SUP)], sem),
            pltpu.async_copy(bufr, gr.at[pl.ds(e0, SUP)], sem)]
      for cp in oc:
        cp.wait()
    return ()

  lax.fori_loop(0, KMAX, body, ())


_sc_gather = pl.kernel(
    _sc_gather_body,
    compiler_params=_sc_params,
    out_type=(jax.ShapeDtypeStruct((E, HC), jnp.float32),
              jax.ShapeDtypeStruct((E, HC), jnp.float32)),
    mesh=_sc_mesh,
    scratch_types=[
        pltpu.VMEM((RPS, ROW), jnp.int32),
        pltpu.VMEM((RPS, ROW), jnp.int32),
        pltpu.VMEM((SUP, HC), jnp.float32),
        pltpu.VMEM((SUP, HC), jnp.float32),
        pltpu.SemaphoreType.DMA,
    ],
)


def _sc_scatter_body(dst3, pn, pd, pe, zeros_hc,
                     acca, accb, accs,
                     idx_v, pnb, pdb, peb, acca_sh, accb_sh, accs_sh, sem):
  cid = lax.axis_index("c")
  sid = lax.axis_index("s")
  wid = _worker_id()

  @pl.when(sid == 0)
  def _():
    pltpu.sync_copy(zeros_hc, acca_sh)
    pltpu.sync_copy(zeros_hc, accb_sh)
    pltpu.sync_copy(zeros_hc, accs_sh)

  plsc.subcore_barrier()

  def body(k, _):
    sblk = wid + k * NW

    @pl.when(sblk < NSUP)
    def _():
      e0 = sblk * SUP
      pltpu.sync_copy(dst3.at[sblk], idx_v)
      for h in range(2):
        hs = pl.ds(e0 + h * (SUP // 2), SUP // 2)
        stg = [pltpu.async_copy(pn.at[hs], pnb, sem),
               pltpu.async_copy(pd.at[hs], pdb, sem),
               pltpu.async_copy(pe.at[hs], peb, sem)]
        for cp in stg:
          cp.wait()
        adds = []
        for j in range(RPS // 2):
          r = idx_v.at[h * (RPS // 2) + j]
          sl = pl.ds(j * ROW, ROW)
          adds.append(pltpu.async_copy(pnb.at[sl], acca_sh.at[r], sem,
                                       add=True))
          adds.append(pltpu.async_copy(pdb.at[sl], accb_sh.at[r], sem,
                                       add=True))
          adds.append(pltpu.async_copy(peb.at[sl], accs_sh.at[r], sem,
                                       add=True))
        for cp in adds:
          cp.wait()
    return ()

  lax.fori_loop(0, KMAX, body, ())
  plsc.subcore_barrier()

  n0 = sid * NPS
  pltpu.sync_copy(acca_sh.at[pl.ds(n0, NPS)], acca.at[cid, pl.ds(n0, NPS)])
  pltpu.sync_copy(accb_sh.at[pl.ds(n0, NPS)], accb.at[cid, pl.ds(n0, NPS)])
  pltpu.sync_copy(accs_sh.at[pl.ds(n0, NPS)], accs.at[cid, pl.ds(n0, NPS)])


_sc_scatter = pl.kernel(
    _sc_scatter_body,
    compiler_params=_sc_params,
    out_type=(jax.ShapeDtypeStruct((NC, NPAD, HC), jnp.float32),
              jax.ShapeDtypeStruct((NC, NPAD, HC), jnp.float32),
              jax.ShapeDtypeStruct((NC, NPAD, HC), jnp.float32)),
    mesh=_sc_mesh,
    scratch_types=[
        pltpu.VMEM((RPS, ROW), jnp.int32),
        pltpu.VMEM((SUP // 2, HC), jnp.float32),
        pltpu.VMEM((SUP // 2, HC), jnp.float32),
        pltpu.VMEM((SUP // 2, HC), jnp.float32),
        pltpu.VMEM_SHARED((NPAD, HC), jnp.float32),
        pltpu.VMEM_SHARED((NPAD, HC), jnp.float32),
        pltpu.VMEM_SHARED((NPAD, HC), jnp.float32),
        pltpu.SemaphoreType.DMA,
    ],
)



BE = 12800
B4 = BE // 4
NB = E // BE
BN = 2000


def _edgewise_body(selatt_ref, selexp_ref, gl_ref, gr_ref, we_ref,
                   ea0_ref, ea1_ref, ea2_ref, ea3_ref,
                   pnum_ref, pden_ref, pe_ref):
  dn = (((0,), (0,)), ((), ()))
  e4 = jnp.concatenate(
      [jax.lax.dot_general(r[...], we_ref[...], dn,
                           preferred_element_type=jnp.float32)
       for r in (ea0_ref, ea1_ref, ea2_ref, ea3_ref)], axis=1)
  gl4 = gl_ref[...]
  m4 = gl4 + gr_ref[...] + e4
  m4 = jnp.maximum(m4, 0.2 * m4)
  alpha8 = jnp.dot(m4, selatt_ref[...], preferred_element_type=jnp.float32,
                   precision=jax.lax.Precision.HIGHEST)
  ex8 = jnp.exp(alpha8)
  exexp = jnp.dot(ex8, selexp_ref[...], preferred_element_type=jnp.float32,
                  precision=jax.lax.Precision.HIGHEST)
  pnum_ref[...] = gl4 * exexp
  pe_ref[...] = e4
  one = jnp.ones((B4, 1), jnp.float32)
  z = jnp.zeros((B4, 29), jnp.float32)
  pden_ref[...] = jnp.concatenate(
      [ex8[:, 0:2], one, z, ex8[:, 2:4], one, z,
       ex8[:, 4:6], one, z, ex8[:, 6:8], one, z], axis=1)


def _ea_spec(c):
  return pl.BlockSpec((EDGE_DIM, B4), lambda i, c=c: (0, i + NB * c))


def _tc_edgewise(selatt, selexp, gl4, gr4, we, eat):
  return pl.pallas_call(
      _edgewise_body,
      grid=(NB,),
      in_specs=[
          pl.BlockSpec((128, 8), lambda i: (0, 0)),
          pl.BlockSpec((8, 128), lambda i: (0, 0)),
          pl.BlockSpec((B4, 128), lambda i: (i, 0)),
          pl.BlockSpec((B4, 128), lambda i: (i, 0)),
          pl.BlockSpec((EDGE_DIM, HC), lambda i: (0, 0)),
          _ea_spec(0), _ea_spec(1), _ea_spec(2), _ea_spec(3),
      ],
      out_specs=[
          pl.BlockSpec((B4, 128), lambda i: (i, 0)),
          pl.BlockSpec((B4, 128), lambda i: (i, 0)),
          pl.BlockSpec((B4, 128), lambda i: (i, 0)),
      ],
      out_shape=[
          jax.ShapeDtypeStruct((E // 4, 128), jnp.float32),
          jax.ShapeDtypeStruct((E // 4, 128), jnp.float32),
          jax.ShapeDtypeStruct((E // 4, 128), jnp.float32),
      ],
  )(selatt, selexp, gl4, gr4, we, eat, eat, eat, eat)


def _xproj_body(x_ref, wl_ref, bl_ref, wr_ref, br_ref, xl_ref, xr_ref):
  x = x_ref[...]
  xl_ref[...] = jnp.dot(
      x, wl_ref[...], preferred_element_type=jnp.float32) + bl_ref[...]
  xr_ref[...] = jnp.dot(
      x, wr_ref[...], preferred_element_type=jnp.float32) + br_ref[...]


def _tc_xproj(x, wl, bl, wr, br):
  d = x.shape[1]
  return pl.pallas_call(
      _xproj_body,
      grid=(N // BN,),
      in_specs=[
          pl.BlockSpec((BN, d), lambda i: (i, 0)),
          pl.BlockSpec((d, HC), lambda i: (0, 0)),
          pl.BlockSpec((1, HC), lambda i: (0, 0)),
          pl.BlockSpec((d, HC), lambda i: (0, 0)),
          pl.BlockSpec((1, HC), lambda i: (0, 0)),
      ],
      out_specs=[
          pl.BlockSpec((BN, HC), lambda i: (i, 0)),
          pl.BlockSpec((BN, HC), lambda i: (i, 0)),
      ],
      out_shape=[
          jax.ShapeDtypeStruct((N, HC), jnp.float32),
          jax.ShapeDtypeStruct((N, HC), jnp.float32),
      ],
  )(x, wl, bl, wr, br)


def _lrelu(x):
  return jnp.maximum(x, 0.2 * x)


def _combine(acca_ref, accb_ref, accs_ref, xl, xr, attf, bias):
  num = acca_ref[0] + acca_ref[1]
  db = accb_ref[0] + accb_ref[1]
  s = accs_ref[0] + accs_ref[1]
  deg = jnp.maximum(db[:, 2:3], 1.0)
  e_loop = s / deg
  t = _lrelu(xl + xr + e_loop) * attf
  a0 = jnp.sum(t[:, :EMB], axis=1, keepdims=True)
  a1 = jnp.sum(t[:, EMB:], axis=1, keepdims=True)
  ex0 = jnp.exp(a0)
  ex1 = jnp.exp(a1)
  d0 = db[:, 0:1] + ex0 + 1e-16
  d1 = db[:, 1:2] + ex1 + 1e-16
  h0 = (num[:, :EMB] + xl[:, :EMB] * ex0) / d0
  h1 = (num[:, EMB:] + xl[:, EMB:] * ex1) / d1
  return jnp.concatenate([h0, h1], axis=1) + bias


def _node2_body(acca_ref, accb_ref, accs_ref, xl1_ref, xr1_ref, attf_ref,
                bias1_ref, wl_ref, bl_ref, wr_ref, br_ref,
                xl2_ref, xr2_ref):
  h = _combine(acca_ref, accb_ref, accs_ref, xl1_ref[...], xr1_ref[...],
               attf_ref[...], bias1_ref[...])
  xl2_ref[...] = jnp.dot(
      h, wl_ref[...], preferred_element_type=jnp.float32) + bl_ref[...]
  xr2_ref[...] = jnp.dot(
      h, wr_ref[...], preferred_element_type=jnp.float32) + br_ref[...]


def _acc_specs():
  return [pl.BlockSpec((NC, BN, HC), lambda i: (0, i, 0)),
          pl.BlockSpec((NC, BN, HC), lambda i: (0, i, 0)),
          pl.BlockSpec((NC, BN, HC), lambda i: (0, i, 0))]


def _tc_node2(acca, accb, accs, xl1, xr1, attf, bias1, wl, bl, wr, br):
  return pl.pallas_call(
      _node2_body,
      grid=(N // BN,),
      in_specs=_acc_specs() + [
          pl.BlockSpec((BN, HC), lambda i: (i, 0)),
          pl.BlockSpec((BN, HC), lambda i: (i, 0)),
          pl.BlockSpec((1, HC), lambda i: (0, 0)),
          pl.BlockSpec((1, HC), lambda i: (0, 0)),
          pl.BlockSpec((HC, HC), lambda i: (0, 0)),
          pl.BlockSpec((1, HC), lambda i: (0, 0)),
          pl.BlockSpec((HC, HC), lambda i: (0, 0)),
          pl.BlockSpec((1, HC), lambda i: (0, 0)),
      ],
      out_specs=[
          pl.BlockSpec((BN, HC), lambda i: (i, 0)),
          pl.BlockSpec((BN, HC), lambda i: (i, 0)),
      ],
      out_shape=[
          jax.ShapeDtypeStruct((N, HC), jnp.float32),
          jax.ShapeDtypeStruct((N, HC), jnp.float32),
      ],
  )(acca, accb, accs, xl1, xr1, attf, bias1, wl, bl, wr, br)


def _final_body(acca_ref, accb_ref, accs_ref, xl2_ref, xr2_ref, attf_ref,
                bias2_ref, wd1_ref, bd1_ref, wd2_ref, bd2_ref, q_ref):
  h = _combine(acca_ref, accb_ref, accs_ref, xl2_ref[...], xr2_ref[...],
               attf_ref[...], bias2_ref[...])
  t = jnp.maximum(
      jnp.dot(h, wd1_ref[...], preferred_element_type=jnp.float32)
      + bd1_ref[...], 0.0)
  q_ref[...] = jnp.dot(
      t, wd2_ref[...], preferred_element_type=jnp.float32) + bd2_ref[...]


def _tc_final(acca, accb, accs, xl2, xr2, attf, bias2, wd1, bd1, wd2, bd2):
  return pl.pallas_call(
      _final_body,
      grid=(N // BN,),
      in_specs=_acc_specs() + [
          pl.BlockSpec((BN, HC), lambda i: (i, 0)),
          pl.BlockSpec((BN, HC), lambda i: (i, 0)),
          pl.BlockSpec((1, HC), lambda i: (0, 0)),
          pl.BlockSpec((1, HC), lambda i: (0, 0)),
          pl.BlockSpec((HC, HID), lambda i: (0, 0)),
          pl.BlockSpec((1, HID), lambda i: (0, 0)),
          pl.BlockSpec((HID, OUT), lambda i: (0, 0)),
          pl.BlockSpec((1, OUT), lambda i: (0, 0)),
      ],
      out_specs=pl.BlockSpec((BN, OUT), lambda i: (i, 0)),
      out_shape=jax.ShapeDtypeStruct((N, OUT), jnp.float32),
  )(acca, accb, accs, xl2, xr2, attf, bias2, wd1, bd1, wd2, bd2)




def _selectors(att):
  attf = att.reshape(HC)
  cols = jnp.arange(128)
  grp = cols // 32
  comp = cols % 32
  head = comp // EMB
  sel = jnp.zeros((128, 8), jnp.float32).at[cols, 2 * grp + head].set(attf[comp])
  selexp = jnp.zeros((8, 128), jnp.float32).at[2 * grp + head, cols].set(1.0)
  return sel, selexp


def _gat_layer(src3, dst3, xl, xr, eat, we, selatt, selexp):
  gl, gr = _sc_gather(src3, dst3, xl, xr)
  gl4 = gl.reshape(E // 4, 128)
  gr4 = gr.reshape(E // 4, 128)
  pn, pd, pe = _tc_edgewise(selatt, selexp, gl4, gr4, we, eat)
  zeros_hc = jnp.zeros((NPAD, HC), jnp.float32)
  return _sc_scatter(dst3, pn.reshape(E, HC), pd.reshape(E, HC),
                     pe.reshape(E, HC), zeros_hc)


def kernel(x, edge_index, edge_attr, W_l1, b_l1, W_r1, b_r1, W_e1, att1,
           bias1, W_l2, b_l2, W_r2, b_r2, W_e2, att2, bias2, Wd1, bd1,
           Wd2, bd2):
  ei = edge_index.reshape(2, 4, E // 4).transpose(0, 2, 1).reshape(2, E)
  src3 = ei[0].reshape(NSUP, RPS, ROW)
  dst3 = ei[1].reshape(NSUP, RPS, ROW)
  attf1 = att1.reshape(1, HC)
  attf2 = att2.reshape(1, HC)
  selatt1, selexp = _selectors(att1)
  selatt2, _ = _selectors(att2)

  eat = edge_attr.T
  xl1, xr1 = _tc_xproj(x, W_l1, b_l1.reshape(1, HC), W_r1, b_r1.reshape(1, HC))
  acca1, accb1, accs1 = _gat_layer(src3, dst3, xl1, xr1, eat, W_e1,
                                   selatt1, selexp)
  xl2, xr2 = _tc_node2(acca1, accb1, accs1, xl1, xr1, attf1,
                       bias1.reshape(1, HC), W_l2, b_l2.reshape(1, HC),
                       W_r2, b_r2.reshape(1, HC))
  acca2, accb2, accs2 = _gat_layer(src3, dst3, xl2, xr2, eat, W_e2,
                                   selatt2, selexp)
  q = _tc_final(acca2, accb2, accs2, xl2, xr2, attf2, bias2.reshape(1, HC),
                Wd1, bd1.reshape(1, HID), Wd2, bd2.reshape(1, OUT))
  return q

# --- scband reference (transcript-rebuilt; emitter-appended) ---
"""Pipeline reference for scband-gnn-44057774522952 (READ-ONLY COPY).

The authoritative reference and input builder live on the scoring server;
editing this copy changes nothing except your own understanding.
"""

import jax, jax.numpy as jnp
import numpy as np

N = 10000
E = 640000
NODE_DIM = 128
EDGE_DIM = 16
EMB = 16
HEADS = 2
HC = EMB * HEADS
HID = 32
OUT = 2


def _glorot(k, shape):
    return jax.random.normal(k, shape, dtype=jnp.float32) * (1.0 / np.sqrt(shape[0]))


def setup_inputs(seed: int = 0):
    key = jax.random.key(seed)
    ks = jax.random.split(key, 16)
    inp = {}
    inp["x"] = jax.random.normal(ks[0], (N, NODE_DIM), dtype=jnp.float32)
    inp["edge_index"] = jax.random.randint(ks[1], (2, E), 0, N, dtype=jnp.int32)
    inp["edge_attr"] = jax.random.normal(ks[2], (E, EDGE_DIM), dtype=jnp.float32)
    inp["W_l1"] = _glorot(ks[3], (NODE_DIM, HC)); inp["b_l1"] = jnp.zeros((HC,), jnp.float32)
    inp["W_r1"] = _glorot(ks[4], (NODE_DIM, HC)); inp["b_r1"] = jnp.zeros((HC,), jnp.float32)
    inp["W_e1"] = _glorot(ks[5], (EDGE_DIM, HC))
    inp["att1"] = _glorot(ks[6], (HEADS, EMB))
    inp["bias1"] = jnp.zeros((HC,), jnp.float32)
    inp["W_l2"] = _glorot(ks[7], (HC, HC)); inp["b_l2"] = jnp.zeros((HC,), jnp.float32)
    inp["W_r2"] = _glorot(ks[8], (HC, HC)); inp["b_r2"] = jnp.zeros((HC,), jnp.float32)
    inp["W_e2"] = _glorot(ks[9], (EDGE_DIM, HC))
    inp["att2"] = _glorot(ks[10], (HEADS, EMB))
    inp["bias2"] = jnp.zeros((HC,), jnp.float32)
    inp["Wd1"] = _glorot(ks[11], (HC, HID)); inp["bd1"] = jnp.zeros((HID,), jnp.float32)
    inp["Wd2"] = _glorot(ks[12], (HID, OUT)); inp["bd2"] = jnp.zeros((OUT,), jnp.float32)
    return inp


def _gatv2_layer(x, edge_index, edge_attr, W_l, b_l, W_r, b_r, W_e, att, bias):
    n = x.shape[0]
    src, dst = edge_index[0], edge_index[1]
    # add self loops; edge_attr for self loops via fill_value='mean' (mean of incoming edge attrs)
    deg = jax.ops.segment_sum(jnp.ones(src.shape[0], jnp.float32), dst, num_segments=n)
    loop_attr = jax.ops.segment_sum(edge_attr, dst, num_segments=n) / jnp.maximum(deg, 1.0)[:, None]
    nodes = jnp.arange(n, dtype=src.dtype)
    src_f = jnp.concatenate([src, nodes])
    dst_f = jnp.concatenate([dst, nodes])
    ea = jnp.concatenate([edge_attr, loop_attr], axis=0)
    x_l = (x @ W_l + b_l).reshape(n, HEADS, EMB)
    x_r = (x @ W_r + b_r).reshape(n, HEADS, EMB)
    e = (ea @ W_e).reshape(-1, HEADS, EMB)
    m = x_l[src_f] + x_r[dst_f] + e
    m = jax.nn.leaky_relu(m, 0.2)
    alpha = jnp.sum(m * att[None, :, :], axis=-1)  # [E', H]
    amax = jax.ops.segment_max(alpha, dst_f, num_segments=n)
    ex = jnp.exp(alpha - amax[dst_f])
    denom = jax.ops.segment_sum(ex, dst_f, num_segments=n)
    a = ex / (denom[dst_f] + 1e-16)
    out = jax.ops.segment_sum(x_l[src_f] * a[:, :, None], dst_f, num_segments=n)
    return out.reshape(n, HC) + bias


def reference(x, edge_index, edge_attr, W_l1, b_l1, W_r1, b_r1, W_e1, att1, bias1, W_l2, b_l2, W_r2, b_r2, W_e2, att2, bias2, Wd1, bd1, Wd2, bd2):
    h = _gatv2_layer(x, edge_index, edge_attr, W_l1, b_l1, W_r1, b_r1, W_e1, att1, bias1)
    h = _gatv2_layer(h, edge_index, edge_attr, W_l2, b_l2, W_r2, b_r2, W_e2, att2, bias2)
    q = jax.nn.relu(h @ Wd1 + bd1) @ Wd2 + bd2
    return q

if __name__ == "__main__":
    import jax
    _d = setup_inputs()
    print(jax.jit(kernel)(*tuple(_d.values())))

</pallas_src>

<mosaic_0001>
#map = affine_map<(d0, d1) -> (0, 0, 0)>
#map1 = affine_map<(d0, d1) -> (0, 0)>
module attributes {stable_mosaic.version = 14 : i64} {
  func.func @_sc_scatter_body(%arg0: i32, %arg1: i32, %arg2: memref<625x8x128xi32, #tpu.memory_space<hbm>>, %arg3: memref<640000x32xf32, #tpu.memory_space<hbm>>, %arg4: memref<640000x32xf32, #tpu.memory_space<hbm>>, %arg5: memref<640000x32xf32, #tpu.memory_space<hbm>>, %arg6: memref<10240x32xf32, #tpu.memory_space<hbm>>, %arg7: memref<2x10240x32xf32, #tpu.memory_space<hbm>>, %arg8: memref<2x10240x32xf32, #tpu.memory_space<hbm>>, %arg9: memref<2x10240x32xf32, #tpu.memory_space<hbm>>, %arg10: memref<8x128xi32, #tpu.memory_space<vmem>>, %arg11: memref<512x32xf32, #tpu.memory_space<vmem>>, %arg12: memref<512x32xf32, #tpu.memory_space<vmem>>, %arg13: memref<512x32xf32, #tpu.memory_space<vmem>>, %arg14: memref<10240x32xf32, #tpu.memory_space<vmem_shared>>, %arg15: memref<10240x32xf32, #tpu.memory_space<vmem_shared>>, %arg16: memref<10240x32xf32, #tpu.memory_space<vmem_shared>>, %arg17: memref<!tpu.dma_semaphore, #tpu.memory_space<semaphore_mem>>) attributes {dimension_semantics = [#tpu.dimension_semantics<core_parallel>, #tpu.dimension_semantics<subcore_parallel>], iteration_bounds = array<i64: 2, 16>, scalar_prefetch = 0 : i64, scratch_operands = 8 : i64, tpu.core_type = #tpu.core_type<sc_vector_subcore>, window_params = [{transform_indices = #map}, {transform_indices = #map1}, {transform_indices = #map1}, {transform_indices = #map1}, {transform_indices = #map1}, {transform_indices = #map}, {transform_indices = #map}, {transform_indices = #map}]} {
    %mul3A = arith.constant 2 : i32
    %mul3A_0 = arith.muli %arg1, %mul3A : i32
    %add3A = arith.addi %mul3A_0, %arg0 : i32
    %eq3A = arith.constant 0 : i32
    %eq3A_1 = arith.cmpi eq, %arg1, %eq3A : i32
    %convert_element_type3A = arith.extui %eq3A_1 : i1 to i32
    %cond3A = arith.constant 0 : i32
    %cond3A_2 = arith.cmpi ne, %convert_element_type3A, %cond3A : i32
    scf.if %cond3A_2 {
      "tpu.region"() ({
        %run_scoped3A = tpu.sem_alloc : memref<!tpu.dma_semaphore, #tpu.memory_space<semaphore_mem>>
        tpu.enqueue_dma source(%arg6 : memref<10240x32xf32, #tpu.memory_space<hbm>>) target(%arg14 : memref<10240x32xf32, #tpu.memory_space<vmem_shared>>) target_semaphore(%run_scoped3A : memref<!tpu.dma_semaphore, #tpu.memory_space<semaphore_mem>>)
        tpu.wait_dma2 semaphore(%run_scoped3A : memref<!tpu.dma_semaphore, #tpu.memory_space<semaphore_mem>>) src(%arg6 : memref<10240x32xf32, #tpu.memory_space<hbm>>) dst(%arg14 : memref<10240x32xf32, #tpu.memory_space<vmem_shared>>)
        tpu.yield
      }) : () -> ()
      "tpu.region"() ({
        %run_scoped3A = tpu.sem_alloc : memref<!tpu.dma_semaphore, #tpu.memory_space<semaphore_mem>>
        tpu.enqueue_dma source(%arg6 : memref<10240x32xf32, #tpu.memory_space<hbm>>) target(%arg15 : memref<10240x32xf32, #tpu.memory_space<vmem_shared>>) target_semaphore(%run_scoped3A : memref<!tpu.dma_semaphore, #tpu.memory_space<semaphore_mem>>)
        tpu.wait_dma2 semaphore(%run_scoped3A : memref<!tpu.dma_semaphore, #tpu.memory_space<semaphore_mem>>) src(%arg6 : memref<10240x32xf32, #tpu.memory_space<hbm>>) dst(%arg15 : memref<10240x32xf32, #tpu.memory_space<vmem_shared>>)
        tpu.yield
      }) : () -> ()
      "tpu.region"() ({
        %run_scoped3A = tpu.sem_alloc : memref<!tpu.dma_semaphore, #tpu.memory_space<semaphore_mem>>
        tpu.enqueue_dma source(%arg6 : memref<10240x32xf32, #tpu.memory_space<hbm>>) target(%arg16 : memref<10240x32xf32, #tpu.memory_space<vmem_shared>>) target_semaphore(%run_scoped3A : memref<!tpu.dma_semaphore, #tpu.memory_space<semaphore_mem>>)
        tpu.wait_dma2 semaphore(%run_scoped3A : memref<!tpu.dma_semaphore, #tpu.memory_space<semaphore_mem>>) src(%arg6 : memref<10240x32xf32, #tpu.memory_space<hbm>>) dst(%arg16 : memref<10240x32xf32, #tpu.memory_space<vmem_shared>>)
        tpu.yield
      }) : () -> ()
    } else {
    }
    %barrier3A = arith.constant 0 : index
    tpu.barrier barrier_id(%barrier3A)
    %scan3A = arith.constant 0 : i32
    %scan3A_3 = arith.constant 20 : i32
    %scan3A_4 = arith.addi %scan3A, %scan3A_3 : i32
    %scan3A_5 = arith.constant 1 : i32
    scf.for %scan3A_10 = %scan3A to %scan3A_4 step %scan3A_5  : i32 {
      %mul3A_11 = arith.constant 32 : i32
      %mul3A_12 = arith.muli %scan3A_10, %mul3A_11 : i32
      %add3A_13 = arith.addi %add3A, %mul3A_12 : i32
      %lt3A = arith.constant 625 : i32
      %lt3A_14 = arith.cmpi slt, %add3A_13, %lt3A : i32
      %convert_element_type3A_15 = arith.extui %lt3A_14 : i1 to i32
      %cond3A_16 = arith.constant 0 : i32
      %cond3A_17 = arith.cmpi ne, %convert_element_type3A_15, %cond3A_16 : i32
      scf.if %cond3A_17 {
        %mul3A_18 = arith.constant 1024 : i32
        %mul3A_19 = arith.muli %add3A_13, %mul3A_18 : i32
        "tpu.region"() ({
          %run_scoped3A = tpu.sem_alloc : memref<!tpu.dma_semaphore, #tpu.memory_space<semaphore_mem>>
          %dma_start3A_550 = arith.constant 0 : i32
          %dma_start3A_551 = arith.constant 0 : i32
          %dma_start3A_552 = tpu.memref_slice %arg2[%add3A_13, %dma_start3A_550, %dma_start3A_551] : memref<625x8x128xi32, #tpu.memory_space<hbm>> -> memref<1x8x128xi32, #tpu.memory_space<hbm>>
          %dma_start3A_553 = tpu.memref_squeeze %dma_start3A_552 : memref<1x8x128xi32, #tpu.memory_space<hbm>> -> memref<8x128xi32, #tpu.memory_space<hbm>>
          %dma_start3A_554 = arith.constant 0 : i32
          %dma_start3A_555 = arith.constant 0 : i32
          %dma_start3A_556 = tpu.memref_slice %arg2[%add3A_13, %dma_start3A_554, %dma_start3A_555] : memref<625x8x128xi32, #tpu.memory_space<hbm>> -> memref<1x8x128xi32, #tpu.memory_space<hbm>>
          %dma_start3A_557 = tpu.memref_squeeze %dma_start3A_556 : memref<1x8x128xi32, #tpu.memory_space<hbm>> -> memref<8x128xi32, #tpu.memory_space<hbm>>
          tpu.enqueue_dma source(%dma_start3A_557 : memref<8x128xi32, #tpu.memory_space<hbm>>) target(%arg10 : memref<8x128xi32, #tpu.memory_space<vmem>>) target_semaphore(%run_scoped3A : memref<!tpu.dma_semaphore, #tpu.memory_space<semaphore_mem>>)
          %dma_wait3A_558 = arith.constant 0 : i32
          %dma_wait3A_559 = arith.constant 0 : i32
          %dma_wait3A_560 = tpu.memref_slice %arg2[%add3A_13, %dma_wait3A_558, %dma_wait3A_559] : memref<625x8x128xi32, #tpu.memory_space<hbm>> -> memref<1x8x128xi32, #tpu.memory_space<hbm>>
          %dma_wait3A_561 = tpu.memref_squeeze %dma_wait3A_560 : memref<1x8x128xi32, #tpu.memory_space<hbm>> -> memref<8x128xi32, #tpu.memory_space<hbm>>
          %dma_wait3A_562 = arith.constant 0 : i32
          %dma_wait3A_563 = arith.constant 0 : i32
          %dma_wait3A_564 = tpu.memref_slice %arg2[%add3A_13, %dma_wait3A_562, %dma_wait3A_563] : memref<625x8x128xi32, #tpu.memory_space<hbm>> -> memref<1x8x128xi32, #tpu.memory_space<hbm>>
          %dma_wait3A_565 = tpu.memref_squeeze %dma_wait3A_564 : memref<1x8x128xi32, #tpu.memory_space<hbm>> -> memref<8x128xi32, #tpu.memory_space<hbm>>
          tpu.wait_dma2 semaphore(%run_scoped3A : memref<!tpu.dma_semaphore, #tpu.memory_space<semaphore_mem>>) src(%dma_wait3A_565 : memref<8x128xi32, #tpu.memory_space<hbm>>) dst(%arg10 : memref<8x128xi32, #tpu.memory_space<vmem>>)
          tpu.yield
        }) : () -> ()
        %add3A_20 = arith.constant 0 : i32
        %add3A_21 = arith.addi %mul3A_19, %add3A_20 : i32
        %dma_start3A = arith.constant 0 : i32
        %dma_start3A_22 = tpu.memref_slice %arg3[%add3A_21, %dma_start3A] : memref<640000x32xf32, #tpu.memory_space<hbm>> -> memref<512x32xf32, #tpu.memory_space<hbm>>
        %dma_start3A_23 = arith.constant 0 : i32
        %dma_start3A_24 = tpu.memref_slice %arg3[%add3A_21, %dma_start3A_23] : memref<640000x32xf32, #tpu.memory_space<hbm>> -> memref<512x32xf32, #tpu.memory_space<hbm>>
        tpu.enqueue_dma source(%dma_start3A_24 : memref<512x32xf32, #tpu.memory_space<hbm>>) target(%arg11 : memref<512x32xf32, #tpu.memory_space<vmem>>) target_semaphore(%arg17 : memref<!tpu.dma_semaphore, #tpu.memory_space<semaphore_mem>>)
        %dma_start3A_25 = arith.constant 0 : i32
        %dma_start3A_26 = tpu.memref_slice %arg4[%add3A_21, %dma_start3A_25] : memref<640000x32xf32, #tpu.memory_space<hbm>> -> memref<512x32xf32, #tpu.memory_space<hbm>>
        %dma_start3A_27 = arith.constant 0 : i32
        %dma_start3A_28 = tpu.memref_slice %arg4[%add3A_21, %dma_start3A_27] : memref<640000x32xf32, #tpu.memory_space<hbm>> -> memref<512x32xf32, #tpu.memory_space<hbm>>
        tpu.enqueue_dma source(%dma_start3A_28 : memref<512x32xf32, #tpu.memory_space<hbm>>) target(%arg12 : memref<512x32xf32, #tpu.memory_space<vmem>>) target_semaphore(%arg17 : memref<!tpu.dma_semaphore, #tpu.memory_space<semaphore_mem>>)
        %dma_start3A_29 = arith.constant 0 : i32
        %dma_start3A_30 = tpu.memref_slice %arg5[%add3A_21, %dma_start3A_29] : memref<640000x32xf32, #tpu.memory_space<hbm>> -> memref<512x32xf32, #tpu.memory_space<hbm>>
        %dma_start3A_31 = arith.constant 0 : i32
        %dma_start3A_32 = tpu.memref_slice %arg5[%add3A_21, %dma_start3A_31] : memref<640000x32xf32, #tpu.memory_space<hbm>> -> memref<512x32xf32, #tpu.memory_space<hbm>>
        tpu.enqueue_dma source(%dma_start3A_32 : memref<512x32xf32, #tpu.memory_space<hbm>>) target(%arg13 : memref<512x32xf32, #tpu.memory_space<vmem>>) target_semaphore(%arg17 : memref<!tpu.dma_semaphore, #tpu.memory_space<semaphore_mem>>)
        %dma_wait3A = arith.constant 0 : i32
        %dma_wait3A_33 = tpu.memref_slice %arg3[%add3A_21, %dma_wait3A] : memref<640000x32xf32, #tpu.memory_space<hbm>> -> memref<512x32xf32, #tpu.memory_space<hbm>>
        %dma_wait3A_34 = arith.constant 0 : i32
        %dma_wait3A_35 = tpu.memref_slice %arg3[%add3A_21, %dma_wait3A_34] : memref<640000x32xf32, #tpu.memory_space<hbm>> -> memref<512x32xf32, #tpu.memory_space<hbm>>
        tpu.wait_dma2 semaphore(%arg17 : memref<!tpu.dma_semaphore, #tpu.memory_space<semaphore_mem>>) src(%dma_wait3A_35 : memref<512x32xf32, #tpu.memory_space<hbm>>) dst(%arg11 : memref<512x32xf32, #tpu.memory_space<vmem>>)
        %dma_wait3A_36 = arith.constant 0 : i32
        %dma_wait3A_37 = tpu.memref_slice %arg4[%add3A_21, %dma_wait3A_36] : memref<640000x32xf32, #tpu.memory_space<hbm>> -> memref<512x32xf32, #tpu.memory_space<hbm>>
        %dma_wait3A_38 = arith.constant 0 : i32
        %dma_wait3A_39 = tpu.memref_slice %arg4[%add3A_21, %dma_wait3A_38] : memref<640000x32xf32, #tpu.memory_space<hbm>> -> memref<512x32xf32, #tpu.memory_space<hbm>>
        tpu.wait_dma2 semaphore(%arg17 : memref<!tpu.dma_semaphore, #tpu.memory_space<semaphore_mem>>) src(%dma_wait3A_39 : memref<512x32xf32, #tpu.memory_space<hbm>>) dst(%arg12 : memref<512x32xf32, #tpu.memory_space<vmem>>)
        %dma_wait3A_40 = arith.constant 0 : i32
        %dma_wait3A_41 = tpu.memref_slice %arg5[%add3A_21, %dma_wait3A_40] : memref<640000x32xf32, #tpu.memory_space<hbm>> -> memref<512x32xf32, #tpu.memory_space<hbm>>
        %dma_wait3A_42 = arith.constant 0 : i32
        %dma_wait3A_43 = tpu.memref_slice %arg5[%add3A_21, %dma_wait3A_42] : memref<640000x32xf32, #tpu.memory_space<hbm>> -> memref<512x32xf32, #tpu.memory_space<hbm>>
        tpu.wait_dma2 semaphore(%arg17 : memref<!tpu.dma_semaphore, #tpu.memory_space<semaphore_mem>>) src(%dma_wait3A_43 : memref<512x32xf32, #tpu.memory_space<hbm>>) dst(%arg13 : memref<512x32xf32, #tpu.memory_space<vmem>>)
        %dma_start3A_44 = arith.constant 0 : i32
        %dma_start3A_45 = arith.constant 0 : i32
        %dma_start3A_46 = arith.constant 0 : i32
        %dma_start3A_47 = tpu.memref_slice %arg11[%dma_start3A_45, %dma_start3A_46] : memref<512x32xf32, #tpu.memory_space<vmem>> -> memref<128x32xf32, #tpu.memory_space<vmem>>
        %dma_start3A_48 = arith.constant 0 : i32
        %dma_start3A_49 = tpu.memref_slice %arg10[%dma_start3A_44, %dma_start3A_48] : memref<8x128xi32, #tpu.memory_space<vmem>> -> memref<1x128xi32, #tpu.memory_space<vmem>>
        %dma_start3A_50 = tpu.memref_squeeze %dma_start3A_49 : memref<1x128xi32, #tpu.memory_space<vmem>> -> memref<128xi32, #tpu.memory_space<vmem>>
        %dma_start3A_51 = arith.constant 0 : i32
        %dma_start3A_52 = arith.constant 0 : i32
        %dma_start3A_53 = tpu.memref_slice %arg14[%dma_start3A_51, %dma_start3A_52] : memref<10240x32xf32, #tpu.memory_space<vmem_shared>> -> memref<10240x32xf32, #tpu.memory_space<vmem_shared>>
        tpu.enqueue_indirect_dma source(%dma_start3A_47 : memref<128x32xf32, #tpu.memory_space<vmem>>) target(%dma_start3A_53 : memref<10240x32xf32, #tpu.memory_space<vmem_shared>>) offsets(%dma_start3A_50 : memref<128xi32, #tpu.memory_space<vmem>>) semaphore(%arg17 : memref<!tpu.dma_semaphore, #tpu.memory_space<semaphore_mem>>) {add = true}
        %dma_start3A_54 = arith.constant 0 : i32
        %dma_start3A_55 = arith.constant 0 : i32
        %dma_start3A_56 = arith.constant 0 : i32
        %dma_start3A_57 = tpu.memref_slice %arg12[%dma_start3A_55, %dma_start3A_56] : memref<512x32xf32, #tpu.memory_space<vmem>> -> memref<128x32xf32, #tpu.memory_space<vmem>>
        %dma_start3A_58 = arith.constant 0 : i32
        %dma_start3A_59 = tpu.memref_slice %arg10[%dma_start3A_54, %dma_start3A_58] : memref<8x128xi32, #tpu.memory_space<vmem>> -> memref<1x128xi32, #tpu.memory_space<vmem>>
        %dma_start3A_60 = tpu.memref_squeeze %dma_start3A_59 : memref<1x128xi32, #tpu.memory_space<vmem>> -> memref<128xi32, #tpu.memory_space<vmem>>
        %dma_start3A_61 = arith.constant 0 : i32
        %dma_start3A_62 = arith.constant 0 : i32
        %dma_start3A_63 = tpu.memref_slice %arg15[%dma_start3A_61, %dma_start3A_62] : memref<10240x32xf32, #tpu.memory_space<vmem_shared>> -> memref<10240x32xf32, #tpu.memory_space<vmem_shared>>
        tpu.enqueue_indirect_dma source(%dma_start3A_57 : memref<128x32xf32, #tpu.memory_space<vmem>>) target(%dma_start3A_63 : memref<10240x32xf32, #tpu.memory_space<vmem_shared>>) offsets(%dma_start3A_60 : memref<128xi32, #tpu.memory_space<vmem>>) semaphore(%arg17 : memref<!tpu.dma_semaphore, #tpu.memory_space<semaphore_mem>>) {add = true}
        %dma_start3A_64 = arith.constant 0 : i32
        %dma_start3A_65 = arith.constant 0 : i32
        %dma_start3A_66 = arith.constant 0 : i32
        %dma_start3A_67 = tpu.memref_slice %arg13[%dma_start3A_65, %dma_start3A_66] : memref<512x32xf32, #tpu.memory_space<vmem>> -> memref<128x32xf32, #tpu.memory_space<vmem>>
        %dma_start3A_68 = arith.constant 0 : i32
        %dma_start3A_69 = tpu.memref_slice %arg10[%dma_start3A_64, %dma_start3A_68] : memref<8x128xi32, #tpu.memory_space<vmem>> -> memref<1x128xi32, #tpu.memory_space<vmem>>
        %dma_start3A_70 = tpu.memref_squeeze %dma_start3A_69 : memref<1x128xi32, #tpu.memory_space<vmem>> -> memref<128xi32, #tpu.memory_space<vmem>>
        %dma_start3A_71 = arith.constant 0 : i32
        %dma_start3A_72 = arith.constant 0 : i32
        %dma_start3A_73 = tpu.memref_slice %arg16[%dma_start3A_71, %dma_start3A_72] : memref<10240x32xf32, #tpu.memory_space<vmem_shared>> -> memref<10240x32xf32, #tpu.memory_space<vmem_shared>>
        tpu.enqueue_indirect_dma source(%dma_start3A_67 : memref<128x32xf32, #tpu.memory_space<vmem>>) target(%dma_start3A_73 : memref<10240x32xf32, #tpu.memory_space<vmem_shared>>) offsets(%dma_start3A_70 : memref<128xi32, #tpu.memory_space<vmem>>) semaphore(%arg17 : memref<!tpu.dma_semaphore, #tpu.memory_space<semaphore_mem>>) {add = true}
        %dma_start3A_74 = arith.constant 1 : i32
        %dma_start3A_75 = arith.constant 128 : i32
        %dma_start3A_76 = arith.constant 0 : i32
        %dma_start3A_77 = tpu.memref_slice %arg11[%dma_start3A_75, %dma_start3A_76] : memref<512x32xf32, #tpu.memory_space<vmem>> -> memref<128x32xf32, #tpu.memory_space<vmem>>
        %dma_start3A_78 = arith.constant 0 : i32
        %dma_start3A_79 = tpu.memref_slice %arg10[%dma_start3A_74, %dma_start3A_78] : memref<8x128xi32, #tpu.memory_space<vmem>> -> memref<1x128xi32, #tpu.memory_space<vmem>>
        %dma_start3A_80 = tpu.memref_squeeze %dma_start3A_79 : memref<1x128xi32, #tpu.memory_space<vmem>> -> memref<128xi32, #tpu.memory_space<vmem>>
        %dma_start3A_81 = arith.constant 0 : i32
        %dma_start3A_82 = arith.constant 0 : i32
        %dma_start3A_83 = tpu.memref_slice %arg14[%dma_start3A_81, %dma_start3A_82] : memref<10240x32xf32, #tpu.memory_space<vmem_shared>> -> memref<10240x32xf32, #tpu.memory_space<vmem_shared>>
        tpu.enqueue_indirect_dma source(%dma_start3A_77 : memref<128x32xf32, #tpu.memory_space<vmem>>) target(%dma_start3A_83 : memref<10240x32xf32, #tpu.memory_space<vmem_shared>>) offsets(%dma_start3A_80 : memref<128xi32, #tpu.memory_space<vmem>>) semaphore(%arg17 : memref<!tpu.dma_semaphore, #tpu.memory_space<semaphore_mem>>) {add = true}
        %dma_start3A_84 = arith.constant 1 : i32
        %dma_start3A_85 = arith.constant 128 : i32
        %dma_start3A_86 = arith.constant 0 : i32
        %dma_start3A_87 = tpu.memref_slice %arg12[%dma_start3A_85, %dma_start3A_86] : memref<512x32xf32, #tpu.memory_space<vmem>> -> memref<128x32xf32, #tpu.memory_space<vmem>>
        %dma_start3A_88 = arith.constant 0 : i32
        %dma_start3A_89 = tpu.memref_slice %arg10[%dma_start3A_84, %dma_start3A_88] : memref<8x128xi32, #tpu.memory_space<vmem>> -> memref<1x128xi32, #tpu.memory_space<vmem>>
        %dma_start3A_90 = tpu.memref_squeeze %dma_start3A_89 : memref<1x128xi32, #tpu.memory_space<vmem>> -> memref<128xi32, #tpu.memory_space<vmem>>
        %dma_start3A_91 = arith.constant 0 : i32
        %dma_start3A_92 = arith.constant 0 : i32
        %dma_start3A_93 = tpu.memref_slice %arg15[%dma_start3A_91, %dma_start3A_92] : memref<10240x32xf32, #tpu.memory_space<vmem_shared>> -> memref<10240x32xf32, #tpu.memory_space<vmem_shared>>
        tpu.enqueue_indirect_dma source(%dma_start3A_87 : memref<128x32xf32, #tpu.memory_space<vmem>>) target(%dma_start3A_93 : memref<10240x32xf32, #tpu.memory_space<vmem_shared>>) offsets(%dma_start3A_90 : memref<128xi32, #tpu.memory_space<vmem>>) semaphore(%arg17 : memref<!tpu.dma_semaphore, #tpu.memory_space<semaphore_mem>>) {add = true}
        %dma_start3A_94 = arith.constant 1 : i32
        %dma_start3A_95 = arith.constant 128 : i32
        %dma_start3A_96 = arith.constant 0 : i32
        %dma_start3A_97 = tpu.memref_slice %arg13[%dma_start3A_95, %dma_start3A_96] : memref<512x32xf32, #tpu.memory_space<vmem>> -> memref<128x32xf32, #tpu.memory_space<vmem>>
        %dma_start3A_98 = arith.constant 0 : i32
        %dma_start3A_99 = tpu.memref_slice %arg10[%dma_start3A_94, %dma_start3A_98] : memref<8x128xi32, #tpu.memory_space<vmem>> -> memref<1x128xi32, #tpu.memory_space<vmem>>
        %dma_start3A_100 = tpu.memref_squeeze %dma_start3A_99 : memref<1x128xi32, #tpu.memory_space<vmem>> -> memref<128xi32, #tpu.memory_space<vmem>>
        %dma_start3A_101 = arith.constant 0 : i32
        %dma_start3A_102 = arith.constant 0 : i32
        %dma_start3A_103 = tpu.memref_slice %arg16[%dma_start3A_101, %dma_start3A_102] : memref<10240x32xf32, #tpu.memory_space<vmem_shared>> -> memref<10240x32xf32, #tpu.memory_space<vmem_shared>>
        tpu.enqueue_indirect_dma source(%dma_start3A_97 : memref<128x32xf32, #tpu.memory_space<vmem>>) target(%dma_start3A_103 : memref<10240x32xf32, #tpu.memory_space<vmem_shared>>) offsets(%dma_start3A_100 : memref<128xi32, #tpu.memory_space<vmem>>) semaphore(%arg17 : memref<!tpu.dma_semaphore, #tpu.memory_space<semaphore_mem>>) {add = true}
        %dma_start3A_104 = arith.constant 2 : i32
        %dma_start3A_105 = arith.constant 256 : i32
        %dma_start3A_106 = arith.constant 0 : i32
        %dma_start3A_107 = tpu.memref_slice %arg11[%dma_start3A_105, %dma_start3A_106] : memref<512x32xf32, #tpu.memory_space<vmem>> -> memref<128x32xf32, #tpu.memory_space<vmem>>
        %dma_start3A_108 = arith.constant 0 : i32
        %dma_start3A_109 = tpu.memref_slice %arg10[%dma_start3A_104, %dma_start3A_108] : memref<8x128xi32, #tpu.memory_space<vmem>> -> memref<1x128xi32, #tpu.memory_space<vmem>>
        %dma_start3A_110 = tpu.memref_squeeze %dma_start3A_109 : memref<1x128xi32, #tpu.memory_space<vmem>> -> memref<128xi32, #tpu.memory_space<vmem>>
        %dma_start3A_111 = arith.constant 0 : i32
        %dma_start3A_112 = arith.constant 0 : i32
        %dma_start3A_113 = tpu.memref_slice %arg14[%dma_start3A_111, %dma_start3A_112] : memref<10240x32xf32, #tpu.memory_space<vmem_shared>> -> memref<10240x32xf32, #tpu.memory_space<vmem_shared>>
        tpu.enqueue_indirect_dma source(%dma_start3A_107 : memref<128x32xf32, #tpu.memory_space<vmem>>) target(%dma_start3A_113 : memref<10240x32xf32, #tpu.memory_space<vmem_shared>>) offsets(%dma_start3A_110 : memref<128xi32, #tpu.memory_space<vmem>>) semaphore(%arg17 : memref<!tpu.dma_semaphore, #tpu.memory_space<semaphore_mem>>) {add = true}
        %dma_start3A_114 = arith.constant 2 : i32
        %dma_start3A_115 = arith.constant 256 : i32
        %dma_start3A_116 = arith.constant 0 : i32
        %dma_start3A_117 = tpu.memref_slice %arg12[%dma_start3A_115, %dma_start3A_116] : memref<512x32xf32, #tpu.memory_space<vmem>> -> memref<128x32xf32, #tpu.memory_space<vmem>>
        %dma_start3A_118 = arith.constant 0 : i32
        %dma_start3A_119 = tpu.memref_slice %arg10[%dma_start3A_114, %dma_start3A_118] : memref<8x128xi32, #tpu.memory_space<vmem>> -> memref<1x128xi32, #tpu.memory_space<vmem>>
        %dma_start3A_120 = tpu.memref_squeeze %dma_start3A_119 : memref<1x128xi32, #tpu.memory_space<vmem>> -> memref<128xi32, #tpu.memory_space<vmem>>
        %dma_start3A_121 = arith.constant 0 : i32
        %dma_start3A_122 = arith.constant 0 : i32
        %dma_start3A_123 = tpu.memref_slice %arg15[%dma_start3A_121, %dma_start3A_122] : memref<10240x32xf32, #tpu.memory_space<vmem_shared>> -> memref<10240x32xf32, #tpu.memory_space<vmem_shared>>
        tpu.enqueue_indirect_dma source(%dma_start3A_117 : memref<128x32xf32, #tpu.memory_space<vmem>>) target(%dma_start3A_123 : memref<10240x32xf32, #tpu.memory_space<vmem_shared>>) offsets(%dma_start3A_120 : memref<128xi32, #tpu.memory_space<vmem>>) semaphore(%arg17 : memref<!tpu.dma_semaphore, #tpu.memory_space<semaphore_mem>>) {add = true}
        %dma_start3A_124 = arith.constant 2 : i32
        %dma_start3A_125 = arith.constant 256 : i32
        %dma_start3A_126 = arith.constant 0 : i32
        %dma_start3A_127 = tpu.memref_slice %arg13[%dma_start3A_125, %dma_start3A_126] : memref<512x32xf32, #tpu.memory_space<vmem>> -> memref<128x32xf32, #tpu.memory_space<vmem>>
        %dma_start3A_128 = arith.constant 0 : i32
        %dma_start3A_129 = tpu.memref_slice %arg10[%dma_start3A_124, %dma_start3A_128] : memref<8x128xi32, #tpu.memory_space<vmem>> -> memref<1x128xi32, #tpu.memory_space<vmem>>
        %dma_start3A_130 = tpu.memref_squeeze %dma_start3A_129 : memref<1x128xi32, #tpu.memory_space<vmem>> -> memref<128xi32, #tpu.memory_space<vmem>>
        %dma_start3A_131 = arith.constant 0 : i32
        %dma_start3A_132 = arith.constant 0 : i32
        %dma_start3A_133 = tpu.memref_slice %arg16[%dma_start3A_131, %dma_start3A_132] : memref<10240x32xf32, #tpu.memory_space<vmem_shared>> -> memref<10240x32xf32, #tpu.memory_space<vmem_shared>>
        tpu.enqueue_indirect_dma source(%dma_start3A_127 : memref<128x32xf32, #tpu.memory_space<vmem>>) target(%dma_start3A_133 : memref<10240x32xf32, #tpu.memory_space<vmem_shared>>) offsets(%dma_start3A_130 : memref<128xi32, #tpu.memory_space<vmem>>) semaphore(%arg17 : memref<!tpu.dma_semaphore, #tpu.memory_space<semaphore_mem>>) {add = true}
        %dma_start3A_134 = arith.constant 3 : i32
        %dma_start3A_135 = arith.constant 384 : i32
        %dma_start3A_136 = arith.constant 0 : i32
        %dma_start3A_137 = tpu.memref_slice %arg11[%dma_start3A_135, %dma_start3A_136] : memref<512x32xf32, #tpu.memory_space<vmem>> -> memref<128x32xf32, #tpu.memory_space<vmem>>
        %dma_start3A_138 = arith.constant 0 : i32
        %dma_start3A_139 = tpu.memref_slice %arg10[%dma_start3A_134, %dma_start3A_138] : memref<8x128xi32, #tpu.memory_space<vmem>> -> memref<1x128xi32, #tpu.memory_space<vmem>>
        %dma_start3A_140 = tpu.memref_squeeze %dma_start3A_139 : memref<1x128xi32, #tpu.memory_space<vmem>> -> memref<128xi32, #tpu.memory_space<vmem>>
        %dma_start3A_141 = arith.constant 0 : i32
        %dma_start3A_142 = arith.constant 0 : i32
        %dma_start3A_143 = tpu.memref_slice %arg14[%dma_start3A_141, %dma_start3A_142] : memref<10240x32xf32, #tpu.memory_space<vmem_shared>> -> memref<10240x32xf32, #tpu.memory_space<vmem_shared>>
        tpu.enqueue_indirect_dma source(%dma_start3A_137 : memref<128x32xf32, #tpu.memory_space<vmem>>) target(%dma_start3A_143 : memref<10240x32xf32, #tpu.memory_space<vmem_shared>>) offsets(%dma_start3A_140 : memref<128xi32, #tpu.memory_space<vmem>>) semaphore(%arg17 : memref<!tpu.dma_semaphore, #tpu.memory_space<semaphore_mem>>) {add = true}
        %dma_start3A_144 = arith.constant 3 : i32
        %dma_start3A_145 = arith.constant 384 : i32
        %dma_start3A_146 = arith.constant 0 : i32
        %dma_start3A_147 = tpu.memref_slice %arg12[%dma_start3A_145, %dma_start3A_146] : memref<512x32xf32, #tpu.memory_space<vmem>> -> memref<128x32xf32, #tpu.memory_space<vmem>>
        %dma_start3A_148 = arith.constant 0 : i32
        %dma_start3A_149 = tpu.memref_slice %arg10[%dma_start3A_144, %dma_start3A_148] : memref<8x128xi32, #tpu.memory_space<vmem>> -> memref<1x128xi32, #tpu.memory_space<vmem>>
        %dma_start3A_150 = tpu.memref_squeeze %dma_start3A_149 : memref<1x128xi32, #tpu.memory_space<vmem>> -> memref<128xi32, #tpu.memory_space<vmem>>
        %dma_start3A_151 = arith.constant 0 : i32
        %dma_start3A_152 = arith.constant 0 : i32
        %dma_start3A_153 = tpu.memref_slice %arg15[%dma_start3A_151, %dma_start3A_152] : memref<10240x32xf32, #tpu.memory_space<vmem_shared>> -> memref<10240x32xf32, #tpu.memory_space<vmem_shared>>
        tpu.enqueue_indirect_dma source(%dma_start3A_147 : memref<128x32xf32, #tpu.memory_space<vmem>>) target(%dma_start3A_153 : memref<10240x32xf32, #tpu.memory_space<vmem_shared>>) offsets(%dma_start3A_150 : memref<128xi32, #tpu.memory_space<vmem>>) semaphore(%arg17 : memref<!tpu.dma_semaphore, #tpu.memory_space<semaphore_mem>>) {add = true}
        %dma_start3A_154 = arith.constant 3 : i32
        %dma_start3A_155 = arith.constant 384 : i32
        %dma_start3A_156 = arith.constant 0 : i32
        %dma_start3A_157 = tpu.memref_slice %arg13[%dma_start3A_155, %dma_start3A_156] : memref<512x32xf32, #tpu.memory_space<vmem>> -> memref<128x32xf32, #tpu.memory_space<vmem>>
        %dma_start3A_158 = arith.constant 0 : i32
        %dma_start3A_159 = tpu.memref_slice %arg10[%dma_start3A_154, %dma_start3A_158] : memref<8x128xi32, #tpu.memory_space<vmem>> -> memref<1x128xi32, #tpu.memory_space<vmem>>
        %dma_start3A_160 = tpu.memref_squeeze %dma_start3A_159 : memref<1x128xi32, #tpu.memory_space<vmem>> -> memref<128xi32, #tpu.memory_space<vmem>>
        %dma_start3A_161 = arith.constant 0 : i32
        %dma_start3A_162 = arith.constant 0 : i32
        %dma_start3A_163 = tpu.memref_slice %arg16[%dma_start3A_161, %dma_start3A_162] : memref<10240x32xf32, #tpu.memory_space<vmem_shared>> -> memref<10240x32xf32, #tpu.memory_space<vmem_shared>>
        tpu.enqueue_indirect_dma source(%dma_start3A_157 : memref<128x32xf32, #tpu.memory_space<vmem>>) target(%dma_start3A_163 : memref<10240x32xf32, #tpu.memory_space<vmem_shared>>) offsets(%dma_start3A_160 : memref<128xi32, #tpu.memory_space<vmem>>) semaphore(%arg17 : memref<!tpu.dma_semaphore, #tpu.memory_space<semaphore_mem>>) {add = true}
        %dma_wait3A_164 = arith.constant 0 : i32
        %dma_wait3A_165 = arith.constant 0 : i32
        %dma_wait3A_166 = arith.constant 0 : i32
        %dma_wait3A_167 = tpu.memref_slice %arg11[%dma_wait3A_165, %dma_wait3A_166] : memref<512x32xf32, #tpu.memory_space<vmem>> -> memref<128x32xf32, #tpu.memory_space<vmem>>
        %dma_wait3A_168 = arith.constant 0 : i32
        %dma_wait3A_169 = tpu.memref_slice %arg10[%dma_wait3A_164, %dma_wait3A_168] : memref<8x128xi32, #tpu.memory_space<vmem>> -> memref<1x128xi32, #tpu.memory_space<vmem>>
        %dma_wait3A_170 = tpu.memref_squeeze %dma_wait3A_169 : memref<1x128xi32, #tpu.memory_space<vmem>> -> memref<128xi32, #tpu.memory_space<vmem>>
        %dma_wait3A_171 = arith.constant 0 : i32
        %dma_wait3A_172 = arith.constant 0 : i32
        %dma_wait3A_173 = tpu.memref_slice %arg14[%dma_wait3A_171, %dma_wait3A_172] : memref<10240x32xf32, #tpu.memory_space<vmem_shared>> -> memref<10240x32xf32, #tpu.memory_space<vmem_shared>>
        tpu.wait_indirect_dma semaphore(%arg17 : memref<!tpu.dma_semaphore, #tpu.memory_space<semaphore_mem>>) src(%dma_wait3A_167 : memref<128x32xf32, #tpu.memory_space<vmem>>) dst(%dma_wait3A_173 : memref<10240x32xf32, #tpu.memory_space<vmem_shared>>)
        %dma_wait3A_174 = arith.constant 0 : i32
        %dma_wait3A_175 = arith.constant 0 : i32
        %dma_wait3A_176 = arith.constant 0 : i32
        %dma_wait3A_177 = tpu.memref_slice %arg12[%dma_wait3A_175, %dma_wait3A_176] : memref<512x32xf32, #tpu.memory_space<vmem>> -> memref<128x32xf32, #tpu.memory_space<vmem>>
        %dma_wait3A_178 = arith.constant 0 : i32
        %dma_wait3A_179 = tpu.memref_slice %arg10[%dma_wait3A_174, %dma_wait3A_178] : memref<8x128xi32, #tpu.memory_space<vmem>> -> memref<1x128xi32, #tpu.memory_space<vmem>>
        %dma_wait3A_180 = tpu.memref_squeeze %dma_wait3A_179 : memref<1x128xi32, #tpu.memory_space<vmem>> -> memref<128xi32, #tpu.memory_space<vmem>>
        %dma_wait3A_181 = arith.constant 0 : i32
        %dma_wait3A_182 = arith.constant 0 : i32
        %dma_wait3A_183 = tpu.memref_slice %arg15[%dma_wait3A_181, %dma_wait3A_182] : memref<10240x32xf32, #tpu.memory_space<vmem_shared>> -> memref<10240x32xf32, #tpu.memory_space<vmem_shared>>
        tpu.wait_indirect_dma semaphore(%arg17 : memref<!tpu.dma_semaphore, #tpu.memory_space<semaphore_mem>>) src(%dma_wait3A_177 : memref<128x32xf32, #tpu.memory_space<vmem>>) dst(%dma_wait3A_183 : memref<10240x32xf32, #tpu.memory_space<vmem_shared>>)
        %dma_wait3A_184 = arith.constant 0 : i32
        %dma_wait3A_185 = arith.constant 0 : i32
        %dma_wait3A_186 = arith.constant 0 : i32
        %dma_wait3A_187 = tpu.memref_slice %arg13[%dma_wait3A_185, %dma_wait3A_186] : memref<512x32xf32, #tpu.memory_space<vmem>> -> memref<128x32xf32, #tpu.memory_space<vmem>>
        %dma_wait3A_188 = arith.constant 0 : i32
        %dma_wait3A_189 = tpu.memref_slice %arg10[%dma_wait3A_184, %dma_wait3A_188] : memref<8x128xi32, #tpu.memory_space<vmem>> -> memref<1x128xi32, #tpu.memory_space<vmem>>
        %dma_wait3A_190 = tpu.memref_squeeze %dma_wait3A_189 : memref<1x128xi32, #tpu.memory_space<vmem>> -> memref<128xi32, #tpu.memory_space<vmem>>
        %dma_wait3A_191 = arith.constant 0 : i32
        %dma_wait3A_192 = arith.constant 0 : i32
        %dma_wait3A_193 = tpu.memref_slice %arg16[%dma_wait3A_191, %dma_wait3A_192] : memref<10240x32xf32, #tpu.memory_space<vmem_shared>> -> memref<10240x32xf32, #tpu.memory_space<vmem_shared>>
        tpu.wait_indirect_dma semaphore(%arg17 : memref<!tpu.dma_semaphore, #tpu.memory_space<semaphore_mem>>) src(%dma_wait3A_187 : memref<128x32xf32, #tpu.memory_space<vmem>>) dst(%dma_wait3A_193 : memref<10240x32xf32, #tpu.memory_space<vmem_shared>>)
        %dma_wait3A_194 = arith.constant 1 : i32
        %dma_wait3A_195 = arith.constant 128 : i32
        %dma_wait3A_196 = arith.constant 0 : i32
        %dma_wait3A_197 = tpu.memref_slice %arg11[%dma_wait3A_195, %dma_wait3A_196] : memref<512x32xf32, #tpu.memory_space<vmem>> -> memref<128x32xf32, #tpu.memory_space<vmem>>
        %dma_wait3A_198 = arith.constant 0 : i32
        %dma_wait3A_199 = tpu.memref_slice %arg10[%dma_wait3A_194, %dma_wait3A_198] : memref<8x128xi32, #tpu.memory_space<vmem>> -> memref<1x128xi32, #tpu.memory_space<vmem>>
        %dma_wait3A_200 = tpu.memref_squeeze %dma_wait3A_199 : memref<1x128xi32, #tpu.memory_space<vmem>> -> memref<128xi32, #tpu.memory_space<vmem>>
        %dma_wait3A_201 = arith.constant 0 : i32
        %dma_wait3A_202 = arith.constant 0 : i32
        %dma_wait3A_203 = tpu.memref_slice %arg14[%dma_wait3A_201, %dma_wait3A_202] : memref<10240x32xf32, #tpu.memory_space<vmem_shared>> -> memref<10240x32xf32, #tpu.memory_space<vmem_shared>>
        tpu.wait_indirect_dma semaphore(%arg17 : memref<!tpu.dma_semaphore, #tpu.memory_space<semaphore_mem>>) src(%dma_wait3A_197 : memref<128x32xf32, #tpu.memory_space<vmem>>) dst(%dma_wait3A_203 : memref<10240x32xf32, #tpu.memory_space<vmem_shared>>)
        %dma_wait3A_204 = arith.constant 1 : i32
        %dma_wait3A_205 = arith.constant 128 : i32
        %dma_wait3A_206 = arith.constant 0 : i32
        %dma_wait3A_207 = tpu.memref_slice %arg12[%dma_wait3A_205, %dma_wait3A_206] : memref<512x32xf32, #tpu.memory_space<vmem>> -> memref<128x32xf32, #tpu.memory_space<vmem>>
        %dma_wait3A_208 = arith.constant 0 : i32
        %dma_wait3A_209 = tpu.memref_slice %arg10[%dma_wait3A_204, %dma_wait3A_208] : memref<8x128xi32, #tpu.memory_space<vmem>> -> memref<1x128xi32, #tpu.memory_space<vmem>>
        %dma_wait3A_210 = tpu.memref_squeeze %dma_wait3A_209 : memref<1x128xi32, #tpu.memory_space<vmem>> -> memref<128xi32, #tpu.memory_space<vmem>>
        %dma_wait3A_211 = arith.constant 0 : i32
        %dma_wait3A_212 = arith.constant 0 : i32
        %dma_wait3A_213 = tpu.memref_slice %arg15[%dma_wait3A_211, %dma_wait3A_212] : memref<10240x32xf32, #tpu.memory_space<vmem_shared>> -> memref<10240x32xf32, #tpu.memory_space<vmem_shared>>
        tpu.wait_indirect_dma semaphore(%arg17 : memref<!tpu.dma_semaphore, #tpu.memory_space<semaphore_mem>>) src(%dma_wait3A_207 : memref<128x32xf32, #tpu.memory_space<vmem>>) dst(%dma_wait3A_213 : memref<10240x32xf32, #tpu.memory_space<vmem_shared>>)
        %dma_wait3A_214 = arith.constant 1 : i32
        %dma_wait3A_215 = arith.constant 128 : i32
        %dma_wait3A_216 = arith.constant 0 : i32
        %dma_wait3A_217 = tpu.memref_slice %arg13[%dma_wait3A_215, %dma_wait3A_216] : memref<512x32xf32, #tpu.memory_space<vmem>> -> memref<128x32xf32, #tpu.memory_space<vmem>>
        %dma_wait3A_218 = arith.constant 0 : i32
        %dma_wait3A_219 = tpu.memref_slice %arg10[%dma_wait3A_214, %dma_wait3A_218] : memref<8x128xi32, #tpu.memory_space<vmem>> -> memref<1x128xi32, #tpu.memory_space<vmem>>
        %dma_wait3A_220 = tpu.memref_squeeze %dma_wait3A_219 : memref<1x128xi32, #tpu.memory_space<vmem>> -> memref<128xi32, #tpu.memory_space<vmem>>
        %dma_wait3A_221 = arith.constant 0 : i32
        %dma_wait3A_222 = arith.constant 0 : i32
        %dma_wait3A_223 = tpu.memref_slice %arg16[%dma_wait3A_221, %dma_wait3A_222] : memref<10240x32xf32, #tpu.memory_space<vmem_shared>> -> memref<10240x32xf32, #tpu.memory_space<vmem_shared>>
        tpu.wait_indirect_dma semaphore(%arg17 : memref<!tpu.dma_semaphore, #tpu.memory_space<semaphore_mem>>) src(%dma_wait3A_217 : memref<128x32xf32, #tpu.memory_space<vmem>>) dst(%dma_wait3A_223 : memref<10240x32xf32, #tpu.memory_space<vmem_shared>>)
        %dma_wait3A_224 = arith.constant 2 : i32
        %dma_wait3A_225 = arith.constant 256 : i32
        %dma_wait3A_226 = arith.constant 0 : i32
        %dma_wait3A_227 = tpu.memref_slice %arg11[%dma_wait3A_225, %dma_wait3A_226] : memref<512x32xf32, #tpu.memory_space<vmem>> -> memref<128x32xf32, #tpu.memory_space<vmem>>
        %dma_wait3A_228 = arith.constant 0 : i32
        %dma_wait3A_229 = tpu.memref_slice %arg10[%dma_wait3A_224, %dma_wait3A_228] : memref<8x128xi32, #tpu.memory_space<vmem>> -> memref<1x128xi32, #tpu.memory_space<vmem>>
        %dma_wait3A_230 = tpu.memref_squeeze %dma_wait3A_229 : memref<1x128xi32, #tpu.memory_space<vmem>> -> memref<128xi32, #tpu.memory_space<vmem>>
        %dma_wait3A_231 = arith.constant 0 : i32
        %dma_wait3A_232 = arith.constant 0 : i32
        %dma_wait3A_233 = tpu.memref_slice %arg14[%dma_wait3A_231, %dma_wait3A_232] : memref<10240x32xf32, #tpu.memory_space<vmem_shared>> -> memref<10240x32xf32, #tpu.memory_space<vmem_shared>>
        tpu.wait_indirect_dma semaphore(%arg17 : memref<!tpu.dma_semaphore, #tpu.memory_space<semaphore_mem>>) src(%dma_wait3A_227 : memref<128x32xf32, #tpu.memory_space<vmem>>) dst(%dma_wait3A_233 : memref<10240x32xf32, #tpu.memory_space<vmem_shared>>)
        %dma_wait3A_234 = arith.constant 2 : i32
        %dma_wait3A_235 = arith.constant 256 : i32
        %dma_wait3A_236 = arith.constant 0 : i32
        %dma_wait3A_237 = tpu.memref_slice %arg12[%dma_wait3A_235, %dma_wait3A_236] : memref<512x32xf32, #tpu.memory_space<vmem>> -> memref<128x32xf32, #tpu.memory_space<vmem>>
        %dma_wait3A_238 = arith.constant 0 : i32
        %dma_wait3A_239 = tpu.memref_slice %arg10[%dma_wait3A_234, %dma_wait3A_238] : memref<8x128xi32, #tpu.memory_space<vmem>> -> memref<1x128xi32, #tpu.memory_space<vmem>>
        %dma_wait3A_240 = tpu.memref_squeeze %dma_wait3A_239 : memref<1x128xi32, #tpu.memory_space<vmem>> -> memref<128xi32, #tpu.memory_space<vmem>>
        %dma_wait3A_241 = arith.constant 0 : i32
        %dma_wait3A_242 = arith.constant 0 : i32
        %dma_wait3A_243 = tpu.memref_slice %arg15[%dma_wait3A_241, %dma_wait3A_242] : memref<10240x32xf32, #tpu.memory_space<vmem_shared>> -> memref<10240x32xf32, #tpu.memory_space<vmem_shared>>
        tpu.wait_indirect_dma semaphore(%arg17 : memref<!tpu.dma_semaphore, #tpu.memory_space<semaphore_mem>>) src(%dma_wait3A_237 : memref<128x32xf32, #tpu.memory_space<vmem>>) dst(%dma_wait3A_243 : memref<10240x32xf32, #tpu.memory_space<vmem_shared>>)
        %dma_wait3A_244 = arith.constant 2 : i32
        %dma_wait3A_245 = arith.constant 256 : i32
        %dma_wait3A_246 = arith.constant 0 : i32
        %dma_wait3A_247 = tpu.memref_slice %arg13[%dma_wait3A_245, %dma_wait3A_246] : memref<512x32xf32, #tpu.memory_space<vmem>> -> memref<128x32xf32, #tpu.memory_space<vmem>>
        %dma_wait3A_248 = arith.constant 0 : i32
        %dma_wait3A_249 = tpu.memref_slice %arg10[%dma_wait3A_244, %dma_wait3A_248] : memref<8x128xi32, #tpu.memory_space<vmem>> -> memref<1x128xi32, #tpu.memory_space<vmem>>
        %dma_wait3A_250 = tpu.memref_squeeze %dma_wait3A_249 : memref<1x128xi32, #tpu.memory_space<vmem>> -> memref<128xi32, #tpu.memory_space<vmem>>
        %dma_wait3A_251 = arith.constant 0 : i32
        %dma_wait3A_252 = arith.constant 0 : i32
        %dma_wait3A_253 = tpu.memref_slice %arg16[%dma_wait3A_251, %dma_wait3A_252] : memref<10240x32xf32, #tpu.memory_space<vmem_shared>> -> memref<10240x32xf32, #tpu.memory_space<vmem_shared>>
        tpu.wait_indirect_dma semaphore(%arg17 : memref<!tpu.dma_semaphore, #tpu.memory_space<semaphore_mem>>) src(%dma_wait3A_247 : memref<128x32xf32, #tpu.memory_space<vmem>>) dst(%dma_wait3A_253 : memref<10240x32xf32, #tpu.memory_space<vmem_shared>>)
        %dma_wait3A_254 = arith.constant 3 : i32
        %dma_wait3A_255 = arith.constant 384 : i32
        %dma_wait3A_256 = arith.constant 0 : i32
        %dma_wait3A_257 = tpu.memref_slice %arg11[%dma_wait3A_255, %dma_wait3A_256] : memref<512x32xf32, #tpu.memory_space<vmem>> -> memref<128x32xf32, #tpu.memory_space<vmem>>
        %dma_wait3A_258 = arith.constant 0 : i32
        %dma_wait3A_259 = tpu.memref_slice %arg10[%dma_wait3A_254, %dma_wait3A_258] : memref<8x128xi32, #tpu.memory_space<vmem>> -> memref<1x128xi32, #tpu.memory_space<vmem>>
        %dma_wait3A_260 = tpu.memref_squeeze %dma_wait3A_259 : memref<1x128xi32, #tpu.memory_space<vmem>> -> memref<128xi32, #tpu.memory_space<vmem>>
        %dma_wait3A_261 = arith.constant 0 : i32
        %dma_wait3A_262 = arith.constant 0 : i32
        %dma_wait3A_263 = tpu.memref_slice %arg14[%dma_wait3A_261, %dma_wait3A_262] : memref<10240x32xf32, #tpu.memory_space<vmem_shared>> -> memref<10240x32xf32, #tpu.memory_space<vmem_shared>>
        tpu.wait_indirect_dma semaphore(%arg17 : memref<!tpu.dma_semaphore, #tpu.memory_space<semaphore_mem>>) src(%dma_wait3A_257 : memref<128x32xf32, #tpu.memory_space<vmem>>) dst(%dma_wait3A_263 : memref<10240x32xf32, #tpu.memory_space<vmem_shared>>)
        %dma_wait3A_264 = arith.constant 3 : i32
        %dma_wait3A_265 = arith.constant 384 : i32
        %dma_wait3A_266 = arith.constant 0 : i32
        %dma_wait3A_267 = tpu.memref_slice %arg12[%dma_wait3A_265, %dma_wait3A_266] : memref<512x32xf32, #tpu.memory_space<vmem>> -> memref<128x32xf32, #tpu.memory_space<vmem>>
        %dma_wait3A_268 = arith.constant 0 : i32
        %dma_wait3A_269 = tpu.memref_slice %arg10[%dma_wait3A_264, %dma_wait3A_268] : memref<8x128xi32, #tpu.memory_space<vmem>> -> memref<1x128xi32, #tpu.memory_space<vmem>>
        %dma_wait3A_270 = tpu.memref_squeeze %dma_wait3A_269 : memref<1x128xi32, #tpu.memory_space<vmem>> -> memref<128xi32, #tpu.memory_space<vmem>>
        %dma_wait3A_271 = arith.constant 0 : i32
        %dma_wait3A_272 = arith.constant 0 : i32
        %dma_wait3A_273 = tpu.memref_slice %arg15[%dma_wait3A_271, %dma_wait3A_272] : memref<10240x32xf32, #tpu.memory_space<vmem_shared>> -> memref<10240x32xf32, #tpu.memory_space<vmem_shared>>
        tpu.wait_indirect_dma semaphore(%arg17 : memref<!tpu.dma_semaphore, #tpu.memory_space<semaphore_mem>>) src(%dma_wait3A_267 : memref<128x32xf32, #tpu.memory_space<vmem>>) dst(%dma_wait3A_273 : memref<10240x32xf32, #tpu.memory_space<vmem_shared>>)
        %dma_wait3A_274 = arith.constant 3 : i32
        %dma_wait3A_275 = arith.constant 384 : i32
        %dma_wait3A_276 = arith.constant 0 : i32
        %dma_wait3A_277 = tpu.memref_slice %arg13[%dma_wait3A_275, %dma_wait3A_276] : memref<512x32xf32, #tpu.memory_space<vmem>> -> memref<128x32xf32, #tpu.memory_space<vmem>>
        %dma_wait3A_278 = arith.constant 0 : i32
        %dma_wait3A_279 = tpu.memref_slice %arg10[%dma_wait3A_274, %dma_wait3A_278] : memref<8x128xi32, #tpu.memory_space<vmem>> -> memref<1x128xi32, #tpu.memory_space<vmem>>
        %dma_wait3A_280 = tpu.memref_squeeze %dma_wait3A_279 : memref<1x128xi32, #tpu.memory_space<vmem>> -> memref<128xi32, #tpu.memory_space<vmem>>
        %dma_wait3A_281 = arith.constant 0 : i32
        %dma_wait3A_282 = arith.constant 0 : i32
        %dma_wait3A_283 = tpu.memref_slice %arg16[%dma_wait3A_281, %dma_wait3A_282] : memref<10240x32xf32, #tpu.memory_space<vmem_shared>> -> memref<10240x32xf32, #tpu.memory_space<vmem_shared>>
        tpu.wait_indirect_dma semaphore(%arg17 : memref<!tpu.dma_semaphore, #tpu.memory_space<semaphore_mem>>) src(%dma_wait3A_277 : memref<128x32xf32, #tpu.memory_space<vmem>>) dst(%dma_wait3A_283 : memref<10240x32xf32, #tpu.memory_space<vmem_shared>>)
        %add3A_284 = arith.constant 512 : i32
        %add3A_285 = arith.addi %mul3A_19, %add3A_284 : i32
        %dma_start3A_286 = arith.constant 0 : i32
        %dma_start3A_287 = tpu.memref_slice %arg3[%add3A_285, %dma_start3A_286] : memref<640000x32xf32, #tpu.memory_space<hbm>> -> memref<512x32xf32, #tpu.memory_space<hbm>>
        %dma_start3A_288 = arith.constant 0 : i32
        %dma_start3A_289 = tpu.memref_slice %arg3[%add3A_285, %dma_start3A_288] : memref<640000x32xf32, #tpu.memory_space<hbm>> -> memref<512x32xf32, #tpu.memory_space<hbm>>
        tpu.enqueue_dma source(%dma_start3A_289 : memref<512x32xf32, #tpu.memory_space<hbm>>) target(%arg11 : memref<512x32xf32, #tpu.memory_space<vmem>>) target_semaphore(%arg17 : memref<!tpu.dma_semaphore, #tpu.memory_space<semaphore_mem>>)
        %dma_start3A_290 = arith.constant 0 : i32
        %dma_start3A_291 = tpu.memref_slice %arg4[%add3A_285, %dma_start3A_290] : memref<640000x32xf32, #tpu.memory_space<hbm>> -> memref<512x32xf32, #tpu.memory_space<hbm>>
        %dma_start3A_292 = arith.constant 0 : i32
        %dma_start3A_293 = tpu.memref_slice %arg4[%add3A_285, %dma_start3A_292] : memref<640000x32xf32, #tpu.memory_space<hbm>> -> memref<512x32xf32, #tpu.memory_space<hbm>>
        tpu.enqueue_dma source(%dma_start3A_293 : memref<512x32xf32, #tpu.memory_space<hbm>>) target(%arg12 : memref<512x32xf32, #tpu.memory_space<vmem>>) target_semaphore(%arg17 : memref<!tpu.dma_semaphore, #tpu.memory_space<semaphore_mem>>)
        %dma_start3A_294 = arith.constant 0 : i32
        %dma_start3A_295 = tpu.memref_slice %arg5[%add3A_285, %dma_start3A_294] : memref<640000x32xf32, #tpu.memory_space<hbm>> -> memref<512x32xf32, #tpu.memory_space<hbm>>
        %dma_start3A_296 = arith.constant 0 : i32
        %dma_start3A_297 = tpu.memref_slice %arg5[%add3A_285, %dma_start3A_296] : memref<640000x32xf32, #tpu.memory_space<hbm>> -> memref<512x32xf32, #tpu.memory_space<hbm>>
        tpu.enqueue_dma source(%dma_start3A_297 : memref<512x32xf32, #tpu.memory_space<hbm>>) target(%arg13 : memref<512x32xf32, #tpu.memory_space<vmem>>) target_semaphore(%arg17 : memref<!tpu.dma_semaphore, #tpu.memory_space<semaphore_mem>>)
        %dma_wait3A_298 = arith.constant 0 : i32
        %dma_wait3A_299 = tpu.memref_slice %arg3[%add3A_285, %dma_wait3A_298] : memref<640000x32xf32, #tpu.memory_space<hbm>> -> memref<512x32xf32, #tpu.memory_space<hbm>>
        %dma_wait3A_300 = arith.constant 0 : i32
        %dma_wait3A_301 = tpu.memref_slice %arg3[%add3A_285, %dma_wait3A_300] : memref<640000x32xf32, #tpu.memory_space<hbm>> -> memref<512x32xf32, #tpu.memory_space<hbm>>
        tpu.wait_dma2 semaphore(%arg17 : memref<!tpu.dma_semaphore, #tpu.memory_space<semaphore_mem>>) src(%dma_wait3A_301 : memref<512x32xf32, #tpu.memory_space<hbm>>) dst(%arg11 : memref<512x32xf32, #tpu.memory_space<vmem>>)
        %dma_wait3A_302 = arith.constant 0 : i32
        %dma_wait3A_303 = tpu.memref_slice %arg4[%add3A_285, %dma_wait3A_302] : memref<640000x32xf32, #tpu.memory_space<hbm>> -> memref<512x32xf32, #tpu.memory_space<hbm>>
        %dma_wait3A_304 = arith.constant 0 : i32
        %dma_wait3A_305 = tpu.memref_slice %arg4[%add3A_285, %dma_wait3A_304] : memref<640000x32xf32, #tpu.memory_space<hbm>> -> memref<512x32xf32, #tpu.memory_space<hbm>>
        tpu.wait_dma2 semaphore(%arg17 : memref<!tpu.dma_semaphore, #tpu.memory_space<semaphore_mem>>) src(%dma_wait3A_305 : memref<512x32xf32, #tpu.memory_space<hbm>>) dst(%arg12 : memref<512x32xf32, #tpu.memory_space<vmem>>)
        %dma_wait3A_306 = arith.constant 0 : i32
        %dma_wait3A_307 = tpu.memref_slice %arg5[%add3A_285, %dma_wait3A_306] : memref<640000x32xf32, #tpu.memory_space<hbm>> -> memref<512x32xf32, #tpu.memory_space<hbm>>
        %dma_wait3A_308 = arith.constant 0 : i32
        %dma_wait3A_309 = tpu.memref_slice %arg5[%add3A_285, %dma_wait3A_308] : memref<640000x32xf32, #tpu.memory_space<hbm>> -> memref<512x32xf32, #tpu.memory_space<hbm>>
        tpu.wait_dma2 semaphore(%arg17 : memref<!tpu.dma_semaphore, #tpu.memory_space<semaphore_mem>>) src(%dma_wait3A_309 : memref<512x32xf32, #tpu.memory_space<hbm>>) dst(%arg13 : memref<512x32xf32, #tpu.memory_space<vmem>>)
        %dma_start3A_310 = arith.constant 4 : i32
        %dma_start3A_311 = arith.constant 0 : i32
        %dma_start3A_312 = arith.constant 0 : i32
        %dma_start3A_313 = tpu.memref_slice %arg11[%dma_start3A_311, %dma_start3A_312] : memref<512x32xf32, #tpu.memory_space<vmem>> -> memref<128x32xf32, #tpu.memory_space<vmem>>
        %dma_start3A_314 = arith.constant 0 : i32
        %dma_start3A_315 = tpu.memref_slice %arg10[%dma_start3A_310, %dma_start3A_314] : memref<8x128xi32, #tpu.memory_space<vmem>> -> memref<1x128xi32, #tpu.memory_space<vmem>>
        %dma_start3A_316 = tpu.memref_squeeze %dma_start3A_315 : memref<1x128xi32, #tpu.memory_space<vmem>> -> memref<128xi32, #tpu.memory_space<vmem>>
        %dma_start3A_317 = arith.constant 0 : i32
        %dma_start3A_318 = arith.constant 0 : i32
        %dma_start3A_319 = tpu.memref_slice %arg14[%dma_start3A_317, %dma_start3A_318] : memref<10240x32xf32, #tpu.memory_space<vmem_shared>> -> memref<10240x32xf32, #tpu.memory_space<vmem_shared>>
        tpu.enqueue_indirect_dma source(%dma_start3A_313 : memref<128x32xf32, #tpu.memory_space<vmem>>) target(%dma_start3A_319 : memref<10240x32xf32, #tpu.memory_space<vmem_shared>>) offsets(%dma_start3A_316 : memref<128xi32, #tpu.memory_space<vmem>>) semaphore(%arg17 : memref<!tpu.dma_semaphore, #tpu.memory_space<semaphore_mem>>) {add = true}
        %dma_start3A_320 = arith.constant 4 : i32
        %dma_start3A_321 = arith.constant 0 : i32
        %dma_start3A_322 = arith.constant 0 : i32
        %dma_start3A_323 = tpu.memref_slice %arg12[%dma_start3A_321, %dma_start3A_322] : memref<512x32xf32, #tpu.memory_space<vmem>> -> memref<128x32xf32, #tpu.memory_space<vmem>>
        %dma_start3A_324 = arith.constant 0 : i32
        %dma_start3A_325 = tpu.memref_slice %arg10[%dma_start3A_320, %dma_start3A_324] : memref<8x128xi32, #tpu.memory_space<vmem>> -> memref<1x128xi32, #tpu.memory_space<vmem>>
        %dma_start3A_326 = tpu.memref_squeeze %dma_start3A_325 : memref<1x128xi32, #tpu.memory_space<vmem>> -> memref<128xi32, #tpu.memory_space<vmem>>
        %dma_start3A_327 = arith.constant 0 : i32
        %dma_start3A_328 = arith.constant 0 : i32
        %dma_start3A_329 = tpu.memref_slice %arg15[%dma_start3A_327, %dma_start3A_328] : memref<10240x32xf32, #tpu.memory_space<vmem_shared>> -> memref<10240x32xf32, #tpu.memory_space<vmem_shared>>
        tpu.enqueue_indirect_dma source(%dma_start3A_323 : memref<128x32xf32, #tpu.memory_space<vmem>>) target(%dma_start3A_329 : memref<10240x32xf32, #tpu.memory_space<vmem_shared>>) offsets(%dma_start3A_326 : memref<128xi32, #tpu.memory_space<vmem>>) semaphore(%arg17 : memref<!tpu.dma_semaphore, #tpu.memory_space<semaphore_mem>>) {add = true}
        %dma_start3A_330 = arith.constant 4 : i32
        %dma_start3A_331 = arith.constant 0 : i32
        %dma_start3A_332 = arith.constant 0 : i32
        %dma_start3A_333 = tpu.memref_slice %arg13[%dma_start3A_331, %dma_start3A_332] : memref<512x32xf32, #tpu.memory_space<vmem>> -> memref<128x32xf32, #tpu.memory_space<vmem>>
        %dma_start3A_334 = arith.constant 0 : i32
        %dma_start3A_335 = tpu.memref_slice %arg10[%dma_start3A_330, %dma_start3A_334] : memref<8x128xi32, #tpu.memory_space<vmem>> -> memref<1x128xi32, #tpu.memory_space<vmem>>
        %dma_start3A_336 = tpu.memref_squeeze %dma_start3A_335 : memref<1x128xi32, #tpu.memory_space<vmem>> -> memref<128xi32, #tpu.memory_space<vmem>>
        %dma_start3A_337 = arith.constant 0 : i32
        %dma_start3A_338 = arith.constant 0 : i32
        %dma_start3A_339 = tpu.memref_slice %arg16[%dma_start3A_337, %dma_start3A_338] : memref<10240x32xf32, #tpu.memory_space<vmem_shared>> -> memref<10240x32xf32, #tpu.memory_space<vmem_shared>>
        tpu.enqueue_indirect_dma source(%dma_start3A_333 : memref<128x32xf32, #tpu.memory_space<vmem>>) target(%dma_start3A_339 : memref<10240x32xf32, #tpu.memory_space<vmem_shared>>) offsets(%dma_start3A_336 : memref<128xi32, #tpu.memory_space<vmem>>) semaphore(%arg17 : memref<!tpu.dma_semaphore, #tpu.memory_space<semaphore_mem>>) {add = true}
        %dma_start3A_340 = arith.constant 5 : i32
        %dma_start3A_341 = arith.constant 128 : i32
        %dma_start3A_342 = arith.constant 0 : i32
        %dma_start3A_343 = tpu.memref_slice %arg11[%dma_start3A_341, %dma_start3A_342] : memref<512x32xf32, #tpu.memory_space<vmem>> -> memref<128x32xf32, #tpu.memory_space<vmem>>
        %dma_start3A_344 = arith.constant 0 : i32
        %dma_start3A_345 = tpu.memref_slice %arg10[%dma_start3A_340, %dma_start3A_344] : memref<8x128xi32, #tpu.memory_space<vmem>> -> memref<1x128xi32, #tpu.memory_space<vmem>>
        %dma_start3A_346 = tpu.memref_squeeze %dma_start3A_345 : memref<1x128xi32, #tpu.memory_space<vmem>> -> memref<128xi32, #tpu.memory_space<vmem>>
        %dma_start3A_347 = arith.constant 0 : i32
        %dma_start3A_348 = arith.constant 0 : i32
        %dma_start3A_349 = tpu.memref_slice %arg14[%dma_start3A_347, %dma_start3A_348] : memref<10240x32xf32, #tpu.memory_space<vmem_shared>> -> memref<10240x32xf32, #tpu.memory_space<vmem_shared>>
        tpu.enqueue_indirect_dma source(%dma_start3A_343 : memref<128x32xf32, #tpu.memory_space<vmem>>) target(%dma_start3A_349 : memref<10240x32xf32, #tpu.memory_space<vmem_shared>>) offsets(%dma_start3A_346 : memref<128xi32, #tpu.memory_space<vmem>>) semaphore(%arg17 : memref<!tpu.dma_semaphore, #tpu.memory_space<semaphore_mem>>) {add = true}
        %dma_start3A_350 = arith.constant 5 : i32
        %dma_start3A_351 = arith.constant 128 : i32
        %dma_start3A_352 = arith.constant 0 : i32
        %dma_start3A_353 = tpu.memref_slice %arg12[%dma_start3A_351, %dma_start3A_352] : memref<512x32xf32, #tpu.memory_space<vmem>> -> memref<128x32xf32, #tpu.memory_space<vmem>>
        %dma_start3A_354 = arith.constant 0 : i32
        %dma_start3A_355 = tpu.memref_slice %arg10[%dma_start3A_350, %dma_start3A_354] : memref<8x128xi32, #tpu.memory_space<vmem>> -> memref<1x128xi32, #tpu.memory_space<vmem>>
        %dma_start3A_356 = tpu.memref_squeeze %dma_start3A_355 : memref<1x128xi32, #tpu.memory_space<vmem>> -> memref<128xi32, #tpu.memory_space<vmem>>
        %dma_start3A_357 = arith.constant 0 : i32
        %dma_start3A_358 = arith.constant 0 : i32
        %dma_start3A_359 = tpu.memref_slice %arg15[%dma_start3A_357, %dma_start3A_358] : memref<10240x32xf32, #tpu.memory_space<vmem_shared>> -> memref<10240x32xf32, #tpu.memory_space<vmem_shared>>
        tpu.enqueue_indirect_dma source(%dma_start3A_353 : memref<128x32xf32, #tpu.memory_space<vmem>>) target(%dma_start3A_359 : memref<10240x32xf32, #tpu.memory_space<vmem_shared>>) offsets(%dma_start3A_356 : memref<128xi32, #tpu.memory_space<vmem>>) semaphore(%arg17 : memref<!tpu.dma_semaphore, #tpu.memory_space<semaphore_mem>>) {add = true}
        %dma_start3A_360 = arith.constant 5 : i32
        %dma_start3A_361 = arith.constant 128 : i32
        %dma_start3A_362 = arith.constant 0 : i32
        %dma_start3A_363 = tpu.memref_slice %arg13[%dma_start3A_361, %dma_start3A_362] : memref<512x32xf32, #tpu.memory_space<vmem>> -> memref<128x32xf32, #tpu.memory_space<vmem>>
        %dma_start3A_364 = arith.constant 0 : i32
        %dma_start3A_365 = tpu.memref_slice %arg10[%dma_start3A_360, %dma_start3A_364] : memref<8x128xi32, #tpu.memory_space<vmem>> -> memref<1x128xi32, #tpu.memory_space<vmem>>
        %dma_start3A_366 = tpu.memref_squeeze %dma_start3A_365 : memref<1x128xi32, #tpu.memory_space<vmem>> -> memref<128xi32, #tpu.memory_space<vmem>>
        %dma_start3A_367 = arith.constant 0 : i32
        %dma_start3A_368 = arith.constant 0 : i32
        %dma_start3A_369 = tpu.memref_slice %arg16[%dma_start3A_367, %dma_start3A_368] : memref<10240x32xf32, #tpu.memory_space<vmem_shared>> -> memref<10240x32xf32, #tpu.memory_space<vmem_shared>>
        tpu.enqueue_indirect_dma source(%dma_start3A_363 : memref<128x32xf32, #tpu.memory_space<vmem>>) target(%dma_start3A_369 : memref<10240x32xf32, #tpu.memory_space<vmem_shared>>) offsets(%dma_start3A_366 : memref<128xi32, #tpu.memory_space<vmem>>) semaphore(%arg17 : memref<!tpu.dma_semaphore, #tpu.memory_space<semaphore_mem>>) {add = true}
        %dma_start3A_370 = arith.constant 6 : i32
        %dma_start3A_371 = arith.constant 256 : i32
        %dma_start3A_372 = arith.constant 0 : i32
        %dma_start3A_373 = tpu.memref_slice %arg11[%dma_start3A_371, %dma_start3A_372] : memref<512x32xf32, #tpu.memory_space<vmem>> -> memref<128x32xf32, #tpu.memory_space<vmem>>
        %dma_start3A_374 = arith.constant 0 : i32
        %dma_start3A_375 = tpu.memref_slice %arg10[%dma_start3A_370, %dma_start3A_374] : memref<8x128xi32, #tpu.memory_space<vmem>> -> memref<1x128xi32, #tpu.memory_space<vmem>>
        %dma_start3A_376 = tpu.memref_squeeze %dma_start3A_375 : memref<1x128xi32, #tpu.memory_space<vmem>> -> memref<128xi32, #tpu.memory_space<vmem>>
        %dma_start3A_377 = arith.constant 0 : i32
        %dma_start3A_378 = arith.constant 0 : i32
        %dma_start3A_379 = tpu.memref_slice %arg14[%dma_start3A_377, %dma_start3A_378] : memref<10240x32xf32, #tpu.memory_space<vmem_shared>> -> memref<10240x32xf32, #tpu.memory_space<vmem_shared>>
        tpu.enqueue_indirect_dma source(%dma_start3A_373 : memref<128x32xf32, #tpu.memory_space<vmem>>) target(%dma_start3A_379 : memref<10240x32xf32, #tpu.memory_space<vmem_shared>>) offsets(%dma_start3A_376 : memref<128xi32, #tpu.memory_space<vmem>>) semaphore(%arg17 : memref<!tpu.dma_semaphore, #tpu.memory_space<semaphore_mem>>) {add = true}
        %dma_start3A_380 = arith.constant 6 : i32
        %dma_start3A_381 = arith.constant 256 : i32
        %dma_start3A_382 = arith.constant 0 : i32
        %dma_start3A_383 = tpu.memref_slice %arg12[%dma_start3A_381, %dma_start3A_382] : memref<512x32xf32, #tpu.memory_space<vmem>> -> memref<128x32xf32, #tpu.memory_space<vmem>>
        %dma_start3A_384 = arith.constant 0 : i32
        %dma_start3A_385 = tpu.memref_slice %arg10[%dma_start3A_380, %dma_start3A_384] : memref<8x128xi32, #tpu.memory_space<vmem>> -> memref<1x128xi32, #tpu.memory_space<vmem>>
        %dma_start3A_386 = tpu.memref_squeeze %dma_start3A_385 : memref<1x128xi32, #tpu.memory_space<vmem>> -> memref<128xi32, #tpu.memory_space<vmem>>
        %dma_start3A_387 = arith.constant 0 : i32
        %dma_start3A_388 = arith.constant 0 : i32
        %dma_start3A_389 = tpu.memref_slice %arg15[%dma_start3A_387, %dma_start3A_388] : memref<10240x32xf32, #tpu.memory_space<vmem_shared>> -> memref<10240x32xf32, #tpu.memory_space<vmem_shared>>
        tpu.enqueue_indirect_dma source(%dma_start3A_383 : memref<128x32xf32, #tpu.memory_space<vmem>>) target(%dma_start3A_389 : memref<10240x32xf32, #tpu.memory_space<vmem_shared>>) offsets(%dma_start3A_386 : memref<128xi32, #tpu.memory_space<vmem>>) semaphore(%arg17 : memref<!tpu.dma_semaphore, #tpu.memory_space<semaphore_mem>>) {add = true}
        %dma_start3A_390 = arith.constant 6 : i32
        %dma_start3A_391 = arith.constant 256 : i32
        %dma_start3A_392 = arith.constant 0 : i32
        %dma_start3A_393 = tpu.memref_slice %arg13[%dma_start3A_391, %dma_start3A_392] : memref<512x32xf32, #tpu.memory_space<vmem>> -> memref<128x32xf32, #tpu.memory_space<vmem>>
        %dma_start3A_394 = arith.constant 0 : i32
        %dma_start3A_395 = tpu.memref_slice %arg10[%dma_start3A_390, %dma_start3A_394] : memref<8x128xi32, #tpu.memory_space<vmem>> -> memref<1x128xi32, #tpu.memory_space<vmem>>
        %dma_start3A_396 = tpu.memref_squeeze %dma_start3A_395 : memref<1x128xi32, #tpu.memory_space<vmem>> -> memref<128xi32, #tpu.memory_space<vmem>>
        %dma_start3A_397 = arith.constant 0 : i32
        %dma_start3A_398 = arith.constant 0 : i32
        %dma_start3A_399 = tpu.memref_slice %arg16[%dma_start3A_397, %dma_start3A_398] : memref<10240x32xf32, #tpu.memory_space<vmem_shared>> -> memref<10240x32xf32, #tpu.memory_space<vmem_shared>>
        tpu.enqueue_indirect_dma source(%dma_start3A_393 : memref<128x32xf32, #tpu.memory_space<vmem>>) target(%dma_start3A_399 : memref<10240x32xf32, #tpu.memory_space<vmem_shared>>) offsets(%dma_start3A_396 : memref<128xi32, #tpu.memory_space<vmem>>) semaphore(%arg17 : memref<!tpu.dma_semaphore, #tpu.memory_space<semaphore_mem>>) {add = true}
        %dma_start3A_400 = arith.constant 7 : i32
        %dma_start3A_401 = arith.constant 384 : i32
        %dma_start3A_402 = arith.constant 0 : i32
        %dma_start3A_403 = tpu.memref_slice %arg11[%dma_start3A_401, %dma_start3A_402] : memref<512x32xf32, #tpu.memory_space<vmem>> -> memref<128x32xf32, #tpu.memory_space<vmem>>
        %dma_start3A_404 = arith.constant 0 : i32
        %dma_start3A_405 = tpu.memref_slice %arg10[%dma_start3A_400, %dma_start3A_404] : memref<8x128xi32, #tpu.memory_space<vmem>> -> memref<1x128xi32, #tpu.memory_space<vmem>>
        %dma_start3A_406 = tpu.memref_squeeze %dma_start3A_405 : memref<1x128xi32, #tpu.memory_space<vmem>> -> memref<128xi32, #tpu.memory_space<vmem>>
        %dma_start3A_407 = arith.constant 0 : i32
        %dma_start3A_408 = arith.constant 0 : i32
        %dma_start3A_409 = tpu.memref_slice %arg14[%dma_start3A_407, %dma_start3A_408] : memref<10240x32xf32, #tpu.memory_space<vmem_shared>> -> memref<10240x32xf32, #tpu.memory_space<vmem_shared>>
        tpu.enqueue_indirect_dma source(%dma_start3A_403 : memref<128x32xf32, #tpu.memory_space<vmem>>) target(%dma_start3A_409 : memref<10240x32xf32, #tpu.memory_space<vmem_shared>>) offsets(%dma_start3A_406 : memref<128xi32, #tpu.memory_space<vmem>>) semaphore(%arg17 : memref<!tpu.dma_semaphore, #tpu.memory_space<semaphore_mem>>) {add = true}
        %dma_start3A_410 = arith.constant 7 : i32
        %dma_start3A_411 = arith.constant 384 : i32
        %dma_start3A_412 = arith.constant 0 : i32
        %dma_start3A_413 = tpu.memref_slice %arg12[%dma_start3A_411, %dma_start3A_412] : memref<512x32xf32, #tpu.memory_space<vmem>> -> memref<128x32xf32, #tpu.memory_space<vmem>>
        %dma_start3A_414 = arith.constant 0 : i32
        %dma_start3A_415 = tpu.memref_slice %arg10[%dma_start3A_410, %dma_start3A_414] : memref<8x128xi32, #tpu.memory_space<vmem>> -> memref<1x128xi32, #tpu.memory_space<vmem>>
        %dma_start3A_416 = tpu.memref_squeeze %dma_start3A_415 : memref<1x128xi32, #tpu.memory_space<vmem>> -> memref<128xi32, #tpu.memory_space<vmem>>
        %dma_start3A_417 = arith.constant 0 : i32
        %dma_start3A_418 = arith.constant 0 : i32
        %dma_start3A_419 = tpu.memref_slice %arg15[%dma_start3A_417, %dma_start3A_418] : memref<10240x32xf32, #tpu.memory_space<vmem_shared>> -> memref<10240x32xf32, #tpu.memory_space<vmem_shared>>
        tpu.enqueue_indirect_dma source(%dma_start3A_413 : memref<128x32xf32, #tpu.memory_space<vmem>>) target(%dma_start3A_419 : memref<10240x32xf32, #tpu.memory_space<vmem_shared>>) offsets(%dma_start3A_416 : memref<128xi32, #tpu.memory_space<vmem>>) semaphore(%arg17 : memref<!tpu.dma_semaphore, #tpu.memory_space<semaphore_mem>>) {add = true}
        %dma_start3A_420 = arith.constant 7 : i32
        %dma_start3A_421 = arith.constant 384 : i32
        %dma_start3A_422 = arith.constant 0 : i32
        %dma_start3A_423 = tpu.memref_slice %arg13[%dma_start3A_421, %dma_start3A_422] : memref<512x32xf32, #tpu.memory_space<vmem>> -> memref<128x32xf32, #tpu.memory_space<vmem>>
        %dma_start3A_424 = arith.constant 0 : i32
        %dma_start3A_425 = tpu.memref_slice %arg10[%dma_start3A_420, %dma_start3A_424] : memref<8x128xi32, #tpu.memory_space<vmem>> -> memref<1x128xi32, #tpu.memory_space<vmem>>
        %dma_start3A_426 = tpu.memref_squeeze %dma_start3A_425 : memref<1x128xi32, #tpu.memory_space<vmem>> -> memref<128xi32, #tpu.memory_space<vmem>>
        %dma_start3A_427 = arith.constant 0 : i32
        %dma_start3A_428 = arith.constant 0 : i32
        %dma_start3A_429 = tpu.memref_slice %arg16[%dma_start3A_427, %dma_start3A_428] : memref<10240x32xf32, #tpu.memory_space<vmem_shared>> -> memref<10240x32xf32, #tpu.memory_space<vmem_shared>>
        tpu.enqueue_indirect_dma source(%dma_start3A_423 : memref<128x32xf32, #tpu.memory_space<vmem>>) target(%dma_start3A_429 : memref<10240x32xf32, #tpu.memory_space<vmem_shared>>) offsets(%dma_start3A_426 : memref<128xi32, #tpu.memory_space<vmem>>) semaphore(%arg17 : memref<!tpu.dma_semaphore, #tpu.memory_space<semaphore_mem>>) {add = true}
        %dma_wait3A_430 = arith.constant 4 : i32
        %dma_wait3A_431 = arith.constant 0 : i32
        %dma_wait3A_432 = arith.constant 0 : i32
        %dma_wait3A_433 = tpu.memref_slice %arg11[%dma_wait3A_431, %dma_wait3A_432] : memref<512x32xf32, #tpu.memory_space<vmem>> -> memref<128x32xf32, #tpu.memory_space<vmem>>
        %dma_wait3A_434 = arith.constant 0 : i32
        %dma_wait3A_435 = tpu.memref_slice %arg10[%dma_wait3A_430, %dma_wait3A_434] : memref<8x128xi32, #tpu.memory_space<vmem>> -> memref<1x128xi32, #tpu.memory_space<vmem>>
        %dma_wait3A_436 = tpu.memref_squeeze %dma_wait3A_435 : memref<1x128xi32, #tpu.memory_space<vmem>> -> memref<128xi32, #tpu.memory_space<vmem>>
        %dma_wait3A_437 = arith.constant 0 : i32
        %dma_wait3A_438 = arith.constant 0 : i32
        %dma_wait3A_439 = tpu.memref_slice %arg14[%dma_wait3A_437, %dma_wait3A_438] : memref<10240x32xf32, #tpu.memory_space<vmem_shared>> -> memref<10240x32xf32, #tpu.memory_space<vmem_shared>>
        tpu.wait_indirect_dma semaphore(%arg17 : memref<!tpu.dma_semaphore, #tpu.memory_space<semaphore_mem>>) src(%dma_wait3A_433 : memref<128x32xf32, #tpu.memory_space<vmem>>) dst(%dma_wait3A_439 : memref<10240x32xf32, #tpu.memory_space<vmem_shared>>)
        %dma_wait3A_440 = arith.constant 4 : i32
        %dma_wait3A_441 = arith.constant 0 : i32
        %dma_wait3A_442 = arith.constant 0 : i32
        %dma_wait3A_443 = tpu.memref_slice %arg12[%dma_wait3A_441, %dma_wait3A_442] : memref<512x32xf32, #tpu.memory_space<vmem>> -> memref<128x32xf32, #tpu.memory_space<vmem>>
        %dma_wait3A_444 = arith.constant 0 : i32
        %dma_wait3A_445 = tpu.memref_slice %arg10[%dma_wait3A_440, %dma_wait3A_444] : memref<8x128xi32, #tpu.memory_space<vmem>> -> memref<1x128xi32, #tpu.memory_space<vmem>>
        %dma_wait3A_446 = tpu.memref_squeeze %dma_wait3A_445 : memref<1x128xi32, #tpu.memory_space<vmem>> -> memref<128xi32, #tpu.memory_space<vmem>>
        %dma_wait3A_447 = arith.constant 0 : i32
        %dma_wait3A_448 = arith.constant 0 : i32
        %dma_wait3A_449 = tpu.memref_slice %arg15[%dma_wait3A_447, %dma_wait3A_448] : memref<10240x32xf32, #tpu.memory_space<vmem_shared>> -> memref<10240x32xf32, #tpu.memory_space<vmem_shared>>
        tpu.wait_indirect_dma semaphore(%arg17 : memref<!tpu.dma_semaphore, #tpu.memory_space<semaphore_mem>>) src(%dma_wait3A_443 : memref<128x32xf32, #tpu.memory_space<vmem>>) dst(%dma_wait3A_449 : memref<10240x32xf32, #tpu.memory_space<vmem_shared>>)
        %dma_wait3A_450 = arith.constant 4 : i32
        %dma_wait3A_451 = arith.constant 0 : i32
        %dma_wait3A_452 = arith.constant 0 : i32
        %dma_wait3A_453 = tpu.memref_slice %arg13[%dma_wait3A_451, %dma_wait3A_452] : memref<512x32xf32, #tpu.memory_space<vmem>> -> memref<128x32xf32, #tpu.memory_space<vmem>>
        %dma_wait3A_454 = arith.constant 0 : i32
        %dma_wait3A_455 = tpu.memref_slice %arg10[%dma_wait3A_450, %dma_wait3A_454] : memref<8x128xi32, #tpu.memory_space<vmem>> -> memref<1x128xi32, #tpu.memory_space<vmem>>
        %dma_wait3A_456 = tpu.memref_squeeze %dma_wait3A_455 : memref<1x128xi32, #tpu.memory_space<vmem>> -> memref<128xi32, #tpu.memory_space<vmem>>
        %dma_wait3A_457 = arith.constant 0 : i32
        %dma_wait3A_458 = arith.constant 0 : i32
        %dma_wait3A_459 = tpu.memref_slice %arg16[%dma_wait3A_457, %dma_wait3A_458] : memref<10240x32xf32, #tpu.memory_space<vmem_shared>> -> memref<10240x32xf32, #tpu.memory_space<vmem_shared>>
        tpu.wait_indirect_dma semaphore(%arg17 : memref<!tpu.dma_semaphore, #tpu.memory_space<semaphore_mem>>) src(%dma_wait3A_453 : memref<128x32xf32, #tpu.memory_space<vmem>>) dst(%dma_wait3A_459 : memref<10240x32xf32, #tpu.memory_space<vmem_shared>>)
        %dma_wait3A_460 = arith.constant 5 : i32
        %dma_wait3A_461 = arith.constant 128 : i32
        %dma_wait3A_462 = arith.constant 0 : i32
        %dma_wait3A_463 = tpu.memref_slice %arg11[%dma_wait3A_461, %dma_wait3A_462] : memref<512x32xf32, #tpu.memory_space<vmem>> -> memref<128x32xf32, #tpu.memory_space<vmem>>
        %dma_wait3A_464 = arith.constant 0 : i32
        %dma_wait3A_465 = tpu.memref_slice %arg10[%dma_wait3A_460, %dma_wait3A_464] : memref<8x128xi32, #tpu.memory_space<vmem>> -> memref<1x128xi32, #tpu.memory_space<vmem>>
        %dma_wait3A_466 = tpu.memref_squeeze %dma_wait3A_465 : memref<1x128xi32, #tpu.memory_space<vmem>> -> memref<128xi32, #tpu.memory_space<vmem>>
        %dma_wait3A_467 = arith.constant 0 : i32
        %dma_wait3A_468 = arith.constant 0 : i32
        %dma_wait3A_469 = tpu.memref_slice %arg14[%dma_wait3A_467, %dma_wait3A_468] : memref<10240x32xf32, #tpu.memory_space<vmem_shared>> -> memref<10240x32xf32, #tpu.memory_space<vmem_shared>>
        tpu.wait_indirect_dma semaphore(%arg17 : memref<!tpu.dma_semaphore, #tpu.memory_space<semaphore_mem>>) src(%dma_wait3A_463 : memref<128x32xf32, #tpu.memory_space<vmem>>) dst(%dma_wait3A_469 : memref<10240x32xf32, #tpu.memory_space<vmem_shared>>)
        %dma_wait3A_470 = arith.constant 5 : i32
        %dma_wait3A_471 = arith.constant 128 : i32
        %dma_wait3A_472 = arith.constant 0 : i32
        %dma_wait3A_473 = tpu.memref_slice %arg12[%dma_wait3A_471, %dma_wait3A_472] : memref<512x32xf32, #tpu.memory_space<vmem>> -> memref<128x32xf32, #tpu.memory_space<vmem>>
        %dma_wait3A_474 = arith.constant 0 : i32
        %dma_wait3A_475 = tpu.memref_slice %arg10[%dma_wait3A_470, %dma_wait3A_474] : memref<8x128xi32, #tpu.memory_space<vmem>> -> memref<1x128xi32, #tpu.memory_space<vmem>>
        %dma_wait3A_476 = tpu.memref_squeeze %dma_wait3A_475 : memref<1x128xi32, #tpu.memory_space<vmem>> -> memref<128xi32, #tpu.memory_space<vmem>>
        %dma_wait3A_477 = arith.constant 0 : i32
        %dma_wait3A_478 = arith.constant 0 : i32
        %dma_wait3A_479 = tpu.memref_slice %arg15[%dma_wait3A_477, %dma_wait3A_478] : memref<10240x32xf32, #tpu.memory_space<vmem_shared>> -> memref<10240x32xf32, #tpu.memory_space<vmem_shared>>
        tpu.wait_indirect_dma semaphore(%arg17 : memref<!tpu.dma_semaphore, #tpu.memory_space<semaphore_mem>>) src(%dma_wait3A_473 : memref<128x32xf32, #tpu.memory_space<vmem>>) dst(%dma_wait3A_479 : memref<10240x32xf32, #tpu.memory_space<vmem_shared>>)
        %dma_wait3A_480 = arith.constant 5 : i32
        %dma_wait3A_481 = arith.constant 128 : i32
        %dma_wait3A_482 = arith.constant 0 : i32
        %dma_wait3A_483 = tpu.memref_slice %arg13[%dma_wait3A_481, %dma_wait3A_482] : memref<512x32xf32, #tpu.memory_space<vmem>> -> memref<128x32xf32, #tpu.memory_space<vmem>>
        %dma_wait3A_484 = arith.constant 0 : i32
        %dma_wait3A_485 = tpu.memref_slice %arg10[%dma_wait3A_480, %dma_wait3A_484] : memref<8x128xi32, #tpu.memory_space<vmem>> -> memref<1x128xi32, #tpu.memory_space<vmem>>
        %dma_wait3A_486 = tpu.memref_squeeze %dma_wait3A_485 : memref<1x128xi32, #tpu.memory_space<vmem>> -> memref<128xi32, #tpu.memory_space<vmem>>
        %dma_wait3A_487 = arith.constant 0 : i32
        %dma_wait3A_488 = arith.constant 0 : i32
        %dma_wait3A_489 = tpu.memref_slice %arg16[%dma_wait3A_487, %dma_wait3A_488] : memref<10240x32xf32, #tpu.memory_space<vmem_shared>> -> memref<10240x32xf32, #tpu.memory_space<vmem_shared>>
        tpu.wait_indirect_dma semaphore(%arg17 : memref<!tpu.dma_semaphore, #tpu.memory_space<semaphore_mem>>) src(%dma_wait3A_483 : memref<128x32xf32, #tpu.memory_space<vmem>>) dst(%dma_wait3A_489 : memref<10240x32xf32, #tpu.memory_space<vmem_shared>>)
        %dma_wait3A_490 = arith.constant 6 : i32
        %dma_wait3A_491 = arith.constant 256 : i32
        %dma_wait3A_492 = arith.constant 0 : i32
        %dma_wait3A_493 = tpu.memref_slice %arg11[%dma_wait3A_491, %dma_wait3A_492] : memref<512x32xf32, #tpu.memory_space<vmem>> -> memref<128x32xf32, #tpu.memory_space<vmem>>
        %dma_wait3A_494 = arith.constant 0 : i32
        %dma_wait3A_495 = tpu.memref_slice %arg10[%dma_wait3A_490, %dma_wait3A_494] : memref<8x128xi32, #tpu.memory_space<vmem>> -> memref<1x128xi32, #tpu.memory_space<vmem>>
        %dma_wait3A_496 = tpu.memref_squeeze %dma_wait3A_495 : memref<1x128xi32, #tpu.memory_space<vmem>> -> memref<128xi32, #tpu.memory_space<vmem>>
        %dma_wait3A_497 = arith.constant 0 : i32
        %dma_wait3A_498 = arith.constant 0 : i32
        %dma_wait3A_499 = tpu.memref_slice %arg14[%dma_wait3A_497, %dma_wait3A_498] : memref<10240x32xf32, #tpu.memory_space<vmem_shared>> -> memref<10240x32xf32, #tpu.memory_space<vmem_shared>>
        tpu.wait_indirect_dma semaphore(%arg17 : memref<!tpu.dma_semaphore, #tpu.memory_space<semaphore_mem>>) src(%dma_wait3A_493 : memref<128x32xf32, #tpu.memory_space<vmem>>) dst(%dma_wait3A_499 : memref<10240x32xf32, #tpu.memory_space<vmem_shared>>)
        %dma_wait3A_500 = arith.constant 6 : i32
        %dma_wait3A_501 = arith.constant 256 : i32
        %dma_wait3A_502 = arith.constant 0 : i32
        %dma_wait3A_503 = tpu.memref_slice %arg12[%dma_wait3A_501, %dma_wait3A_502] : memref<512x32xf32, #tpu.memory_space<vmem>> -> memref<128x32xf32, #tpu.memory_space<vmem>>
        %dma_wait3A_504 = arith.constant 0 : i32
        %dma_wait3A_505 = tpu.memref_slice %arg10[%dma_wait3A_500, %dma_wait3A_504] : memref<8x128xi32, #tpu.memory_space<vmem>> -> memref<1x128xi32, #tpu.memory_space<vmem>>
        %dma_wait3A_506 = tpu.memref_squeeze %dma_wait3A_505 : memref<1x128xi32, #tpu.memory_space<vmem>> -> memref<128xi32, #tpu.memory_space<vmem>>
        %dma_wait3A_507 = arith.constant 0 : i32
        %dma_wait3A_508 = arith.constant 0 : i32
        %dma_wait3A_509 = tpu.memref_slice %arg15[%dma_wait3A_507, %dma_wait3A_508] : memref<10240x32xf32, #tpu.memory_space<vmem_shared>> -> memref<10240x32xf32, #tpu.memory_space<vmem_shared>>
        tpu.wait_indirect_dma semaphore(%arg17 : memref<!tpu.dma_semaphore, #tpu.memory_space<semaphore_mem>>) src(%dma_wait3A_503 : memref<128x32xf32, #tpu.memory_space<vmem>>) dst(%dma_wait3A_509 : memref<10240x32xf32, #tpu.memory_space<vmem_shared>>)
        %dma_wait3A_510 = arith.constant 6 : i32
        %dma_wait3A_511 = arith.constant 256 : i32
        %dma_wait3A_512 = arith.constant 0 : i32
        %dma_wait3A_513 = tpu.memref_slice %arg13[%dma_wait3A_511, %dma_wait3A_512] : memref<512x32xf32, #tpu.memory_space<vmem>> -> memref<128x32xf32, #tpu.memory_space<vmem>>
        %dma_wait3A_514 = arith.constant 0 : i32
        %dma_wait3A_515 = tpu.memref_slice %arg10[%dma_wait3A_510, %dma_wait3A_514] : memref<8x128xi32, #tpu.memory_space<vmem>> -> memref<1x128xi32, #tpu.memory_space<vmem>>
        %dma_wait3A_516 = tpu.memref_squeeze %dma_wait3A_515 : memref<1x128xi32, #tpu.memory_space<vmem>> -> memref<128xi32, #tpu.memory_space<vmem>>
        %dma_wait3A_517 = arith.constant 0 : i32
        %dma_wait3A_518 = arith.constant 0 : i32
        %dma_wait3A_519 = tpu.memref_slice %arg16[%dma_wait3A_517, %dma_wait3A_518] : memref<10240x32xf32, #tpu.memory_space<vmem_shared>> -> memref<10240x32xf32, #tpu.memory_space<vmem_shared>>
        tpu.wait_indirect_dma semaphore(%arg17 : memref<!tpu.dma_semaphore, #tpu.memory_space<semaphore_mem>>) src(%dma_wait3A_513 : memref<128x32xf32, #tpu.memory_space<vmem>>) dst(%dma_wait3A_519 : memref<10240x32xf32, #tpu.memory_space<vmem_shared>>)
        %dma_wait3A_520 = arith.constant 7 : i32
        %dma_wait3A_521 = arith.constant 384 : i32
        %dma_wait3A_522 = arith.constant 0 : i32
        %dma_wait3A_523 = tpu.memref_slice %arg11[%dma_wait3A_521, %dma_wait3A_522] : memref<512x32xf32, #tpu.memory_space<vmem>> -> memref<128x32xf32, #tpu.memory_space<vmem>>
        %dma_wait3A_524 = arith.constant 0 : i32
        %dma_wait3A_525 = tpu.memref_slice %arg10[%dma_wait3A_520, %dma_wait3A_524] : memref<8x128xi32, #tpu.memory_space<vmem>> -> memref<1x128xi32, #tpu.memory_space<vmem>>
        %dma_wait3A_526 = tpu.memref_squeeze %dma_wait3A_525 : memref<1x128xi32, #tpu.memory_space<vmem>> -> memref<128xi32, #tpu.memory_space<vmem>>
        %dma_wait3A_527 = arith.constant 0 : i32
        %dma_wait3A_528 = arith.constant 0 : i32
        %dma_wait3A_529 = tpu.memref_slice %arg14[%dma_wait3A_527, %dma_wait3A_528] : memref<10240x32xf32, #tpu.memory_space<vmem_shared>> -> memref<10240x32xf32, #tpu.memory_space<vmem_shared>>
        tpu.wait_indirect_dma semaphore(%arg17 : memref<!tpu.dma_semaphore, #tpu.memory_space<semaphore_mem>>) src(%dma_wait3A_523 : memref<128x32xf32, #tpu.memory_space<vmem>>) dst(%dma_wait3A_529 : memref<10240x32xf32, #tpu.memory_space<vmem_shared>>)
        %dma_wait3A_530 = arith.constant 7 : i32
        %dma_wait3A_531 = arith.constant 384 : i32
        %dma_wait3A_532 = arith.constant 0 : i32
        %dma_wait3A_533 = tpu.memref_slice %arg12[%dma_wait3A_531, %dma_wait3A_532] : memref<512x32xf32, #tpu.memory_space<vmem>> -> memref<128x32xf32, #tpu.memory_space<vmem>>
        %dma_wait3A_534 = arith.constant 0 : i32
        %dma_wait3A_535 = tpu.memref_slice %arg10[%dma_wait3A_530, %dma_wait3A_534] : memref<8x128xi32, #tpu.memory_space<vmem>> -> memref<1x128xi32, #tpu.memory_space<vmem>>
        %dma_wait3A_536 = tpu.memref_squeeze %dma_wait3A_535 : memref<1x128xi32, #tpu.memory_space<vmem>> -> memref<128xi32, #tpu.memory_space<vmem>>
        %dma_wait3A_537 = arith.constant 0 : i32
        %dma_wait3A_538 = arith.constant 0 : i32
        %dma_wait3A_539 = tpu.memref_slice %arg15[%dma_wait3A_537, %dma_wait3A_538] : memref<10240x32xf32, #tpu.memory_space<vmem_shared>> -> memref<10240x32xf32, #tpu.memory_space<vmem_shared>>
        tpu.wait_indirect_dma semaphore(%arg17 : memref<!tpu.dma_semaphore, #tpu.memory_space<semaphore_mem>>) src(%dma_wait3A_533 : memref<128x32xf32, #tpu.memory_space<vmem>>) dst(%dma_wait3A_539 : memref<10240x32xf32, #tpu.memory_space<vmem_shared>>)
        %dma_wait3A_540 = arith.constant 7 : i32
        %dma_wait3A_541 = arith.constant 384 : i32
        %dma_wait3A_542 = arith.constant 0 : i32
        %dma_wait3A_543 = tpu.memref_slice %arg13[%dma_wait3A_541, %dma_wait3A_542] : memref<512x32xf32, #tpu.memory_space<vmem>> -> memref<128x32xf32, #tpu.memory_space<vmem>>
        %dma_wait3A_544 = arith.constant 0 : i32
        %dma_wait3A_545 = tpu.memref_slice %arg10[%dma_wait3A_540, %dma_wait3A_544] : memref<8x128xi32, #tpu.memory_space<vmem>> -> memref<1x128xi32, #tpu.memory_space<vmem>>
        %dma_wait3A_546 = tpu.memref_squeeze %dma_wait3A_545 : memref<1x128xi32, #tpu.memory_space<vmem>> -> memref<128xi32, #tpu.memory_space<vmem>>
        %dma_wait3A_547 = arith.constant 0 : i32
        %dma_wait3A_548 = arith.constant 0 : i32
        %dma_wait3A_549 = tpu.memref_slice %arg16[%dma_wait3A_547, %dma_wait3A_548] : memref<10240x32xf32, #tpu.memory_space<vmem_shared>> -> memref<10240x32xf32, #tpu.memory_space<vmem_shared>>
        tpu.wait_indirect_dma semaphore(%arg17 : memref<!tpu.dma_semaphore, #tpu.memory_space<semaphore_mem>>) src(%dma_wait3A_543 : memref<128x32xf32, #tpu.memory_space<vmem>>) dst(%dma_wait3A_549 : memref<10240x32xf32, #tpu.memory_space<vmem_shared>>)
      } else {
      }
    }
    %scan3A_6 = arith.constant 20 : i32
    %barrier3A_7 = arith.constant 0 : index
    tpu.barrier barrier_id(%barrier3A_7)
    %mul3A_8 = arith.constant 640 : i32
    %mul3A_9 = arith.muli %arg1, %mul3A_8 : i32
    "tpu.region"() ({
      %run_scoped3A = tpu.sem_alloc : memref<!tpu.dma_semaphore, #tpu.memory_space<semaphore_mem>>
      %dma_start3A = arith.constant 0 : i32
      %dma_start3A_10 = tpu.memref_slice %arg7[%arg0, %mul3A_9, %dma_start3A] : memref<2x10240x32xf32, #tpu.memory_space<hbm>> -> memref<1x640x32xf32, #tpu.memory_space<hbm>>
      %dma_start3A_11 = tpu.memref_squeeze %dma_start3A_10 : memref<1x640x32xf32, #tpu.memory_space<hbm>> -> memref<640x32xf32, #tpu.memory_space<hbm>>
      %dma_start3A_12 = arith.constant 0 : i32
      %dma_start3A_13 = tpu.memref_slice %arg14[%mul3A_9, %dma_start3A_12] : memref<10240x32xf32, #tpu.memory_space<vmem_shared>> -> memref<640x32xf32, #tpu.memory_space<vmem_shared>>
      tpu.enqueue_dma source(%dma_start3A_13 : memref<640x32xf32, #tpu.memory_space<vmem_shared>>) target(%dma_start3A_11 : memref<640x32xf32, #tpu.memory_space<hbm>>) target_semaphore(%run_scoped3A : memref<!tpu.dma_semaphore, #tpu.memory_space<semaphore_mem>>)
      %dma_wait3A = arith.constant 0 : i32
      %dma_wait3A_14 = tpu.memref_slice %arg7[%arg0, %mul3A_9, %dma_wait3A] : memref<2x10240x32xf32, #tpu.memory_space<hbm>> -> memref<1x640x32xf32, #tpu.memory_space<hbm>>
      %dma_wait3A_15 = tpu.memref_squeeze %dma_wait3A_14 : memref<1x640x32xf32, #tpu.memory_space<hbm>> -> memref<640x32xf32, #tpu.memory_space<hbm>>
      %dma_wait3A_16 = arith.constant 0 : i32
      %dma_wait3A_17 = tpu.memref_slice %arg14[%mul3A_9, %dma_wait3A_16] : memref<10240x32xf32, #tpu.memory_space<vmem_shared>> -> memref<640x32xf32, #tpu.memory_space<vmem_shared>>
      tpu.wait_dma2 semaphore(%run_scoped3A : memref<!tpu.dma_semaphore, #tpu.memory_space<semaphore_mem>>) src(%dma_wait3A_17 : memref<640x32xf32, #tpu.memory_space<vmem_shared>>) dst(%dma_wait3A_15 : memref<640x32xf32, #tpu.memory_space<hbm>>)
      tpu.yield
    }) : () -> ()
    "tpu.region"() ({
      %run_scoped3A = tpu.sem_alloc : memref<!tpu.dma_semaphore, #tpu.memory_space<semaphore_mem>>
      %dma_start3A = arith.constant 0 : i32
      %dma_start3A_10 = tpu.memref_slice %arg8[%arg0, %mul3A_9, %dma_start3A] : memref<2x10240x32xf32, #tpu.memory_space<hbm>> -> memref<1x640x32xf32, #tpu.memory_space<hbm>>
      %dma_start3A_11 = tpu.memref_squeeze %dma_start3A_10 : memref<1x640x32xf32, #tpu.memory_space<hbm>> -> memref<640x32xf32, #tpu.memory_space<hbm>>
      %dma_start3A_12 = arith.constant 0 : i32
      %dma_start3A_13 = tpu.memref_slice %arg15[%mul3A_9, %dma_start3A_12] : memref<10240x32xf32, #tpu.memory_space<vmem_shared>> -> memref<640x32xf32, #tpu.memory_space<vmem_shared>>
      tpu.enqueue_dma source(%dma_start3A_13 : memref<640x32xf32, #tpu.memory_space<vmem_shared>>) target(%dma_start3A_11 : memref<640x32xf32, #tpu.memory_space<hbm>>) target_semaphore(%run_scoped3A : memref<!tpu.dma_semaphore, #tpu.memory_space<semaphore_mem>>)
      %dma_wait3A = arith.constant 0 : i32
      %dma_wait3A_14 = tpu.memref_slice %arg8[%arg0, %mul3A_9, %dma_wait3A] : memref<2x10240x32xf32, #tpu.memory_space<hbm>> -> memref<1x640x32xf32, #tpu.memory_space<hbm>>
      %dma_wait3A_15 = tpu.memref_squeeze %dma_wait3A_14 : memref<1x640x32xf32, #tpu.memory_space<hbm>> -> memref<640x32xf32, #tpu.memory_space<hbm>>
      %dma_wait3A_16 = arith.constant 0 : i32
      %dma_wait3A_17 = tpu.memref_slice %arg15[%mul3A_9, %dma_wait3A_16] : memref<10240x32xf32, #tpu.memory_space<vmem_shared>> -> memref<640x32xf32, #tpu.memory_space<vmem_shared>>
      tpu.wait_dma2 semaphore(%run_scoped3A : memref<!tpu.dma_semaphore, #tpu.memory_space<semaphore_mem>>) src(%dma_wait3A_17 : memref<640x32xf32, #tpu.memory_space<vmem_shared>>) dst(%dma_wait3A_15 : memref<640x32xf32, #tpu.memory_space<hbm>>)
      tpu.yield
    }) : () -> ()
    "tpu.region"() ({
      %run_scoped3A = tpu.sem_alloc : memref<!tpu.dma_semaphore, #tpu.memory_space<semaphore_mem>>
      %dma_start3A = arith.constant 0 : i32
      %dma_start3A_10 = tpu.memref_slice %arg9[%arg0, %mul3A_9, %dma_start3A] : memref<2x10240x32xf32, #tpu.memory_space<hbm>> -> memref<1x640x32xf32, #tpu.memory_space<hbm>>
      %dma_start3A_11 = tpu.memref_squeeze %dma_start3A_10 : memref<1x640x32xf32, #tpu.memory_space<hbm>> -> memref<640x32xf32, #tpu.memory_space<hbm>>
      %dma_start3A_12 = arith.constant 0 : i32
      %dma_start3A_13 = tpu.memref_slice %arg16[%mul3A_9, %dma_start3A_12] : memref<10240x32xf32, #tpu.memory_space<vmem_shared>> -> memref<640x32xf32, #tpu.memory_space<vmem_shared>>
      tpu.enqueue_dma source(%dma_start3A_13 : memref<640x32xf32, #tpu.memory_space<vmem_shared>>) target(%dma_start3A_11 : memref<640x32xf32, #tpu.memory_space<hbm>>) target_semaphore(%run_scoped3A : memref<!tpu.dma_semaphore, #tpu.memory_space<semaphore_mem>>)
      %dma_wait3A = arith.constant 0 : i32
      %dma_wait3A_14 = tpu.memref_slice %arg9[%arg0, %mul3A_9, %dma_wait3A] : memref<2x10240x32xf32, #tpu.memory_space<hbm>> -> memref<1x640x32xf32, #tpu.memory_space<hbm>>
      %dma_wait3A_15 = tpu.memref_squeeze %dma_wait3A_14 : memref<1x640x32xf32, #tpu.memory_space<hbm>> -> memref<640x32xf32, #tpu.memory_space<hbm>>
      %dma_wait3A_16 = arith.constant 0 : i32
      %dma_wait3A_17 = tpu.memref_slice %arg16[%mul3A_9, %dma_wait3A_16] : memref<10240x32xf32, #tpu.memory_space<vmem_shared>> -> memref<640x32xf32, #tpu.memory_space<vmem_shared>>
      tpu.wait_dma2 semaphore(%run_scoped3A : memref<!tpu.dma_semaphore, #tpu.memory_space<semaphore_mem>>) src(%dma_wait3A_17 : memref<640x32xf32, #tpu.memory_space<vmem_shared>>) dst(%dma_wait3A_15 : memref<640x32xf32, #tpu.memory_space<hbm>>)
      tpu.yield
    }) : () -> ()
    return
  }
}

#map = affine_map<(d0, d1) -> (0, 0, 0)>
#map1 = affine_map<(d0, d1) -> (0, 0)>
module attributes {stable_mosaic.version = 14 : i64} {
  func.func @_sc_gather_body(%arg0: i32, %arg1: i32, %arg2: memref<625x8x128xi32, #tpu.memory_space<hbm>>, %arg3: memref<625x8x128xi32, #tpu.memory_space<hbm>>, %arg4: memref<10000x32xf32, #tpu.memory_space<hbm>>, %arg5: memref<10000x32xf32, #tpu.memory_space<hbm>>, %arg6: memref<640000x32xf32, #tpu.memory_space<hbm>>, %arg7: memref<640000x32xf32, #tpu.memory_space<hbm>>, %arg8: memref<8x128xi32, #tpu.memory_space<vmem>>, %arg9: memref<8x128xi32, #tpu.memory_space<vmem>>, %arg10: memref<1024x32xf32, #tpu.memory_space<vmem>>, %arg11: memref<1024x32xf32, #tpu.memory_space<vmem>>, %arg12: memref<!tpu.dma_semaphore, #tpu.memory_space<semaphore_mem>>) attributes {dimension_semantics = [#tpu.dimension_semantics<core_parallel>, #tpu.dimension_semantics<subcore_parallel>], iteration_bounds = array<i64: 2, 16>, scalar_prefetch = 0 : i64, scratch_operands = 5 : i64, tpu.core_type = #tpu.core_type<sc_vector_subcore>, window_params = [{transform_indices = #map}, {transform_indices = #map}, {transform_indices = #map1}, {transform_indices = #map1}, {transform_indices = #map1}, {transform_indices = #map1}]} {
    %mul3A = arith.constant 2 : i32
    %mul3A_0 = arith.muli %arg1, %mul3A : i32
    %add3A = arith.addi %mul3A_0, %arg0 : i32
    %scan3A = arith.constant 0 : i32
    %scan3A_1 = arith.constant 20 : i32
    %scan3A_2 = arith.addi %scan3A, %scan3A_1 : i32
    %scan3A_3 = arith.constant 1 : i32
    scf.for %scan3A_5 = %scan3A to %scan3A_2 step %scan3A_3  : i32 {
      %mul3A_6 = arith.constant 32 : i32
      %mul3A_7 = arith.muli %scan3A_5, %mul3A_6 : i32
      %add3A_8 = arith.addi %add3A, %mul3A_7 : i32
      %lt3A = arith.constant 625 : i32
      %lt3A_9 = arith.cmpi slt, %add3A_8, %lt3A : i32
      %convert_element_type3A = arith.extui %lt3A_9 : i1 to i32
      %cond3A = arith.constant 0 : i32
      %cond3A_10 = arith.cmpi ne, %convert_element_type3A, %cond3A : i32
      scf.if %cond3A_10 {
        %mul3A_11 = arith.constant 1024 : i32
        %mul3A_12 = arith.muli %add3A_8, %mul3A_11 : i32
        %dma_start3A = arith.constant 0 : i32
        %dma_start3A_13 = arith.constant 0 : i32
        %dma_start3A_14 = tpu.memref_slice %arg2[%add3A_8, %dma_start3A, %dma_start3A_13] : memref<625x8x128xi32, #tpu.memory_space<hbm>> -> memref<1x8x128xi32, #tpu.memory_space<hbm>>
        %dma_start3A_15 = tpu.memref_squeeze %dma_start3A_14 : memref<1x8x128xi32, #tpu.memory_space<hbm>> -> memref<8x128xi32, #tpu.memory_space<hbm>>
        %dma_start3A_16 = arith.constant 0 : i32
        %dma_start3A_17 = arith.constant 0 : i32
        %dma_start3A_18 = tpu.memref_slice %arg2[%add3A_8, %dma_start3A_16, %dma_start3A_17] : memref<625x8x128xi32, #tpu.memory_space<hbm>> -> memref<1x8x128xi32, #tpu.memory_space<hbm>>
        %dma_start3A_19 = tpu.memref_squeeze %dma_start3A_18 : memref<1x8x128xi32, #tpu.memory_space<hbm>> -> memref<8x128xi32, #tpu.memory_space<hbm>>
        tpu.enqueue_dma source(%dma_start3A_19 : memref<8x128xi32, #tpu.memory_space<hbm>>) target(%arg8 : memref<8x128xi32, #tpu.memory_space<vmem>>) target_semaphore(%arg12 : memref<!tpu.dma_semaphore, #tpu.memory_space<semaphore_mem>>)
        %dma_start3A_20 = arith.constant 0 : i32
        %dma_start3A_21 = arith.constant 0 : i32
        %dma_start3A_22 = tpu.memref_slice %arg3[%add3A_8, %dma_start3A_20, %dma_start3A_21] : memref<625x8x128xi32, #tpu.memory_space<hbm>> -> memref<1x8x128xi32, #tpu.memory_space<hbm>>
        %dma_start3A_23 = tpu.memref_squeeze %dma_start3A_22 : memref<1x8x128xi32, #tpu.memory_space<hbm>> -> memref<8x128xi32, #tpu.memory_space<hbm>>
        %dma_start3A_24 = arith.constant 0 : i32
        %dma_start3A_25 = arith.constant 0 : i32
        %dma_start3A_26 = tpu.memref_slice %arg3[%add3A_8, %dma_start3A_24, %dma_start3A_25] : memref<625x8x128xi32, #tpu.memory_space<hbm>> -> memref<1x8x128xi32, #tpu.memory_space<hbm>>
        %dma_start3A_27 = tpu.memref_squeeze %dma_start3A_26 : memref<1x8x128xi32, #tpu.memory_space<hbm>> -> memref<8x128xi32, #tpu.memory_space<hbm>>
        tpu.enqueue_dma source(%dma_start3A_27 : memref<8x128xi32, #tpu.memory_space<hbm>>) target(%arg9 : memref<8x128xi32, #tpu.memory_space<vmem>>) target_semaphore(%arg12 : memref<!tpu.dma_semaphore, #tpu.memory_space<semaphore_mem>>)
        %dma_wait3A = arith.constant 0 : i32
        %dma_wait3A_28 = arith.constant 0 : i32
        %dma_wait3A_29 = tpu.memref_slice %arg2[%add3A_8, %dma_wait3A, %dma_wait3A_28] : memref<625x8x128xi32, #tpu.memory_space<hbm>> -> memref<1x8x128xi32, #tpu.memory_space<hbm>>
        %dma_wait3A_30 = tpu.memref_squeeze %dma_wait3A_29 : memref<1x8x128xi32, #tpu.memory_space<hbm>> -> memref<8x128xi32, #tpu.memory_space<hbm>>
        %dma_wait3A_31 = arith.constant 0 : i32
        %dma_wait3A_32 = arith.constant 0 : i32
        %dma_wait3A_33 = tpu.memref_slice %arg2[%add3A_8, %dma_wait3A_31, %dma_wait3A_32] : memref<625x8x128xi32, #tpu.memory_space<hbm>> -> memref<1x8x128xi32, #tpu.memory_space<hbm>>
        %dma_wait3A_34 = tpu.memref_squeeze %dma_wait3A_33 : memref<1x8x128xi32, #tpu.memory_space<hbm>> -> memref<8x128xi32, #tpu.memory_space<hbm>>
        tpu.wait_dma2 semaphore(%arg12 : memref<!tpu.dma_semaphore, #tpu.memory_space<semaphore_mem>>) src(%dma_wait3A_34 : memref<8x128xi32, #tpu.memory_space<hbm>>) dst(%arg8 : memref<8x128xi32, #tpu.memory_space<vmem>>)
        %dma_wait3A_35 = arith.constant 0 : i32
        %dma_wait3A_36 = arith.constant 0 : i32
        %dma_wait3A_37 = tpu.memref_slice %arg3[%add3A_8, %dma_wait3A_35, %dma_wait3A_36] : memref<625x8x128xi32, #tpu.memory_space<hbm>> -> memref<1x8x128xi32, #tpu.memory_space<hbm>>
        %dma_wait3A_38 = tpu.memref_squeeze %dma_wait3A_37 : memref<1x8x128xi32, #tpu.memory_space<hbm>> -> memref<8x128xi32, #tpu.memory_space<hbm>>
        %dma_wait3A_39 = arith.constant 0 : i32
        %dma_wait3A_40 = arith.constant 0 : i32
        %dma_wait3A_41 = tpu.memref_slice %arg3[%add3A_8, %dma_wait3A_39, %dma_wait3A_40] : memref<625x8x128xi32, #tpu.memory_space<hbm>> -> memref<1x8x128xi32, #tpu.memory_space<hbm>>
        %dma_wait3A_42 = tpu.memref_squeeze %dma_wait3A_41 : memref<1x8x128xi32, #tpu.memory_space<hbm>> -> memref<8x128xi32, #tpu.memory_space<hbm>>
        tpu.wait_dma2 semaphore(%arg12 : memref<!tpu.dma_semaphore, #tpu.memory_space<semaphore_mem>>) src(%dma_wait3A_42 : memref<8x128xi32, #tpu.memory_space<hbm>>) dst(%arg9 : memref<8x128xi32, #tpu.memory_space<vmem>>)
        %dma_start3A_43 = arith.constant 0 : i32
        %dma_start3A_44 = arith.constant 0 : i32
        %dma_start3A_45 = arith.constant 0 : i32
        %dma_start3A_46 = tpu.memref_slice %arg10[%dma_start3A_44, %dma_start3A_45] : memref<1024x32xf32, #tpu.memory_space<vmem>> -> memref<128x32xf32, #tpu.memory_space<vmem>>
        %dma_start3A_47 = arith.constant 0 : i32
        %dma_start3A_48 = tpu.memref_slice %arg8[%dma_start3A_43, %dma_start3A_47] : memref<8x128xi32, #tpu.memory_space<vmem>> -> memref<1x128xi32, #tpu.memory_space<vmem>>
        %dma_start3A_49 = tpu.memref_squeeze %dma_start3A_48 : memref<1x128xi32, #tpu.memory_space<vmem>> -> memref<128xi32, #tpu.memory_space<vmem>>
        %dma_start3A_50 = arith.constant 0 : i32
        %dma_start3A_51 = arith.constant 0 : i32
        %dma_start3A_52 = tpu.memref_slice %arg4[%dma_start3A_50, %dma_start3A_51] : memref<10000x32xf32, #tpu.memory_space<hbm>> -> memref<10000x32xf32, #tpu.memory_space<hbm>>
        tpu.enqueue_indirect_dma source(%dma_start3A_52 : memref<10000x32xf32, #tpu.memory_space<hbm>>) target(%dma_start3A_46 : memref<128x32xf32, #tpu.memory_space<vmem>>) offsets(%dma_start3A_49 : memref<128xi32, #tpu.memory_space<vmem>>) semaphore(%arg12 : memref<!tpu.dma_semaphore, #tpu.memory_space<semaphore_mem>>)
        %dma_start3A_53 = arith.constant 0 : i32
        %dma_start3A_54 = arith.constant 0 : i32
        %dma_start3A_55 = arith.constant 0 : i32
        %dma_start3A_56 = tpu.memref_slice %arg11[%dma_start3A_54, %dma_start3A_55] : memref<1024x32xf32, #tpu.memory_space<vmem>> -> memref<128x32xf32, #tpu.memory_space<vmem>>
        %dma_start3A_57 = arith.constant 0 : i32
        %dma_start3A_58 = tpu.memref_slice %arg9[%dma_start3A_53, %dma_start3A_57] : memref<8x128xi32, #tpu.memory_space<vmem>> -> memref<1x128xi32, #tpu.memory_space<vmem>>
        %dma_start3A_59 = tpu.memref_squeeze %dma_start3A_58 : memref<1x128xi32, #tpu.memory_space<vmem>> -> memref<128xi32, #tpu.memory_space<vmem>>
        %dma_start3A_60 = arith.constant 0 : i32
        %dma_start3A_61 = arith.constant 0 : i32
        %dma_start3A_62 = tpu.memref_slice %arg5[%dma_start3A_60, %dma_start3A_61] : memref<10000x32xf32, #tpu.memory_space<hbm>> -> memref<10000x32xf32, #tpu.memory_space<hbm>>
        tpu.enqueue_indirect_dma source(%dma_start3A_62 : memref<10000x32xf32, #tpu.memory_space<hbm>>) target(%dma_start3A_56 : memref<128x32xf32, #tpu.memory_space<vmem>>) offsets(%dma_start3A_59 : memref<128xi32, #tpu.memory_space<vmem>>) semaphore(%arg12 : memref<!tpu.dma_semaphore, #tpu.memory_space<semaphore_mem>>)
        %dma_start3A_63 = arith.constant 1 : i32
        %dma_start3A_64 = arith.constant 128 : i32
        %dma_start3A_65 = arith.constant 0 : i32
        %dma_start3A_66 = tpu.memref_slice %arg10[%dma_start3A_64, %dma_start3A_65] : memref<1024x32xf32, #tpu.memory_space<vmem>> -> memref<128x32xf32, #tpu.memory_space<vmem>>
        %dma_start3A_67 = arith.constant 0 : i32
        %dma_start3A_68 = tpu.memref_slice %arg8[%dma_start3A_63, %dma_start3A_67] : memref<8x128xi32, #tpu.memory_space<vmem>> -> memref<1x128xi32, #tpu.memory_space<vmem>>
        %dma_start3A_69 = tpu.memref_squeeze %dma_start3A_68 : memref<1x128xi32, #tpu.memory_space<vmem>> -> memref<128xi32, #tpu.memory_space<vmem>>
        %dma_start3A_70 = arith.constant 0 : i32
        %dma_start3A_71 = arith.constant 0 : i32
        %dma_start3A_72 = tpu.memref_slice %arg4[%dma_start3A_70, %dma_start3A_71] : memref<10000x32xf32, #tpu.memory_space<hbm>> -> memref<10000x32xf32, #tpu.memory_space<hbm>>
        tpu.enqueue_indirect_dma source(%dma_start3A_72 : memref<10000x32xf32, #tpu.memory_space<hbm>>) target(%dma_start3A_66 : memref<128x32xf32, #tpu.memory_space<vmem>>) offsets(%dma_start3A_69 : memref<128xi32, #tpu.memory_space<vmem>>) semaphore(%arg12 : memref<!tpu.dma_semaphore, #tpu.memory_space<semaphore_mem>>)
        %dma_start3A_73 = arith.constant 1 : i32
        %dma_start3A_74 = arith.constant 128 : i32
        %dma_start3A_75 = arith.constant 0 : i32
        %dma_start3A_76 = tpu.memref_slice %arg11[%dma_start3A_74, %dma_start3A_75] : memref<1024x32xf32, #tpu.memory_space<vmem>> -> memref<128x32xf32, #tpu.memory_space<vmem>>
        %dma_start3A_77 = arith.constant 0 : i32
        %dma_start3A_78 = tpu.memref_slice %arg9[%dma_start3A_73, %dma_start3A_77] : memref<8x128xi32, #tpu.memory_space<vmem>> -> memref<1x128xi32, #tpu.memory_space<vmem>>
        %dma_start3A_79 = tpu.memref_squeeze %dma_start3A_78 : memref<1x128xi32, #tpu.memory_space<vmem>> -> memref<128xi32, #tpu.memory_space<vmem>>
        %dma_start3A_80 = arith.constant 0 : i32
        %dma_start3A_81 = arith.constant 0 : i32
        %dma_start3A_82 = tpu.memref_slice %arg5[%dma_start3A_80, %dma_start3A_81] : memref<10000x32xf32, #tpu.memory_space<hbm>> -> memref<10000x32xf32, #tpu.memory_space<hbm>>
        tpu.enqueue_indirect_dma source(%dma_start3A_82 : memref<10000x32xf32, #tpu.memory_space<hbm>>) target(%dma_start3A_76 : memref<128x32xf32, #tpu.memory_space<vmem>>) offsets(%dma_start3A_79 : memref<128xi32, #tpu.memory_space<vmem>>) semaphore(%arg12 : memref<!tpu.dma_semaphore, #tpu.memory_space<semaphore_mem>>)
        %dma_start3A_83 = arith.constant 2 : i32
        %dma_start3A_84 = arith.constant 256 : i32
        %dma_start3A_85 = arith.constant 0 : i32
        %dma_start3A_86 = tpu.memref_slice %arg10[%dma_start3A_84, %dma_start3A_85] : memref<1024x32xf32, #tpu.memory_space<vmem>> -> memref<128x32xf32, #tpu.memory_space<vmem>>
        %dma_start3A_87 = arith.constant 0 : i32
        %dma_start3A_88 = tpu.memref_slice %arg8[%dma_start3A_83, %dma_start3A_87] : memref<8x128xi32, #tpu.memory_space<vmem>> -> memref<1x128xi32, #tpu.memory_space<vmem>>
        %dma_start3A_89 = tpu.memref_squeeze %dma_start3A_88 : memref<1x128xi32, #tpu.memory_space<vmem>> -> memref<128xi32, #tpu.memory_space<vmem>>
        %dma_start3A_90 = arith.constant 0 : i32
        %dma_start3A_91 = arith.constant 0 : i32
        %dma_start3A_92 = tpu.memref_slice %arg4[%dma_start3A_90, %dma_start3A_91] : memref<10000x32xf32, #tpu.memory_space<hbm>> -> memref<10000x32xf32, #tpu.memory_space<hbm>>
        tpu.enqueue_indirect_dma source(%dma_start3A_92 : memref<10000x32xf32, #tpu.memory_space<hbm>>) target(%dma_start3A_86 : memref<128x32xf32, #tpu.memory_space<vmem>>) offsets(%dma_start3A_89 : memref<128xi32, #tpu.memory_space<vmem>>) semaphore(%arg12 : memref<!tpu.dma_semaphore, #tpu.memory_space<semaphore_mem>>)
        %dma_start3A_93 = arith.constant 2 : i32
        %dma_start3A_94 = arith.constant 256 : i32
        %dma_start3A_95 = arith.constant 0 : i32
        %dma_start3A_96 = tpu.memref_slice %arg11[%dma_start3A_94, %dma_start3A_95] : memref<1024x32xf32, #tpu.memory_space<vmem>> -> memref<128x32xf32, #tpu.memory_space<vmem>>
        %dma_start3A_97 = arith.constant 0 : i32
        %dma_start3A_98 = tpu.memref_slice %arg9[%dma_start3A_93, %dma_start3A_97] : memref<8x128xi32, #tpu.memory_space<vmem>> -> memref<1x128xi32, #tpu.memory_space<vmem>>
        %dma_start3A_99 = tpu.memref_squeeze %dma_start3A_98 : memref<1x128xi32, #tpu.memory_space<vmem>> -> memref<128xi32, #tpu.memory_space<vmem>>
        %dma_start3A_100 = arith.constant 0 : i32
        %dma_start3A_101 = arith.constant 0 : i32
        %dma_start3A_102 = tpu.memref_slice %arg5[%dma_start3A_100, %dma_start3A_101] : memref<10000x32xf32, #tpu.memory_space<hbm>> -> memref<10000x32xf32, #tpu.memory_space<hbm>>
        tpu.enqueue_indirect_dma source(%dma_start3A_102 : memref<10000x32xf32, #tpu.memory_space<hbm>>) target(%dma_start3A_96 : memref<128x32xf32, #tpu.memory_space<vmem>>) offsets(%dma_start3A_99 : memref<128xi32, #tpu.memory_space<vmem>>) semaphore(%arg12 : memref<!tpu.dma_semaphore, #tpu.memory_space<semaphore_mem>>)
        %dma_start3A_103 = arith.constant 3 : i32
        %dma_start3A_104 = arith.constant 384 : i32
        %dma_start3A_105 = arith.constant 0 : i32
        %dma_start3A_106 = tpu.memref_slice %arg10[%dma_start3A_104, %dma_start3A_105] : memref<1024x32xf32, #tpu.memory_space<vmem>> -> memref<128x32xf32, #tpu.memory_space<vmem>>
        %dma_start3A_107 = arith.constant 0 : i32
        %dma_start3A_108 = tpu.memref_slice %arg8[%dma_start3A_103, %dma_start3A_107] : memref<8x128xi32, #tpu.memory_space<vmem>> -> memref<1x128xi32, #tpu.memory_space<vmem>>
        %dma_start3A_109 = tpu.memref_squeeze %dma_start3A_108 : memref<1x128xi32, #tpu.memory_space<vmem>> -> memref<128xi32, #tpu.memory_space<vmem>>
        %dma_start3A_110 = arith.constant 0 : i32
        %dma_start3A_111 = arith.constant 0 : i32
        %dma_start3A_112 = tpu.memref_slice %arg4[%dma_start3A_110, %dma_start3A_111] : memref<10000x32xf32, #tpu.memory_space<hbm>> -> memref<10000x32xf32, #tpu.memory_space<hbm>>
        tpu.enqueue_indirect_dma source(%dma_start3A_112 : memref<10000x32xf32, #tpu.memory_space<hbm>>) target(%dma_start3A_106 : memref<128x32xf32, #tpu.memory_space<vmem>>) offsets(%dma_start3A_109 : memref<128xi32, #tpu.memory_space<vmem>>) semaphore(%arg12 : memref<!tpu.dma_semaphore, #tpu.memory_space<semaphore_mem>>)
        %dma_start3A_113 = arith.constant 3 : i32
        %dma_start3A_114 = arith.constant 384 : i32
        %dma_start3A_115 = arith.constant 0 : i32
        %dma_start3A_116 = tpu.memref_slice %arg11[%dma_start3A_114, %dma_start3A_115] : memref<1024x32xf32, #tpu.memory_space<vmem>> -> memref<128x32xf32, #tpu.memory_space<vmem>>
        %dma_start3A_117 = arith.constant 0 : i32
        %dma_start3A_118 = tpu.memref_slice %arg9[%dma_start3A_113, %dma_start3A_117] : memref<8x128xi32, #tpu.memory_space<vmem>> -> memref<1x128xi32, #tpu.memory_space<vmem>>
        %dma_start3A_119 = tpu.memref_squeeze %dma_start3A_118 : memref<1x128xi32, #tpu.memory_space<vmem>> -> memref<128xi32, #tpu.memory_space<vmem>>
        %dma_start3A_120 = arith.constant 0 : i32
        %dma_start3A_121 = arith.constant 0 : i32
        %dma_start3A_122 = tpu.memref_slice %arg5[%dma_start3A_120, %dma_start3A_121] : memref<10000x32xf32, #tpu.memory_space<hbm>> -> memref<10000x32xf32, #tpu.memory_space<hbm>>
        tpu.enqueue_indirect_dma source(%dma_start3A_122 : memref<10000x32xf32, #tpu.memory_space<hbm>>) target(%dma_start3A_116 : memref<128x32xf32, #tpu.memory_space<vmem>>) offsets(%dma_start3A_119 : memref<128xi32, #tpu.memory_space<vmem>>) semaphore(%arg12 : memref<!tpu.dma_semaphore, #tpu.memory_space<semaphore_mem>>)
        %dma_start3A_123 = arith.constant 4 : i32
        %dma_start3A_124 = arith.constant 512 : i32
        %dma_start3A_125 = arith.constant 0 : i32
        %dma_start3A_126 = tpu.memref_slice %arg10[%dma_start3A_124, %dma_start3A_125] : memref<1024x32xf32, #tpu.memory_space<vmem>> -> memref<128x32xf32, #tpu.memory_space<vmem>>
        %dma_start3A_127 = arith.constant 0 : i32
        %dma_start3A_128 = tpu.memref_slice %arg8[%dma_start3A_123, %dma_start3A_127] : memref<8x128xi32, #tpu.memory_space<vmem>> -> memref<1x128xi32, #tpu.memory_space<vmem>>
        %dma_start3A_129 = tpu.memref_squeeze %dma_start3A_128 : memref<1x128xi32, #tpu.memory_space<vmem>> -> memref<128xi32, #tpu.memory_space<vmem>>
        %dma_start3A_130 = arith.constant 0 : i32
        %dma_start3A_131 = arith.constant 0 : i32
        %dma_start3A_132 = tpu.memref_slice %arg4[%dma_start3A_130, %dma_start3A_131] : memref<10000x32xf32, #tpu.memory_space<hbm>> -> memref<10000x32xf32, #tpu.memory_space<hbm>>
        tpu.enqueue_indirect_dma source(%dma_start3A_132 : memref<10000x32xf32, #tpu.memory_space<hbm>>) target(%dma_start3A_126 : memref<128x32xf32, #tpu.memory_space<vmem>>) offsets(%dma_start3A_129 : memref<128xi32, #tpu.memory_space<vmem>>) semaphore(%arg12 : memref<!tpu.dma_semaphore, #tpu.memory_space<semaphore_mem>>)
        %dma_start3A_133 = arith.constant 4 : i32
        %dma_start3A_134 = arith.constant 512 : i32
        %dma_start3A_135 = arith.constant 0 : i32
        %dma_start3A_136 = tpu.memref_slice %arg11[%dma_start3A_134, %dma_start3A_135] : memref<1024x32xf32, #tpu.memory_space<vmem>> -> memref<128x32xf32, #tpu.memory_space<vmem>>
        %dma_start3A_137 = arith.constant 0 : i32
        %dma_start3A_138 = tpu.memref_slice %arg9[%dma_start3A_133, %dma_start3A_137] : memref<8x128xi32, #tpu.memory_space<vmem>> -> memref<1x128xi32, #tpu.memory_space<vmem>>
        %dma_start3A_139 = tpu.memref_squeeze %dma_start3A_138 : memref<1x128xi32, #tpu.memory_space<vmem>> -> memref<128xi32, #tpu.memory_space<vmem>>
        %dma_start3A_140 = arith.constant 0 : i32
        %dma_start3A_141 = arith.constant 0 : i32
        %dma_start3A_142 = tpu.memref_slice %arg5[%dma_start3A_140, %dma_start3A_141] : memref<10000x32xf32, #tpu.memory_space<hbm>> -> memref<10000x32xf32, #tpu.memory_space<hbm>>
        tpu.enqueue_indirect_dma source(%dma_start3A_142 : memref<10000x32xf32, #tpu.memory_space<hbm>>) target(%dma_start3A_136 : memref<128x32xf32, #tpu.memory_space<vmem>>) offsets(%dma_start3A_139 : memref<128xi32, #tpu.memory_space<vmem>>) semaphore(%arg12 : memref<!tpu.dma_semaphore, #tpu.memory_space<semaphore_mem>>)
        %dma_start3A_143 = arith.constant 5 : i32
        %dma_start3A_144 = arith.constant 640 : i32
        %dma_start3A_145 = arith.constant 0 : i32
        %dma_start3A_146 = tpu.memref_slice %arg10[%dma_start3A_144, %dma_start3A_145] : memref<1024x32xf32, #tpu.memory_space<vmem>> -> memref<128x32xf32, #tpu.memory_space<vmem>>
        %dma_start3A_147 = arith.constant 0 : i32
        %dma_start3A_148 = tpu.memref_slice %arg8[%dma_start3A_143, %dma_start3A_147] : memref<8x128xi32, #tpu.memory_space<vmem>> -> memref<1x128xi32, #tpu.memory_space<vmem>>
        %dma_start3A_149 = tpu.memref_squeeze %dma_start3A_148 : memref<1x128xi32, #tpu.memory_space<vmem>> -> memref<128xi32, #tpu.memory_space<vmem>>
        %dma_start3A_150 = arith.constant 0 : i32
        %dma_start3A_151 = arith.constant 0 : i32
        %dma_start3A_152 = tpu.memref_slice %arg4[%dma_start3A_150, %dma_start3A_151] : memref<10000x32xf32, #tpu.memory_space<hbm>> -> memref<10000x32xf32, #tpu.memory_space<hbm>>
        tpu.enqueue_indirect_dma source(%dma_start3A_152 : memref<10000x32xf32, #tpu.memory_space<hbm>>) target(%dma_start3A_146 : memref<128x32xf32, #tpu.memory_space<vmem>>) offsets(%dma_start3A_149 : memref<128xi32, #tpu.memory_space<vmem>>) semaphore(%arg12 : memref<!tpu.dma_semaphore, #tpu.memory_space<semaphore_mem>>)
        %dma_start3A_153 = arith.constant 5 : i32
        %dma_start3A_154 = arith.constant 640 : i32
        %dma_start3A_155 = arith.constant 0 : i32
        %dma_start3A_156 = tpu.memref_slice %arg11[%dma_start3A_154, %dma_start3A_155] : memref<1024x32xf32, #tpu.memory_space<vmem>> -> memref<128x32xf32, #tpu.memory_space<vmem>>
        %dma_start3A_157 = arith.constant 0 : i32
        %dma_start3A_158 = tpu.memref_slice %arg9[%dma_start3A_153, %dma_start3A_157] : memref<8x128xi32, #tpu.memory_space<vmem>> -> memref<1x128xi32, #tpu.memory_space<vmem>>
        %dma_start3A_159 = tpu.memref_squeeze %dma_start3A_158 : memref<1x128xi32, #tpu.memory_space<vmem>> -> memref<128xi32, #tpu.memory_space<vmem>>
        %dma_start3A_160 = arith.constant 0 : i32
        %dma_start3A_161 = arith.constant 0 : i32
        %dma_start3A_162 = tpu.memref_slice %arg5[%dma_start3A_160, %dma_start3A_161] : memref<10000x32xf32, #tpu.memory_space<hbm>> -> memref<10000x32xf32, #tpu.memory_space<hbm>>
        tpu.enqueue_indirect_dma source(%dma_start3A_162 : memref<10000x32xf32, #tpu.memory_space<hbm>>) target(%dma_start3A_156 : memref<128x32xf32, #tpu.memory_space<vmem>>) offsets(%dma_start3A_159 : memref<128xi32, #tpu.memory_space<vmem>>) semaphore(%arg12 : memref<!tpu.dma_semaphore, #tpu.memory_space<semaphore_mem>>)
        %dma_start3A_163 = arith.constant 6 : i32
        %dma_start3A_164 = arith.constant 768 : i32
        %dma_start3A_165 = arith.constant 0 : i32
        %dma_start3A_166 = tpu.memref_slice %arg10[%dma_start3A_164, %dma_start3A_165] : memref<1024x32xf32, #tpu.memory_space<vmem>> -> memref<128x32xf32, #tpu.memory_space<vmem>>
        %dma_start3A_167 = arith.constant 0 : i32
        %dma_start3A_168 = tpu.memref_slice %arg8[%dma_start3A_163, %dma_start3A_167] : memref<8x128xi32, #tpu.memory_space<vmem>> -> memref<1x128xi32, #tpu.memory_space<vmem>>
        %dma_start3A_169 = tpu.memref_squeeze %dma_start3A_168 : memref<1x128xi32, #tpu.memory_space<vmem>> -> memref<128xi32, #tpu.memory_space<vmem>>
        %dma_start3A_170 = arith.constant 0 : i32
        %dma_start3A_171 = arith.constant 0 : i32
        %dma_start3A_172 = tpu.memref_slice %arg4[%dma_start3A_170, %dma_start3A_171] : memref<10000x32xf32, #tpu.memory_space<hbm>> -> memref<10000x32xf32, #tpu.memory_space<hbm>>
        tpu.enqueue_indirect_dma source(%dma_start3A_172 : memref<10000x32xf32, #tpu.memory_space<hbm>>) target(%dma_start3A_166 : memref<128x32xf32, #tpu.memory_space<vmem>>) offsets(%dma_start3A_169 : memref<128xi32, #tpu.memory_space<vmem>>) semaphore(%arg12 : memref<!tpu.dma_semaphore, #tpu.memory_space<semaphore_mem>>)
        %dma_start3A_173 = arith.constant 6 : i32
        %dma_start3A_174 = arith.constant 768 : i32
        %dma_start3A_175 = arith.constant 0 : i32
        %dma_start3A_176 = tpu.memref_slice %arg11[%dma_start3A_174, %dma_start3A_175] : memref<1024x32xf32, #tpu.memory_space<vmem>> -> memref<128x32xf32, #tpu.memory_space<vmem>>
        %dma_start3A_177 = arith.constant 0 : i32
        %dma_start3A_178 = tpu.memref_slice %arg9[%dma_start3A_173, %dma_start3A_177] : memref<8x128xi32, #tpu.memory_space<vmem>> -> memref<1x128xi32, #tpu.memory_space<vmem>>
        %dma_start3A_179 = tpu.memref_squeeze %dma_start3A_178 : memref<1x128xi32, #tpu.memory_space<vmem>> -> memref<128xi32, #tpu.memory_space<vmem>>
        %dma_start3A_180 = arith.constant 0 : i32
        %dma_start3A_181 = arith.constant 0 : i32
        %dma_start3A_182 = tpu.memref_slice %arg5[%dma_start3A_180, %dma_start3A_181] : memref<10000x32xf32, #tpu.memory_space<hbm>> -> memref<10000x32xf32, #tpu.memory_space<hbm>>
        tpu.enqueue_indirect_dma source(%dma_start3A_182 : memref<10000x32xf32, #tpu.memory_space<hbm>>) target(%dma_start3A_176 : memref<128x32xf32, #tpu.memory_space<vmem>>) offsets(%dma_start3A_179 : memref<128xi32, #tpu.memory_space<vmem>>) semaphore(%arg12 : memref<!tpu.dma_semaphore, #tpu.memory_space<semaphore_mem>>)
        %dma_start3A_183 = arith.constant 7 : i32
        %dma_start3A_184 = arith.constant 896 : i32
        %dma_start3A_185 = arith.constant 0 : i32
        %dma_start3A_186 = tpu.memref_slice %arg10[%dma_start3A_184, %dma_start3A_185] : memref<1024x32xf32, #tpu.memory_space<vmem>> -> memref<128x32xf32, #tpu.memory_space<vmem>>
        %dma_start3A_187 = arith.constant 0 : i32
        %dma_start3A_188 = tpu.memref_slice %arg8[%dma_start3A_183, %dma_start3A_187] : memref<8x128xi32, #tpu.memory_space<vmem>> -> memref<1x128xi32, #tpu.memory_space<vmem>>
        %dma_start3A_189 = tpu.memref_squeeze %dma_start3A_188 : memref<1x128xi32, #tpu.memory_space<vmem>> -> memref<128xi32, #tpu.memory_space<vmem>>
        %dma_start3A_190 = arith.constant 0 : i32
        %dma_start3A_191 = arith.constant 0 : i32
        %dma_start3A_192 = tpu.memref_slice %arg4[%dma_start3A_190, %dma_start3A_191] : memref<10000x32xf32, #tpu.memory_space<hbm>> -> memref<10000x32xf32, #tpu.memory_space<hbm>>
        tpu.enqueue_indirect_dma source(%dma_start3A_192 : memref<10000x32xf32, #tpu.memory_space<hbm>>) target(%dma_start3A_186 : memref<128x32xf32, #tpu.memory_space<vmem>>) offsets(%dma_start3A_189 : memref<128xi32, #tpu.memory_space<vmem>>) semaphore(%arg12 : memref<!tpu.dma_semaphore, #tpu.memory_space<semaphore_mem>>)
        %dma_start3A_193 = arith.constant 7 : i32
        %dma_start3A_194 = arith.constant 896 : i32
        %dma_start3A_195 = arith.constant 0 : i32
        %dma_start3A_196 = tpu.memref_slice %arg11[%dma_start3A_194, %dma_start3A_195] : memref<1024x32xf32, #tpu.memory_space<vmem>> -> memref<128x32xf32, #tpu.memory_space<vmem>>
        %dma_start3A_197 = arith.constant 0 : i32
        %dma_start3A_198 = tpu.memref_slice %arg9[%dma_start3A_193, %dma_start3A_197] : memref<8x128xi32, #tpu.memory_space<vmem>> -> memref<1x128xi32, #tpu.memory_space<vmem>>
        %dma_start3A_199 = tpu.memref_squeeze %dma_start3A_198 : memref<1x128xi32, #tpu.memory_space<vmem>> -> memref<128xi32, #tpu.memory_space<vmem>>
        %dma_start3A_200 = arith.constant 0 : i32
        %dma_start3A_201 = arith.constant 0 : i32
        %dma_start3A_202 = tpu.memref_slice %arg5[%dma_start3A_200, %dma_start3A_201] : memref<10000x32xf32, #tpu.memory_space<hbm>> -> memref<10000x32xf32, #tpu.memory_space<hbm>>
        tpu.enqueue_indirect_dma source(%dma_start3A_202 : memref<10000x32xf32, #tpu.memory_space<hbm>>) target(%dma_start3A_196 : memref<128x32xf32, #tpu.memory_space<vmem>>) offsets(%dma_start3A_199 : memref<128xi32, #tpu.memory_space<vmem>>) semaphore(%arg12 : memref<!tpu.dma_semaphore, #tpu.memory_space<semaphore_mem>>)
        %dma_wait3A_203 = arith.constant 0 : i32
        %dma_wait3A_204 = arith.constant 0 : i32
        %dma_wait3A_205 = arith.constant 0 : i32
        %dma_wait3A_206 = tpu.memref_slice %arg10[%dma_wait3A_204, %dma_wait3A_205] : memref<1024x32xf32, #tpu.memory_space<vmem>> -> memref<128x32xf32, #tpu.memory_space<vmem>>
        %dma_wait3A_207 = arith.constant 0 : i32
        %dma_wait3A_208 = tpu.memref_slice %arg8[%dma_wait3A_203, %dma_wait3A_207] : memref<8x128xi32, #tpu.memory_space<vmem>> -> memref<1x128xi32, #tpu.memory_space<vmem>>
        %dma_wait3A_209 = tpu.memref_squeeze %dma_wait3A_208 : memref<1x128xi32, #tpu.memory_space<vmem>> -> memref<128xi32, #tpu.memory_space<vmem>>
        %dma_wait3A_210 = arith.constant 0 : i32
        %dma_wait3A_211 = arith.constant 0 : i32
        %dma_wait3A_212 = tpu.memref_slice %arg4[%dma_wait3A_210, %dma_wait3A_211] : memref<10000x32xf32, #tpu.memory_space<hbm>> -> memref<10000x32xf32, #tpu.memory_space<hbm>>
        tpu.wait_indirect_dma semaphore(%arg12 : memref<!tpu.dma_semaphore, #tpu.memory_space<semaphore_mem>>) src(%dma_wait3A_212 : memref<10000x32xf32, #tpu.memory_space<hbm>>) dst(%dma_wait3A_206 : memref<128x32xf32, #tpu.memory_space<vmem>>)
        %dma_wait3A_213 = arith.constant 0 : i32
        %dma_wait3A_214 = arith.constant 0 : i32
        %dma_wait3A_215 = arith.constant 0 : i32
        %dma_wait3A_216 = tpu.memref_slice %arg11[%dma_wait3A_214, %dma_wait3A_215] : memref<1024x32xf32, #tpu.memory_space<vmem>> -> memref<128x32xf32, #tpu.memory_space<vmem>>
        %dma_wait3A_217 = arith.constant 0 : i32
        %dma_wait3A_218 = tpu.memref_slice %arg9[%dma_wait3A_213, %dma_wait3A_217] : memref<8x128xi32, #tpu.memory_space<vmem>> -> memref<1x128xi32, #tpu.memory_space<vmem>>
        %dma_wait3A_219 = tpu.memref_squeeze %dma_wait3A_218 : memref<1x128xi32, #tpu.memory_space<vmem>> -> memref<128xi32, #tpu.memory_space<vmem>>
        %dma_wait3A_220 = arith.constant 0 : i32
        %dma_wait3A_221 = arith.constant 0 : i32
        %dma_wait3A_222 = tpu.memref_slice %arg5[%dma_wait3A_220, %dma_wait3A_221] : memref<10000x32xf32, #tpu.memory_space<hbm>> -> memref<10000x32xf32, #tpu.memory_space<hbm>>
        tpu.wait_indirect_dma semaphore(%arg12 : memref<!tpu.dma_semaphore, #tpu.memory_space<semaphore_mem>>) src(%dma_wait3A_222 : memref<10000x32xf32, #tpu.memory_space<hbm>>) dst(%dma_wait3A_216 : memref<128x32xf32, #tpu.memory_space<vmem>>)
        %dma_wait3A_223 = arith.constant 1 : i32
        %dma_wait3A_224 = arith.constant 128 : i32
        %dma_wait3A_225 = arith.constant 0 : i32
        %dma_wait3A_226 = tpu.memref_slice %arg10[%dma_wait3A_224, %dma_wait3A_225] : memref<1024x32xf32, #tpu.memory_space<vmem>> -> memref<128x32xf32, #tpu.memory_space<vmem>>
        %dma_wait3A_227 = arith.constant 0 : i32
        %dma_wait3A_228 = tpu.memref_slice %arg8[%dma_wait3A_223, %dma_wait3A_227] : memref<8x128xi32, #tpu.memory_space<vmem>> -> memref<1x128xi32, #tpu.memory_space<vmem>>
        %dma_wait3A_229 = tpu.memref_squeeze %dma_wait3A_228 : memref<1x128xi32, #tpu.memory_space<vmem>> -> memref<128xi32, #tpu.memory_space<vmem>>
        %dma_wait3A_230 = arith.constant 0 : i32
        %dma_wait3A_231 = arith.constant 0 : i32
        %dma_wait3A_232 = tpu.memref_slice %arg4[%dma_wait3A_230, %dma_wait3A_231] : memref<10000x32xf32, #tpu.memory_space<hbm>> -> memref<10000x32xf32, #tpu.memory_space<hbm>>
        tpu.wait_indirect_dma semaphore(%arg12 : memref<!tpu.dma_semaphore, #tpu.memory_space<semaphore_mem>>) src(%dma_wait3A_232 : memref<10000x32xf32, #tpu.memory_space<hbm>>) dst(%dma_wait3A_226 : memref<128x32xf32, #tpu.memory_space<vmem>>)
        %dma_wait3A_233 = arith.constant 1 : i32
        %dma_wait3A_234 = arith.constant 128 : i32
        %dma_wait3A_235 = arith.constant 0 : i32
        %dma_wait3A_236 = tpu.memref_slice %arg11[%dma_wait3A_234, %dma_wait3A_235] : memref<1024x32xf32, #tpu.memory_space<vmem>> -> memref<128x32xf32, #tpu.memory_space<vmem>>
        %dma_wait3A_237 = arith.constant 0 : i32
        %dma_wait3A_238 = tpu.memref_slice %arg9[%dma_wait3A_233, %dma_wait3A_237] : memref<8x128xi32, #tpu.memory_space<vmem>> -> memref<1x128xi32, #tpu.memory_space<vmem>>
        %dma_wait3A_239 = tpu.memref_squeeze %dma_wait3A_238 : memref<1x128xi32, #tpu.memory_space<vmem>> -> memref<128xi32, #tpu.memory_space<vmem>>
        %dma_wait3A_240 = arith.constant 0 : i32
        %dma_wait3A_241 = arith.constant 0 : i32
        %dma_wait3A_242 = tpu.memref_slice %arg5[%dma_wait3A_240, %dma_wait3A_241] : memref<10000x32xf32, #tpu.memory_space<hbm>> -> memref<10000x32xf32, #tpu.memory_space<hbm>>
        tpu.wait_indirect_dma semaphore(%arg12 : memref<!tpu.dma_semaphore, #tpu.memory_space<semaphore_mem>>) src(%dma_wait3A_242 : memref<10000x32xf32, #tpu.memory_space<hbm>>) dst(%dma_wait3A_236 : memref<128x32xf32, #tpu.memory_space<vmem>>)
        %dma_wait3A_243 = arith.constant 2 : i32
        %dma_wait3A_244 = arith.constant 256 : i32
        %dma_wait3A_245 = arith.constant 0 : i32
        %dma_wait3A_246 = tpu.memref_slice %arg10[%dma_wait3A_244, %dma_wait3A_245] : memref<1024x32xf32, #tpu.memory_space<vmem>> -> memref<128x32xf32, #tpu.memory_space<vmem>>
        %dma_wait3A_247 = arith.constant 0 : i32
        %dma_wait3A_248 = tpu.memref_slice %arg8[%dma_wait3A_243, %dma_wait3A_247] : memref<8x128xi32, #tpu.memory_space<vmem>> -> memref<1x128xi32, #tpu.memory_space<vmem>>
        %dma_wait3A_249 = tpu.memref_squeeze %dma_wait3A_248 : memref<1x128xi32, #tpu.memory_space<vmem>> -> memref<128xi32, #tpu.memory_space<vmem>>
        %dma_wait3A_250 = arith.constant 0 : i32
        %dma_wait3A_251 = arith.constant 0 : i32
        %dma_wait3A_252 = tpu.memref_slice %arg4[%dma_wait3A_250, %dma_wait3A_251] : memref<10000x32xf32, #tpu.memory_space<hbm>> -> memref<10000x32xf32, #tpu.memory_space<hbm>>
        tpu.wait_indirect_dma semaphore(%arg12 : memref<!tpu.dma_semaphore, #tpu.memory_space<semaphore_mem>>) src(%dma_wait3A_252 : memref<10000x32xf32, #tpu.memory_space<hbm>>) dst(%dma_wait3A_246 : memref<128x32xf32, #tpu.memory_space<vmem>>)
        %dma_wait3A_253 = arith.constant 2 : i32
        %dma_wait3A_254 = arith.constant 256 : i32
        %dma_wait3A_255 = arith.constant 0 : i32
        %dma_wait3A_256 = tpu.memref_slice %arg11[%dma_wait3A_254, %dma_wait3A_255] : memref<1024x32xf32, #tpu.memory_space<vmem>> -> memref<128x32xf32, #tpu.memory_space<vmem>>
        %dma_wait3A_257 = arith.constant 0 : i32
        %dma_wait3A_258 = tpu.memref_slice %arg9[%dma_wait3A_253, %dma_wait3A_257] : memref<8x128xi32, #tpu.memory_space<vmem>> -> memref<1x128xi32, #tpu.memory_space<vmem>>
        %dma_wait3A_259 = tpu.memref_squeeze %dma_wait3A_258 : memref<1x128xi32, #tpu.memory_space<vmem>> -> memref<128xi32, #tpu.memory_space<vmem>>
        %dma_wait3A_260 = arith.constant 0 : i32
        %dma_wait3A_261 = arith.constant 0 : i32
        %dma_wait3A_262 = tpu.memref_slice %arg5[%dma_wait3A_260, %dma_wait3A_261] : memref<10000x32xf32, #tpu.memory_space<hbm>> -> memref<10000x32xf32, #tpu.memory_space<hbm>>
        tpu.wait_indirect_dma semaphore(%arg12 : memref<!tpu.dma_semaphore, #tpu.memory_space<semaphore_mem>>) src(%dma_wait3A_262 : memref<10000x32xf32, #tpu.memory_space<hbm>>) dst(%dma_wait3A_256 : memref<128x32xf32, #tpu.memory_space<vmem>>)
        %dma_wait3A_263 = arith.constant 3 : i32
        %dma_wait3A_264 = arith.constant 384 : i32
        %dma_wait3A_265 = arith.constant 0 : i32
        %dma_wait3A_266 = tpu.memref_slice %arg10[%dma_wait3A_264, %dma_wait3A_265] : memref<1024x32xf32, #tpu.memory_space<vmem>> -> memref<128x32xf32, #tpu.memory_space<vmem>>
        %dma_wait3A_267 = arith.constant 0 : i32
        %dma_wait3A_268 = tpu.memref_slice %arg8[%dma_wait3A_263, %dma_wait3A_267] : memref<8x128xi32, #tpu.memory_space<vmem>> -> memref<1x128xi32, #tpu.memory_space<vmem>>
        %dma_wait3A_269 = tpu.memref_squeeze %dma_wait3A_268 : memref<1x128xi32, #tpu.memory_space<vmem>> -> memref<128xi32, #tpu.memory_space<vmem>>
        %dma_wait3A_270 = arith.constant 0 : i32
        %dma_wait3A_271 = arith.constant 0 : i32
        %dma_wait3A_272 = tpu.memref_slice %arg4[%dma_wait3A_270, %dma_wait3A_271] : memref<10000x32xf32, #tpu.memory_space<hbm>> -> memref<10000x32xf32, #tpu.memory_space<hbm>>
        tpu.wait_indirect_dma semaphore(%arg12 : memref<!tpu.dma_semaphore, #tpu.memory_space<semaphore_mem>>) src(%dma_wait3A_272 : memref<10000x32xf32, #tpu.memory_space<hbm>>) dst(%dma_wait3A_266 : memref<128x32xf32, #tpu.memory_space<vmem>>)
        %dma_wait3A_273 = arith.constant 3 : i32
        %dma_wait3A_274 = arith.constant 384 : i32
        %dma_wait3A_275 = arith.constant 0 : i32
        %dma_wait3A_276 = tpu.memref_slice %arg11[%dma_wait3A_274, %dma_wait3A_275] : memref<1024x32xf32, #tpu.memory_space<vmem>> -> memref<128x32xf32, #tpu.memory_space<vmem>>
        %dma_wait3A_277 = arith.constant 0 : i32
        %dma_wait3A_278 = tpu.memref_slice %arg9[%dma_wait3A_273, %dma_wait3A_277] : memref<8x128xi32, #tpu.memory_space<vmem>> -> memref<1x128xi32, #tpu.memory_space<vmem>>
        %dma_wait3A_279 = tpu.memref_squeeze %dma_wait3A_278 : memref<1x128xi32, #tpu.memory_space<vmem>> -> memref<128xi32, #tpu.memory_space<vmem>>
        %dma_wait3A_280 = arith.constant 0 : i32
        %dma_wait3A_281 = arith.constant 0 : i32
        %dma_wait3A_282 = tpu.memref_slice %arg5[%dma_wait3A_280, %dma_wait3A_281] : memref<10000x32xf32, #tpu.memory_space<hbm>> -> memref<10000x32xf32, #tpu.memory_space<hbm>>
        tpu.wait_indirect_dma semaphore(%arg12 : memref<!tpu.dma_semaphore, #tpu.memory_space<semaphore_mem>>) src(%dma_wait3A_282 : memref<10000x32xf32, #tpu.memory_space<hbm>>) dst(%dma_wait3A_276 : memref<128x32xf32, #tpu.memory_space<vmem>>)
        %dma_wait3A_283 = arith.constant 4 : i32
        %dma_wait3A_284 = arith.constant 512 : i32
        %dma_wait3A_285 = arith.constant 0 : i32
        %dma_wait3A_286 = tpu.memref_slice %arg10[%dma_wait3A_284, %dma_wait3A_285] : memref<1024x32xf32, #tpu.memory_space<vmem>> -> memref<128x32xf32, #tpu.memory_space<vmem>>
        %dma_wait3A_287 = arith.constant 0 : i32
        %dma_wait3A_288 = tpu.memref_slice %arg8[%dma_wait3A_283, %dma_wait3A_287] : memref<8x128xi32, #tpu.memory_space<vmem>> -> memref<1x128xi32, #tpu.memory_space<vmem>>
        %dma_wait3A_289 = tpu.memref_squeeze %dma_wait3A_288 : memref<1x128xi32, #tpu.memory_space<vmem>> -> memref<128xi32, #tpu.memory_space<vmem>>
        %dma_wait3A_290 = arith.constant 0 : i32
        %dma_wait3A_291 = arith.constant 0 : i32
        %dma_wait3A_292 = tpu.memref_slice %arg4[%dma_wait3A_290, %dma_wait3A_291] : memref<10000x32xf32, #tpu.memory_space<hbm>> -> memref<10000x32xf32, #tpu.memory_space<hbm>>
        tpu.wait_indirect_dma semaphore(%arg12 : memref<!tpu.dma_semaphore, #tpu.memory_space<semaphore_mem>>) src(%dma_wait3A_292 : memref<10000x32xf32, #tpu.memory_space<hbm>>) dst(%dma_wait3A_286 : memref<128x32xf32, #tpu.memory_space<vmem>>)
        %dma_wait3A_293 = arith.constant 4 : i32
        %dma_wait3A_294 = arith.constant 512 : i32
        %dma_wait3A_295 = arith.constant 0 : i32
        %dma_wait3A_296 = tpu.memref_slice %arg11[%dma_wait3A_294, %dma_wait3A_295] : memref<1024x32xf32, #tpu.memory_space<vmem>> -> memref<128x32xf32, #tpu.memory_space<vmem>>
        %dma_wait3A_297 = arith.constant 0 : i32
        %dma_wait3A_298 = tpu.memref_slice %arg9[%dma_wait3A_293, %dma_wait3A_297] : memref<8x128xi32, #tpu.memory_space<vmem>> -> memref<1x128xi32, #tpu.memory_space<vmem>>
        %dma_wait3A_299 = tpu.memref_squeeze %dma_wait3A_298 : memref<1x128xi32, #tpu.memory_space<vmem>> -> memref<128xi32, #tpu.memory_space<vmem>>
        %dma_wait3A_300 = arith.constant 0 : i32
        %dma_wait3A_301 = arith.constant 0 : i32
        %dma_wait3A_302 = tpu.memref_slice %arg5[%dma_wait3A_300, %dma_wait3A_301] : memref<10000x32xf32, #tpu.memory_space<hbm>> -> memref<10000x32xf32, #tpu.memory_space<hbm>>
        tpu.wait_indirect_dma semaphore(%arg12 : memref<!tpu.dma_semaphore, #tpu.memory_space<semaphore_mem>>) src(%dma_wait3A_302 : memref<10000x32xf32, #tpu.memory_space<hbm>>) dst(%dma_wait3A_296 : memref<128x32xf32, #tpu.memory_space<vmem>>)
        %dma_wait3A_303 = arith.constant 5 : i32
        %dma_wait3A_304 = arith.constant 640 : i32
        %dma_wait3A_305 = arith.constant 0 : i32
        %dma_wait3A_306 = tpu.memref_slice %arg10[%dma_wait3A_304, %dma_wait3A_305] : memref<1024x32xf32, #tpu.memory_space<vmem>> -> memref<128x32xf32, #tpu.memory_space<vmem>>
        %dma_wait3A_307 = arith.constant 0 : i32
        %dma_wait3A_308 = tpu.memref_slice %arg8[%dma_wait3A_303, %dma_wait3A_307] : memref<8x128xi32, #tpu.memory_space<vmem>> -> memref<1x128xi32, #tpu.memory_space<vmem>>
        %dma_wait3A_309 = tpu.memref_squeeze %dma_wait3A_308 : memref<1x128xi32, #tpu.memory_space<vmem>> -> memref<128xi32, #tpu.memory_space<vmem>>
        %dma_wait3A_310 = arith.constant 0 : i32
        %dma_wait3A_311 = arith.constant 0 : i32
        %dma_wait3A_312 = tpu.memref_slice %arg4[%dma_wait3A_310, %dma_wait3A_311] : memref<10000x32xf32, #tpu.memory_space<hbm>> -> memref<10000x32xf32, #tpu.memory_space<hbm>>
        tpu.wait_indirect_dma semaphore(%arg12 : memref<!tpu.dma_semaphore, #tpu.memory_space<semaphore_mem>>) src(%dma_wait3A_312 : memref<10000x32xf32, #tpu.memory_space<hbm>>) dst(%dma_wait3A_306 : memref<128x32xf32, #tpu.memory_space<vmem>>)
        %dma_wait3A_313 = arith.constant 5 : i32
        %dma_wait3A_314 = arith.constant 640 : i32
        %dma_wait3A_315 = arith.constant 0 : i32
        %dma_wait3A_316 = tpu.memref_slice %arg11[%dma_wait3A_314, %dma_wait3A_315] : memref<1024x32xf32, #tpu.memory_space<vmem>> -> memref<128x32xf32, #tpu.memory_space<vmem>>
        %dma_wait3A_317 = arith.constant 0 : i32
        %dma_wait3A_318 = tpu.memref_slice %arg9[%dma_wait3A_313, %dma_wait3A_317] : memref<8x128xi32, #tpu.memory_space<vmem>> -> memref<1x128xi32, #tpu.memory_space<vmem>>
        %dma_wait3A_319 = tpu.memref_squeeze %dma_wait3A_318 : memref<1x128xi32, #tpu.memory_space<vmem>> -> memref<128xi32, #tpu.memory_space<vmem>>
        %dma_wait3A_320 = arith.constant 0 : i32
        %dma_wait3A_321 = arith.constant 0 : i32
        %dma_wait3A_322 = tpu.memref_slice %arg5[%dma_wait3A_320, %dma_wait3A_321] : memref<10000x32xf32, #tpu.memory_space<hbm>> -> memref<10000x32xf32, #tpu.memory_space<hbm>>
        tpu.wait_indirect_dma semaphore(%arg12 : memref<!tpu.dma_semaphore, #tpu.memory_space<semaphore_mem>>) src(%dma_wait3A_322 : memref<10000x32xf32, #tpu.memory_space<hbm>>) dst(%dma_wait3A_316 : memref<128x32xf32, #tpu.memory_space<vmem>>)
        %dma_wait3A_323 = arith.constant 6 : i32
        %dma_wait3A_324 = arith.constant 768 : i32
        %dma_wait3A_325 = arith.constant 0 : i32
        %dma_wait3A_326 = tpu.memref_slice %arg10[%dma_wait3A_324, %dma_wait3A_325] : memref<1024x32xf32, #tpu.memory_space<vmem>> -> memref<128x32xf32, #tpu.memory_space<vmem>>
        %dma_wait3A_327 = arith.constant 0 : i32
        %dma_wait3A_328 = tpu.memref_slice %arg8[%dma_wait3A_323, %dma_wait3A_327] : memref<8x128xi32, #tpu.memory_space<vmem>> -> memref<1x128xi32, #tpu.memory_space<vmem>>
        %dma_wait3A_329 = tpu.memref_squeeze %dma_wait3A_328 : memref<1x128xi32, #tpu.memory_space<vmem>> -> memref<128xi32, #tpu.memory_space<vmem>>
        %dma_wait3A_330 = arith.constant 0 : i32
        %dma_wait3A_331 = arith.constant 0 : i32
        %dma_wait3A_332 = tpu.memref_slice %arg4[%dma_wait3A_330, %dma_wait3A_331] : memref<10000x32xf32, #tpu.memory_space<hbm>> -> memref<10000x32xf32, #tpu.memory_space<hbm>>
        tpu.wait_indirect_dma semaphore(%arg12 : memref<!tpu.dma_semaphore, #tpu.memory_space<semaphore_mem>>) src(%dma_wait3A_332 : memref<10000x32xf32, #tpu.memory_space<hbm>>) dst(%dma_wait3A_326 : memref<128x32xf32, #tpu.memory_space<vmem>>)
        %dma_wait3A_333 = arith.constant 6 : i32
        %dma_wait3A_334 = arith.constant 768 : i32
        %dma_wait3A_335 = arith.constant 0 : i32
        %dma_wait3A_336 = tpu.memref_slice %arg11[%dma_wait3A_334, %dma_wait3A_335] : memref<1024x32xf32, #tpu.memory_space<vmem>> -> memref<128x32xf32, #tpu.memory_space<vmem>>
        %dma_wait3A_337 = arith.constant 0 : i32
        %dma_wait3A_338 = tpu.memref_slice %arg9[%dma_wait3A_333, %dma_wait3A_337] : memref<8x128xi32, #tpu.memory_space<vmem>> -> memref<1x128xi32, #tpu.memory_space<vmem>>
        %dma_wait3A_339 = tpu.memref_squeeze %dma_wait3A_338 : memref<1x128xi32, #tpu.memory_space<vmem>> -> memref<128xi32, #tpu.memory_space<vmem>>
        %dma_wait3A_340 = arith.constant 0 : i32
        %dma_wait3A_341 = arith.constant 0 : i32
        %dma_wait3A_342 = tpu.memref_slice %arg5[%dma_wait3A_340, %dma_wait3A_341] : memref<10000x32xf32, #tpu.memory_space<hbm>> -> memref<10000x32xf32, #tpu.memory_space<hbm>>
        tpu.wait_indirect_dma semaphore(%arg12 : memref<!tpu.dma_semaphore, #tpu.memory_space<semaphore_mem>>) src(%dma_wait3A_342 : memref<10000x32xf32, #tpu.memory_space<hbm>>) dst(%dma_wait3A_336 : memref<128x32xf32, #tpu.memory_space<vmem>>)
        %dma_wait3A_343 = arith.constant 7 : i32
        %dma_wait3A_344 = arith.constant 896 : i32
        %dma_wait3A_345 = arith.constant 0 : i32
        %dma_wait3A_346 = tpu.memref_slice %arg10[%dma_wait3A_344, %dma_wait3A_345] : memref<1024x32xf32, #tpu.memory_space<vmem>> -> memref<128x32xf32, #tpu.memory_space<vmem>>
        %dma_wait3A_347 = arith.constant 0 : i32
        %dma_wait3A_348 = tpu.memref_slice %arg8[%dma_wait3A_343, %dma_wait3A_347] : memref<8x128xi32, #tpu.memory_space<vmem>> -> memref<1x128xi32, #tpu.memory_space<vmem>>
        %dma_wait3A_349 = tpu.memref_squeeze %dma_wait3A_348 : memref<1x128xi32, #tpu.memory_space<vmem>> -> memref<128xi32, #tpu.memory_space<vmem>>
        %dma_wait3A_350 = arith.constant 0 : i32
        %dma_wait3A_351 = arith.constant 0 : i32
        %dma_wait3A_352 = tpu.memref_slice %arg4[%dma_wait3A_350, %dma_wait3A_351] : memref<10000x32xf32, #tpu.memory_space<hbm>> -> memref<10000x32xf32, #tpu.memory_space<hbm>>
        tpu.wait_indirect_dma semaphore(%arg12 : memref<!tpu.dma_semaphore, #tpu.memory_space<semaphore_mem>>) src(%dma_wait3A_352 : memref<10000x32xf32, #tpu.memory_space<hbm>>) dst(%dma_wait3A_346 : memref<128x32xf32, #tpu.memory_space<vmem>>)
        %dma_wait3A_353 = arith.constant 7 : i32
        %dma_wait3A_354 = arith.constant 896 : i32
        %dma_wait3A_355 = arith.constant 0 : i32
        %dma_wait3A_356 = tpu.memref_slice %arg11[%dma_wait3A_354, %dma_wait3A_355] : memref<1024x32xf32, #tpu.memory_space<vmem>> -> memref<128x32xf32, #tpu.memory_space<vmem>>
        %dma_wait3A_357 = arith.constant 0 : i32
        %dma_wait3A_358 = tpu.memref_slice %arg9[%dma_wait3A_353, %dma_wait3A_357] : memref<8x128xi32, #tpu.memory_space<vmem>> -> memref<1x128xi32, #tpu.memory_space<vmem>>
        %dma_wait3A_359 = tpu.memref_squeeze %dma_wait3A_358 : memref<1x128xi32, #tpu.memory_space<vmem>> -> memref<128xi32, #tpu.memory_space<vmem>>
        %dma_wait3A_360 = arith.constant 0 : i32
        %dma_wait3A_361 = arith.constant 0 : i32
        %dma_wait3A_362 = tpu.memref_slice %arg5[%dma_wait3A_360, %dma_wait3A_361] : memref<10000x32xf32, #tpu.memory_space<hbm>> -> memref<10000x32xf32, #tpu.memory_space<hbm>>
        tpu.wait_indirect_dma semaphore(%arg12 : memref<!tpu.dma_semaphore, #tpu.memory_space<semaphore_mem>>) src(%dma_wait3A_362 : memref<10000x32xf32, #tpu.memory_space<hbm>>) dst(%dma_wait3A_356 : memref<128x32xf32, #tpu.memory_space<vmem>>)
        %dma_start3A_363 = arith.constant 0 : i32
        %dma_start3A_364 = tpu.memref_slice %arg6[%mul3A_12, %dma_start3A_363] : memref<640000x32xf32, #tpu.memory_space<hbm>> -> memref<1024x32xf32, #tpu.memory_space<hbm>>
        %dma_start3A_365 = arith.constant 0 : i32
        %dma_start3A_366 = tpu.memref_slice %arg6[%mul3A_12, %dma_start3A_365] : memref<640000x32xf32, #tpu.memory_space<hbm>> -> memref<1024x32xf32, #tpu.memory_space<hbm>>
        tpu.enqueue_dma source(%arg10 : memref<1024x32xf32, #tpu.memory_space<vmem>>) target(%dma_start3A_366 : memref<1024x32xf32, #tpu.memory_space<hbm>>) target_semaphore(%arg12 : memref<!tpu.dma_semaphore, #tpu.memory_space<semaphore_mem>>)
        %dma_start3A_367 = arith.constant 0 : i32
        %dma_start3A_368 = tpu.memref_slice %arg7[%mul3A_12, %dma_start3A_367] : memref<640000x32xf32, #tpu.memory_space<hbm>> -> memref<1024x32xf32, #tpu.memory_space<hbm>>
        %dma_start3A_369 = arith.constant 0 : i32
        %dma_start3A_370 = tpu.memref_slice %arg7[%mul3A_12, %dma_start3A_369] : memref<640000x32xf32, #tpu.memory_space<hbm>> -> memref<1024x32xf32, #tpu.memory_space<hbm>>
        tpu.enqueue_dma source(%arg11 : memref<1024x32xf32, #tpu.memory_space<vmem>>) target(%dma_start3A_370 : memref<1024x32xf32, #tpu.memory_space<hbm>>) target_semaphore(%arg12 : memref<!tpu.dma_semaphore, #tpu.memory_space<semaphore_mem>>)
        %dma_wait3A_371 = arith.constant 0 : i32
        %dma_wait3A_372 = tpu.memref_slice %arg6[%mul3A_12, %dma_wait3A_371] : memref<640000x32xf32, #tpu.memory_space<hbm>> -> memref<1024x32xf32, #tpu.memory_space<hbm>>
        %dma_wait3A_373 = arith.constant 0 : i32
        %dma_wait3A_374 = tpu.memref_slice %arg6[%mul3A_12, %dma_wait3A_373] : memref<640000x32xf32, #tpu.memory_space<hbm>> -> memref<1024x32xf32, #tpu.memory_space<hbm>>
        tpu.wait_dma2 semaphore(%arg12 : memref<!tpu.dma_semaphore, #tpu.memory_space<semaphore_mem>>) src(%arg10 : memref<1024x32xf32, #tpu.memory_space<vmem>>) dst(%dma_wait3A_374 : memref<1024x32xf32, #tpu.memory_space<hbm>>)
        %dma_wait3A_375 = arith.constant 0 : i32
        %dma_wait3A_376 = tpu.memref_slice %arg7[%mul3A_12, %dma_wait3A_375] : memref<640000x32xf32, #tpu.memory_space<hbm>> -> memref<1024x32xf32, #tpu.memory_space<hbm>>
        %dma_wait3A_377 = arith.constant 0 : i32
        %dma_wait3A_378 = tpu.memref_slice %arg7[%mul3A_12, %dma_wait3A_377] : memref<640000x32xf32, #tpu.memory_space<hbm>> -> memref<1024x32xf32, #tpu.memory_space<hbm>>
        tpu.wait_dma2 semaphore(%arg12 : memref<!tpu.dma_semaphore, #tpu.memory_space<semaphore_mem>>) src(%arg11 : memref<1024x32xf32, #tpu.memory_space<vmem>>) dst(%dma_wait3A_378 : memref<1024x32xf32, #tpu.memory_space<hbm>>)
      } else {
      }
    }
    %scan3A_4 = arith.constant 20 : i32
    return
  }
}

#map = affine_map<(d0, d1) -> (0, 0, 0)>
#map1 = affine_map<(d0, d1) -> (0, 0)>
module attributes {stable_mosaic.version = 14 : i64} {
  func.func @_sc_gather_body(%arg0: i32, %arg1: i32, %arg2: memref<625x8x128xi32, #tpu.memory_space<hbm>>, %arg3: memref<625x8x128xi32, #tpu.memory_space<hbm>>, %arg4: memref<10000x32xf32, #tpu.memory_space<hbm>>, %arg5: memref<10000x32xf32, #tpu.memory_space<hbm>>, %arg6: memref<640000x32xf32, #tpu.memory_space<hbm>>, %arg7: memref<640000x32xf32, #tpu.memory_space<hbm>>, %arg8: memref<8x128xi32, #tpu.memory_space<vmem>>, %arg9: memref<8x128xi32, #tpu.memory_space<vmem>>, %arg10: memref<1024x32xf32, #tpu.memory_space<vmem>>, %arg11: memref<1024x32xf32, #tpu.memory_space<vmem>>, %arg12: memref<!tpu.dma_semaphore, #tpu.memory_space<semaphore_mem>>) attributes {dimension_semantics = [#tpu.dimension_semantics<core_parallel>, #tpu.dimension_semantics<subcore_parallel>], iteration_bounds = array<i64: 2, 16>, scalar_prefetch = 0 : i64, scratch_operands = 5 : i64, tpu.core_type = #tpu.core_type<sc_vector_subcore>, window_params = [{transform_indices = #map}, {transform_indices = #map}, {transform_indices = #map1}, {transform_indices = #map1}, {transform_indices = #map1}, {transform_indices = #map1}]} {
    %mul3A = arith.constant 2 : i32
    %mul3A_0 = arith.muli %arg1, %mul3A : i32
    %add3A = arith.addi %mul3A_0, %arg0 : i32
    %scan3A = arith.constant 0 : i32
    %scan3A_1 = arith.constant 20 : i32
    %scan3A_2 = arith.addi %scan3A, %scan3A_1 : i32
    %scan3A_3 = arith.constant 1 : i32
    scf.for %scan3A_5 = %scan3A to %scan3A_2 step %scan3A_3  : i32 {
      %mul3A_6 = arith.constant 32 : i32
      %mul3A_7 = arith.muli %scan3A_5, %mul3A_6 : i32
      %add3A_8 = arith.addi %add3A, %mul3A_7 : i32
      %lt3A = arith.constant 625 : i32
      %lt3A_9 = arith.cmpi slt, %add3A_8, %lt3A : i32
      %convert_element_type3A = arith.extui %lt3A_9 : i1 to i32
      %cond3A = arith.constant 0 : i32
      %cond3A_10 = arith.cmpi ne, %convert_element_type3A, %cond3A : i32
      scf.if %cond3A_10 {
        %mul3A_11 = arith.constant 1024 : i32
        %mul3A_12 = arith.muli %add3A_8, %mul3A_11 : i32
        %dma_start3A = arith.constant 0 : i32
        %dma_start3A_13 = arith.constant 0 : i32
        %dma_start3A_14 = tpu.memref_slice %arg2[%add3A_8, %dma_start3A, %dma_start3A_13] : memref<625x8x128xi32, #tpu.memory_space<hbm>> -> memref<1x8x128xi32, #tpu.memory_space<hbm>>
        %dma_start3A_15 = tpu.memref_squeeze %dma_start3A_14 : memref<1x8x128xi32, #tpu.memory_space<hbm>> -> memref<8x128xi32, #tpu.memory_space<hbm>>
        %dma_start3A_16 = arith.constant 0 : i32
        %dma_start3A_17 = arith.constant 0 : i32
        %dma_start3A_18 = tpu.memref_slice %arg2[%add3A_8, %dma_start3A_16, %dma_start3A_17] : memref<625x8x128xi32, #tpu.memory_space<hbm>> -> memref<1x8x128xi32, #tpu.memory_space<hbm>>
        %dma_start3A_19 = tpu.memref_squeeze %dma_start3A_18 : memref<1x8x128xi32, #tpu.memory_space<hbm>> -> memref<8x128xi32, #tpu.memory_space<hbm>>
        tpu.enqueue_dma source(%dma_start3A_19 : memref<8x128xi32, #tpu.memory_space<hbm>>) target(%arg8 : memref<8x128xi32, #tpu.memory_space<vmem>>) target_semaphore(%arg12 : memref<!tpu.dma_semaphore, #tpu.memory_space<semaphore_mem>>)
        %dma_start3A_20 = arith.constant 0 : i32
        %dma_start3A_21 = arith.constant 0 : i32
        %dma_start3A_22 = tpu.memref_slice %arg3[%add3A_8, %dma_start3A_20, %dma_start3A_21] : memref<625x8x128xi32, #tpu.memory_space<hbm>> -> memref<1x8x128xi32, #tpu.memory_space<hbm>>
        %dma_start3A_23 = tpu.memref_squeeze %dma_start3A_22 : memref<1x8x128xi32, #tpu.memory_space<hbm>> -> memref<8x128xi32, #tpu.memory_space<hbm>>
        %dma_start3A_24 = arith.constant 0 : i32
        %dma_start3A_25 = arith.constant 0 : i32
        %dma_start3A_26 = tpu.memref_slice %arg3[%add3A_8, %dma_start3A_24, %dma_start3A_25] : memref<625x8x128xi32, #tpu.memory_space<hbm>> -> memref<1x8x128xi32, #tpu.memory_space<hbm>>
        %dma_start3A_27 = tpu.memref_squeeze %dma_start3A_26 : memref<1x8x128xi32, #tpu.memory_space<hbm>> -> memref<8x128xi32, #tpu.memory_space<hbm>>
        tpu.enqueue_dma source(%dma_start3A_27 : memref<8x128xi32, #tpu.memory_space<hbm>>) target(%arg9 : memref<8x128xi32, #tpu.memory_space<vmem>>) target_semaphore(%arg12 : memref<!tpu.dma_semaphore, #tpu.memory_space<semaphore_mem>>)
        %dma_wait3A = arith.constant 0 : i32
        %dma_wait3A_28 = arith.constant 0 : i32
        %dma_wait3A_29 = tpu.memref_slice %arg2[%add3A_8, %dma_wait3A, %dma_wait3A_28] : memref<625x8x128xi32, #tpu.memory_space<hbm>> -> memref<1x8x128xi32, #tpu.memory_space<hbm>>
        %dma_wait3A_30 = tpu.memref_squeeze %dma_wait3A_29 : memref<1x8x128xi32, #tpu.memory_space<hbm>> -> memref<8x128xi32, #tpu.memory_space<hbm>>
        %dma_wait3A_31 = arith.constant 0 : i32
        %dma_wait3A_32 = arith.constant 0 : i32
        %dma_wait3A_33 = tpu.memref_slice %arg2[%add3A_8, %dma_wait3A_31, %dma_wait3A_32] : memref<625x8x128xi32, #tpu.memory_space<hbm>> -> memref<1x8x128xi32, #tpu.memory_space<hbm>>
        %dma_wait3A_34 = tpu.memref_squeeze %dma_wait3A_33 : memref<1x8x128xi32, #tpu.memory_space<hbm>> -> memref<8x128xi32, #tpu.memory_space<hbm>>
        tpu.wait_dma2 semaphore(%arg12 : memref<!tpu.dma_semaphore, #tpu.memory_space<semaphore_mem>>) src(%dma_wait3A_34 : memref<8x128xi32, #tpu.memory_space<hbm>>) dst(%arg8 : memref<8x128xi32, #tpu.memory_space<vmem>>)
        %dma_wait3A_35 = arith.constant 0 : i32
        %dma_wait3A_36 = arith.constant 0 : i32
        %dma_wait3A_37 = tpu.memref_slice %arg3[%add3A_8, %dma_wait3A_35, %dma_wait3A_36] : memref<625x8x128xi32, #tpu.memory_space<hbm>> -> memref<1x8x128xi32, #tpu.memory_space<hbm>>
        %dma_wait3A_38 = tpu.memref_squeeze %dma_wait3A_37 : memref<1x8x128xi32, #tpu.memory_space<hbm>> -> memref<8x128xi32, #tpu.memory_space<hbm>>
        %dma_wait3A_39 = arith.constant 0 : i32
        %dma_wait3A_40 = arith.constant 0 : i32
        %dma_wait3A_41 = tpu.memref_slice %arg3[%add3A_8, %dma_wait3A_39, %dma_wait3A_40] : memref<625x8x128xi32, #tpu.memory_space<hbm>> -> memref<1x8x128xi32, #tpu.memory_space<hbm>>
        %dma_wait3A_42 = tpu.memref_squeeze %dma_wait3A_41 : memref<1x8x128xi32, #tpu.memory_space<hbm>> -> memref<8x128xi32, #tpu.memory_space<hbm>>
        tpu.wait_dma2 semaphore(%arg12 : memref<!tpu.dma_semaphore, #tpu.memory_space<semaphore_mem>>) src(%dma_wait3A_42 : memref<8x128xi32, #tpu.memory_space<hbm>>) dst(%arg9 : memref<8x128xi32, #tpu.memory_space<vmem>>)
        %dma_start3A_43 = arith.constant 0 : i32
        %dma_start3A_44 = arith.constant 0 : i32
        %dma_start3A_45 = arith.constant 0 : i32
        %dma_start3A_46 = tpu.memref_slice %arg10[%dma_start3A_44, %dma_start3A_45] : memref<1024x32xf32, #tpu.memory_space<vmem>> -> memref<128x32xf32, #tpu.memory_space<vmem>>
        %dma_start3A_47 = arith.constant 0 : i32
        %dma_start3A_48 = tpu.memref_slice %arg8[%dma_start3A_43, %dma_start3A_47] : memref<8x128xi32, #tpu.memory_space<vmem>> -> memref<1x128xi32, #tpu.memory_space<vmem>>
        %dma_start3A_49 = tpu.memref_squeeze %dma_start3A_48 : memref<1x128xi32, #tpu.memory_space<vmem>> -> memref<128xi32, #tpu.memory_space<vmem>>
        %dma_start3A_50 = arith.constant 0 : i32
        %dma_start3A_51 = arith.constant 0 : i32
        %dma_start3A_52 = tpu.memref_slice %arg4[%dma_start3A_50, %dma_start3A_51] : memref<10000x32xf32, #tpu.memory_space<hbm>> -> memref<10000x32xf32, #tpu.memory_space<hbm>>
        tpu.enqueue_indirect_dma source(%dma_start3A_52 : memref<10000x32xf32, #tpu.memory_space<hbm>>) target(%dma_start3A_46 : memref<128x32xf32, #tpu.memory_space<vmem>>) offsets(%dma_start3A_49 : memref<128xi32, #tpu.memory_space<vmem>>) semaphore(%arg12 : memref<!tpu.dma_semaphore, #tpu.memory_space<semaphore_mem>>)
        %dma_start3A_53 = arith.constant 0 : i32
        %dma_start3A_54 = arith.constant 0 : i32
        %dma_start3A_55 = arith.constant 0 : i32
        %dma_start3A_56 = tpu.memref_slice %arg11[%dma_start3A_54, %dma_start3A_55] : memref<1024x32xf32, #tpu.memory_space<vmem>> -> memref<128x32xf32, #tpu.memory_space<vmem>>
        %dma_start3A_57 = arith.constant 0 : i32
        %dma_start3A_58 = tpu.memref_slice %arg9[%dma_start3A_53, %dma_start3A_57] : memref<8x128xi32, #tpu.memory_space<vmem>> -> memref<1x128xi32, #tpu.memory_space<vmem>>
        %dma_start3A_59 = tpu.memref_squeeze %dma_start3A_58 : memref<1x128xi32, #tpu.memory_space<vmem>> -> memref<128xi32, #tpu.memory_space<vmem>>
        %dma_start3A_60 = arith.constant 0 : i32
        %dma_start3A_61 = arith.constant 0 : i32
        %dma_start3A_62 = tpu.memref_slice %arg5[%dma_start3A_60, %dma_start3A_61] : memref<10000x32xf32, #tpu.memory_space<hbm>> -> memref<10000x32xf32, #tpu.memory_space<hbm>>
        tpu.enqueue_indirect_dma source(%dma_start3A_62 : memref<10000x32xf32, #tpu.memory_space<hbm>>) target(%dma_start3A_56 : memref<128x32xf32, #tpu.memory_space<vmem>>) offsets(%dma_start3A_59 : memref<128xi32, #tpu.memory_space<vmem>>) semaphore(%arg12 : memref<!tpu.dma_semaphore, #tpu.memory_space<semaphore_mem>>)
        %dma_start3A_63 = arith.constant 1 : i32
        %dma_start3A_64 = arith.constant 128 : i32
        %dma_start3A_65 = arith.constant 0 : i32
        %dma_start3A_66 = tpu.memref_slice %arg10[%dma_start3A_64, %dma_start3A_65] : memref<1024x32xf32, #tpu.memory_space<vmem>> -> memref<128x32xf32, #tpu.memory_space<vmem>>
        %dma_start3A_67 = arith.constant 0 : i32
        %dma_start3A_68 = tpu.memref_slice %arg8[%dma_start3A_63, %dma_start3A_67] : memref<8x128xi32, #tpu.memory_space<vmem>> -> memref<1x128xi32, #tpu.memory_space<vmem>>
        %dma_start3A_69 = tpu.memref_squeeze %dma_start3A_68 : memref<1x128xi32, #tpu.memory_space<vmem>> -> memref<128xi32, #tpu.memory_space<vmem>>
        %dma_start3A_70 = arith.constant 0 : i32
        %dma_start3A_71 = arith.constant 0 : i32
        %dma_start3A_72 = tpu.memref_slice %arg4[%dma_start3A_70, %dma_start3A_71] : memref<10000x32xf32, #tpu.memory_space<hbm>> -> memref<10000x32xf32, #tpu.memory_space<hbm>>
        tpu.enqueue_indirect_dma source(%dma_start3A_72 : memref<10000x32xf32, #tpu.memory_space<hbm>>) target(%dma_start3A_66 : memref<128x32xf32, #tpu.memory_space<vmem>>) offsets(%dma_start3A_69 : memref<128xi32, #tpu.memory_space<vmem>>) semaphore(%arg12 : memref<!tpu.dma_semaphore, #tpu.memory_space<semaphore_mem>>)
        %dma_start3A_73 = arith.constant 1 : i32
        %dma_start3A_74 = arith.constant 128 : i32
        %dma_start3A_75 = arith.constant 0 : i32
        %dma_start3A_76 = tpu.memref_slice %arg11[%dma_start3A_74, %dma_start3A_75] : memref<1024x32xf32, #tpu.memory_space<vmem>> -> memref<128x32xf32, #tpu.memory_space<vmem>>
        %dma_start3A_77 = arith.constant 0 : i32
        %dma_start3A_78 = tpu.memref_slice %arg9[%dma_start3A_73, %dma_start3A_77] : memref<8x128xi32, #tpu.memory_space<vmem>> -> memref<1x128xi32, #tpu.memory_space<vmem>>
        %dma_start3A_79 = tpu.memref_squeeze %dma_start3A_78 : memref<1x128xi32, #tpu.memory_space<vmem>> -> memref<128xi32, #tpu.memory_space<vmem>>
        %dma_start3A_80 = arith.constant 0 : i32
        %dma_start3A_81 = arith.constant 0 : i32
        %dma_start3A_82 = tpu.memref_slice %arg5[%dma_start3A_80, %dma_start3A_81] : memref<10000x32xf32, #tpu.memory_space<hbm>> -> memref<10000x32xf32, #tpu.memory_space<hbm>>
        tpu.enqueue_indirect_dma source(%dma_start3A_82 : memref<10000x32xf32, #tpu.memory_space<hbm>>) target(%dma_start3A_76 : memref<128x32xf32, #tpu.memory_space<vmem>>) offsets(%dma_start3A_79 : memref<128xi32, #tpu.memory_space<vmem>>) semaphore(%arg12 : memref<!tpu.dma_semaphore, #tpu.memory_space<semaphore_mem>>)
        %dma_start3A_83 = arith.constant 2 : i32
        %dma_start3A_84 = arith.constant 256 : i32
        %dma_start3A_85 = arith.constant 0 : i32
        %dma_start3A_86 = tpu.memref_slice %arg10[%dma_start3A_84, %dma_start3A_85] : memref<1024x32xf32, #tpu.memory_space<vmem>> -> memref<128x32xf32, #tpu.memory_space<vmem>>
        %dma_start3A_87 = arith.constant 0 : i32
        %dma_start3A_88 = tpu.memref_slice %arg8[%dma_start3A_83, %dma_start3A_87] : memref<8x128xi32, #tpu.memory_space<vmem>> -> memref<1x128xi32, #tpu.memory_space<vmem>>
        %dma_start3A_89 = tpu.memref_squeeze %dma_start3A_88 : memref<1x128xi32, #tpu.memory_space<vmem>> -> memref<128xi32, #tpu.memory_space<vmem>>
        %dma_start3A_90 = arith.constant 0 : i32
        %dma_start3A_91 = arith.constant 0 : i32
        %dma_start3A_92 = tpu.memref_slice %arg4[%dma_start3A_90, %dma_start3A_91] : memref<10000x32xf32, #tpu.memory_space<hbm>> -> memref<10000x32xf32, #tpu.memory_space<hbm>>
        tpu.enqueue_indirect_dma source(%dma_start3A_92 : memref<10000x32xf32, #tpu.memory_space<hbm>>) target(%dma_start3A_86 : memref<128x32xf32, #tpu.memory_space<vmem>>) offsets(%dma_start3A_89 : memref<128xi32, #tpu.memory_space<vmem>>) semaphore(%arg12 : memref<!tpu.dma_semaphore, #tpu.memory_space<semaphore_mem>>)
        %dma_start3A_93 = arith.constant 2 : i32
        %dma_start3A_94 = arith.constant 256 : i32
        %dma_start3A_95 = arith.constant 0 : i32
        %dma_start3A_96 = tpu.memref_slice %arg11[%dma_start3A_94, %dma_start3A_95] : memref<1024x32xf32, #tpu.memory_space<vmem>> -> memref<128x32xf32, #tpu.memory_space<vmem>>
        %dma_start3A_97 = arith.constant 0 : i32
        %dma_start3A_98 = tpu.memref_slice %arg9[%dma_start3A_93, %dma_start3A_97] : memref<8x128xi32, #tpu.memory_space<vmem>> -> memref<1x128xi32, #tpu.memory_space<vmem>>
        %dma_start3A_99 = tpu.memref_squeeze %dma_start3A_98 : memref<1x128xi32, #tpu.memory_space<vmem>> -> memref<128xi32, #tpu.memory_space<vmem>>
        %dma_start3A_100 = arith.constant 0 : i32
        %dma_start3A_101 = arith.constant 0 : i32
        %dma_start3A_102 = tpu.memref_slice %arg5[%dma_start3A_100, %dma_start3A_101] : memref<10000x32xf32, #tpu.memory_space<hbm>> -> memref<10000x32xf32, #tpu.memory_space<hbm>>
        tpu.enqueue_indirect_dma source(%dma_start3A_102 : memref<10000x32xf32, #tpu.memory_space<hbm>>) target(%dma_start3A_96 : memref<128x32xf32, #tpu.memory_space<vmem>>) offsets(%dma_start3A_99 : memref<128xi32, #tpu.memory_space<vmem>>) semaphore(%arg12 : memref<!tpu.dma_semaphore, #tpu.memory_space<semaphore_mem>>)
        %dma_start3A_103 = arith.constant 3 : i32
        %dma_start3A_104 = arith.constant 384 : i32
        %dma_start3A_105 = arith.constant 0 : i32
        %dma_start3A_106 = tpu.memref_slice %arg10[%dma_start3A_104, %dma_start3A_105] : memref<1024x32xf32, #tpu.memory_space<vmem>> -> memref<128x32xf32, #tpu.memory_space<vmem>>
        %dma_start3A_107 = arith.constant 0 : i32
        %dma_start3A_108 = tpu.memref_slice %arg8[%dma_start3A_103, %dma_start3A_107] : memref<8x128xi32, #tpu.memory_space<vmem>> -> memref<1x128xi32, #tpu.memory_space<vmem>>
        %dma_start3A_109 = tpu.memref_squeeze %dma_start3A_108 : memref<1x128xi32, #tpu.memory_space<vmem>> -> memref<128xi32, #tpu.memory_space<vmem>>
        %dma_start3A_110 = arith.constant 0 : i32
        %dma_start3A_111 = arith.constant 0 : i32
        %dma_start3A_112 = tpu.memref_slice %arg4[%dma_start3A_110, %dma_start3A_111] : memref<10000x32xf32, #tpu.memory_space<hbm>> -> memref<10000x32xf32, #tpu.memory_space<hbm>>
        tpu.enqueue_indirect_dma source(%dma_start3A_112 : memref<10000x32xf32, #tpu.memory_space<hbm>>) target(%dma_start3A_106 : memref<128x32xf32, #tpu.memory_space<vmem>>) offsets(%dma_start3A_109 : memref<128xi32, #tpu.memory_space<vmem>>) semaphore(%arg12 : memref<!tpu.dma_semaphore, #tpu.memory_space<semaphore_mem>>)
        %dma_start3A_113 = arith.constant 3 : i32
        %dma_start3A_114 = arith.constant 384 : i32
        %dma_start3A_115 = arith.constant 0 : i32
        %dma_start3A_116 = tpu.memref_slice %arg11[%dma_start3A_114, %dma_start3A_115] : memref<1024x32xf32, #tpu.memory_space<vmem>> -> memref<128x32xf32, #tpu.memory_space<vmem>>
        %dma_start3A_117 = arith.constant 0 : i32
        %dma_start3A_118 = tpu.memref_slice %arg9[%dma_start3A_113, %dma_start3A_117] : memref<8x128xi32, #tpu.memory_space<vmem>> -> memref<1x128xi32, #tpu.memory_space<vmem>>
        %dma_start3A_119 = tpu.memref_squeeze %dma_start3A_118 : memref<1x128xi32, #tpu.memory_space<vmem>> -> memref<128xi32, #tpu.memory_space<vmem>>
        %dma_start3A_120 = arith.constant 0 : i32
        %dma_start3A_121 = arith.constant 0 : i32
        %dma_start3A_122 = tpu.memref_slice %arg5[%dma_start3A_120, %dma_start3A_121] : memref<10000x32xf32, #tpu.memory_space<hbm>> -> memref<10000x32xf32, #tpu.memory_space<hbm>>
        tpu.enqueue_indirect_dma source(%dma_start3A_122 : memref<10000x32xf32, #tpu.memory_space<hbm>>) target(%dma_start3A_116 : memref<128x32xf32, #tpu.memory_space<vmem>>) offsets(%dma_start3A_119 : memref<128xi32, #tpu.memory_space<vmem>>) semaphore(%arg12 : memref<!tpu.dma_semaphore, #tpu.memory_space<semaphore_mem>>)
        %dma_start3A_123 = arith.constant 4 : i32
        %dma_start3A_124 = arith.constant 512 : i32
        %dma_start3A_125 = arith.constant 0 : i32
        %dma_start3A_126 = tpu.memref_slice %arg10[%dma_start3A_124, %dma_start3A_125] : memref<1024x32xf32, #tpu.memory_space<vmem>> -> memref<128x32xf32, #tpu.memory_space<vmem>>
        %dma_start3A_127 = arith.constant 0 : i32
        %dma_start3A_128 = tpu.memref_slice %arg8[%dma_start3A_123, %dma_start3A_127] : memref<8x128xi32, #tpu.memory_space<vmem>> -> memref<1x128xi32, #tpu.memory_space<vmem>>
        %dma_start3A_129 = tpu.memref_squeeze %dma_start3A_128 : memref<1x128xi32, #tpu.memory_space<vmem>> -> memref<128xi32, #tpu.memory_space<vmem>>
        %dma_start3A_130 = arith.constant 0 : i32
        %dma_start3A_131 = arith.constant 0 : i32
        %dma_start3A_132 = tpu.memref_slice %arg4[%dma_start3A_130, %dma_start3A_131] : memref<10000x32xf32, #tpu.memory_space<hbm>> -> memref<10000x32xf32, #tpu.memory_space<hbm>>
        tpu.enqueue_indirect_dma source(%dma_start3A_132 : memref<10000x32xf32, #tpu.memory_space<hbm>>) target(%dma_start3A_126 : memref<128x32xf32, #tpu.memory_space<vmem>>) offsets(%dma_start3A_129 : memref<128xi32, #tpu.memory_space<vmem>>) semaphore(%arg12 : memref<!tpu.dma_semaphore, #tpu.memory_space<semaphore_mem>>)
        %dma_start3A_133 = arith.constant 4 : i32
        %dma_start3A_134 = arith.constant 512 : i32
        %dma_start3A_135 = arith.constant 0 : i32
        %dma_start3A_136 = tpu.memref_slice %arg11[%dma_start3A_134, %dma_start3A_135] : memref<1024x32xf32, #tpu.memory_space<vmem>> -> memref<128x32xf32, #tpu.memory_space<vmem>>
        %dma_start3A_137 = arith.constant 0 : i32
        %dma_start3A_138 = tpu.memref_slice %arg9[%dma_start3A_133, %dma_start3A_137] : memref<8x128xi32, #tpu.memory_space<vmem>> -> memref<1x128xi32, #tpu.memory_space<vmem>>
        %dma_start3A_139 = tpu.memref_squeeze %dma_start3A_138 : memref<1x128xi32, #tpu.memory_space<vmem>> -> memref<128xi32, #tpu.memory_space<vmem>>
        %dma_start3A_140 = arith.constant 0 : i32
        %dma_start3A_141 = arith.constant 0 : i32
        %dma_start3A_142 = tpu.memref_slice %arg5[%dma_start3A_140, %dma_start3A_141] : memref<10000x32xf32, #tpu.memory_space<hbm>> -> memref<10000x32xf32, #tpu.memory_space<hbm>>
        tpu.enqueue_indirect_dma source(%dma_start3A_142 : memref<10000x32xf32, #tpu.memory_space<hbm>>) target(%dma_start3A_136 : memref<128x32xf32, #tpu.memory_space<vmem>>) offsets(%dma_start3A_139 : memref<128xi32, #tpu.memory_space<vmem>>) semaphore(%arg12 : memref<!tpu.dma_semaphore, #tpu.memory_space<semaphore_mem>>)
        %dma_start3A_143 = arith.constant 5 : i32
        %dma_start3A_144 = arith.constant 640 : i32
        %dma_start3A_145 = arith.constant 0 : i32
        %dma_start3A_146 = tpu.memref_slice %arg10[%dma_start3A_144, %dma_start3A_145] : memref<1024x32xf32, #tpu.memory_space<vmem>> -> memref<128x32xf32, #tpu.memory_space<vmem>>
        %dma_start3A_147 = arith.constant 0 : i32
        %dma_start3A_148 = tpu.memref_slice %arg8[%dma_start3A_143, %dma_start3A_147] : memref<8x128xi32, #tpu.memory_space<vmem>> -> memref<1x128xi32, #tpu.memory_space<vmem>>
        %dma_start3A_149 = tpu.memref_squeeze %dma_start3A_148 : memref<1x128xi32, #tpu.memory_space<vmem>> -> memref<128xi32, #tpu.memory_space<vmem>>
        %dma_start3A_150 = arith.constant 0 : i32
        %dma_start3A_151 = arith.constant 0 : i32
        %dma_start3A_152 = tpu.memref_slice %arg4[%dma_start3A_150, %dma_start3A_151] : memref<10000x32xf32, #tpu.memory_space<hbm>> -> memref<10000x32xf32, #tpu.memory_space<hbm>>
        tpu.enqueue_indirect_dma source(%dma_start3A_152 : memref<10000x32xf32, #tpu.memory_space<hbm>>) target(%dma_start3A_146 : memref<128x32xf32, #tpu.memory_space<vmem>>) offsets(%dma_start3A_149 : memref<128xi32, #tpu.memory_space<vmem>>) semaphore(%arg12 : memref<!tpu.dma_semaphore, #tpu.memory_space<semaphore_mem>>)
        %dma_start3A_153 = arith.constant 5 : i32
        %dma_start3A_154 = arith.constant 640 : i32
        %dma_start3A_155 = arith.constant 0 : i32
        %dma_start3A_156 = tpu.memref_slice %arg11[%dma_start3A_154, %dma_start3A_155] : memref<1024x32xf32, #tpu.memory_space<vmem>> -> memref<128x32xf32, #tpu.memory_space<vmem>>
        %dma_start3A_157 = arith.constant 0 : i32
        %dma_start3A_158 = tpu.memref_slice %arg9[%dma_start3A_153, %dma_start3A_157] : memref<8x128xi32, #tpu.memory_space<vmem>> -> memref<1x128xi32, #tpu.memory_space<vmem>>
        %dma_start3A_159 = tpu.memref_squeeze %dma_start3A_158 : memref<1x128xi32, #tpu.memory_space<vmem>> -> memref<128xi32, #tpu.memory_space<vmem>>
        %dma_start3A_160 = arith.constant 0 : i32
        %dma_start3A_161 = arith.constant 0 : i32
        %dma_start3A_162 = tpu.memref_slice %arg5[%dma_start3A_160, %dma_start3A_161] : memref<10000x32xf32, #tpu.memory_space<hbm>> -> memref<10000x32xf32, #tpu.memory_space<hbm>>
        tpu.enqueue_indirect_dma source(%dma_start3A_162 : memref<10000x32xf32, #tpu.memory_space<hbm>>) target(%dma_start3A_156 : memref<128x32xf32, #tpu.memory_space<vmem>>) offsets(%dma_start3A_159 : memref<128xi32, #tpu.memory_space<vmem>>) semaphore(%arg12 : memref<!tpu.dma_semaphore, #tpu.memory_space<semaphore_mem>>)
        %dma_start3A_163 = arith.constant 6 : i32
        %dma_start3A_164 = arith.constant 768 : i32
        %dma_start3A_165 = arith.constant 0 : i32
        %dma_start3A_166 = tpu.memref_slice %arg10[%dma_start3A_164, %dma_start3A_165] : memref<1024x32xf32, #tpu.memory_space<vmem>> -> memref<128x32xf32, #tpu.memory_space<vmem>>
        %dma_start3A_167 = arith.constant 0 : i32
        %dma_start3A_168 = tpu.memref_slice %arg8[%dma_start3A_163, %dma_start3A_167] : memref<8x128xi32, #tpu.memory_space<vmem>> -> memref<1x128xi32, #tpu.memory_space<vmem>>
        %dma_start3A_169 = tpu.memref_squeeze %dma_start3A_168 : memref<1x128xi32, #tpu.memory_space<vmem>> -> memref<128xi32, #tpu.memory_space<vmem>>
        %dma_start3A_170 = arith.constant 0 : i32
        %dma_start3A_171 = arith.constant 0 : i32
        %dma_start3A_172 = tpu.memref_slice %arg4[%dma_start3A_170, %dma_start3A_171] : memref<10000x32xf32, #tpu.memory_space<hbm>> -> memref<10000x32xf32, #tpu.memory_space<hbm>>
        tpu.enqueue_indirect_dma source(%dma_start3A_172 : memref<10000x32xf32, #tpu.memory_space<hbm>>) target(%dma_start3A_166 : memref<128x32xf32, #tpu.memory_space<vmem>>) offsets(%dma_start3A_169 : memref<128xi32, #tpu.memory_space<vmem>>) semaphore(%arg12 : memref<!tpu.dma_semaphore, #tpu.memory_space<semaphore_mem>>)
        %dma_start3A_173 = arith.constant 6 : i32
        %dma_start3A_174 = arith.constant 768 : i32
        %dma_start3A_175 = arith.constant 0 : i32
        %dma_start3A_176 = tpu.memref_slice %arg11[%dma_start3A_174, %dma_start3A_175] : memref<1024x32xf32, #tpu.memory_space<vmem>> -> memref<128x32xf32, #tpu.memory_space<vmem>>
        %dma_start3A_177 = arith.constant 0 : i32
        %dma_start3A_178 = tpu.memref_slice %arg9[%dma_start3A_173, %dma_start3A_177] : memref<8x128xi32, #tpu.memory_space<vmem>> -> memref<1x128xi32, #tpu.memory_space<vmem>>
        %dma_start3A_179 = tpu.memref_squeeze %dma_start3A_178 : memref<1x128xi32, #tpu.memory_space<vmem>> -> memref<128xi32, #tpu.memory_space<vmem>>
        %dma_start3A_180 = arith.constant 0 : i32
        %dma_start3A_181 = arith.constant 0 : i32
        %dma_start3A_182 = tpu.memref_slice %arg5[%dma_start3A_180, %dma_start3A_181] : memref<10000x32xf32, #tpu.memory_space<hbm>> -> memref<10000x32xf32, #tpu.memory_space<hbm>>
        tpu.enqueue_indirect_dma source(%dma_start3A_182 : memref<10000x32xf32, #tpu.memory_space<hbm>>) target(%dma_start3A_176 : memref<128x32xf32, #tpu.memory_space<vmem>>) offsets(%dma_start3A_179 : memref<128xi32, #tpu.memory_space<vmem>>) semaphore(%arg12 : memref<!tpu.dma_semaphore, #tpu.memory_space<semaphore_mem>>)
        %dma_start3A_183 = arith.constant 7 : i32
        %dma_start3A_184 = arith.constant 896 : i32
        %dma_start3A_185 = arith.constant 0 : i32
        %dma_start3A_186 = tpu.memref_slice %arg10[%dma_start3A_184, %dma_start3A_185] : memref<1024x32xf32, #tpu.memory_space<vmem>> -> memref<128x32xf32, #tpu.memory_space<vmem>>
        %dma_start3A_187 = arith.constant 0 : i32
        %dma_start3A_188 = tpu.memref_slice %arg8[%dma_start3A_183, %dma_start3A_187] : memref<8x128xi32, #tpu.memory_space<vmem>> -> memref<1x128xi32, #tpu.memory_space<vmem>>
        %dma_start3A_189 = tpu.memref_squeeze %dma_start3A_188 : memref<1x128xi32, #tpu.memory_space<vmem>> -> memref<128xi32, #tpu.memory_space<vmem>>
        %dma_start3A_190 = arith.constant 0 : i32
        %dma_start3A_191 = arith.constant 0 : i32
        %dma_start3A_192 = tpu.memref_slice %arg4[%dma_start3A_190, %dma_start3A_191] : memref<10000x32xf32, #tpu.memory_space<hbm>> -> memref<10000x32xf32, #tpu.memory_space<hbm>>
        tpu.enqueue_indirect_dma source(%dma_start3A_192 : memref<10000x32xf32, #tpu.memory_space<hbm>>) target(%dma_start3A_186 : memref<128x32xf32, #tpu.memory_space<vmem>>) offsets(%dma_start3A_189 : memref<128xi32, #tpu.memory_space<vmem>>) semaphore(%arg12 : memref<!tpu.dma_semaphore, #tpu.memory_space<semaphore_mem>>)
        %dma_start3A_193 = arith.constant 7 : i32
        %dma_start3A_194 = arith.constant 896 : i32
        %dma_start3A_195 = arith.constant 0 : i32
        %dma_start3A_196 = tpu.memref_slice %arg11[%dma_start3A_194, %dma_start3A_195] : memref<1024x32xf32, #tpu.memory_space<vmem>> -> memref<128x32xf32, #tpu.memory_space<vmem>>
        %dma_start3A_197 = arith.constant 0 : i32
        %dma_start3A_198 = tpu.memref_slice %arg9[%dma_start3A_193, %dma_start3A_197] : memref<8x128xi32, #tpu.memory_space<vmem>> -> memref<1x128xi32, #tpu.memory_space<vmem>>
        %dma_start3A_199 = tpu.memref_squeeze %dma_start3A_198 : memref<1x128xi32, #tpu.memory_space<vmem>> -> memref<128xi32, #tpu.memory_space<vmem>>
        %dma_start3A_200 = arith.constant 0 : i32
        %dma_start3A_201 = arith.constant 0 : i32
        %dma_start3A_202 = tpu.memref_slice %arg5[%dma_start3A_200, %dma_start3A_201] : memref<10000x32xf32, #tpu.memory_space<hbm>> -> memref<10000x32xf32, #tpu.memory_space<hbm>>
        tpu.enqueue_indirect_dma source(%dma_start3A_202 : memref<10000x32xf32, #tpu.memory_space<hbm>>) target(%dma_start3A_196 : memref<128x32xf32, #tpu.memory_space<vmem>>) offsets(%dma_start3A_199 : memref<128xi32, #tpu.memory_space<vmem>>) semaphore(%arg12 : memref<!tpu.dma_semaphore, #tpu.memory_space<semaphore_mem>>)
        %dma_wait3A_203 = arith.constant 0 : i32
        %dma_wait3A_204 = arith.constant 0 : i32
        %dma_wait3A_205 = arith.constant 0 : i32
        %dma_wait3A_206 = tpu.memref_slice %arg10[%dma_wait3A_204, %dma_wait3A_205] : memref<1024x32xf32, #tpu.memory_space<vmem>> -> memref<128x32xf32, #tpu.memory_space<vmem>>
        %dma_wait3A_207 = arith.constant 0 : i32
        %dma_wait3A_208 = tpu.memref_slice %arg8[%dma_wait3A_203, %dma_wait3A_207] : memref<8x128xi32, #tpu.memory_space<vmem>> -> memref<1x128xi32, #tpu.memory_space<vmem>>
        %dma_wait3A_209 = tpu.memref_squeeze %dma_wait3A_208 : memref<1x128xi32, #tpu.memory_space<vmem>> -> memref<128xi32, #tpu.memory_space<vmem>>
        %dma_wait3A_210 = arith.constant 0 : i32
        %dma_wait3A_211 = arith.constant 0 : i32
        %dma_wait3A_212 = tpu.memref_slice %arg4[%dma_wait3A_210, %dma_wait3A_211] : memref<10000x32xf32, #tpu.memory_space<hbm>> -> memref<10000x32xf32, #tpu.memory_space<hbm>>
        tpu.wait_indirect_dma semaphore(%arg12 : memref<!tpu.dma_semaphore, #tpu.memory_space<semaphore_mem>>) src(%dma_wait3A_212 : memref<10000x32xf32, #tpu.memory_space<hbm>>) dst(%dma_wait3A_206 : memref<128x32xf32, #tpu.memory_space<vmem>>)
        %dma_wait3A_213 = arith.constant 0 : i32
        %dma_wait3A_214 = arith.constant 0 : i32
        %dma_wait3A_215 = arith.constant 0 : i32
        %dma_wait3A_216 = tpu.memref_slice %arg11[%dma_wait3A_214, %dma_wait3A_215] : memref<1024x32xf32, #tpu.memory_space<vmem>> -> memref<128x32xf32, #tpu.memory_space<vmem>>
        %dma_wait3A_217 = arith.constant 0 : i32
        %dma_wait3A_218 = tpu.memref_slice %arg9[%dma_wait3A_213, %dma_wait3A_217] : memref<8x128xi32, #tpu.memory_space<vmem>> -> memref<1x128xi32, #tpu.memory_space<vmem>>
        %dma_wait3A_219 = tpu.memref_squeeze %dma_wait3A_218 : memref<1x128xi32, #tpu.memory_space<vmem>> -> memref<128xi32, #tpu.memory_space<vmem>>
        %dma_wait3A_220 = arith.constant 0 : i32
        %dma_wait3A_221 = arith.constant 0 : i32
        %dma_wait3A_222 = tpu.memref_slice %arg5[%dma_wait3A_220, %dma_wait3A_221] : memref<10000x32xf32, #tpu.memory_space<hbm>> -> memref<10000x32xf32, #tpu.memory_space<hbm>>
        tpu.wait_indirect_dma semaphore(%arg12 : memref<!tpu.dma_semaphore, #tpu.memory_space<semaphore_mem>>) src(%dma_wait3A_222 : memref<10000x32xf32, #tpu.memory_space<hbm>>) dst(%dma_wait3A_216 : memref<128x32xf32, #tpu.memory_space<vmem>>)
        %dma_wait3A_223 = arith.constant 1 : i32
        %dma_wait3A_224 = arith.constant 128 : i32
        %dma_wait3A_225 = arith.constant 0 : i32
        %dma_wait3A_226 = tpu.memref_slice %arg10[%dma_wait3A_224, %dma_wait3A_225] : memref<1024x32xf32, #tpu.memory_space<vmem>> -> memref<128x32xf32, #tpu.memory_space<vmem>>
        %dma_wait3A_227 = arith.constant 0 : i32
        %dma_wait3A_228 = tpu.memref_slice %arg8[%dma_wait3A_223, %dma_wait3A_227] : memref<8x128xi32, #tpu.memory_space<vmem>> -> memref<1x128xi32, #tpu.memory_space<vmem>>
        %dma_wait3A_229 = tpu.memref_squeeze %dma_wait3A_228 : memref<1x128xi32, #tpu.memory_space<vmem>> -> memref<128xi32, #tpu.memory_space<vmem>>
        %dma_wait3A_230 = arith.constant 0 : i32
        %dma_wait3A_231 = arith.constant 0 : i32
        %dma_wait3A_232 = tpu.memref_slice %arg4[%dma_wait3A_230, %dma_wait3A_231] : memref<10000x32xf32, #tpu.memory_space<hbm>> -> memref<10000x32xf32, #tpu.memory_space<hbm>>
        tpu.wait_indirect_dma semaphore(%arg12 : memref<!tpu.dma_semaphore, #tpu.memory_space<semaphore_mem>>) src(%dma_wait3A_232 : memref<10000x32xf32, #tpu.memory_space<hbm>>) dst(%dma_wait3A_226 : memref<128x32xf32, #tpu.memory_space<vmem>>)
        %dma_wait3A_233 = arith.constant 1 : i32
        %dma_wait3A_234 = arith.constant 128 : i32
        %dma_wait3A_235 = arith.constant 0 : i32
        %dma_wait3A_236 = tpu.memref_slice %arg11[%dma_wait3A_234, %dma_wait3A_235] : memref<1024x32xf32, #tpu.memory_space<vmem>> -> memref<128x32xf32, #tpu.memory_space<vmem>>
        %dma_wait3A_237 = arith.constant 0 : i32
        %dma_wait3A_238 = tpu.memref_slice %arg9[%dma_wait3A_233, %dma_wait3A_237] : memref<8x128xi32, #tpu.memory_space<vmem>> -> memref<1x128xi32, #tpu.memory_space<vmem>>
        %dma_wait3A_239 = tpu.memref_squeeze %dma_wait3A_238 : memref<1x128xi32, #tpu.memory_space<vmem>> -> memref<128xi32, #tpu.memory_space<vmem>>
        %dma_wait3A_240 = arith.constant 0 : i32
        %dma_wait3A_241 = arith.constant 0 : i32
        %dma_wait3A_242 = tpu.memref_slice %arg5[%dma_wait3A_240, %dma_wait3A_241] : memref<10000x32xf32, #tpu.memory_space<hbm>> -> memref<10000x32xf32, #tpu.memory_space<hbm>>
        tpu.wait_indirect_dma semaphore(%arg12 : memref<!tpu.dma_semaphore, #tpu.memory_space<semaphore_mem>>) src(%dma_wait3A_242 : memref<10000x32xf32, #tpu.memory_space<hbm>>) dst(%dma_wait3A_236 : memref<128x32xf32, #tpu.memory_space<vmem>>)
        %dma_wait3A_243 = arith.constant 2 : i32
        %dma_wait3A_244 = arith.constant 256 : i32
        %dma_wait3A_245 = arith.constant 0 : i32
        %dma_wait3A_246 = tpu.memref_slice %arg10[%dma_wait3A_244, %dma_wait3A_245] : memref<1024x32xf32, #tpu.memory_space<vmem>> -> memref<128x32xf32, #tpu.memory_space<vmem>>
        %dma_wait3A_247 = arith.constant 0 : i32
        %dma_wait3A_248 = tpu.memref_slice %arg8[%dma_wait3A_243, %dma_wait3A_247] : memref<8x128xi32, #tpu.memory_space<vmem>> -> memref<1x128xi32, #tpu.memory_space<vmem>>
        %dma_wait3A_249 = tpu.memref_squeeze %dma_wait3A_248 : memref<1x128xi32, #tpu.memory_space<vmem>> -> memref<128xi32, #tpu.memory_space<vmem>>
        %dma_wait3A_250 = arith.constant 0 : i32
        %dma_wait3A_251 = arith.constant 0 : i32
        %dma_wait3A_252 = tpu.memref_slice %arg4[%dma_wait3A_250, %dma_wait3A_251] : memref<10000x32xf32, #tpu.memory_space<hbm>> -> memref<10000x32xf32, #tpu.memory_space<hbm>>
        tpu.wait_indirect_dma semaphore(%arg12 : memref<!tpu.dma_semaphore, #tpu.memory_space<semaphore_mem>>) src(%dma_wait3A_252 : memref<10000x32xf32, #tpu.memory_space<hbm>>) dst(%dma_wait3A_246 : memref<128x32xf32, #tpu.memory_space<vmem>>)
        %dma_wait3A_253 = arith.constant 2 : i32
        %dma_wait3A_254 = arith.constant 256 : i32
        %dma_wait3A_255 = arith.constant 0 : i32
        %dma_wait3A_256 = tpu.memref_slice %arg11[%dma_wait3A_254, %dma_wait3A_255] : memref<1024x32xf32, #tpu.memory_space<vmem>> -> memref<128x32xf32, #tpu.memory_space<vmem>>
        %dma_wait3A_257 = arith.constant 0 : i32
        %dma_wait3A_258 = tpu.memref_slice %arg9[%dma_wait3A_253, %dma_wait3A_257] : memref<8x128xi32, #tpu.memory_space<vmem>> -> memref<1x128xi32, #tpu.memory_space<vmem>>
        %dma_wait3A_259 = tpu.memref_squeeze %dma_wait3A_258 : memref<1x128xi32, #tpu.memory_space<vmem>> -> memref<128xi32, #tpu.memory_space<vmem>>
        %dma_wait3A_260 = arith.constant 0 : i32
        %dma_wait3A_261 = arith.constant 0 : i32
        %dma_wait3A_262 = tpu.memref_slice %arg5[%dma_wait3A_260, %dma_wait3A_261] : memref<10000x32xf32, #tpu.memory_space<hbm>> -> memref<10000x32xf32, #tpu.memory_space<hbm>>
        tpu.wait_indirect_dma semaphore(%arg12 : memref<!tpu.dma_semaphore, #tpu.memory_space<semaphore_mem>>) src(%dma_wait3A_262 : memref<10000x32xf32, #tpu.memory_space<hbm>>) dst(%dma_wait3A_256 : memref<128x32xf32, #tpu.memory_space<vmem>>)
        %dma_wait3A_263 = arith.constant 3 : i32
        %dma_wait3A_264 = arith.constant 384 : i32
        %dma_wait3A_265 = arith.constant 0 : i32
        %dma_wait3A_266 = tpu.memref_slice %arg10[%dma_wait3A_264, %dma_wait3A_265] : memref<1024x32xf32, #tpu.memory_space<vmem>> -> memref<128x32xf32, #tpu.memory_space<vmem>>
        %dma_wait3A_267 = arith.constant 0 : i32
        %dma_wait3A_268 = tpu.memref_slice %arg8[%dma_wait3A_263, %dma_wait3A_267] : memref<8x128xi32, #tpu.memory_space<vmem>> -> memref<1x128xi32, #tpu.memory_space<vmem>>
        %dma_wait3A_269 = tpu.memref_squeeze %dma_wait3A_268 : memref<1x128xi32, #tpu.memory_space<vmem>> -> memref<128xi32, #tpu.memory_space<vmem>>
        %dma_wait3A_270 = arith.constant 0 : i32
        %dma_wait3A_271 = arith.constant 0 : i32
        %dma_wait3A_272 = tpu.memref_slice %arg4[%dma_wait3A_270, %dma_wait3A_271] : memref<10000x32xf32, #tpu.memory_space<hbm>> -> memref<10000x32xf32, #tpu.memory_space<hbm>>
        tpu.wait_indirect_dma semaphore(%arg12 : memref<!tpu.dma_semaphore, #tpu.memory_space<semaphore_mem>>) src(%dma_wait3A_272 : memref<10000x32xf32, #tpu.memory_space<hbm>>) dst(%dma_wait3A_266 : memref<128x32xf32, #tpu.memory_space<vmem>>)
        %dma_wait3A_273 = arith.constant 3 : i32
        %dma_wait3A_274 = arith.constant 384 : i32
        %dma_wait3A_275 = arith.constant 0 : i32
        %dma_wait3A_276 = tpu.memref_slice %arg11[%dma_wait3A_274, %dma_wait3A_275] : memref<1024x32xf32, #tpu.memory_space<vmem>> -> memref<128x32xf32, #tpu.memory_space<vmem>>
        %dma_wait3A_277 = arith.constant 0 : i32
        %dma_wait3A_278 = tpu.memref_slice %arg9[%dma_wait3A_273, %dma_wait3A_277] : memref<8x128xi32, #tpu.memory_space<vmem>> -> memref<1x128xi32, #tpu.memory_space<vmem>>
        %dma_wait3A_279 = tpu.memref_squeeze %dma_wait3A_278 : memref<1x128xi32, #tpu.memory_space<vmem>> -> memref<128xi32, #tpu.memory_space<vmem>>
        %dma_wait3A_280 = arith.constant 0 : i32
        %dma_wait3A_281 = arith.constant 0 : i32
        %dma_wait3A_282 = tpu.memref_slice %arg5[%dma_wait3A_280, %dma_wait3A_281] : memref<10000x32xf32, #tpu.memory_space<hbm>> -> memref<10000x32xf32, #tpu.memory_space<hbm>>
        tpu.wait_indirect_dma semaphore(%arg12 : memref<!tpu.dma_semaphore, #tpu.memory_space<semaphore_mem>>) src(%dma_wait3A_282 : memref<10000x32xf32, #tpu.memory_space<hbm>>) dst(%dma_wait3A_276 : memref<128x32xf32, #tpu.memory_space<vmem>>)
        %dma_wait3A_283 = arith.constant 4 : i32
        %dma_wait3A_284 = arith.constant 512 : i32
        %dma_wait3A_285 = arith.constant 0 : i32
        %dma_wait3A_286 = tpu.memref_slice %arg10[%dma_wait3A_284, %dma_wait3A_285] : memref<1024x32xf32, #tpu.memory_space<vmem>> -> memref<128x32xf32, #tpu.memory_space<vmem>>
        %dma_wait3A_287 = arith.constant 0 : i32
        %dma_wait3A_288 = tpu.memref_slice %arg8[%dma_wait3A_283, %dma_wait3A_287] : memref<8x128xi32, #tpu.memory_space<vmem>> -> memref<1x128xi32, #tpu.memory_space<vmem>>
        %dma_wait3A_289 = tpu.memref_squeeze %dma_wait3A_288 : memref<1x128xi32, #tpu.memory_space<vmem>> -> memref<128xi32, #tpu.memory_space<vmem>>
        %dma_wait3A_290 = arith.constant 0 : i32
        %dma_wait3A_291 = arith.constant 0 : i32
        %dma_wait3A_292 = tpu.memref_slice %arg4[%dma_wait3A_290, %dma_wait3A_291] : memref<10000x32xf32, #tpu.memory_space<hbm>> -> memref<10000x32xf32, #tpu.memory_space<hbm>>
        tpu.wait_indirect_dma semaphore(%arg12 : memref<!tpu.dma_semaphore, #tpu.memory_space<semaphore_mem>>) src(%dma_wait3A_292 : memref<10000x32xf32, #tpu.memory_space<hbm>>) dst(%dma_wait3A_286 : memref<128x32xf32, #tpu.memory_space<vmem>>)
        %dma_wait3A_293 = arith.constant 4 : i32
        %dma_wait3A_294 = arith.constant 512 : i32
        %dma_wait3A_295 = arith.constant 0 : i32
        %dma_wait3A_296 = tpu.memref_slice %arg11[%dma_wait3A_294, %dma_wait3A_295] : memref<1024x32xf32, #tpu.memory_space<vmem>> -> memref<128x32xf32, #tpu.memory_space<vmem>>
        %dma_wait3A_297 = arith.constant 0 : i32
        %dma_wait3A_298 = tpu.memref_slice %arg9[%dma_wait3A_293, %dma_wait3A_297] : memref<8x128xi32, #tpu.memory_space<vmem>> -> memref<1x128xi32, #tpu.memory_space<vmem>>
        %dma_wait3A_299 = tpu.memref_squeeze %dma_wait3A_298 : memref<1x128xi32, #tpu.memory_space<vmem>> -> memref<128xi32, #tpu.memory_space<vmem>>
        %dma_wait3A_300 = arith.constant 0 : i32
        %dma_wait3A_301 = arith.constant 0 : i32
        %dma_wait3A_302 = tpu.memref_slice %arg5[%dma_wait3A_300, %dma_wait3A_301] : memref<10000x32xf32, #tpu.memory_space<hbm>> -> memref<10000x32xf32, #tpu.memory_space<hbm>>
        tpu.wait_indirect_dma semaphore(%arg12 : memref<!tpu.dma_semaphore, #tpu.memory_space<semaphore_mem>>) src(%dma_wait3A_302 : memref<10000x32xf32, #tpu.memory_space<hbm>>) dst(%dma_wait3A_296 : memref<128x32xf32, #tpu.memory_space<vmem>>)
        %dma_wait3A_303 = arith.constant 5 : i32
        %dma_wait3A_304 = arith.constant 640 : i32
        %dma_wait3A_305 = arith.constant 0 : i32
        %dma_wait3A_306 = tpu.memref_slice %arg10[%dma_wait3A_304, %dma_wait3A_305] : memref<1024x32xf32, #tpu.memory_space<vmem>> -> memref<128x32xf32, #tpu.memory_space<vmem>>
        %dma_wait3A_307 = arith.constant 0 : i32
        %dma_wait3A_308 = tpu.memref_slice %arg8[%dma_wait3A_303, %dma_wait3A_307] : memref<8x128xi32, #tpu.memory_space<vmem>> -> memref<1x128xi32, #tpu.memory_space<vmem>>
        %dma_wait3A_309 = tpu.memref_squeeze %dma_wait3A_308 : memref<1x128xi32, #tpu.memory_space<vmem>> -> memref<128xi32, #tpu.memory_space<vmem>>
        %dma_wait3A_310 = arith.constant 0 : i32
        %dma_wait3A_311 = arith.constant 0 : i32
        %dma_wait3A_312 = tpu.memref_slice %arg4[%dma_wait3A_310, %dma_wait3A_311] : memref<10000x32xf32, #tpu.memory_space<hbm>> -> memref<10000x32xf32, #tpu.memory_space<hbm>>
        tpu.wait_indirect_dma semaphore(%arg12 : memref<!tpu.dma_semaphore, #tpu.memory_space<semaphore_mem>>) src(%dma_wait3A_312 : memref<10000x32xf32, #tpu.memory_space<hbm>>) dst(%dma_wait3A_306 : memref<128x32xf32, #tpu.memory_space<vmem>>)
        %dma_wait3A_313 = arith.constant 5 : i32
        %dma_wait3A_314 = arith.constant 640 : i32
        %dma_wait3A_315 = arith.constant 0 : i32
        %dma_wait3A_316 = tpu.memref_slice %arg11[%dma_wait3A_314, %dma_wait3A_315] : memref<1024x32xf32, #tpu.memory_space<vmem>> -> memref<128x32xf32, #tpu.memory_space<vmem>>
        %dma_wait3A_317 = arith.constant 0 : i32
        %dma_wait3A_318 = tpu.memref_slice %arg9[%dma_wait3A_313, %dma_wait3A_317] : memref<8x128xi32, #tpu.memory_space<vmem>> -> memref<1x128xi32, #tpu.memory_space<vmem>>
        %dma_wait3A_319 = tpu.memref_squeeze %dma_wait3A_318 : memref<1x128xi32, #tpu.memory_space<vmem>> -> memref<128xi32, #tpu.memory_space<vmem>>
        %dma_wait3A_320 = arith.constant 0 : i32
        %dma_wait3A_321 = arith.constant 0 : i32
        %dma_wait3A_322 = tpu.memref_slice %arg5[%dma_wait3A_320, %dma_wait3A_321] : memref<10000x32xf32, #tpu.memory_space<hbm>> -> memref<10000x32xf32, #tpu.memory_space<hbm>>
        tpu.wait_indirect_dma semaphore(%arg12 : memref<!tpu.dma_semaphore, #tpu.memory_space<semaphore_mem>>) src(%dma_wait3A_322 : memref<10000x32xf32, #tpu.memory_space<hbm>>) dst(%dma_wait3A_316 : memref<128x32xf32, #tpu.memory_space<vmem>>)
        %dma_wait3A_323 = arith.constant 6 : i32
        %dma_wait3A_324 = arith.constant 768 : i32
        %dma_wait3A_325 = arith.constant 0 : i32
        %dma_wait3A_326 = tpu.memref_slice %arg10[%dma_wait3A_324, %dma_wait3A_325] : memref<1024x32xf32, #tpu.memory_space<vmem>> -> memref<128x32xf32, #tpu.memory_space<vmem>>
        %dma_wait3A_327 = arith.constant 0 : i32
        %dma_wait3A_328 = tpu.memref_slice %arg8[%dma_wait3A_323, %dma_wait3A_327] : memref<8x128xi32, #tpu.memory_space<vmem>> -> memref<1x128xi32, #tpu.memory_space<vmem>>
        %dma_wait3A_329 = tpu.memref_squeeze %dma_wait3A_328 : memref<1x128xi32, #tpu.memory_space<vmem>> -> memref<128xi32, #tpu.memory_space<vmem>>
        %dma_wait3A_330 = arith.constant 0 : i32
        %dma_wait3A_331 = arith.constant 0 : i32
        %dma_wait3A_332 = tpu.memref_slice %arg4[%dma_wait3A_330, %dma_wait3A_331] : memref<10000x32xf32, #tpu.memory_space<hbm>> -> memref<10000x32xf32, #tpu.memory_space<hbm>>
        tpu.wait_indirect_dma semaphore(%arg12 : memref<!tpu.dma_semaphore, #tpu.memory_space<semaphore_mem>>) src(%dma_wait3A_332 : memref<10000x32xf32, #tpu.memory_space<hbm>>) dst(%dma_wait3A_326 : memref<128x32xf32, #tpu.memory_space<vmem>>)
        %dma_wait3A_333 = arith.constant 6 : i32
        %dma_wait3A_334 = arith.constant 768 : i32
        %dma_wait3A_335 = arith.constant 0 : i32
        %dma_wait3A_336 = tpu.memref_slice %arg11[%dma_wait3A_334, %dma_wait3A_335] : memref<1024x32xf32, #tpu.memory_space<vmem>> -> memref<128x32xf32, #tpu.memory_space<vmem>>
        %dma_wait3A_337 = arith.constant 0 : i32
        %dma_wait3A_338 = tpu.memref_slice %arg9[%dma_wait3A_333, %dma_wait3A_337] : memref<8x128xi32, #tpu.memory_space<vmem>> -> memref<1x128xi32, #tpu.memory_space<vmem>>
        %dma_wait3A_339 = tpu.memref_squeeze %dma_wait3A_338 : memref<1x128xi32, #tpu.memory_space<vmem>> -> memref<128xi32, #tpu.memory_space<vmem>>
        %dma_wait3A_340 = arith.constant 0 : i32
        %dma_wait3A_341 = arith.constant 0 : i32
        %dma_wait3A_342 = tpu.memref_slice %arg5[%dma_wait3A_340, %dma_wait3A_341] : memref<10000x32xf32, #tpu.memory_space<hbm>> -> memref<10000x32xf32, #tpu.memory_space<hbm>>
        tpu.wait_indirect_dma semaphore(%arg12 : memref<!tpu.dma_semaphore, #tpu.memory_space<semaphore_mem>>) src(%dma_wait3A_342 : memref<10000x32xf32, #tpu.memory_space<hbm>>) dst(%dma_wait3A_336 : memref<128x32xf32, #tpu.memory_space<vmem>>)
        %dma_wait3A_343 = arith.constant 7 : i32
        %dma_wait3A_344 = arith.constant 896 : i32
        %dma_wait3A_345 = arith.constant 0 : i32
        %dma_wait3A_346 = tpu.memref_slice %arg10[%dma_wait3A_344, %dma_wait3A_345] : memref<1024x32xf32, #tpu.memory_space<vmem>> -> memref<128x32xf32, #tpu.memory_space<vmem>>
        %dma_wait3A_347 = arith.constant 0 : i32
        %dma_wait3A_348 = tpu.memref_slice %arg8[%dma_wait3A_343, %dma_wait3A_347] : memref<8x128xi32, #tpu.memory_space<vmem>> -> memref<1x128xi32, #tpu.memory_space<vmem>>
        %dma_wait3A_349 = tpu.memref_squeeze %dma_wait3A_348 : memref<1x128xi32, #tpu.memory_space<vmem>> -> memref<128xi32, #tpu.memory_space<vmem>>
        %dma_wait3A_350 = arith.constant 0 : i32
        %dma_wait3A_351 = arith.constant 0 : i32
        %dma_wait3A_352 = tpu.memref_slice %arg4[%dma_wait3A_350, %dma_wait3A_351] : memref<10000x32xf32, #tpu.memory_space<hbm>> -> memref<10000x32xf32, #tpu.memory_space<hbm>>
        tpu.wait_indirect_dma semaphore(%arg12 : memref<!tpu.dma_semaphore, #tpu.memory_space<semaphore_mem>>) src(%dma_wait3A_352 : memref<10000x32xf32, #tpu.memory_space<hbm>>) dst(%dma_wait3A_346 : memref<128x32xf32, #tpu.memory_space<vmem>>)
        %dma_wait3A_353 = arith.constant 7 : i32
        %dma_wait3A_354 = arith.constant 896 : i32
        %dma_wait3A_355 = arith.constant 0 : i32
        %dma_wait3A_356 = tpu.memref_slice %arg11[%dma_wait3A_354, %dma_wait3A_355] : memref<1024x32xf32, #tpu.memory_space<vmem>> -> memref<128x32xf32, #tpu.memory_space<vmem>>
        %dma_wait3A_357 = arith.constant 0 : i32
        %dma_wait3A_358 = tpu.memref_slice %arg9[%dma_wait3A_353, %dma_wait3A_357] : memref<8x128xi32, #tpu.memory_space<vmem>> -> memref<1x128xi32, #tpu.memory_space<vmem>>
        %dma_wait3A_359 = tpu.memref_squeeze %dma_wait3A_358 : memref<1x128xi32, #tpu.memory_space<vmem>> -> memref<128xi32, #tpu.memory_space<vmem>>
        %dma_wait3A_360 = arith.constant 0 : i32
        %dma_wait3A_361 = arith.constant 0 : i32
        %dma_wait3A_362 = tpu.memref_slice %arg5[%dma_wait3A_360, %dma_wait3A_361] : memref<10000x32xf32, #tpu.memory_space<hbm>> -> memref<10000x32xf32, #tpu.memory_space<hbm>>
        tpu.wait_indirect_dma semaphore(%arg12 : memref<!tpu.dma_semaphore, #tpu.memory_space<semaphore_mem>>) src(%dma_wait3A_362 : memref<10000x32xf32, #tpu.memory_space<hbm>>) dst(%dma_wait3A_356 : memref<128x32xf32, #tpu.memory_space<vmem>>)
        %dma_start3A_363 = arith.constant 0 : i32
        %dma_start3A_364 = tpu.memref_slice %arg6[%mul3A_12, %dma_start3A_363] : memref<640000x32xf32, #tpu.memory_space<hbm>> -> memref<1024x32xf32, #tpu.memory_space<hbm>>
        %dma_start3A_365 = arith.constant 0 : i32
        %dma_start3A_366 = tpu.memref_slice %arg6[%mul3A_12, %dma_start3A_365] : memref<640000x32xf32, #tpu.memory_space<hbm>> -> memref<1024x32xf32, #tpu.memory_space<hbm>>
        tpu.enqueue_dma source(%arg10 : memref<1024x32xf32, #tpu.memory_space<vmem>>) target(%dma_start3A_366 : memref<1024x32xf32, #tpu.memory_space<hbm>>) target_semaphore(%arg12 : memref<!tpu.dma_semaphore, #tpu.memory_space<semaphore_mem>>)
        %dma_start3A_367 = arith.constant 0 : i32
        %dma_start3A_368 = tpu.memref_slice %arg7[%mul3A_12, %dma_start3A_367] : memref<640000x32xf32, #tpu.memory_space<hbm>> -> memref<1024x32xf32, #tpu.memory_space<hbm>>
        %dma_start3A_369 = arith.constant 0 : i32
        %dma_start3A_370 = tpu.memref_slice %arg7[%mul3A_12, %dma_start3A_369] : memref<640000x32xf32, #tpu.memory_space<hbm>> -> memref<1024x32xf32, #tpu.memory_space<hbm>>
        tpu.enqueue_dma source(%arg11 : memref<1024x32xf32, #tpu.memory_space<vmem>>) target(%dma_start3A_370 : memref<1024x32xf32, #tpu.memory_space<hbm>>) target_semaphore(%arg12 : memref<!tpu.dma_semaphore, #tpu.memory_space<semaphore_mem>>)
        %dma_wait3A_371 = arith.constant 0 : i32
        %dma_wait3A_372 = tpu.memref_slice %arg6[%mul3A_12, %dma_wait3A_371] : memref<640000x32xf32, #tpu.memory_space<hbm>> -> memref<1024x32xf32, #tpu.memory_space<hbm>>
        %dma_wait3A_373 = arith.constant 0 : i32
        %dma_wait3A_374 = tpu.memref_slice %arg6[%mul3A_12, %dma_wait3A_373] : memref<640000x32xf32, #tpu.memory_space<hbm>> -> memref<1024x32xf32, #tpu.memory_space<hbm>>
        tpu.wait_dma2 semaphore(%arg12 : memref<!tpu.dma_semaphore, #tpu.memory_space<semaphore_mem>>) src(%arg10 : memref<1024x32xf32, #tpu.memory_space<vmem>>) dst(%dma_wait3A_374 : memref<1024x32xf32, #tpu.memory_space<hbm>>)
        %dma_wait3A_375 = arith.constant 0 : i32
        %dma_wait3A_376 = tpu.memref_slice %arg7[%mul3A_12, %dma_wait3A_375] : memref<640000x32xf32, #tpu.memory_space<hbm>> -> memref<1024x32xf32, #tpu.memory_space<hbm>>
        %dma_wait3A_377 = arith.constant 0 : i32
        %dma_wait3A_378 = tpu.memref_slice %arg7[%mul3A_12, %dma_wait3A_377] : memref<640000x32xf32, #tpu.memory_space<hbm>> -> memref<1024x32xf32, #tpu.memory_space<hbm>>
        tpu.wait_dma2 semaphore(%arg12 : memref<!tpu.dma_semaphore, #tpu.memory_space<semaphore_mem>>) src(%arg11 : memref<1024x32xf32, #tpu.memory_space<vmem>>) dst(%dma_wait3A_378 : memref<1024x32xf32, #tpu.memory_space<hbm>>)
      } else {
      }
    }
    %scan3A_4 = arith.constant 20 : i32
    return
  }
}

#map = affine_map<(d0, d1) -> (0, 0, 0)>
#map1 = affine_map<(d0, d1) -> (0, 0)>
module attributes {stable_mosaic.version = 14 : i64} {
  func.func @_sc_scatter_body(%arg0: i32, %arg1: i32, %arg2: memref<625x8x128xi32, #tpu.memory_space<hbm>>, %arg3: memref<640000x32xf32, #tpu.memory_space<hbm>>, %arg4: memref<640000x32xf32, #tpu.memory_space<hbm>>, %arg5: memref<640000x32xf32, #tpu.memory_space<hbm>>, %arg6: memref<10240x32xf32, #tpu.memory_space<hbm>>, %arg7: memref<2x10240x32xf32, #tpu.memory_space<hbm>>, %arg8: memref<2x10240x32xf32, #tpu.memory_space<hbm>>, %arg9: memref<2x10240x32xf32, #tpu.memory_space<hbm>>, %arg10: memref<8x128xi32, #tpu.memory_space<vmem>>, %arg11: memref<512x32xf32, #tpu.memory_space<vmem>>, %arg12: memref<512x32xf32, #tpu.memory_space<vmem>>, %arg13: memref<512x32xf32, #tpu.memory_space<vmem>>, %arg14: memref<10240x32xf32, #tpu.memory_space<vmem_shared>>, %arg15: memref<10240x32xf32, #tpu.memory_space<vmem_shared>>, %arg16: memref<10240x32xf32, #tpu.memory_space<vmem_shared>>, %arg17: memref<!tpu.dma_semaphore, #tpu.memory_space<semaphore_mem>>) attributes {dimension_semantics = [#tpu.dimension_semantics<core_parallel>, #tpu.dimension_semantics<subcore_parallel>], iteration_bounds = array<i64: 2, 16>, scalar_prefetch = 0 : i64, scratch_operands = 8 : i64, tpu.core_type = #tpu.core_type<sc_vector_subcore>, window_params = [{transform_indices = #map}, {transform_indices = #map1}, {transform_indices = #map1}, {transform_indices = #map1}, {transform_indices = #map1}, {transform_indices = #map}, {transform_indices = #map}, {transform_indices = #map}]} {
    %mul3A = arith.constant 2 : i32
    %mul3A_0 = arith.muli %arg1, %mul3A : i32
    %add3A = arith.addi %mul3A_0, %arg0 : i32
    %eq3A = arith.constant 0 : i32
    %eq3A_1 = arith.cmpi eq, %arg1, %eq3A : i32
    %convert_element_type3A = arith.extui %eq3A_1 : i1 to i32
    %cond3A = arith.constant 0 : i32
    %cond3A_2 = arith.cmpi ne, %convert_element_type3A, %cond3A : i32
    scf.if %cond3A_2 {
      "tpu.region"() ({
        %run_scoped3A = tpu.sem_alloc : memref<!tpu.dma_semaphore, #tpu.memory_space<semaphore_mem>>
        tpu.enqueue_dma source(%arg6 : memref<10240x32xf32, #tpu.memory_space<hbm>>) target(%arg14 : memref<10240x32xf32, #tpu.memory_space<vmem_shared>>) target_semaphore(%run_scoped3A : memref<!tpu.dma_semaphore, #tpu.memory_space<semaphore_mem>>)
        tpu.wait_dma2 semaphore(%run_scoped3A : memref<!tpu.dma_semaphore, #tpu.memory_space<semaphore_mem>>) src(%arg6 : memref<10240x32xf32, #tpu.memory_space<hbm>>) dst(%arg14 : memref<10240x32xf32, #tpu.memory_space<vmem_shared>>)
        tpu.yield
      }) : () -> ()
      "tpu.region"() ({
        %run_scoped3A = tpu.sem_alloc : memref<!tpu.dma_semaphore, #tpu.memory_space<semaphore_mem>>
        tpu.enqueue_dma source(%arg6 : memref<10240x32xf32, #tpu.memory_space<hbm>>) target(%arg15 : memref<10240x32xf32, #tpu.memory_space<vmem_shared>>) target_semaphore(%run_scoped3A : memref<!tpu.dma_semaphore, #tpu.memory_space<semaphore_mem>>)
        tpu.wait_dma2 semaphore(%run_scoped3A : memref<!tpu.dma_semaphore, #tpu.memory_space<semaphore_mem>>) src(%arg6 : memref<10240x32xf32, #tpu.memory_space<hbm>>) dst(%arg15 : memref<10240x32xf32, #tpu.memory_space<vmem_shared>>)
        tpu.yield
      }) : () -> ()
      "tpu.region"() ({
        %run_scoped3A = tpu.sem_alloc : memref<!tpu.dma_semaphore, #tpu.memory_space<semaphore_mem>>
        tpu.enqueue_dma source(%arg6 : memref<10240x32xf32, #tpu.memory_space<hbm>>) target(%arg16 : memref<10240x32xf32, #tpu.memory_space<vmem_shared>>) target_semaphore(%run_scoped3A : memref<!tpu.dma_semaphore, #tpu.memory_space<semaphore_mem>>)
        tpu.wait_dma2 semaphore(%run_scoped3A : memref<!tpu.dma_semaphore, #tpu.memory_space<semaphore_mem>>) src(%arg6 : memref<10240x32xf32, #tpu.memory_space<hbm>>) dst(%arg16 : memref<10240x32xf32, #tpu.memory_space<vmem_shared>>)
        tpu.yield
      }) : () -> ()
    } else {
    }
    %barrier3A = arith.constant 0 : index
    tpu.barrier barrier_id(%barrier3A)
    %scan3A = arith.constant 0 : i32
    %scan3A_3 = arith.constant 20 : i32
    %scan3A_4 = arith.addi %scan3A, %scan3A_3 : i32
    %scan3A_5 = arith.constant 1 : i32
    scf.for %scan3A_10 = %scan3A to %scan3A_4 step %scan3A_5  : i32 {
      %mul3A_11 = arith.constant 32 : i32
      %mul3A_12 = arith.muli %scan3A_10, %mul3A_11 : i32
      %add3A_13 = arith.addi %add3A, %mul3A_12 : i32
      %lt3A = arith.constant 625 : i32
      %lt3A_14 = arith.cmpi slt, %add3A_13, %lt3A : i32
      %convert_element_type3A_15 = arith.extui %lt3A_14 : i1 to i32
      %cond3A_16 = arith.constant 0 : i32
      %cond3A_17 = arith.cmpi ne, %convert_element_type3A_15, %cond3A_16 : i32
      scf.if %cond3A_17 {
        %mul3A_18 = arith.constant 1024 : i32
        %mul3A_19 = arith.muli %add3A_13, %mul3A_18 : i32
        "tpu.region"() ({
          %run_scoped3A = tpu.sem_alloc : memref<!tpu.dma_semaphore, #tpu.memory_space<semaphore_mem>>
          %dma_start3A_550 = arith.constant 0 : i32
          %dma_start3A_551 = arith.constant 0 : i32
          %dma_start3A_552 = tpu.memref_slice %arg2[%add3A_13, %dma_start3A_550, %dma_start3A_551] : memref<625x8x128xi32, #tpu.memory_space<hbm>> -> memref<1x8x128xi32, #tpu.memory_space<hbm>>
          %dma_start3A_553 = tpu.memref_squeeze %dma_start3A_552 : memref<1x8x128xi32, #tpu.memory_space<hbm>> -> memref<8x128xi32, #tpu.memory_space<hbm>>
          %dma_start3A_554 = arith.constant 0 : i32
          %dma_start3A_555 = arith.constant 0 : i32
          %dma_start3A_556 = tpu.memref_slice %arg2[%add3A_13, %dma_start3A_554, %dma_start3A_555] : memref<625x8x128xi32, #tpu.memory_space<hbm>> -> memref<1x8x128xi32, #tpu.memory_space<hbm>>
          %dma_start3A_557 = tpu.memref_squeeze %dma_start3A_556 : memref<1x8x128xi32, #tpu.memory_space<hbm>> -> memref<8x128xi32, #tpu.memory_space<hbm>>
          tpu.enqueue_dma source(%dma_start3A_557 : memref<8x128xi32, #tpu.memory_space<hbm>>) target(%arg10 : memref<8x128xi32, #tpu.memory_space<vmem>>) target_semaphore(%run_scoped3A : memref<!tpu.dma_semaphore, #tpu.memory_space<semaphore_mem>>)
          %dma_wait3A_558 = arith.constant 0 : i32
          %dma_wait3A_559 = arith.constant 0 : i32
          %dma_wait3A_560 = tpu.memref_slice %arg2[%add3A_13, %dma_wait3A_558, %dma_wait3A_559] : memref<625x8x128xi32, #tpu.memory_space<hbm>> -> memref<1x8x128xi32, #tpu.memory_space<hbm>>
          %dma_wait3A_561 = tpu.memref_squeeze %dma_wait3A_560 : memref<1x8x128xi32, #tpu.memory_space<hbm>> -> memref<8x128xi32, #tpu.memory_space<hbm>>
          %dma_wait3A_562 = arith.constant 0 : i32
          %dma_wait3A_563 = arith.constant 0 : i32
          %dma_wait3A_564 = tpu.memref_slice %arg2[%add3A_13, %dma_wait3A_562, %dma_wait3A_563] : memref<625x8x128xi32, #tpu.memory_space<hbm>> -> memref<1x8x128xi32, #tpu.memory_space<hbm>>
          %dma_wait3A_565 = tpu.memref_squeeze %dma_wait3A_564 : memref<1x8x128xi32, #tpu.memory_space<hbm>> -> memref<8x128xi32, #tpu.memory_space<hbm>>
          tpu.wait_dma2 semaphore(%run_scoped3A : memref<!tpu.dma_semaphore, #tpu.memory_space<semaphore_mem>>) src(%dma_wait3A_565 : memref<8x128xi32, #tpu.memory_space<hbm>>) dst(%arg10 : memref<8x128xi32, #tpu.memory_space<vmem>>)
          tpu.yield
        }) : () -> ()
        %add3A_20 = arith.constant 0 : i32
        %add3A_21 = arith.addi %mul3A_19, %add3A_20 : i32
        %dma_start3A = arith.constant 0 : i32
        %dma_start3A_22 = tpu.memref_slice %arg3[%add3A_21, %dma_start3A] : memref<640000x32xf32, #tpu.memory_space<hbm>> -> memref<512x32xf32, #tpu.memory_space<hbm>>
        %dma_start3A_23 = arith.constant 0 : i32
        %dma_start3A_24 = tpu.memref_slice %arg3[%add3A_21, %dma_start3A_23] : memref<640000x32xf32, #tpu.memory_space<hbm>> -> memref<512x32xf32, #tpu.memory_space<hbm>>
        tpu.enqueue_dma source(%dma_start3A_24 : memref<512x32xf32, #tpu.memory_space<hbm>>) target(%arg11 : memref<512x32xf32, #tpu.memory_space<vmem>>) target_semaphore(%arg17 : memref<!tpu.dma_semaphore, #tpu.memory_space<semaphore_mem>>)
        %dma_start3A_25 = arith.constant 0 : i32
        %dma_start3A_26 = tpu.memref_slice %arg4[%add3A_21, %dma_start3A_25] : memref<640000x32xf32, #tpu.memory_space<hbm>> -> memref<512x32xf32, #tpu.memory_space<hbm>>
        %dma_start3A_27 = arith.constant 0 : i32
        %dma_start3A_28 = tpu.memref_slice %arg4[%add3A_21, %dma_start3A_27] : memref<640000x32xf32, #tpu.memory_space<hbm>> -> memref<512x32xf32, #tpu.memory_space<hbm>>
        tpu.enqueue_dma source(%dma_start3A_28 : memref<512x32xf32, #tpu.memory_space<hbm>>) target(%arg12 : memref<512x32xf32, #tpu.memory_space<vmem>>) target_semaphore(%arg17 : memref<!tpu.dma_semaphore, #tpu.memory_space<semaphore_mem>>)
        %dma_start3A_29 = arith.constant 0 : i32
        %dma_start3A_30 = tpu.memref_slice %arg5[%add3A_21, %dma_start3A_29] : memref<640000x32xf32, #tpu.memory_space<hbm>> -> memref<512x32xf32, #tpu.memory_space<hbm>>
        %dma_start3A_31 = arith.constant 0 : i32
        %dma_start3A_32 = tpu.memref_slice %arg5[%add3A_21, %dma_start3A_31] : memref<640000x32xf32, #tpu.memory_space<hbm>> -> memref<512x32xf32, #tpu.memory_space<hbm>>
        tpu.enqueue_dma source(%dma_start3A_32 : memref<512x32xf32, #tpu.memory_space<hbm>>) target(%arg13 : memref<512x32xf32, #tpu.memory_space<vmem>>) target_semaphore(%arg17 : memref<!tpu.dma_semaphore, #tpu.memory_space<semaphore_mem>>)
        %dma_wait3A = arith.constant 0 : i32
        %dma_wait3A_33 = tpu.memref_slice %arg3[%add3A_21, %dma_wait3A] : memref<640000x32xf32, #tpu.memory_space<hbm>> -> memref<512x32xf32, #tpu.memory_space<hbm>>
        %dma_wait3A_34 = arith.constant 0 : i32
        %dma_wait3A_35 = tpu.memref_slice %arg3[%add3A_21, %dma_wait3A_34] : memref<640000x32xf32, #tpu.memory_space<hbm>> -> memref<512x32xf32, #tpu.memory_space<hbm>>
        tpu.wait_dma2 semaphore(%arg17 : memref<!tpu.dma_semaphore, #tpu.memory_space<semaphore_mem>>) src(%dma_wait3A_35 : memref<512x32xf32, #tpu.memory_space<hbm>>) dst(%arg11 : memref<512x32xf32, #tpu.memory_space<vmem>>)
        %dma_wait3A_36 = arith.constant 0 : i32
        %dma_wait3A_37 = tpu.memref_slice %arg4[%add3A_21, %dma_wait3A_36] : memref<640000x32xf32, #tpu.memory_space<hbm>> -> memref<512x32xf32, #tpu.memory_space<hbm>>
        %dma_wait3A_38 = arith.constant 0 : i32
        %dma_wait3A_39 = tpu.memref_slice %arg4[%add3A_21, %dma_wait3A_38] : memref<640000x32xf32, #tpu.memory_space<hbm>> -> memref<512x32xf32, #tpu.memory_space<hbm>>
        tpu.wait_dma2 semaphore(%arg17 : memref<!tpu.dma_semaphore, #tpu.memory_space<semaphore_mem>>) src(%dma_wait3A_39 : memref<512x32xf32, #tpu.memory_space<hbm>>) dst(%arg12 : memref<512x32xf32, #tpu.memory_space<vmem>>)
        %dma_wait3A_40 = arith.constant 0 : i32
        %dma_wait3A_41 = tpu.memref_slice %arg5[%add3A_21, %dma_wait3A_40] : memref<640000x32xf32, #tpu.memory_space<hbm>> -> memref<512x32xf32, #tpu.memory_space<hbm>>
        %dma_wait3A_42 = arith.constant 0 : i32
        %dma_wait3A_43 = tpu.memref_slice %arg5[%add3A_21, %dma_wait3A_42] : memref<640000x32xf32, #tpu.memory_space<hbm>> -> memref<512x32xf32, #tpu.memory_space<hbm>>
        tpu.wait_dma2 semaphore(%arg17 : memref<!tpu.dma_semaphore, #tpu.memory_space<semaphore_mem>>) src(%dma_wait3A_43 : memref<512x32xf32, #tpu.memory_space<hbm>>) dst(%arg13 : memref<512x32xf32, #tpu.memory_space<vmem>>)
        %dma_start3A_44 = arith.constant 0 : i32
        %dma_start3A_45 = arith.constant 0 : i32
        %dma_start3A_46 = arith.constant 0 : i32
        %dma_start3A_47 = tpu.memref_slice %arg11[%dma_start3A_45, %dma_start3A_46] : memref<512x32xf32, #tpu.memory_space<vmem>> -> memref<128x32xf32, #tpu.memory_space<vmem>>
        %dma_start3A_48 = arith.constant 0 : i32
        %dma_start3A_49 = tpu.memref_slice %arg10[%dma_start3A_44, %dma_start3A_48] : memref<8x128xi32, #tpu.memory_space<vmem>> -> memref<1x128xi32, #tpu.memory_space<vmem>>
        %dma_start3A_50 = tpu.memref_squeeze %dma_start3A_49 : memref<1x128xi32, #tpu.memory_space<vmem>> -> memref<128xi32, #tpu.memory_space<vmem>>
        %dma_start3A_51 = arith.constant 0 : i32
        %dma_start3A_52 = arith.constant 0 : i32
        %dma_start3A_53 = tpu.memref_slice %arg14[%dma_start3A_51, %dma_start3A_52] : memref<10240x32xf32, #tpu.memory_space<vmem_shared>> -> memref<10240x32xf32, #tpu.memory_space<vmem_shared>>
        tpu.enqueue_indirect_dma source(%dma_start3A_47 : memref<128x32xf32, #tpu.memory_space<vmem>>) target(%dma_start3A_53 : memref<10240x32xf32, #tpu.memory_space<vmem_shared>>) offsets(%dma_start3A_50 : memref<128xi32, #tpu.memory_space<vmem>>) semaphore(%arg17 : memref<!tpu.dma_semaphore, #tpu.memory_space<semaphore_mem>>) {add = true}
        %dma_start3A_54 = arith.constant 0 : i32
        %dma_start3A_55 = arith.constant 0 : i32
        %dma_start3A_56 = arith.constant 0 : i32
        %dma_start3A_57 = tpu.memref_slice %arg12[%dma_start3A_55, %dma_start3A_56] : memref<512x32xf32, #tpu.memory_space<vmem>> -> memref<128x32xf32, #tpu.memory_space<vmem>>
        %dma_start3A_58 = arith.constant 0 : i32
        %dma_start3A_59 = tpu.memref_slice %arg10[%dma_start3A_54, %dma_start3A_58] : memref<8x128xi32, #tpu.memory_space<vmem>> -> memref<1x128xi32, #tpu.memory_space<vmem>>
        %dma_start3A_60 = tpu.memref_squeeze %dma_start3A_59 : memref<1x128xi32, #tpu.memory_space<vmem>> -> memref<128xi32, #tpu.memory_space<vmem>>
        %dma_start3A_61 = arith.constant 0 : i32
        %dma_start3A_62 = arith.constant 0 : i32
        %dma_start3A_63 = tpu.memref_slice %arg15[%dma_start3A_61, %dma_start3A_62] : memref<10240x32xf32, #tpu.memory_space<vmem_shared>> -> memref<10240x32xf32, #tpu.memory_space<vmem_shared>>
        tpu.enqueue_indirect_dma source(%dma_start3A_57 : memref<128x32xf32, #tpu.memory_space<vmem>>) target(%dma_start3A_63 : memref<10240x32xf32, #tpu.memory_space<vmem_shared>>) offsets(%dma_start3A_60 : memref<128xi32, #tpu.memory_space<vmem>>) semaphore(%arg17 : memref<!tpu.dma_semaphore, #tpu.memory_space<semaphore_mem>>) {add = true}
        %dma_start3A_64 = arith.constant 0 : i32
        %dma_start3A_65 = arith.constant 0 : i32
        %dma_start3A_66 = arith.constant 0 : i32
        %dma_start3A_67 = tpu.memref_slice %arg13[%dma_start3A_65, %dma_start3A_66] : memref<512x32xf32, #tpu.memory_space<vmem>> -> memref<128x32xf32, #tpu.memory_space<vmem>>
        %dma_start3A_68 = arith.constant 0 : i32
        %dma_start3A_69 = tpu.memref_slice %arg10[%dma_start3A_64, %dma_start3A_68] : memref<8x128xi32, #tpu.memory_space<vmem>> -> memref<1x128xi32, #tpu.memory_space<vmem>>
        %dma_start3A_70 = tpu.memref_squeeze %dma_start3A_69 : memref<1x128xi32, #tpu.memory_space<vmem>> -> memref<128xi32, #tpu.memory_space<vmem>>
        %dma_start3A_71 = arith.constant 0 : i32
        %dma_start3A_72 = arith.constant 0 : i32
        %dma_start3A_73 = tpu.memref_slice %arg16[%dma_start3A_71, %dma_start3A_72] : memref<10240x32xf32, #tpu.memory_space<vmem_shared>> -> memref<10240x32xf32, #tpu.memory_space<vmem_shared>>
        tpu.enqueue_indirect_dma source(%dma_start3A_67 : memref<128x32xf32, #tpu.memory_space<vmem>>) target(%dma_start3A_73 : memref<10240x32xf32, #tpu.memory_space<vmem_shared>>) offsets(%dma_start3A_70 : memref<128xi32, #tpu.memory_space<vmem>>) semaphore(%arg17 : memref<!tpu.dma_semaphore, #tpu.memory_space<semaphore_mem>>) {add = true}
        %dma_start3A_74 = arith.constant 1 : i32
        %dma_start3A_75 = arith.constant 128 : i32
        %dma_start3A_76 = arith.constant 0 : i32
        %dma_start3A_77 = tpu.memref_slice %arg11[%dma_start3A_75, %dma_start3A_76] : memref<512x32xf32, #tpu.memory_space<vmem>> -> memref<128x32xf32, #tpu.memory_space<vmem>>
        %dma_start3A_78 = arith.constant 0 : i32
        %dma_start3A_79 = tpu.memref_slice %arg10[%dma_start3A_74, %dma_start3A_78] : memref<8x128xi32, #tpu.memory_space<vmem>> -> memref<1x128xi32, #tpu.memory_space<vmem>>
        %dma_start3A_80 = tpu.memref_squeeze %dma_start3A_79 : memref<1x128xi32, #tpu.memory_space<vmem>> -> memref<128xi32, #tpu.memory_space<vmem>>
        %dma_start3A_81 = arith.constant 0 : i32
        %dma_start3A_82 = arith.constant 0 : i32
        %dma_start3A_83 = tpu.memref_slice %arg14[%dma_start3A_81, %dma_start3A_82] : memref<10240x32xf32, #tpu.memory_space<vmem_shared>> -> memref<10240x32xf32, #tpu.memory_space<vmem_shared>>
        tpu.enqueue_indirect_dma source(%dma_start3A_77 : memref<128x32xf32, #tpu.memory_space<vmem>>) target(%dma_start3A_83 : memref<10240x32xf32, #tpu.memory_space<vmem_shared>>) offsets(%dma_start3A_80 : memref<128xi32, #tpu.memory_space<vmem>>) semaphore(%arg17 : memref<!tpu.dma_semaphore, #tpu.memory_space<semaphore_mem>>) {add = true}
        %dma_start3A_84 = arith.constant 1 : i32
        %dma_start3A_85 = arith.constant 128 : i32
        %dma_start3A_86 = arith.constant 0 : i32
        %dma_start3A_87 = tpu.memref_slice %arg12[%dma_start3A_85, %dma_start3A_86] : memref<512x32xf32, #tpu.memory_space<vmem>> -> memref<128x32xf32, #tpu.memory_space<vmem>>
        %dma_start3A_88 = arith.constant 0 : i32
        %dma_start3A_89 = tpu.memref_slice %arg10[%dma_start3A_84, %dma_start3A_88] : memref<8x128xi32, #tpu.memory_space<vmem>> -> memref<1x128xi32, #tpu.memory_space<vmem>>
        %dma_start3A_90 = tpu.memref_squeeze %dma_start3A_89 : memref<1x128xi32, #tpu.memory_space<vmem>> -> memref<128xi32, #tpu.memory_space<vmem>>
        %dma_start3A_91 = arith.constant 0 : i32
        %dma_start3A_92 = arith.constant 0 : i32
        %dma_start3A_93 = tpu.memref_slice %arg15[%dma_start3A_91, %dma_start3A_92] : memref<10240x32xf32, #tpu.memory_space<vmem_shared>> -> memref<10240x32xf32, #tpu.memory_space<vmem_shared>>
        tpu.enqueue_indirect_dma source(%dma_start3A_87 : memref<128x32xf32, #tpu.memory_space<vmem>>) target(%dma_start3A_93 : memref<10240x32xf32, #tpu.memory_space<vmem_shared>>) offsets(%dma_start3A_90 : memref<128xi32, #tpu.memory_space<vmem>>) semaphore(%arg17 : memref<!tpu.dma_semaphore, #tpu.memory_space<semaphore_mem>>) {add = true}
        %dma_start3A_94 = arith.constant 1 : i32
        %dma_start3A_95 = arith.constant 128 : i32
        %dma_start3A_96 = arith.constant 0 : i32
        %dma_start3A_97 = tpu.memref_slice %arg13[%dma_start3A_95, %dma_start3A_96] : memref<512x32xf32, #tpu.memory_space<vmem>> -> memref<128x32xf32, #tpu.memory_space<vmem>>
        %dma_start3A_98 = arith.constant 0 : i32
        %dma_start3A_99 = tpu.memref_slice %arg10[%dma_start3A_94, %dma_start3A_98] : memref<8x128xi32, #tpu.memory_space<vmem>> -> memref<1x128xi32, #tpu.memory_space<vmem>>
        %dma_start3A_100 = tpu.memref_squeeze %dma_start3A_99 : memref<1x128xi32, #tpu.memory_space<vmem>> -> memref<128xi32, #tpu.memory_space<vmem>>
        %dma_start3A_101 = arith.constant 0 : i32
        %dma_start3A_102 = arith.constant 0 : i32
        %dma_start3A_103 = tpu.memref_slice %arg16[%dma_start3A_101, %dma_start3A_102] : memref<10240x32xf32, #tpu.memory_space<vmem_shared>> -> memref<10240x32xf32, #tpu.memory_space<vmem_shared>>
        tpu.enqueue_indirect_dma source(%dma_start3A_97 : memref<128x32xf32, #tpu.memory_space<vmem>>) target(%dma_start3A_103 : memref<10240x32xf32, #tpu.memory_space<vmem_shared>>) offsets(%dma_start3A_100 : memref<128xi32, #tpu.memory_space<vmem>>) semaphore(%arg17 : memref<!tpu.dma_semaphore, #tpu.memory_space<semaphore_mem>>) {add = true}
        %dma_start3A_104 = arith.constant 2 : i32
        %dma_start3A_105 = arith.constant 256 : i32
        %dma_start3A_106 = arith.constant 0 : i32
        %dma_start3A_107 = tpu.memref_slice %arg11[%dma_start3A_105, %dma_start3A_106] : memref<512x32xf32, #tpu.memory_space<vmem>> -> memref<128x32xf32, #tpu.memory_space<vmem>>
        %dma_start3A_108 = arith.constant 0 : i32
        %dma_start3A_109 = tpu.memref_slice %arg10[%dma_start3A_104, %dma_start3A_108] : memref<8x128xi32, #tpu.memory_space<vmem>> -> memref<1x128xi32, #tpu.memory_space<vmem>>
        %dma_start3A_110 = tpu.memref_squeeze %dma_start3A_109 : memref<1x128xi32, #tpu.memory_space<vmem>> -> memref<128xi32, #tpu.memory_space<vmem>>
        %dma_start3A_111 = arith.constant 0 : i32
        %dma_start3A_112 = arith.constant 0 : i32
        %dma_start3A_113 = tpu.memref_slice %arg14[%dma_start3A_111, %dma_start3A_112] : memref<10240x32xf32, #tpu.memory_space<vmem_shared>> -> memref<10240x32xf32, #tpu.memory_space<vmem_shared>>
        tpu.enqueue_indirect_dma source(%dma_start3A_107 : memref<128x32xf32, #tpu.memory_space<vmem>>) target(%dma_start3A_113 : memref<10240x32xf32, #tpu.memory_space<vmem_shared>>) offsets(%dma_start3A_110 : memref<128xi32, #tpu.memory_space<vmem>>) semaphore(%arg17 : memref<!tpu.dma_semaphore, #tpu.memory_space<semaphore_mem>>) {add = true}
        %dma_start3A_114 = arith.constant 2 : i32
        %dma_start3A_115 = arith.constant 256 : i32
        %dma_start3A_116 = arith.constant 0 : i32
        %dma_start3A_117 = tpu.memref_slice %arg12[%dma_start3A_115, %dma_start3A_116] : memref<512x32xf32, #tpu.memory_space<vmem>> -> memref<128x32xf32, #tpu.memory_space<vmem>>
        %dma_start3A_118 = arith.constant 0 : i32
        %dma_start3A_119 = tpu.memref_slice %arg10[%dma_start3A_114, %dma_start3A_118] : memref<8x128xi32, #tpu.memory_space<vmem>> -> memref<1x128xi32, #tpu.memory_space<vmem>>
        %dma_start3A_120 = tpu.memref_squeeze %dma_start3A_119 : memref<1x128xi32, #tpu.memory_space<vmem>> -> memref<128xi32, #tpu.memory_space<vmem>>
        %dma_start3A_121 = arith.constant 0 : i32
        %dma_start3A_122 = arith.constant 0 : i32
        %dma_start3A_123 = tpu.memref_slice %arg15[%dma_start3A_121, %dma_start3A_122] : memref<10240x32xf32, #tpu.memory_space<vmem_shared>> -> memref<10240x32xf32, #tpu.memory_space<vmem_shared>>
        tpu.enqueue_indirect_dma source(%dma_start3A_117 : memref<128x32xf32, #tpu.memory_space<vmem>>) target(%dma_start3A_123 : memref<10240x32xf32, #tpu.memory_space<vmem_shared>>) offsets(%dma_start3A_120 : memref<128xi32, #tpu.memory_space<vmem>>) semaphore(%arg17 : memref<!tpu.dma_semaphore, #tpu.memory_space<semaphore_mem>>) {add = true}
        %dma_start3A_124 = arith.constant 2 : i32
        %dma_start3A_125 = arith.constant 256 : i32
        %dma_start3A_126 = arith.constant 0 : i32
        %dma_start3A_127 = tpu.memref_slice %arg13[%dma_start3A_125, %dma_start3A_126] : memref<512x32xf32, #tpu.memory_space<vmem>> -> memref<128x32xf32, #tpu.memory_space<vmem>>
        %dma_start3A_128 = arith.constant 0 : i32
        %dma_start3A_129 = tpu.memref_slice %arg10[%dma_start3A_124, %dma_start3A_128] : memref<8x128xi32, #tpu.memory_space<vmem>> -> memref<1x128xi32, #tpu.memory_space<vmem>>
        %dma_start3A_130 = tpu.memref_squeeze %dma_start3A_129 : memref<1x128xi32, #tpu.memory_space<vmem>> -> memref<128xi32, #tpu.memory_space<vmem>>
        %dma_start3A_131 = arith.constant 0 : i32
        %dma_start3A_132 = arith.constant 0 : i32
        %dma_start3A_133 = tpu.memref_slice %arg16[%dma_start3A_131, %dma_start3A_132] : memref<10240x32xf32, #tpu.memory_space<vmem_shared>> -> memref<10240x32xf32, #tpu.memory_space<vmem_shared>>
        tpu.enqueue_indirect_dma source(%dma_start3A_127 : memref<128x32xf32, #tpu.memory_space<vmem>>) target(%dma_start3A_133 : memref<10240x32xf32, #tpu.memory_space<vmem_shared>>) offsets(%dma_start3A_130 : memref<128xi32, #tpu.memory_space<vmem>>) semaphore(%arg17 : memref<!tpu.dma_semaphore, #tpu.memory_space<semaphore_mem>>) {add = true}
        %dma_start3A_134 = arith.constant 3 : i32
        %dma_start3A_135 = arith.constant 384 : i32
        %dma_start3A_136 = arith.constant 0 : i32
        %dma_start3A_137 = tpu.memref_slice %arg11[%dma_start3A_135, %dma_start3A_136] : memref<512x32xf32, #tpu.memory_space<vmem>> -> memref<128x32xf32, #tpu.memory_space<vmem>>
        %dma_start3A_138 = arith.constant 0 : i32
        %dma_start3A_139 = tpu.memref_slice %arg10[%dma_start3A_134, %dma_start3A_138] : memref<8x128xi32, #tpu.memory_space<vmem>> -> memref<1x128xi32, #tpu.memory_space<vmem>>
        %dma_start3A_140 = tpu.memref_squeeze %dma_start3A_139 : memref<1x128xi32, #tpu.memory_space<vmem>> -> memref<128xi32, #tpu.memory_space<vmem>>
        %dma_start3A_141 = arith.constant 0 : i32
        %dma_start3A_142 = arith.constant 0 : i32
        %dma_start3A_143 = tpu.memref_slice %arg14[%dma_start3A_141, %dma_start3A_142] : memref<10240x32xf32, #tpu.memory_space<vmem_shared>> -> memref<10240x32xf32, #tpu.memory_space<vmem_shared>>
        tpu.enqueue_indirect_dma source(%dma_start3A_137 : memref<128x32xf32, #tpu.memory_space<vmem>>) target(%dma_start3A_143 : memref<10240x32xf32, #tpu.memory_space<vmem_shared>>) offsets(%dma_start3A_140 : memref<128xi32, #tpu.memory_space<vmem>>) semaphore(%arg17 : memref<!tpu.dma_semaphore, #tpu.memory_space<semaphore_mem>>) {add = true}
        %dma_start3A_144 = arith.constant 3 : i32
        %dma_start3A_145 = arith.constant 384 : i32
        %dma_start3A_146 = arith.constant 0 : i32
        %dma_start3A_147 = tpu.memref_slice %arg12[%dma_start3A_145, %dma_start3A_146] : memref<512x32xf32, #tpu.memory_space<vmem>> -> memref<128x32xf32, #tpu.memory_space<vmem>>
        %dma_start3A_148 = arith.constant 0 : i32
        %dma_start3A_149 = tpu.memref_slice %arg10[%dma_start3A_144, %dma_start3A_148] : memref<8x128xi32, #tpu.memory_space<vmem>> -> memref<1x128xi32, #tpu.memory_space<vmem>>
        %dma_start3A_150 = tpu.memref_squeeze %dma_start3A_149 : memref<1x128xi32, #tpu.memory_space<vmem>> -> memref<128xi32, #tpu.memory_space<vmem>>
        %dma_start3A_151 = arith.constant 0 : i32
        %dma_start3A_152 = arith.constant 0 : i32
        %dma_start3A_153 = tpu.memref_slice %arg15[%dma_start3A_151, %dma_start3A_152] : memref<10240x32xf32, #tpu.memory_space<vmem_shared>> -> memref<10240x32xf32, #tpu.memory_space<vmem_shared>>
        tpu.enqueue_indirect_dma source(%dma_start3A_147 : memref<128x32xf32, #tpu.memory_space<vmem>>) target(%dma_start3A_153 : memref<10240x32xf32, #tpu.memory_space<vmem_shared>>) offsets(%dma_start3A_150 : memref<128xi32, #tpu.memory_space<vmem>>) semaphore(%arg17 : memref<!tpu.dma_semaphore, #tpu.memory_space<semaphore_mem>>) {add = true}
        %dma_start3A_154 = arith.constant 3 : i32
        %dma_start3A_155 = arith.constant 384 : i32
        %dma_start3A_156 = arith.constant 0 : i32
        %dma_start3A_157 = tpu.memref_slice %arg13[%dma_start3A_155, %dma_start3A_156] : memref<512x32xf32, #tpu.memory_space<vmem>> -> memref<128x32xf32, #tpu.memory_space<vmem>>
        %dma_start3A_158 = arith.constant 0 : i32
        %dma_start3A_159 = tpu.memref_slice %arg10[%dma_start3A_154, %dma_start3A_158] : memref<8x128xi32, #tpu.memory_space<vmem>> -> memref<1x128xi32, #tpu.memory_space<vmem>>
        %dma_start3A_160 = tpu.memref_squeeze %dma_start3A_159 : memref<1x128xi32, #tpu.memory_space<vmem>> -> memref<128xi32, #tpu.memory_space<vmem>>
        %dma_start3A_161 = arith.constant 0 : i32
        %dma_start3A_162 = arith.constant 0 : i32
        %dma_start3A_163 = tpu.memref_slice %arg16[%dma_start3A_161, %dma_start3A_162] : memref<10240x32xf32, #tpu.memory_space<vmem_shared>> -> memref<10240x32xf32, #tpu.memory_space<vmem_shared>>
        tpu.enqueue_indirect_dma source(%dma_start3A_157 : memref<128x32xf32, #tpu.memory_space<vmem>>) target(%dma_start3A_163 : memref<10240x32xf32, #tpu.memory_space<vmem_shared>>) offsets(%dma_start3A_160 : memref<128xi32, #tpu.memory_space<vmem>>) semaphore(%arg17 : memref<!tpu.dma_semaphore, #tpu.memory_space<semaphore_mem>>) {add = true}
        %dma_wait3A_164 = arith.constant 0 : i32
        %dma_wait3A_165 = arith.constant 0 : i32
        %dma_wait3A_166 = arith.constant 0 : i32
        %dma_wait3A_167 = tpu.memref_slice %arg11[%dma_wait3A_165, %dma_wait3A_166] : memref<512x32xf32, #tpu.memory_space<vmem>> -> memref<128x32xf32, #tpu.memory_space<vmem>>
        %dma_wait3A_168 = arith.constant 0 : i32
        %dma_wait3A_169 = tpu.memref_slice %arg10[%dma_wait3A_164, %dma_wait3A_168] : memref<8x128xi32, #tpu.memory_space<vmem>> -> memref<1x128xi32, #tpu.memory_space<vmem>>
        %dma_wait3A_170 = tpu.memref_squeeze %dma_wait3A_169 : memref<1x128xi32, #tpu.memory_space<vmem>> -> memref<128xi32, #tpu.memory_space<vmem>>
        %dma_wait3A_171 = arith.constant 0 : i32
        %dma_wait3A_172 = arith.constant 0 : i32
        %dma_wait3A_173 = tpu.memref_slice %arg14[%dma_wait3A_171, %dma_wait3A_172] : memref<10240x32xf32, #tpu.memory_space<vmem_shared>> -> memref<10240x32xf32, #tpu.memory_space<vmem_shared>>
        tpu.wait_indirect_dma semaphore(%arg17 : memref<!tpu.dma_semaphore, #tpu.memory_space<semaphore_mem>>) src(%dma_wait3A_167 : memref<128x32xf32, #tpu.memory_space<vmem>>) dst(%dma_wait3A_173 : memref<10240x32xf32, #tpu.memory_space<vmem_shared>>)
        %dma_wait3A_174 = arith.constant 0 : i32
        %dma_wait3A_175 = arith.constant 0 : i32
        %dma_wait3A_176 = arith.constant 0 : i32
        %dma_wait3A_177 = tpu.memref_slice %arg12[%dma_wait3A_175, %dma_wait3A_176] : memref<512x32xf32, #tpu.memory_space<vmem>> -> memref<128x32xf32, #tpu.memory_space<vmem>>
        %dma_wait3A_178 = arith.constant 0 : i32
        %dma_wait3A_179 = tpu.memref_slice %arg10[%dma_wait3A_174, %dma_wait3A_178] : memref<8x128xi32, #tpu.memory_space<vmem>> -> memref<1x128xi32, #tpu.memory_space<vmem>>
        %dma_wait3A_180 = tpu.memref_squeeze %dma_wait3A_179 : memref<1x128xi32, #tpu.memory_space<vmem>> -> memref<128xi32, #tpu.memory_space<vmem>>
        %dma_wait3A_181 = arith.constant 0 : i32
        %dma_wait3A_182 = arith.constant 0 : i32
        %dma_wait3A_183 = tpu.memref_slice %arg15[%dma_wait3A_181, %dma_wait3A_182] : memref<10240x32xf32, #tpu.memory_space<vmem_shared>> -> memref<10240x32xf32, #tpu.memory_space<vmem_shared>>
        tpu.wait_indirect_dma semaphore(%arg17 : memref<!tpu.dma_semaphore, #tpu.memory_space<semaphore_mem>>) src(%dma_wait3A_177 : memref<128x32xf32, #tpu.memory_space<vmem>>) dst(%dma_wait3A_183 : memref<10240x32xf32, #tpu.memory_space<vmem_shared>>)
        %dma_wait3A_184 = arith.constant 0 : i32
        %dma_wait3A_185 = arith.constant 0 : i32
        %dma_wait3A_186 = arith.constant 0 : i32
        %dma_wait3A_187 = tpu.memref_slice %arg13[%dma_wait3A_185, %dma_wait3A_186] : memref<512x32xf32, #tpu.memory_space<vmem>> -> memref<128x32xf32, #tpu.memory_space<vmem>>
        %dma_wait3A_188 = arith.constant 0 : i32
        %dma_wait3A_189 = tpu.memref_slice %arg10[%dma_wait3A_184, %dma_wait3A_188] : memref<8x128xi32, #tpu.memory_space<vmem>> -> memref<1x128xi32, #tpu.memory_space<vmem>>
        %dma_wait3A_190 = tpu.memref_squeeze %dma_wait3A_189 : memref<1x128xi32, #tpu.memory_space<vmem>> -> memref<128xi32, #tpu.memory_space<vmem>>
        %dma_wait3A_191 = arith.constant 0 : i32
        %dma_wait3A_192 = arith.constant 0 : i32
        %dma_wait3A_193 = tpu.memref_slice %arg16[%dma_wait3A_191, %dma_wait3A_192] : memref<10240x32xf32, #tpu.memory_space<vmem_shared>> -> memref<10240x32xf32, #tpu.memory_space<vmem_shared>>
        tpu.wait_indirect_dma semaphore(%arg17 : memref<!tpu.dma_semaphore, #tpu.memory_space<semaphore_mem>>) src(%dma_wait3A_187 : memref<128x32xf32, #tpu.memory_space<vmem>>) dst(%dma_wait3A_193 : memref<10240x32xf32, #tpu.memory_space<vmem_shared>>)
        %dma_wait3A_194 = arith.constant 1 : i32
        %dma_wait3A_195 = arith.constant 128 : i32
        %dma_wait3A_196 = arith.constant 0 : i32
        %dma_wait3A_197 = tpu.memref_slice %arg11[%dma_wait3A_195, %dma_wait3A_196] : memref<512x32xf32, #tpu.memory_space<vmem>> -> memref<128x32xf32, #tpu.memory_space<vmem>>
        %dma_wait3A_198 = arith.constant 0 : i32
        %dma_wait3A_199 = tpu.memref_slice %arg10[%dma_wait3A_194, %dma_wait3A_198] : memref<8x128xi32, #tpu.memory_space<vmem>> -> memref<1x128xi32, #tpu.memory_space<vmem>>
        %dma_wait3A_200 = tpu.memref_squeeze %dma_wait3A_199 : memref<1x128xi32, #tpu.memory_space<vmem>> -> memref<128xi32, #tpu.memory_space<vmem>>
        %dma_wait3A_201 = arith.constant 0 : i32
        %dma_wait3A_202 = arith.constant 0 : i32
        %dma_wait3A_203 = tpu.memref_slice %arg14[%dma_wait3A_201, %dma_wait3A_202] : memref<10240x32xf32, #tpu.memory_space<vmem_shared>> -> memref<10240x32xf32, #tpu.memory_space<vmem_shared>>
        tpu.wait_indirect_dma semaphore(%arg17 : memref<!tpu.dma_semaphore, #tpu.memory_space<semaphore_mem>>) src(%dma_wait3A_197 : memref<128x32xf32, #tpu.memory_space<vmem>>) dst(%dma_wait3A_203 : memref<10240x32xf32, #tpu.memory_space<vmem_shared>>)
        %dma_wait3A_204 = arith.constant 1 : i32
        %dma_wait3A_205 = arith.constant 128 : i32
        %dma_wait3A_206 = arith.constant 0 : i32
        %dma_wait3A_207 = tpu.memref_slice %arg12[%dma_wait3A_205, %dma_wait3A_206] : memref<512x32xf32, #tpu.memory_space<vmem>> -> memref<128x32xf32, #tpu.memory_space<vmem>>
        %dma_wait3A_208 = arith.constant 0 : i32
        %dma_wait3A_209 = tpu.memref_slice %arg10[%dma_wait3A_204, %dma_wait3A_208] : memref<8x128xi32, #tpu.memory_space<vmem>> -> memref<1x128xi32, #tpu.memory_space<vmem>>
        %dma_wait3A_210 = tpu.memref_squeeze %dma_wait3A_209 : memref<1x128xi32, #tpu.memory_space<vmem>> -> memref<128xi32, #tpu.memory_space<vmem>>
        %dma_wait3A_211 = arith.constant 0 : i32
        %dma_wait3A_212 = arith.constant 0 : i32
        %dma_wait3A_213 = tpu.memref_slice %arg15[%dma_wait3A_211, %dma_wait3A_212] : memref<10240x32xf32, #tpu.memory_space<vmem_shared>> -> memref<10240x32xf32, #tpu.memory_space<vmem_shared>>
        tpu.wait_indirect_dma semaphore(%arg17 : memref<!tpu.dma_semaphore, #tpu.memory_space<semaphore_mem>>) src(%dma_wait3A_207 : memref<128x32xf32, #tpu.memory_space<vmem>>) dst(%dma_wait3A_213 : memref<10240x32xf32, #tpu.memory_space<vmem_shared>>)
        %dma_wait3A_214 = arith.constant 1 : i32
        %dma_wait3A_215 = arith.constant 128 : i32
        %dma_wait3A_216 = arith.constant 0 : i32
        %dma_wait3A_217 = tpu.memref_slice %arg13[%dma_wait3A_215, %dma_wait3A_216] : memref<512x32xf32, #tpu.memory_space<vmem>> -> memref<128x32xf32, #tpu.memory_space<vmem>>
        %dma_wait3A_218 = arith.constant 0 : i32
        %dma_wait3A_219 = tpu.memref_slice %arg10[%dma_wait3A_214, %dma_wait3A_218] : memref<8x128xi32, #tpu.memory_space<vmem>> -> memref<1x128xi32, #tpu.memory_space<vmem>>
        %dma_wait3A_220 = tpu.memref_squeeze %dma_wait3A_219 : memref<1x128xi32, #tpu.memory_space<vmem>> -> memref<128xi32, #tpu.memory_space<vmem>>
        %dma_wait3A_221 = arith.constant 0 : i32
        %dma_wait3A_222 = arith.constant 0 : i32
        %dma_wait3A_223 = tpu.memref_slice %arg16[%dma_wait3A_221, %dma_wait3A_222] : memref<10240x32xf32, #tpu.memory_space<vmem_shared>> -> memref<10240x32xf32, #tpu.memory_space<vmem_shared>>
        tpu.wait_indirect_dma semaphore(%arg17 : memref<!tpu.dma_semaphore, #tpu.memory_space<semaphore_mem>>) src(%dma_wait3A_217 : memref<128x32xf32, #tpu.memory_space<vmem>>) dst(%dma_wait3A_223 : memref<10240x32xf32, #tpu.memory_space<vmem_shared>>)
        %dma_wait3A_224 = arith.constant 2 : i32
        %dma_wait3A_225 = arith.constant 256 : i32
        %dma_wait3A_226 = arith.constant 0 : i32
        %dma_wait3A_227 = tpu.memref_slice %arg11[%dma_wait3A_225, %dma_wait3A_226] : memref<512x32xf32, #tpu.memory_space<vmem>> -> memref<128x32xf32, #tpu.memory_space<vmem>>
        %dma_wait3A_228 = arith.constant 0 : i32
        %dma_wait3A_229 = tpu.memref_slice %arg10[%dma_wait3A_224, %dma_wait3A_228] : memref<8x128xi32, #tpu.memory_space<vmem>> -> memref<1x128xi32, #tpu.memory_space<vmem>>
        %dma_wait3A_230 = tpu.memref_squeeze %dma_wait3A_229 : memref<1x128xi32, #tpu.memory_space<vmem>> -> memref<128xi32, #tpu.memory_space<vmem>>
        %dma_wait3A_231 = arith.constant 0 : i32
        %dma_wait3A_232 = arith.constant 0 : i32
        %dma_wait3A_233 = tpu.memref_slice %arg14[%dma_wait3A_231, %dma_wait3A_232] : memref<10240x32xf32, #tpu.memory_space<vmem_shared>> -> memref<10240x32xf32, #tpu.memory_space<vmem_shared>>
        tpu.wait_indirect_dma semaphore(%arg17 : memref<!tpu.dma_semaphore, #tpu.memory_space<semaphore_mem>>) src(%dma_wait3A_227 : memref<128x32xf32, #tpu.memory_space<vmem>>) dst(%dma_wait3A_233 : memref<10240x32xf32, #tpu.memory_space<vmem_shared>>)
        %dma_wait3A_234 = arith.constant 2 : i32
        %dma_wait3A_235 = arith.constant 256 : i32
        %dma_wait3A_236 = arith.constant 0 : i32
        %dma_wait3A_237 = tpu.memref_slice %arg12[%dma_wait3A_235, %dma_wait3A_236] : memref<512x32xf32, #tpu.memory_space<vmem>> -> memref<128x32xf32, #tpu.memory_space<vmem>>
        %dma_wait3A_238 = arith.constant 0 : i32
        %dma_wait3A_239 = tpu.memref_slice %arg10[%dma_wait3A_234, %dma_wait3A_238] : memref<8x128xi32, #tpu.memory_space<vmem>> -> memref<1x128xi32, #tpu.memory_space<vmem>>
        %dma_wait3A_240 = tpu.memref_squeeze %dma_wait3A_239 : memref<1x128xi32, #tpu.memory_space<vmem>> -> memref<128xi32, #tpu.memory_space<vmem>>
        %dma_wait3A_241 = arith.constant 0 : i32
        %dma_wait3A_242 = arith.constant 0 : i32
        %dma_wait3A_243 = tpu.memref_slice %arg15[%dma_wait3A_241, %dma_wait3A_242] : memref<10240x32xf32, #tpu.memory_space<vmem_shared>> -> memref<10240x32xf32, #tpu.memory_space<vmem_shared>>
        tpu.wait_indirect_dma semaphore(%arg17 : memref<!tpu.dma_semaphore, #tpu.memory_space<semaphore_mem>>) src(%dma_wait3A_237 : memref<128x32xf32, #tpu.memory_space<vmem>>) dst(%dma_wait3A_243 : memref<10240x32xf32, #tpu.memory_space<vmem_shared>>)
        %dma_wait3A_244 = arith.constant 2 : i32
        %dma_wait3A_245 = arith.constant 256 : i32
        %dma_wait3A_246 = arith.constant 0 : i32
        %dma_wait3A_247 = tpu.memref_slice %arg13[%dma_wait3A_245, %dma_wait3A_246] : memref<512x32xf32, #tpu.memory_space<vmem>> -> memref<128x32xf32, #tpu.memory_space<vmem>>
        %dma_wait3A_248 = arith.constant 0 : i32
        %dma_wait3A_249 = tpu.memref_slice %arg10[%dma_wait3A_244, %dma_wait3A_248] : memref<8x128xi32, #tpu.memory_space<vmem>> -> memref<1x128xi32, #tpu.memory_space<vmem>>
        %dma_wait3A_250 = tpu.memref_squeeze %dma_wait3A_249 : memref<1x128xi32, #tpu.memory_space<vmem>> -> memref<128xi32, #tpu.memory_space<vmem>>
        %dma_wait3A_251 = arith.constant 0 : i32
        %dma_wait3A_252 = arith.constant 0 : i32
        %dma_wait3A_253 = tpu.memref_slice %arg16[%dma_wait3A_251, %dma_wait3A_252] : memref<10240x32xf32, #tpu.memory_space<vmem_shared>> -> memref<10240x32xf32, #tpu.memory_space<vmem_shared>>
        tpu.wait_indirect_dma semaphore(%arg17 : memref<!tpu.dma_semaphore, #tpu.memory_space<semaphore_mem>>) src(%dma_wait3A_247 : memref<128x32xf32, #tpu.memory_space<vmem>>) dst(%dma_wait3A_253 : memref<10240x32xf32, #tpu.memory_space<vmem_shared>>)
        %dma_wait3A_254 = arith.constant 3 : i32
        %dma_wait3A_255 = arith.constant 384 : i32
        %dma_wait3A_256 = arith.constant 0 : i32
        %dma_wait3A_257 = tpu.memref_slice %arg11[%dma_wait3A_255, %dma_wait3A_256] : memref<512x32xf32, #tpu.memory_space<vmem>> -> memref<128x32xf32, #tpu.memory_space<vmem>>
        %dma_wait3A_258 = arith.constant 0 : i32
        %dma_wait3A_259 = tpu.memref_slice %arg10[%dma_wait3A_254, %dma_wait3A_258] : memref<8x128xi32, #tpu.memory_space<vmem>> -> memref<1x128xi32, #tpu.memory_space<vmem>>
        %dma_wait3A_260 = tpu.memref_squeeze %dma_wait3A_259 : memref<1x128xi32, #tpu.memory_space<vmem>> -> memref<128xi32, #tpu.memory_space<vmem>>
        %dma_wait3A_261 = arith.constant 0 : i32
        %dma_wait3A_262 = arith.constant 0 : i32
        %dma_wait3A_263 = tpu.memref_slice %arg14[%dma_wait3A_261, %dma_wait3A_262] : memref<10240x32xf32, #tpu.memory_space<vmem_shared>> -> memref<10240x32xf32, #tpu.memory_space<vmem_shared>>
        tpu.wait_indirect_dma semaphore(%arg17 : memref<!tpu.dma_semaphore, #tpu.memory_space<semaphore_mem>>) src(%dma_wait3A_257 : memref<128x32xf32, #tpu.memory_space<vmem>>) dst(%dma_wait3A_263 : memref<10240x32xf32, #tpu.memory_space<vmem_shared>>)
        %dma_wait3A_264 = arith.constant 3 : i32
        %dma_wait3A_265 = arith.constant 384 : i32
        %dma_wait3A_266 = arith.constant 0 : i32
        %dma_wait3A_267 = tpu.memref_slice %arg12[%dma_wait3A_265, %dma_wait3A_266] : memref<512x32xf32, #tpu.memory_space<vmem>> -> memref<128x32xf32, #tpu.memory_space<vmem>>
        %dma_wait3A_268 = arith.constant 0 : i32
        %dma_wait3A_269 = tpu.memref_slice %arg10[%dma_wait3A_264, %dma_wait3A_268] : memref<8x128xi32, #tpu.memory_space<vmem>> -> memref<1x128xi32, #tpu.memory_space<vmem>>
        %dma_wait3A_270 = tpu.memref_squeeze %dma_wait3A_269 : memref<1x128xi32, #tpu.memory_space<vmem>> -> memref<128xi32, #tpu.memory_space<vmem>>
        %dma_wait3A_271 = arith.constant 0 : i32
        %dma_wait3A_272 = arith.constant 0 : i32
        %dma_wait3A_273 = tpu.memref_slice %arg15[%dma_wait3A_271, %dma_wait3A_272] : memref<10240x32xf32, #tpu.memory_space<vmem_shared>> -> memref<10240x32xf32, #tpu.memory_space<vmem_shared>>
        tpu.wait_indirect_dma semaphore(%arg17 : memref<!tpu.dma_semaphore, #tpu.memory_space<semaphore_mem>>) src(%dma_wait3A_267 : memref<128x32xf32, #tpu.memory_space<vmem>>) dst(%dma_wait3A_273 : memref<10240x32xf32, #tpu.memory_space<vmem_shared>>)
        %dma_wait3A_274 = arith.constant 3 : i32
        %dma_wait3A_275 = arith.constant 384 : i32
        %dma_wait3A_276 = arith.constant 0 : i32
        %dma_wait3A_277 = tpu.memref_slice %arg13[%dma_wait3A_275, %dma_wait3A_276] : memref<512x32xf32, #tpu.memory_space<vmem>> -> memref<128x32xf32, #tpu.memory_space<vmem>>
        %dma_wait3A_278 = arith.constant 0 : i32
        %dma_wait3A_279 = tpu.memref_slice %arg10[%dma_wait3A_274, %dma_wait3A_278] : memref<8x128xi32, #tpu.memory_space<vmem>> -> memref<1x128xi32, #tpu.memory_space<vmem>>
        %dma_wait3A_280 = tpu.memref_squeeze %dma_wait3A_279 : memref<1x128xi32, #tpu.memory_space<vmem>> -> memref<128xi32, #tpu.memory_space<vmem>>
        %dma_wait3A_281 = arith.constant 0 : i32
        %dma_wait3A_282 = arith.constant 0 : i32
        %dma_wait3A_283 = tpu.memref_slice %arg16[%dma_wait3A_281, %dma_wait3A_282] : memref<10240x32xf32, #tpu.memory_space<vmem_shared>> -> memref<10240x32xf32, #tpu.memory_space<vmem_shared>>
        tpu.wait_indirect_dma semaphore(%arg17 : memref<!tpu.dma_semaphore, #tpu.memory_space<semaphore_mem>>) src(%dma_wait3A_277 : memref<128x32xf32, #tpu.memory_space<vmem>>) dst(%dma_wait3A_283 : memref<10240x32xf32, #tpu.memory_space<vmem_shared>>)
        %add3A_284 = arith.constant 512 : i32
        %add3A_285 = arith.addi %mul3A_19, %add3A_284 : i32
        %dma_start3A_286 = arith.constant 0 : i32
        %dma_start3A_287 = tpu.memref_slice %arg3[%add3A_285, %dma_start3A_286] : memref<640000x32xf32, #tpu.memory_space<hbm>> -> memref<512x32xf32, #tpu.memory_space<hbm>>
        %dma_start3A_288 = arith.constant 0 : i32
        %dma_start3A_289 = tpu.memref_slice %arg3[%add3A_285, %dma_start3A_288] : memref<640000x32xf32, #tpu.memory_space<hbm>> -> memref<512x32xf32, #tpu.memory_space<hbm>>
        tpu.enqueue_dma source(%dma_start3A_289 : memref<512x32xf32, #tpu.memory_space<hbm>>) target(%arg11 : memref<512x32xf32, #tpu.memory_space<vmem>>) target_semaphore(%arg17 : memref<!tpu.dma_semaphore, #tpu.memory_space<semaphore_mem>>)
        %dma_start3A_290 = arith.constant 0 : i32
        %dma_start3A_291 = tpu.memref_slice %arg4[%add3A_285, %dma_start3A_290] : memref<640000x32xf32, #tpu.memory_space<hbm>> -> memref<512x32xf32, #tpu.memory_space<hbm>>
        %dma_start3A_292 = arith.constant 0 : i32
        %dma_start3A_293 = tpu.memref_slice %arg4[%add3A_285, %dma_start3A_292] : memref<640000x32xf32, #tpu.memory_space<hbm>> -> memref<512x32xf32, #tpu.memory_space<hbm>>
        tpu.enqueue_dma source(%dma_start3A_293 : memref<512x32xf32, #tpu.memory_space<hbm>>) target(%arg12 : memref<512x32xf32, #tpu.memory_space<vmem>>) target_semaphore(%arg17 : memref<!tpu.dma_semaphore, #tpu.memory_space<semaphore_mem>>)
        %dma_start3A_294 = arith.constant 0 : i32
        %dma_start3A_295 = tpu.memref_slice %arg5[%add3A_285, %dma_start3A_294] : memref<640000x32xf32, #tpu.memory_space<hbm>> -> memref<512x32xf32, #tpu.memory_space<hbm>>
        %dma_start3A_296 = arith.constant 0 : i32
        %dma_start3A_297 = tpu.memref_slice %arg5[%add3A_285, %dma_start3A_296] : memref<640000x32xf32, #tpu.memory_space<hbm>> -> memref<512x32xf32, #tpu.memory_space<hbm>>
        tpu.enqueue_dma source(%dma_start3A_297 : memref<512x32xf32, #tpu.memory_space<hbm>>) target(%arg13 : memref<512x32xf32, #tpu.memory_space<vmem>>) target_semaphore(%arg17 : memref<!tpu.dma_semaphore, #tpu.memory_space<semaphore_mem>>)
        %dma_wait3A_298 = arith.constant 0 : i32
        %dma_wait3A_299 = tpu.memref_slice %arg3[%add3A_285, %dma_wait3A_298] : memref<640000x32xf32, #tpu.memory_space<hbm>> -> memref<512x32xf32, #tpu.memory_space<hbm>>
        %dma_wait3A_300 = arith.constant 0 : i32
        %dma_wait3A_301 = tpu.memref_slice %arg3[%add3A_285, %dma_wait3A_300] : memref<640000x32xf32, #tpu.memory_space<hbm>> -> memref<512x32xf32, #tpu.memory_space<hbm>>
        tpu.wait_dma2 semaphore(%arg17 : memref<!tpu.dma_semaphore, #tpu.memory_space<semaphore_mem>>) src(%dma_wait3A_301 : memref<512x32xf32, #tpu.memory_space<hbm>>) dst(%arg11 : memref<512x32xf32, #tpu.memory_space<vmem>>)
        %dma_wait3A_302 = arith.constant 0 : i32
        %dma_wait3A_303 = tpu.memref_slice %arg4[%add3A_285, %dma_wait3A_302] : memref<640000x32xf32, #tpu.memory_space<hbm>> -> memref<512x32xf32, #tpu.memory_space<hbm>>
        %dma_wait3A_304 = arith.constant 0 : i32
        %dma_wait3A_305 = tpu.memref_slice %arg4[%add3A_285, %dma_wait3A_304] : memref<640000x32xf32, #tpu.memory_space<hbm>> -> memref<512x32xf32, #tpu.memory_space<hbm>>
        tpu.wait_dma2 semaphore(%arg17 : memref<!tpu.dma_semaphore, #tpu.memory_space<semaphore_mem>>) src(%dma_wait3A_305 : memref<512x32xf32, #tpu.memory_space<hbm>>) dst(%arg12 : memref<512x32xf32, #tpu.memory_space<vmem>>)
        %dma_wait3A_306 = arith.constant 0 : i32
        %dma_wait3A_307 = tpu.memref_slice %arg5[%add3A_285, %dma_wait3A_306] : memref<640000x32xf32, #tpu.memory_space<hbm>> -> memref<512x32xf32, #tpu.memory_space<hbm>>
        %dma_wait3A_308 = arith.constant 0 : i32
        %dma_wait3A_309 = tpu.memref_slice %arg5[%add3A_285, %dma_wait3A_308] : memref<640000x32xf32, #tpu.memory_space<hbm>> -> memref<512x32xf32, #tpu.memory_space<hbm>>
        tpu.wait_dma2 semaphore(%arg17 : memref<!tpu.dma_semaphore, #tpu.memory_space<semaphore_mem>>) src(%dma_wait3A_309 : memref<512x32xf32, #tpu.memory_space<hbm>>) dst(%arg13 : memref<512x32xf32, #tpu.memory_space<vmem>>)
        %dma_start3A_310 = arith.constant 4 : i32
        %dma_start3A_311 = arith.constant 0 : i32
        %dma_start3A_312 = arith.constant 0 : i32
        %dma_start3A_313 = tpu.memref_slice %arg11[%dma_start3A_311, %dma_start3A_312] : memref<512x32xf32, #tpu.memory_space<vmem>> -> memref<128x32xf32, #tpu.memory_space<vmem>>
        %dma_start3A_314 = arith.constant 0 : i32
        %dma_start3A_315 = tpu.memref_slice %arg10[%dma_start3A_310, %dma_start3A_314] : memref<8x128xi32, #tpu.memory_space<vmem>> -> memref<1x128xi32, #tpu.memory_space<vmem>>
        %dma_start3A_316 = tpu.memref_squeeze %dma_start3A_315 : memref<1x128xi32, #tpu.memory_space<vmem>> -> memref<128xi32, #tpu.memory_space<vmem>>
        %dma_start3A_317 = arith.constant 0 : i32
        %dma_start3A_318 = arith.constant 0 : i32
        %dma_start3A_319 = tpu.memref_slice %arg14[%dma_start3A_317, %dma_start3A_318] : memref<10240x32xf32, #tpu.memory_space<vmem_shared>> -> memref<10240x32xf32, #tpu.memory_space<vmem_shared>>
        tpu.enqueue_indirect_dma source(%dma_start3A_313 : memref<128x32xf32, #tpu.memory_space<vmem>>) target(%dma_start3A_319 : memref<10240x32xf32, #tpu.memory_space<vmem_shared>>) offsets(%dma_start3A_316 : memref<128xi32, #tpu.memory_space<vmem>>) semaphore(%arg17 : memref<!tpu.dma_semaphore, #tpu.memory_space<semaphore_mem>>) {add = true}
        %dma_start3A_320 = arith.constant 4 : i32
        %dma_start3A_321 = arith.constant 0 : i32
        %dma_start3A_322 = arith.constant 0 : i32
        %dma_start3A_323 = tpu.memref_slice %arg12[%dma_start3A_321, %dma_start3A_322] : memref<512x32xf32, #tpu.memory_space<vmem>> -> memref<128x32xf32, #tpu.memory_space<vmem>>
        %dma_start3A_324 = arith.constant 0 : i32
        %dma_start3A_325 = tpu.memref_slice %arg10[%dma_start3A_320, %dma_start3A_324] : memref<8x128xi32, #tpu.memory_space<vmem>> -> memref<1x128xi32, #tpu.memory_space<vmem>>
        %dma_start3A_326 = tpu.memref_squeeze %dma_start3A_325 : memref<1x128xi32, #tpu.memory_space<vmem>> -> memref<128xi32, #tpu.memory_space<vmem>>
        %dma_start3A_327 = arith.constant 0 : i32
        %dma_start3A_328 = arith.constant 0 : i32
        %dma_start3A_329 = tpu.memref_slice %arg15[%dma_start3A_327, %dma_start3A_328] : memref<10240x32xf32, #tpu.memory_space<vmem_shared>> -> memref<10240x32xf32, #tpu.memory_space<vmem_shared>>
        tpu.enqueue_indirect_dma source(%dma_start3A_323 : memref<128x32xf32, #tpu.memory_space<vmem>>) target(%dma_start3A_329 : memref<10240x32xf32, #tpu.memory_space<vmem_shared>>) offsets(%dma_start3A_326 : memref<128xi32, #tpu.memory_space<vmem>>) semaphore(%arg17 : memref<!tpu.dma_semaphore, #tpu.memory_space<semaphore_mem>>) {add = true}
        %dma_start3A_330 = arith.constant 4 : i32
        %dma_start3A_331 = arith.constant 0 : i32
        %dma_start3A_332 = arith.constant 0 : i32
        %dma_start3A_333 = tpu.memref_slice %arg13[%dma_start3A_331, %dma_start3A_332] : memref<512x32xf32, #tpu.memory_space<vmem>> -> memref<128x32xf32, #tpu.memory_space<vmem>>
        %dma_start3A_334 = arith.constant 0 : i32
        %dma_start3A_335 = tpu.memref_slice %arg10[%dma_start3A_330, %dma_start3A_334] : memref<8x128xi32, #tpu.memory_space<vmem>> -> memref<1x128xi32, #tpu.memory_space<vmem>>
        %dma_start3A_336 = tpu.memref_squeeze %dma_start3A_335 : memref<1x128xi32, #tpu.memory_space<vmem>> -> memref<128xi32, #tpu.memory_space<vmem>>
        %dma_start3A_337 = arith.constant 0 : i32
        %dma_start3A_338 = arith.constant 0 : i32
        %dma_start3A_339 = tpu.memref_slice %arg16[%dma_start3A_337, %dma_start3A_338] : memref<10240x32xf32, #tpu.memory_space<vmem_shared>> -> memref<10240x32xf32, #tpu.memory_space<vmem_shared>>
        tpu.enqueue_indirect_dma source(%dma_start3A_333 : memref<128x32xf32, #tpu.memory_space<vmem>>) target(%dma_start3A_339 : memref<10240x32xf32, #tpu.memory_space<vmem_shared>>) offsets(%dma_start3A_336 : memref<128xi32, #tpu.memory_space<vmem>>) semaphore(%arg17 : memref<!tpu.dma_semaphore, #tpu.memory_space<semaphore_mem>>) {add = true}
        %dma_start3A_340 = arith.constant 5 : i32
        %dma_start3A_341 = arith.constant 128 : i32
        %dma_start3A_342 = arith.constant 0 : i32
        %dma_start3A_343 = tpu.memref_slice %arg11[%dma_start3A_341, %dma_start3A_342] : memref<512x32xf32, #tpu.memory_space<vmem>> -> memref<128x32xf32, #tpu.memory_space<vmem>>
        %dma_start3A_344 = arith.constant 0 : i32
        %dma_start3A_345 = tpu.memref_slice %arg10[%dma_start3A_340, %dma_start3A_344] : memref<8x128xi32, #tpu.memory_space<vmem>> -> memref<1x128xi32, #tpu.memory_space<vmem>>
        %dma_start3A_346 = tpu.memref_squeeze %dma_start3A_345 : memref<1x128xi32, #tpu.memory_space<vmem>> -> memref<128xi32, #tpu.memory_space<vmem>>
        %dma_start3A_347 = arith.constant 0 : i32
        %dma_start3A_348 = arith.constant 0 : i32
        %dma_start3A_349 = tpu.memref_slice %arg14[%dma_start3A_347, %dma_start3A_348] : memref<10240x32xf32, #tpu.memory_space<vmem_shared>> -> memref<10240x32xf32, #tpu.memory_space<vmem_shared>>
        tpu.enqueue_indirect_dma source(%dma_start3A_343 : memref<128x32xf32, #tpu.memory_space<vmem>>) target(%dma_start3A_349 : memref<10240x32xf32, #tpu.memory_space<vmem_shared>>) offsets(%dma_start3A_346 : memref<128xi32, #tpu.memory_space<vmem>>) semaphore(%arg17 : memref<!tpu.dma_semaphore, #tpu.memory_space<semaphore_mem>>) {add = true}
        %dma_start3A_350 = arith.constant 5 : i32
        %dma_start3A_351 = arith.constant 128 : i32
        %dma_start3A_352 = arith.constant 0 : i32
        %dma_start3A_353 = tpu.memref_slice %arg12[%dma_start3A_351, %dma_start3A_352] : memref<512x32xf32, #tpu.memory_space<vmem>> -> memref<128x32xf32, #tpu.memory_space<vmem>>
        %dma_start3A_354 = arith.constant 0 : i32
        %dma_start3A_355 = tpu.memref_slice %arg10[%dma_start3A_350, %dma_start3A_354] : memref<8x128xi32, #tpu.memory_space<vmem>> -> memref<1x128xi32, #tpu.memory_space<vmem>>
        %dma_start3A_356 = tpu.memref_squeeze %dma_start3A_355 : memref<1x128xi32, #tpu.memory_space<vmem>> -> memref<128xi32, #tpu.memory_space<vmem>>
        %dma_start3A_357 = arith.constant 0 : i32
        %dma_start3A_358 = arith.constant 0 : i32
        %dma_start3A_359 = tpu.memref_slice %arg15[%dma_start3A_357, %dma_start3A_358] : memref<10240x32xf32, #tpu.memory_space<vmem_shared>> -> memref<10240x32xf32, #tpu.memory_space<vmem_shared>>
        tpu.enqueue_indirect_dma source(%dma_start3A_353 : memref<128x32xf32, #tpu.memory_space<vmem>>) target(%dma_start3A_359 : memref<10240x32xf32, #tpu.memory_space<vmem_shared>>) offsets(%dma_start3A_356 : memref<128xi32, #tpu.memory_space<vmem>>) semaphore(%arg17 : memref<!tpu.dma_semaphore, #tpu.memory_space<semaphore_mem>>) {add = true}
        %dma_start3A_360 = arith.constant 5 : i32
        %dma_start3A_361 = arith.constant 128 : i32
        %dma_start3A_362 = arith.constant 0 : i32
        %dma_start3A_363 = tpu.memref_slice %arg13[%dma_start3A_361, %dma_start3A_362] : memref<512x32xf32, #tpu.memory_space<vmem>> -> memref<128x32xf32, #tpu.memory_space<vmem>>
        %dma_start3A_364 = arith.constant 0 : i32
        %dma_start3A_365 = tpu.memref_slice %arg10[%dma_start3A_360, %dma_start3A_364] : memref<8x128xi32, #tpu.memory_space<vmem>> -> memref<1x128xi32, #tpu.memory_space<vmem>>
        %dma_start3A_366 = tpu.memref_squeeze %dma_start3A_365 : memref<1x128xi32, #tpu.memory_space<vmem>> -> memref<128xi32, #tpu.memory_space<vmem>>
        %dma_start3A_367 = arith.constant 0 : i32
        %dma_start3A_368 = arith.constant 0 : i32
        %dma_start3A_369 = tpu.memref_slice %arg16[%dma_start3A_367, %dma_start3A_368] : memref<10240x32xf32, #tpu.memory_space<vmem_shared>> -> memref<10240x32xf32, #tpu.memory_space<vmem_shared>>
        tpu.enqueue_indirect_dma source(%dma_start3A_363 : memref<128x32xf32, #tpu.memory_space<vmem>>) target(%dma_start3A_369 : memref<10240x32xf32, #tpu.memory_space<vmem_shared>>) offsets(%dma_start3A_366 : memref<128xi32, #tpu.memory_space<vmem>>) semaphore(%arg17 : memref<!tpu.dma_semaphore, #tpu.memory_space<semaphore_mem>>) {add = true}
        %dma_start3A_370 = arith.constant 6 : i32
        %dma_start3A_371 = arith.constant 256 : i32
        %dma_start3A_372 = arith.constant 0 : i32
        %dma_start3A_373 = tpu.memref_slice %arg11[%dma_start3A_371, %dma_start3A_372] : memref<512x32xf32, #tpu.memory_space<vmem>> -> memref<128x32xf32, #tpu.memory_space<vmem>>
        %dma_start3A_374 = arith.constant 0 : i32
        %dma_start3A_375 = tpu.memref_slice %arg10[%dma_start3A_370, %dma_start3A_374] : memref<8x128xi32, #tpu.memory_space<vmem>> -> memref<1x128xi32, #tpu.memory_space<vmem>>
        %dma_start3A_376 = tpu.memref_squeeze %dma_start3A_375 : memref<1x128xi32, #tpu.memory_space<vmem>> -> memref<128xi32, #tpu.memory_space<vmem>>
        %dma_start3A_377 = arith.constant 0 : i32
        %dma_start3A_378 = arith.constant 0 : i32
        %dma_start3A_379 = tpu.memref_slice %arg14[%dma_start3A_377, %dma_start3A_378] : memref<10240x32xf32, #tpu.memory_space<vmem_shared>> -> memref<10240x32xf32, #tpu.memory_space<vmem_shared>>
        tpu.enqueue_indirect_dma source(%dma_start3A_373 : memref<128x32xf32, #tpu.memory_space<vmem>>) target(%dma_start3A_379 : memref<10240x32xf32, #tpu.memory_space<vmem_shared>>) offsets(%dma_start3A_376 : memref<128xi32, #tpu.memory_space<vmem>>) semaphore(%arg17 : memref<!tpu.dma_semaphore, #tpu.memory_space<semaphore_mem>>) {add = true}
        %dma_start3A_380 = arith.constant 6 : i32
        %dma_start3A_381 = arith.constant 256 : i32
        %dma_start3A_382 = arith.constant 0 : i32
        %dma_start3A_383 = tpu.memref_slice %arg12[%dma_start3A_381, %dma_start3A_382] : memref<512x32xf32, #tpu.memory_space<vmem>> -> memref<128x32xf32, #tpu.memory_space<vmem>>
        %dma_start3A_384 = arith.constant 0 : i32
        %dma_start3A_385 = tpu.memref_slice %arg10[%dma_start3A_380, %dma_start3A_384] : memref<8x128xi32, #tpu.memory_space<vmem>> -> memref<1x128xi32, #tpu.memory_space<vmem>>
        %dma_start3A_386 = tpu.memref_squeeze %dma_start3A_385 : memref<1x128xi32, #tpu.memory_space<vmem>> -> memref<128xi32, #tpu.memory_space<vmem>>
        %dma_start3A_387 = arith.constant 0 : i32
        %dma_start3A_388 = arith.constant 0 : i32
        %dma_start3A_389 = tpu.memref_slice %arg15[%dma_start3A_387, %dma_start3A_388] : memref<10240x32xf32, #tpu.memory_space<vmem_shared>> -> memref<10240x32xf32, #tpu.memory_space<vmem_shared>>
        tpu.enqueue_indirect_dma source(%dma_start3A_383 : memref<128x32xf32, #tpu.memory_space<vmem>>) target(%dma_start3A_389 : memref<10240x32xf32, #tpu.memory_space<vmem_shared>>) offsets(%dma_start3A_386 : memref<128xi32, #tpu.memory_space<vmem>>) semaphore(%arg17 : memref<!tpu.dma_semaphore, #tpu.memory_space<semaphore_mem>>) {add = true}
        %dma_start3A_390 = arith.constant 6 : i32
        %dma_start3A_391 = arith.constant 256 : i32
        %dma_start3A_392 = arith.constant 0 : i32
        %dma_start3A_393 = tpu.memref_slice %arg13[%dma_start3A_391, %dma_start3A_392] : memref<512x32xf32, #tpu.memory_space<vmem>> -> memref<128x32xf32, #tpu.memory_space<vmem>>
        %dma_start3A_394 = arith.constant 0 : i32
        %dma_start3A_395 = tpu.memref_slice %arg10[%dma_start3A_390, %dma_start3A_394] : memref<8x128xi32, #tpu.memory_space<vmem>> -> memref<1x128xi32, #tpu.memory_space<vmem>>
        %dma_start3A_396 = tpu.memref_squeeze %dma_start3A_395 : memref<1x128xi32, #tpu.memory_space<vmem>> -> memref<128xi32, #tpu.memory_space<vmem>>
        %dma_start3A_397 = arith.constant 0 : i32
        %dma_start3A_398 = arith.constant 0 : i32
        %dma_start3A_399 = tpu.memref_slice %arg16[%dma_start3A_397, %dma_start3A_398] : memref<10240x32xf32, #tpu.memory_space<vmem_shared>> -> memref<10240x32xf32, #tpu.memory_space<vmem_shared>>
        tpu.enqueue_indirect_dma source(%dma_start3A_393 : memref<128x32xf32, #tpu.memory_space<vmem>>) target(%dma_start3A_399 : memref<10240x32xf32, #tpu.memory_space<vmem_shared>>) offsets(%dma_start3A_396 : memref<128xi32, #tpu.memory_space<vmem>>) semaphore(%arg17 : memref<!tpu.dma_semaphore, #tpu.memory_space<semaphore_mem>>) {add = true}
        %dma_start3A_400 = arith.constant 7 : i32
        %dma_start3A_401 = arith.constant 384 : i32
        %dma_start3A_402 = arith.constant 0 : i32
        %dma_start3A_403 = tpu.memref_slice %arg11[%dma_start3A_401, %dma_start3A_402] : memref<512x32xf32, #tpu.memory_space<vmem>> -> memref<128x32xf32, #tpu.memory_space<vmem>>
        %dma_start3A_404 = arith.constant 0 : i32
        %dma_start3A_405 = tpu.memref_slice %arg10[%dma_start3A_400, %dma_start3A_404] : memref<8x128xi32, #tpu.memory_space<vmem>> -> memref<1x128xi32, #tpu.memory_space<vmem>>
        %dma_start3A_406 = tpu.memref_squeeze %dma_start3A_405 : memref<1x128xi32, #tpu.memory_space<vmem>> -> memref<128xi32, #tpu.memory_space<vmem>>
        %dma_start3A_407 = arith.constant 0 : i32
        %dma_start3A_408 = arith.constant 0 : i32
        %dma_start3A_409 = tpu.memref_slice %arg14[%dma_start3A_407, %dma_start3A_408] : memref<10240x32xf32, #tpu.memory_space<vmem_shared>> -> memref<10240x32xf32, #tpu.memory_space<vmem_shared>>
        tpu.enqueue_indirect_dma source(%dma_start3A_403 : memref<128x32xf32, #tpu.memory_space<vmem>>) target(%dma_start3A_409 : memref<10240x32xf32, #tpu.memory_space<vmem_shared>>) offsets(%dma_start3A_406 : memref<128xi32, #tpu.memory_space<vmem>>) semaphore(%arg17 : memref<!tpu.dma_semaphore, #tpu.memory_space<semaphore_mem>>) {add = true}
        %dma_start3A_410 = arith.constant 7 : i32
        %dma_start3A_411 = arith.constant 384 : i32
        %dma_start3A_412 = arith.constant 0 : i32
        %dma_start3A_413 = tpu.memref_slice %arg12[%dma_start3A_411, %dma_start3A_412] : memref<512x32xf32, #tpu.memory_space<vmem>> -> memref<128x32xf32, #tpu.memory_space<vmem>>
        %dma_start3A_414 = arith.constant 0 : i32
        %dma_start3A_415 = tpu.memref_slice %arg10[%dma_start3A_410, %dma_start3A_414] : memref<8x128xi32, #tpu.memory_space<vmem>> -> memref<1x128xi32, #tpu.memory_space<vmem>>
        %dma_start3A_416 = tpu.memref_squeeze %dma_start3A_415 : memref<1x128xi32, #tpu.memory_space<vmem>> -> memref<128xi32, #tpu.memory_space<vmem>>
        %dma_start3A_417 = arith.constant 0 : i32
        %dma_start3A_418 = arith.constant 0 : i32
        %dma_start3A_419 = tpu.memref_slice %arg15[%dma_start3A_417, %dma_start3A_418] : memref<10240x32xf32, #tpu.memory_space<vmem_shared>> -> memref<10240x32xf32, #tpu.memory_space<vmem_shared>>
        tpu.enqueue_indirect_dma source(%dma_start3A_413 : memref<128x32xf32, #tpu.memory_space<vmem>>) target(%dma_start3A_419 : memref<10240x32xf32, #tpu.memory_space<vmem_shared>>) offsets(%dma_start3A_416 : memref<128xi32, #tpu.memory_space<vmem>>) semaphore(%arg17 : memref<!tpu.dma_semaphore, #tpu.memory_space<semaphore_mem>>) {add = true}
        %dma_start3A_420 = arith.constant 7 : i32
        %dma_start3A_421 = arith.constant 384 : i32
        %dma_start3A_422 = arith.constant 0 : i32
        %dma_start3A_423 = tpu.memref_slice %arg13[%dma_start3A_421, %dma_start3A_422] : memref<512x32xf32, #tpu.memory_space<vmem>> -> memref<128x32xf32, #tpu.memory_space<vmem>>
        %dma_start3A_424 = arith.constant 0 : i32
        %dma_start3A_425 = tpu.memref_slice %arg10[%dma_start3A_420, %dma_start3A_424] : memref<8x128xi32, #tpu.memory_space<vmem>> -> memref<1x128xi32, #tpu.memory_space<vmem>>
        %dma_start3A_426 = tpu.memref_squeeze %dma_start3A_425 : memref<1x128xi32, #tpu.memory_space<vmem>> -> memref<128xi32, #tpu.memory_space<vmem>>
        %dma_start3A_427 = arith.constant 0 : i32
        %dma_start3A_428 = arith.constant 0 : i32
        %dma_start3A_429 = tpu.memref_slice %arg16[%dma_start3A_427, %dma_start3A_428] : memref<10240x32xf32, #tpu.memory_space<vmem_shared>> -> memref<10240x32xf32, #tpu.memory_space<vmem_shared>>
        tpu.enqueue_indirect_dma source(%dma_start3A_423 : memref<128x32xf32, #tpu.memory_space<vmem>>) target(%dma_start3A_429 : memref<10240x32xf32, #tpu.memory_space<vmem_shared>>) offsets(%dma_start3A_426 : memref<128xi32, #tpu.memory_space<vmem>>) semaphore(%arg17 : memref<!tpu.dma_semaphore, #tpu.memory_space<semaphore_mem>>) {add = true}
        %dma_wait3A_430 = arith.constant 4 : i32
        %dma_wait3A_431 = arith.constant 0 : i32
        %dma_wait3A_432 = arith.constant 0 : i32
        %dma_wait3A_433 = tpu.memref_slice %arg11[%dma_wait3A_431, %dma_wait3A_432] : memref<512x32xf32, #tpu.memory_space<vmem>> -> memref<128x32xf32, #tpu.memory_space<vmem>>
        %dma_wait3A_434 = arith.constant 0 : i32
        %dma_wait3A_435 = tpu.memref_slice %arg10[%dma_wait3A_430, %dma_wait3A_434] : memref<8x128xi32, #tpu.memory_space<vmem>> -> memref<1x128xi32, #tpu.memory_space<vmem>>
        %dma_wait3A_436 = tpu.memref_squeeze %dma_wait3A_435 : memref<1x128xi32, #tpu.memory_space<vmem>> -> memref<128xi32, #tpu.memory_space<vmem>>
        %dma_wait3A_437 = arith.constant 0 : i32
        %dma_wait3A_438 = arith.constant 0 : i32
        %dma_wait3A_439 = tpu.memref_slice %arg14[%dma_wait3A_437, %dma_wait3A_438] : memref<10240x32xf32, #tpu.memory_space<vmem_shared>> -> memref<10240x32xf32, #tpu.memory_space<vmem_shared>>
        tpu.wait_indirect_dma semaphore(%arg17 : memref<!tpu.dma_semaphore, #tpu.memory_space<semaphore_mem>>) src(%dma_wait3A_433 : memref<128x32xf32, #tpu.memory_space<vmem>>) dst(%dma_wait3A_439 : memref<10240x32xf32, #tpu.memory_space<vmem_shared>>)
        %dma_wait3A_440 = arith.constant 4 : i32
        %dma_wait3A_441 = arith.constant 0 : i32
        %dma_wait3A_442 = arith.constant 0 : i32
        %dma_wait3A_443 = tpu.memref_slice %arg12[%dma_wait3A_441, %dma_wait3A_442] : memref<512x32xf32, #tpu.memory_space<vmem>> -> memref<128x32xf32, #tpu.memory_space<vmem>>
        %dma_wait3A_444 = arith.constant 0 : i32
        %dma_wait3A_445 = tpu.memref_slice %arg10[%dma_wait3A_440, %dma_wait3A_444] : memref<8x128xi32, #tpu.memory_space<vmem>> -> memref<1x128xi32, #tpu.memory_space<vmem>>
        %dma_wait3A_446 = tpu.memref_squeeze %dma_wait3A_445 : memref<1x128xi32, #tpu.memory_space<vmem>> -> memref<128xi32, #tpu.memory_space<vmem>>
        %dma_wait3A_447 = arith.constant 0 : i32
        %dma_wait3A_448 = arith.constant 0 : i32
        %dma_wait3A_449 = tpu.memref_slice %arg15[%dma_wait3A_447, %dma_wait3A_448] : memref<10240x32xf32, #tpu.memory_space<vmem_shared>> -> memref<10240x32xf32, #tpu.memory_space<vmem_shared>>
        tpu.wait_indirect_dma semaphore(%arg17 : memref<!tpu.dma_semaphore, #tpu.memory_space<semaphore_mem>>) src(%dma_wait3A_443 : memref<128x32xf32, #tpu.memory_space<vmem>>) dst(%dma_wait3A_449 : memref<10240x32xf32, #tpu.memory_space<vmem_shared>>)
        %dma_wait3A_450 = arith.constant 4 : i32
        %dma_wait3A_451 = arith.constant 0 : i32
        %dma_wait3A_452 = arith.constant 0 : i32
        %dma_wait3A_453 = tpu.memref_slice %arg13[%dma_wait3A_451, %dma_wait3A_452] : memref<512x32xf32, #tpu.memory_space<vmem>> -> memref<128x32xf32, #tpu.memory_space<vmem>>
        %dma_wait3A_454 = arith.constant 0 : i32
        %dma_wait3A_455 = tpu.memref_slice %arg10[%dma_wait3A_450, %dma_wait3A_454] : memref<8x128xi32, #tpu.memory_space<vmem>> -> memref<1x128xi32, #tpu.memory_space<vmem>>
        %dma_wait3A_456 = tpu.memref_squeeze %dma_wait3A_455 : memref<1x128xi32, #tpu.memory_space<vmem>> -> memref<128xi32, #tpu.memory_space<vmem>>
        %dma_wait3A_457 = arith.constant 0 : i32
        %dma_wait3A_458 = arith.constant 0 : i32
        %dma_wait3A_459 = tpu.memref_slice %arg16[%dma_wait3A_457, %dma_wait3A_458] : memref<10240x32xf32, #tpu.memory_space<vmem_shared>> -> memref<10240x32xf32, #tpu.memory_space<vmem_shared>>
        tpu.wait_indirect_dma semaphore(%arg17 : memref<!tpu.dma_semaphore, #tpu.memory_space<semaphore_mem>>) src(%dma_wait3A_453 : memref<128x32xf32, #tpu.memory_space<vmem>>) dst(%dma_wait3A_459 : memref<10240x32xf32, #tpu.memory_space<vmem_shared>>)
        %dma_wait3A_460 = arith.constant 5 : i32
        %dma_wait3A_461 = arith.constant 128 : i32
        %dma_wait3A_462 = arith.constant 0 : i32
        %dma_wait3A_463 = tpu.memref_slice %arg11[%dma_wait3A_461, %dma_wait3A_462] : memref<512x32xf32, #tpu.memory_space<vmem>> -> memref<128x32xf32, #tpu.memory_space<vmem>>
        %dma_wait3A_464 = arith.constant 0 : i32
        %dma_wait3A_465 = tpu.memref_slice %arg10[%dma_wait3A_460, %dma_wait3A_464] : memref<8x128xi32, #tpu.memory_space<vmem>> -> memref<1x128xi32, #tpu.memory_space<vmem>>
        %dma_wait3A_466 = tpu.memref_squeeze %dma_wait3A_465 : memref<1x128xi32, #tpu.memory_space<vmem>> -> memref<128xi32, #tpu.memory_space<vmem>>
        %dma_wait3A_467 = arith.constant 0 : i32
        %dma_wait3A_468 = arith.constant 0 : i32
        %dma_wait3A_469 = tpu.memref_slice %arg14[%dma_wait3A_467, %dma_wait3A_468] : memref<10240x32xf32, #tpu.memory_space<vmem_shared>> -> memref<10240x32xf32, #tpu.memory_space<vmem_shared>>
        tpu.wait_indirect_dma semaphore(%arg17 : memref<!tpu.dma_semaphore, #tpu.memory_space<semaphore_mem>>) src(%dma_wait3A_463 : memref<128x32xf32, #tpu.memory_space<vmem>>) dst(%dma_wait3A_469 : memref<10240x32xf32, #tpu.memory_space<vmem_shared>>)
        %dma_wait3A_470 = arith.constant 5 : i32
        %dma_wait3A_471 = arith.constant 128 : i32
        %dma_wait3A_472 = arith.constant 0 : i32
        %dma_wait3A_473 = tpu.memref_slice %arg12[%dma_wait3A_471, %dma_wait3A_472] : memref<512x32xf32, #tpu.memory_space<vmem>> -> memref<128x32xf32, #tpu.memory_space<vmem>>
        %dma_wait3A_474 = arith.constant 0 : i32
        %dma_wait3A_475 = tpu.memref_slice %arg10[%dma_wait3A_470, %dma_wait3A_474] : memref<8x128xi32, #tpu.memory_space<vmem>> -> memref<1x128xi32, #tpu.memory_space<vmem>>
        %dma_wait3A_476 = tpu.memref_squeeze %dma_wait3A_475 : memref<1x128xi32, #tpu.memory_space<vmem>> -> memref<128xi32, #tpu.memory_space<vmem>>
        %dma_wait3A_477 = arith.constant 0 : i32
        %dma_wait3A_478 = arith.constant 0 : i32
        %dma_wait3A_479 = tpu.memref_slice %arg15[%dma_wait3A_477, %dma_wait3A_478] : memref<10240x32xf32, #tpu.memory_space<vmem_shared>> -> memref<10240x32xf32, #tpu.memory_space<vmem_shared>>
        tpu.wait_indirect_dma semaphore(%arg17 : memref<!tpu.dma_semaphore, #tpu.memory_space<semaphore_mem>>) src(%dma_wait3A_473 : memref<128x32xf32, #tpu.memory_space<vmem>>) dst(%dma_wait3A_479 : memref<10240x32xf32, #tpu.memory_space<vmem_shared>>)
        %dma_wait3A_480 = arith.constant 5 : i32
        %dma_wait3A_481 = arith.constant 128 : i32
        %dma_wait3A_482 = arith.constant 0 : i32
        %dma_wait3A_483 = tpu.memref_slice %arg13[%dma_wait3A_481, %dma_wait3A_482] : memref<512x32xf32, #tpu.memory_space<vmem>> -> memref<128x32xf32, #tpu.memory_space<vmem>>
        %dma_wait3A_484 = arith.constant 0 : i32
        %dma_wait3A_485 = tpu.memref_slice %arg10[%dma_wait3A_480, %dma_wait3A_484] : memref<8x128xi32, #tpu.memory_space<vmem>> -> memref<1x128xi32, #tpu.memory_space<vmem>>
        %dma_wait3A_486 = tpu.memref_squeeze %dma_wait3A_485 : memref<1x128xi32, #tpu.memory_space<vmem>> -> memref<128xi32, #tpu.memory_space<vmem>>
        %dma_wait3A_487 = arith.constant 0 : i32
        %dma_wait3A_488 = arith.constant 0 : i32
        %dma_wait3A_489 = tpu.memref_slice %arg16[%dma_wait3A_487, %dma_wait3A_488] : memref<10240x32xf32, #tpu.memory_space<vmem_shared>> -> memref<10240x32xf32, #tpu.memory_space<vmem_shared>>
        tpu.wait_indirect_dma semaphore(%arg17 : memref<!tpu.dma_semaphore, #tpu.memory_space<semaphore_mem>>) src(%dma_wait3A_483 : memref<128x32xf32, #tpu.memory_space<vmem>>) dst(%dma_wait3A_489 : memref<10240x32xf32, #tpu.memory_space<vmem_shared>>)
        %dma_wait3A_490 = arith.constant 6 : i32
        %dma_wait3A_491 = arith.constant 256 : i32
        %dma_wait3A_492 = arith.constant 0 : i32
        %dma_wait3A_493 = tpu.memref_slice %arg11[%dma_wait3A_491, %dma_wait3A_492] : memref<512x32xf32, #tpu.memory_space<vmem>> -> memref<128x32xf32, #tpu.memory_space<vmem>>
        %dma_wait3A_494 = arith.constant 0 : i32
        %dma_wait3A_495 = tpu.memref_slice %arg10[%dma_wait3A_490, %dma_wait3A_494] : memref<8x128xi32, #tpu.memory_space<vmem>> -> memref<1x128xi32, #tpu.memory_space<vmem>>
        %dma_wait3A_496 = tpu.memref_squeeze %dma_wait3A_495 : memref<1x128xi32, #tpu.memory_space<vmem>> -> memref<128xi32, #tpu.memory_space<vmem>>
        %dma_wait3A_497 = arith.constant 0 : i32
        %dma_wait3A_498 = arith.constant 0 : i32
        %dma_wait3A_499 = tpu.memref_slice %arg14[%dma_wait3A_497, %dma_wait3A_498] : memref<10240x32xf32, #tpu.memory_space<vmem_shared>> -> memref<10240x32xf32, #tpu.memory_space<vmem_shared>>
        tpu.wait_indirect_dma semaphore(%arg17 : memref<!tpu.dma_semaphore, #tpu.memory_space<semaphore_mem>>) src(%dma_wait3A_493 : memref<128x32xf32, #tpu.memory_space<vmem>>) dst(%dma_wait3A_499 : memref<10240x32xf32, #tpu.memory_space<vmem_shared>>)
        %dma_wait3A_500 = arith.constant 6 : i32
        %dma_wait3A_501 = arith.constant 256 : i32
        %dma_wait3A_502 = arith.constant 0 : i32
        %dma_wait3A_503 = tpu.memref_slice %arg12[%dma_wait3A_501, %dma_wait3A_502] : memref<512x32xf32, #tpu.memory_space<vmem>> -> memref<128x32xf32, #tpu.memory_space<vmem>>
        %dma_wait3A_504 = arith.constant 0 : i32
        %dma_wait3A_505 = tpu.memref_slice %arg10[%dma_wait3A_500, %dma_wait3A_504] : memref<8x128xi32, #tpu.memory_space<vmem>> -> memref<1x128xi32, #tpu.memory_space<vmem>>
        %dma_wait3A_506 = tpu.memref_squeeze %dma_wait3A_505 : memref<1x128xi32, #tpu.memory_space<vmem>> -> memref<128xi32, #tpu.memory_space<vmem>>
        %dma_wait3A_507 = arith.constant 0 : i32
        %dma_wait3A_508 = arith.constant 0 : i32
        %dma_wait3A_509 = tpu.memref_slice %arg15[%dma_wait3A_507, %dma_wait3A_508] : memref<10240x32xf32, #tpu.memory_space<vmem_shared>> -> memref<10240x32xf32, #tpu.memory_space<vmem_shared>>
        tpu.wait_indirect_dma semaphore(%arg17 : memref<!tpu.dma_semaphore, #tpu.memory_space<semaphore_mem>>) src(%dma_wait3A_503 : memref<128x32xf32, #tpu.memory_space<vmem>>) dst(%dma_wait3A_509 : memref<10240x32xf32, #tpu.memory_space<vmem_shared>>)
        %dma_wait3A_510 = arith.constant 6 : i32
        %dma_wait3A_511 = arith.constant 256 : i32
        %dma_wait3A_512 = arith.constant 0 : i32
        %dma_wait3A_513 = tpu.memref_slice %arg13[%dma_wait3A_511, %dma_wait3A_512] : memref<512x32xf32, #tpu.memory_space<vmem>> -> memref<128x32xf32, #tpu.memory_space<vmem>>
        %dma_wait3A_514 = arith.constant 0 : i32
        %dma_wait3A_515 = tpu.memref_slice %arg10[%dma_wait3A_510, %dma_wait3A_514] : memref<8x128xi32, #tpu.memory_space<vmem>> -> memref<1x128xi32, #tpu.memory_space<vmem>>
        %dma_wait3A_516 = tpu.memref_squeeze %dma_wait3A_515 : memref<1x128xi32, #tpu.memory_space<vmem>> -> memref<128xi32, #tpu.memory_space<vmem>>
        %dma_wait3A_517 = arith.constant 0 : i32
        %dma_wait3A_518 = arith.constant 0 : i32
        %dma_wait3A_519 = tpu.memref_slice %arg16[%dma_wait3A_517, %dma_wait3A_518] : memref<10240x32xf32, #tpu.memory_space<vmem_shared>> -> memref<10240x32xf32, #tpu.memory_space<vmem_shared>>
        tpu.wait_indirect_dma semaphore(%arg17 : memref<!tpu.dma_semaphore, #tpu.memory_space<semaphore_mem>>) src(%dma_wait3A_513 : memref<128x32xf32, #tpu.memory_space<vmem>>) dst(%dma_wait3A_519 : memref<10240x32xf32, #tpu.memory_space<vmem_shared>>)
        %dma_wait3A_520 = arith.constant 7 : i32
        %dma_wait3A_521 = arith.constant 384 : i32
        %dma_wait3A_522 = arith.constant 0 : i32
        %dma_wait3A_523 = tpu.memref_slice %arg11[%dma_wait3A_521, %dma_wait3A_522] : memref<512x32xf32, #tpu.memory_space<vmem>> -> memref<128x32xf32, #tpu.memory_space<vmem>>
        %dma_wait3A_524 = arith.constant 0 : i32
        %dma_wait3A_525 = tpu.memref_slice %arg10[%dma_wait3A_520, %dma_wait3A_524] : memref<8x128xi32, #tpu.memory_space<vmem>> -> memref<1x128xi32, #tpu.memory_space<vmem>>
        %dma_wait3A_526 = tpu.memref_squeeze %dma_wait3A_525 : memref<1x128xi32, #tpu.memory_space<vmem>> -> memref<128xi32, #tpu.memory_space<vmem>>
        %dma_wait3A_527 = arith.constant 0 : i32
        %dma_wait3A_528 = arith.constant 0 : i32
        %dma_wait3A_529 = tpu.memref_slice %arg14[%dma_wait3A_527, %dma_wait3A_528] : memref<10240x32xf32, #tpu.memory_space<vmem_shared>> -> memref<10240x32xf32, #tpu.memory_space<vmem_shared>>
        tpu.wait_indirect_dma semaphore(%arg17 : memref<!tpu.dma_semaphore, #tpu.memory_space<semaphore_mem>>) src(%dma_wait3A_523 : memref<128x32xf32, #tpu.memory_space<vmem>>) dst(%dma_wait3A_529 : memref<10240x32xf32, #tpu.memory_space<vmem_shared>>)
        %dma_wait3A_530 = arith.constant 7 : i32
        %dma_wait3A_531 = arith.constant 384 : i32
        %dma_wait3A_532 = arith.constant 0 : i32
        %dma_wait3A_533 = tpu.memref_slice %arg12[%dma_wait3A_531, %dma_wait3A_532] : memref<512x32xf32, #tpu.memory_space<vmem>> -> memref<128x32xf32, #tpu.memory_space<vmem>>
        %dma_wait3A_534 = arith.constant 0 : i32
        %dma_wait3A_535 = tpu.memref_slice %arg10[%dma_wait3A_530, %dma_wait3A_534] : memref<8x128xi32, #tpu.memory_space<vmem>> -> memref<1x128xi32, #tpu.memory_space<vmem>>
        %dma_wait3A_536 = tpu.memref_squeeze %dma_wait3A_535 : memref<1x128xi32, #tpu.memory_space<vmem>> -> memref<128xi32, #tpu.memory_space<vmem>>
        %dma_wait3A_537 = arith.constant 0 : i32
        %dma_wait3A_538 = arith.constant 0 : i32
        %dma_wait3A_539 = tpu.memref_slice %arg15[%dma_wait3A_537, %dma_wait3A_538] : memref<10240x32xf32, #tpu.memory_space<vmem_shared>> -> memref<10240x32xf32, #tpu.memory_space<vmem_shared>>
        tpu.wait_indirect_dma semaphore(%arg17 : memref<!tpu.dma_semaphore, #tpu.memory_space<semaphore_mem>>) src(%dma_wait3A_533 : memref<128x32xf32, #tpu.memory_space<vmem>>) dst(%dma_wait3A_539 : memref<10240x32xf32, #tpu.memory_space<vmem_shared>>)
        %dma_wait3A_540 = arith.constant 7 : i32
        %dma_wait3A_541 = arith.constant 384 : i32
        %dma_wait3A_542 = arith.constant 0 : i32
        %dma_wait3A_543 = tpu.memref_slice %arg13[%dma_wait3A_541, %dma_wait3A_542] : memref<512x32xf32, #tpu.memory_space<vmem>> -> memref<128x32xf32, #tpu.memory_space<vmem>>
        %dma_wait3A_544 = arith.constant 0 : i32
        %dma_wait3A_545 = tpu.memref_slice %arg10[%dma_wait3A_540, %dma_wait3A_544] : memref<8x128xi32, #tpu.memory_space<vmem>> -> memref<1x128xi32, #tpu.memory_space<vmem>>
        %dma_wait3A_546 = tpu.memref_squeeze %dma_wait3A_545 : memref<1x128xi32, #tpu.memory_space<vmem>> -> memref<128xi32, #tpu.memory_space<vmem>>
        %dma_wait3A_547 = arith.constant 0 : i32
        %dma_wait3A_548 = arith.constant 0 : i32
        %dma_wait3A_549 = tpu.memref_slice %arg16[%dma_wait3A_547, %dma_wait3A_548] : memref<10240x32xf32, #tpu.memory_space<vmem_shared>> -> memref<10240x32xf32, #tpu.memory_space<vmem_shared>>
        tpu.wait_indirect_dma semaphore(%arg17 : memref<!tpu.dma_semaphore, #tpu.memory_space<semaphore_mem>>) src(%dma_wait3A_543 : memref<128x32xf32, #tpu.memory_space<vmem>>) dst(%dma_wait3A_549 : memref<10240x32xf32, #tpu.memory_space<vmem_shared>>)
      } else {
      }
    }
    %scan3A_6 = arith.constant 20 : i32
    %barrier3A_7 = arith.constant 0 : index
    tpu.barrier barrier_id(%barrier3A_7)
    %mul3A_8 = arith.constant 640 : i32
    %mul3A_9 = arith.muli %arg1, %mul3A_8 : i32
    "tpu.region"() ({
      %run_scoped3A = tpu.sem_alloc : memref<!tpu.dma_semaphore, #tpu.memory_space<semaphore_mem>>
      %dma_start3A = arith.constant 0 : i32
      %dma_start3A_10 = tpu.memref_slice %arg7[%arg0, %mul3A_9, %dma_start3A] : memref<2x10240x32xf32, #tpu.memory_space<hbm>> -> memref<1x640x32xf32, #tpu.memory_space<hbm>>
      %dma_start3A_11 = tpu.memref_squeeze %dma_start3A_10 : memref<1x640x32xf32, #tpu.memory_space<hbm>> -> memref<640x32xf32, #tpu.memory_space<hbm>>
      %dma_start3A_12 = arith.constant 0 : i32
      %dma_start3A_13 = tpu.memref_slice %arg14[%mul3A_9, %dma_start3A_12] : memref<10240x32xf32, #tpu.memory_space<vmem_shared>> -> memref<640x32xf32, #tpu.memory_space<vmem_shared>>
      tpu.enqueue_dma source(%dma_start3A_13 : memref<640x32xf32, #tpu.memory_space<vmem_shared>>) target(%dma_start3A_11 : memref<640x32xf32, #tpu.memory_space<hbm>>) target_semaphore(%run_scoped3A : memref<!tpu.dma_semaphore, #tpu.memory_space<semaphore_mem>>)
      %dma_wait3A = arith.constant 0 : i32
      %dma_wait3A_14 = tpu.memref_slice %arg7[%arg0, %mul3A_9, %dma_wait3A] : memref<2x10240x32xf32, #tpu.memory_space<hbm>> -> memref<1x640x32xf32, #tpu.memory_space<hbm>>
      %dma_wait3A_15 = tpu.memref_squeeze %dma_wait3A_14 : memref<1x640x32xf32, #tpu.memory_space<hbm>> -> memref<640x32xf32, #tpu.memory_space<hbm>>
      %dma_wait3A_16 = arith.constant 0 : i32
      %dma_wait3A_17 = tpu.memref_slice %arg14[%mul3A_9, %dma_wait3A_16] : memref<10240x32xf32, #tpu.memory_space<vmem_shared>> -> memref<640x32xf32, #tpu.memory_space<vmem_shared>>
      tpu.wait_dma2 semaphore(%run_scoped3A : memref<!tpu.dma_semaphore, #tpu.memory_space<semaphore_mem>>) src(%dma_wait3A_17 : memref<640x32xf32, #tpu.memory_space<vmem_shared>>) dst(%dma_wait3A_15 : memref<640x32xf32, #tpu.memory_space<hbm>>)
      tpu.yield
    }) : () -> ()
    "tpu.region"() ({
      %run_scoped3A = tpu.sem_alloc : memref<!tpu.dma_semaphore, #tpu.memory_space<semaphore_mem>>
      %dma_start3A = arith.constant 0 : i32
      %dma_start3A_10 = tpu.memref_slice %arg8[%arg0, %mul3A_9, %dma_start3A] : memref<2x10240x32xf32, #tpu.memory_space<hbm>> -> memref<1x640x32xf32, #tpu.memory_space<hbm>>
      %dma_start3A_11 = tpu.memref_squeeze %dma_start3A_10 : memref<1x640x32xf32, #tpu.memory_space<hbm>> -> memref<640x32xf32, #tpu.memory_space<hbm>>
      %dma_start3A_12 = arith.constant 0 : i32
      %dma_start3A_13 = tpu.memref_slice %arg15[%mul3A_9, %dma_start3A_12] : memref<10240x32xf32, #tpu.memory_space<vmem_shared>> -> memref<640x32xf32, #tpu.memory_space<vmem_shared>>
      tpu.enqueue_dma source(%dma_start3A_13 : memref<640x32xf32, #tpu.memory_space<vmem_shared>>) target(%dma_start3A_11 : memref<640x32xf32, #tpu.memory_space<hbm>>) target_semaphore(%run_scoped3A : memref<!tpu.dma_semaphore, #tpu.memory_space<semaphore_mem>>)
      %dma_wait3A = arith.constant 0 : i32
      %dma_wait3A_14 = tpu.memref_slice %arg8[%arg0, %mul3A_9, %dma_wait3A] : memref<2x10240x32xf32, #tpu.memory_space<hbm>> -> memref<1x640x32xf32, #tpu.memory_space<hbm>>
      %dma_wait3A_15 = tpu.memref_squeeze %dma_wait3A_14 : memref<1x640x32xf32, #tpu.memory_space<hbm>> -> memref<640x32xf32, #tpu.memory_space<hbm>>
      %dma_wait3A_16 = arith.constant 0 : i32
      %dma_wait3A_17 = tpu.memref_slice %arg15[%mul3A_9, %dma_wait3A_16] : memref<10240x32xf32, #tpu.memory_space<vmem_shared>> -> memref<640x32xf32, #tpu.memory_space<vmem_shared>>
      tpu.wait_dma2 semaphore(%run_scoped3A : memref<!tpu.dma_semaphore, #tpu.memory_space<semaphore_mem>>) src(%dma_wait3A_17 : memref<640x32xf32, #tpu.memory_space<vmem_shared>>) dst(%dma_wait3A_15 : memref<640x32xf32, #tpu.memory_space<hbm>>)
      tpu.yield
    }) : () -> ()
    "tpu.region"() ({
      %run_scoped3A = tpu.sem_alloc : memref<!tpu.dma_semaphore, #tpu.memory_space<semaphore_mem>>
      %dma_start3A = arith.constant 0 : i32
      %dma_start3A_10 = tpu.memref_slice %arg9[%arg0, %mul3A_9, %dma_start3A] : memref<2x10240x32xf32, #tpu.memory_space<hbm>> -> memref<1x640x32xf32, #tpu.memory_space<hbm>>
      %dma_start3A_11 = tpu.memref_squeeze %dma_start3A_10 : memref<1x640x32xf32, #tpu.memory_space<hbm>> -> memref<640x32xf32, #tpu.memory_space<hbm>>
      %dma_start3A_12 = arith.constant 0 : i32
      %dma_start3A_13 = tpu.memref_slice %arg16[%mul3A_9, %dma_start3A_12] : memref<10240x32xf32, #tpu.memory_space<vmem_shared>> -> memref<640x32xf32, #tpu.memory_space<vmem_shared>>
      tpu.enqueue_dma source(%dma_start3A_13 : memref<640x32xf32, #tpu.memory_space<vmem_shared>>) target(%dma_start3A_11 : memref<640x32xf32, #tpu.memory_space<hbm>>) target_semaphore(%run_scoped3A : memref<!tpu.dma_semaphore, #tpu.memory_space<semaphore_mem>>)
      %dma_wait3A = arith.constant 0 : i32
      %dma_wait3A_14 = tpu.memref_slice %arg9[%arg0, %mul3A_9, %dma_wait3A] : memref<2x10240x32xf32, #tpu.memory_space<hbm>> -> memref<1x640x32xf32, #tpu.memory_space<hbm>>
      %dma_wait3A_15 = tpu.memref_squeeze %dma_wait3A_14 : memref<1x640x32xf32, #tpu.memory_space<hbm>> -> memref<640x32xf32, #tpu.memory_space<hbm>>
      %dma_wait3A_16 = arith.constant 0 : i32
      %dma_wait3A_17 = tpu.memref_slice %arg16[%mul3A_9, %dma_wait3A_16] : memref<10240x32xf32, #tpu.memory_space<vmem_shared>> -> memref<640x32xf32, #tpu.memory_space<vmem_shared>>
      tpu.wait_dma2 semaphore(%run_scoped3A : memref<!tpu.dma_semaphore, #tpu.memory_space<semaphore_mem>>) src(%dma_wait3A_17 : memref<640x32xf32, #tpu.memory_space<vmem_shared>>) dst(%dma_wait3A_15 : memref<640x32xf32, #tpu.memory_space<hbm>>)
      tpu.yield
    }) : () -> ()
    return
  }
}

module attributes {stable_mosaic.version = 14 : i64} {
  func.func @_xproj_body(%arg0: i32, %arg1: memref<2000x128xf32, #tpu.memory_space<vmem>>, %arg2: memref<128x32xf32, #tpu.memory_space<vmem>>, %arg3: memref<1x32xf32, #tpu.memory_space<vmem>>, %arg4: memref<128x32xf32, #tpu.memory_space<vmem>>, %arg5: memref<1x32xf32, #tpu.memory_space<vmem>>, %arg6: memref<2000x32xf32, #tpu.memory_space<vmem>>, %arg7: memref<2000x32xf32, #tpu.memory_space<vmem>>) attributes {dimension_semantics = [#tpu.dimension_semantics<arbitrary>], iteration_bounds = array<i64: 5>, scalar_prefetch = 0 : i64, scratch_operands = 0 : i64, tpu.core_type = #tpu.core_type<tc>, window_params = [{transform_indices = @transform_0, window_bounds = array<i64: 2000, 128>}, {pipeline_mode = #tpu.pipeline_mode<synchronous>, transform_indices = @transform_1, window_bounds = array<i64: 128, 32>}, {pipeline_mode = #tpu.pipeline_mode<synchronous>, transform_indices = @transform_2, window_bounds = array<i64: 1, 32>}, {pipeline_mode = #tpu.pipeline_mode<synchronous>, transform_indices = @transform_3, window_bounds = array<i64: 128, 32>}, {pipeline_mode = #tpu.pipeline_mode<synchronous>, transform_indices = @transform_4, window_bounds = array<i64: 1, 32>}, {transform_indices = @transform_5, window_bounds = array<i64: 2000, 32>}, {transform_indices = @transform_6, window_bounds = array<i64: 2000, 32>}]} {
    %get3A = arith.constant 0 : index
    %get3A_0 = arith.constant 0 : index
    %get3A_1 = vector.load %arg1[%get3A, %get3A_0] : memref<2000x128xf32, #tpu.memory_space<vmem>>, vector<2000x128xf32>
    %get3A_2 = arith.constant 0 : index
    %get3A_3 = arith.constant 0 : index
    %get3A_4 = vector.load %arg2[%get3A_2, %get3A_3] : memref<128x32xf32, #tpu.memory_space<vmem>>, vector<128x32xf32>
    %dot_general3A = arith.constant dense<0.000000e+00> : vector<2000x32xf32>
    %dot_general3A_5 = tpu.matmul %get3A_1, %get3A_4, %dot_general3A {dimension_numbers = #tpu.dot_dimension_numbers<[1], [0], [0], [1], [0, 0, 1, 1], [], []>, transpose_lhs_hint = false} : vector<2000x128xf32>, vector<128x32xf32>, vector<2000x32xf32> -> vector<2000x32xf32>
    %get3A_6 = arith.constant 0 : index
    %get3A_7 = arith.constant 0 : index
    %get3A_8 = vector.load %arg3[%get3A_6, %get3A_7] : memref<1x32xf32, #tpu.memory_space<vmem>>, vector<1x32xf32>
    %add3A = vector.broadcast %get3A_8 : vector<1x32xf32> to vector<2000x32xf32>
    %add3A_9 = arith.addf %dot_general3A_5, %add3A : vector<2000x32xf32>
    %swap3A = arith.constant 0 : index
    %swap3A_10 = arith.constant 0 : index
    %swap3A_11 = vector.load %arg6[%swap3A, %swap3A_10] : memref<2000x32xf32, #tpu.memory_space<vmem>>, vector<2000x32xf32>
    tpu.vector_store %arg6[%swap3A, %swap3A_10], %add3A_9 {strides = array<i32>} : memref<2000x32xf32, #tpu.memory_space<vmem>>, vector<2000x32xf32>,
    %get3A_12 = arith.constant 0 : index
    %get3A_13 = arith.constant 0 : index
    %get3A_14 = vector.load %arg4[%get3A_12, %get3A_13] : memref<128x32xf32, #tpu.memory_space<vmem>>, vector<128x32xf32>
    %dot_general3A_15 = arith.constant dense<0.000000e+00> : vector<2000x32xf32>
    %dot_general3A_16 = tpu.matmul %get3A_1, %get3A_14, %dot_general3A_15 {dimension_numbers = #tpu.dot_dimension_numbers<[1], [0], [0], [1], [0, 0, 1, 1], [], []>, transpose_lhs_hint = false} : vector<2000x128xf32>, vector<128x32xf32>, vector<2000x32xf32> -> vector<2000x32xf32>
    %get3A_17 = arith.constant 0 : index
    %get3A_18 = arith.constant 0 : index
    %get3A_19 = vector.load %arg5[%get3A_17, %get3A_18] : memref<1x32xf32, #tpu.memory_space<vmem>>, vector<1x32xf32>
    %add3A_20 = vector.broadcast %get3A_19 : vector<1x32xf32> to vector<2000x32xf32>
    %add3A_21 = arith.addf %dot_general3A_16, %add3A_20 : vector<2000x32xf32>
    %swap3A_22 = arith.constant 0 : index
    %swap3A_23 = arith.constant 0 : index
    %swap3A_24 = vector.load %arg7[%swap3A_22, %swap3A_23] : memref<2000x32xf32, #tpu.memory_space<vmem>>, vector<2000x32xf32>
    tpu.vector_store %arg7[%swap3A_22, %swap3A_23], %add3A_21 {strides = array<i32>} : memref<2000x32xf32, #tpu.memory_space<vmem>>, vector<2000x32xf32>,
    return
  }
  func.func @transform_0(%arg0: i32) -> (i32, i32) {
    %c0_i32 = arith.constant 0 : i32
    %c0_i32_0 = arith.constant 0 : i32
    return %arg0, %c0_i32 : i32, i32
  }
  func.func @transform_1(%arg0: i32) -> (i32, i32) {
    %c0_i32 = arith.constant 0 : i32
    %c0_i32_0 = arith.constant 0 : i32
    %c0_i32_1 = arith.constant 0 : i32
    return %c0_i32, %c0_i32_0 : i32, i32
  }
  func.func @transform_2(%arg0: i32) -> (i32, i32) {
    %c0_i32 = arith.constant 0 : i32
    %c0_i32_0 = arith.constant 0 : i32
    %c0_i32_1 = arith.constant 0 : i32
    return %c0_i32, %c0_i32_0 : i32, i32
  }
  func.func @transform_3(%arg0: i32) -> (i32, i32) {
    %c0_i32 = arith.constant 0 : i32
    %c0_i32_0 = arith.constant 0 : i32
    %c0_i32_1 = arith.constant 0 : i32
    return %c0_i32, %c0_i32_0 : i32, i32
  }
  func.func @transform_4(%arg0: i32) -> (i32, i32) {
    %c0_i32 = arith.constant 0 : i32
    %c0_i32_0 = arith.constant 0 : i32
    %c0_i32_1 = arith.constant 0 : i32
    return %c0_i32, %c0_i32_0 : i32, i32
  }
  func.func @transform_5(%arg0: i32) -> (i32, i32) {
    %c0_i32 = arith.constant 0 : i32
    %c0_i32_0 = arith.constant 0 : i32
    return %arg0, %c0_i32 : i32, i32
  }
  func.func @transform_6(%arg0: i32) -> (i32, i32) {
    %c0_i32 = arith.constant 0 : i32
    %c0_i32_0 = arith.constant 0 : i32
    return %arg0, %c0_i32 : i32, i32
  }
}

module attributes {stable_mosaic.version = 14 : i64} {
  func.func @_edgewise_body(%arg0: i32, %arg1: memref<128x8xf32, #tpu.memory_space<vmem>>, %arg2: memref<8x128xf32, #tpu.memory_space<vmem>>, %arg3: memref<3200x128xf32, #tpu.memory_space<vmem>>, %arg4: memref<3200x128xf32, #tpu.memory_space<vmem>>, %arg5: memref<16x32xf32, #tpu.memory_space<vmem>>, %arg6: memref<16x3200xf32, #tpu.memory_space<vmem>>, %arg7: memref<16x3200xf32, #tpu.memory_space<vmem>>, %arg8: memref<16x3200xf32, #tpu.memory_space<vmem>>, %arg9: memref<16x3200xf32, #tpu.memory_space<vmem>>, %arg10: memref<3200x128xf32, #tpu.memory_space<vmem>>, %arg11: memref<3200x128xf32, #tpu.memory_space<vmem>>, %arg12: memref<3200x128xf32, #tpu.memory_space<vmem>>) attributes {dimension_semantics = [#tpu.dimension_semantics<arbitrary>], iteration_bounds = array<i64: 50>, scalar_prefetch = 0 : i64, scratch_operands = 0 : i64, tpu.core_type = #tpu.core_type<tc>, window_params = [{pipeline_mode = #tpu.pipeline_mode<synchronous>, transform_indices = @transform_0, window_bounds = array<i64: 128, 8>}, {pipeline_mode = #tpu.pipeline_mode<synchronous>, transform_indices = @transform_1, window_bounds = array<i64: 8, 128>}, {transform_indices = @transform_2, window_bounds = array<i64: 3200, 128>}, {transform_indices = @transform_3, window_bounds = array<i64: 3200, 128>}, {pipeline_mode = #tpu.pipeline_mode<synchronous>, transform_indices = @transform_4, window_bounds = array<i64: 16, 32>}, {transform_indices = @transform_5, window_bounds = array<i64: 16, 3200>}, {transform_indices = @transform_6, window_bounds = array<i64: 16, 3200>}, {transform_indices = @transform_7, window_bounds = array<i64: 16, 3200>}, {transform_indices = @transform_8, window_bounds = array<i64: 16, 3200>}, {transform_indices = @transform_9, window_bounds = array<i64: 3200, 128>}, {transform_indices = @transform_10, window_bounds = array<i64: 3200, 128>}, {transform_indices = @transform_11, window_bounds = array<i64: 3200, 128>}]} {
    %get3A = arith.constant 0 : index
    %get3A_0 = arith.constant 0 : index
    %get3A_1 = vector.load %arg6[%get3A, %get3A_0] : memref<16x3200xf32, #tpu.memory_space<vmem>>, vector<16x3200xf32>
    %get3A_2 = arith.constant 0 : index
    %get3A_3 = arith.constant 0 : index
    %get3A_4 = vector.load %arg5[%get3A_2, %get3A_3] : memref<16x32xf32, #tpu.memory_space<vmem>>, vector<16x32xf32>
    %dot_general3A = arith.constant dense<0.000000e+00> : vector<3200x32xf32>
    %dot_general3A_5 = tpu.matmul %get3A_1, %get3A_4, %dot_general3A {dimension_numbers = #tpu.dot_dimension_numbers<[0], [0], [1], [1], [0, 1, 1, 1], [], []>, transpose_lhs_hint = false} : vector<16x3200xf32>, vector<16x32xf32>, vector<3200x32xf32> -> vector<3200x32xf32>
    %get3A_6 = arith.constant 0 : index
    %get3A_7 = arith.constant 0 : index
    %get3A_8 = vector.load %arg7[%get3A_6, %get3A_7] : memref<16x3200xf32, #tpu.memory_space<vmem>>, vector<16x3200xf32>
    %get3A_9 = arith.constant 0 : index
    %get3A_10 = arith.constant 0 : index
    %get3A_11 = vector.load %arg5[%get3A_9, %get3A_10] : memref<16x32xf32, #tpu.memory_space<vmem>>, vector<16x32xf32>
    %dot_general3A_12 = arith.constant dense<0.000000e+00> : vector<3200x32xf32>
    %dot_general3A_13 = tpu.matmul %get3A_8, %get3A_11, %dot_general3A_12 {dimension_numbers = #tpu.dot_dimension_numbers<[0], [0], [1], [1], [0, 1, 1, 1], [], []>, transpose_lhs_hint = false} : vector<16x3200xf32>, vector<16x32xf32>, vector<3200x32xf32> -> vector<3200x32xf32>
    %get3A_14 = arith.constant 0 : index
    %get3A_15 = arith.constant 0 : index
    %get3A_16 = vector.load %arg8[%get3A_14, %get3A_15] : memref<16x3200xf32, #tpu.memory_space<vmem>>, vector<16x3200xf32>
    %get3A_17 = arith.constant 0 : index
    %get3A_18 = arith.constant 0 : index
    %get3A_19 = vector.load %arg5[%get3A_17, %get3A_18] : memref<16x32xf32, #tpu.memory_space<vmem>>, vector<16x32xf32>
    %dot_general3A_20 = arith.constant dense<0.000000e+00> : vector<3200x32xf32>
    %dot_general3A_21 = tpu.matmul %get3A_16, %get3A_19, %dot_general3A_20 {dimension_numbers = #tpu.dot_dimension_numbers<[0], [0], [1], [1], [0, 1, 1, 1], [], []>, transpose_lhs_hint = false} : vector<16x3200xf32>, vector<16x32xf32>, vector<3200x32xf32> -> vector<3200x32xf32>
    %get3A_22 = arith.constant 0 : index
    %get3A_23 = arith.constant 0 : index
    %get3A_24 = vector.load %arg9[%get3A_22, %get3A_23] : memref<16x3200xf32, #tpu.memory_space<vmem>>, vector<16x3200xf32>
    %get3A_25 = arith.constant 0 : index
    %get3A_26 = arith.constant 0 : index
    %get3A_27 = vector.load %arg5[%get3A_25, %get3A_26] : memref<16x32xf32, #tpu.memory_space<vmem>>, vector<16x32xf32>
    %dot_general3A_28 = arith.constant dense<0.000000e+00> : vector<3200x32xf32>
    %dot_general3A_29 = tpu.matmul %get3A_24, %get3A_27, %dot_general3A_28 {dimension_numbers = #tpu.dot_dimension_numbers<[0], [0], [1], [1], [0, 1, 1, 1], [], []>, transpose_lhs_hint = false} : vector<16x3200xf32>, vector<16x32xf32>, vector<3200x32xf32> -> vector<3200x32xf32>
    %concatenate3A = tpu.concatenate %dot_general3A_5, %dot_general3A_13, %dot_general3A_21, %dot_general3A_29 in 1 : vector<3200x32xf32>, vector<3200x32xf32>, vector<3200x32xf32>, vector<3200x32xf32> -> vector<3200x128xf32>
    %get3A_30 = arith.constant 0 : index
    %get3A_31 = arith.constant 0 : index
    %get3A_32 = vector.load %arg3[%get3A_30, %get3A_31] : memref<3200x128xf32, #tpu.memory_space<vmem>>, vector<3200x128xf32>
    %get3A_33 = arith.constant 0 : index
    %get3A_34 = arith.constant 0 : index
    %get3A_35 = vector.load %arg4[%get3A_33, %get3A_34] : memref<3200x128xf32, #tpu.memory_space<vmem>>, vector<3200x128xf32>
    %add3A = arith.addf %get3A_32, %get3A_35 : vector<3200x128xf32>
    %add3A_36 = arith.addf %add3A, %concatenate3A : vector<3200x128xf32>
    %mul3A = arith.constant 2.000000e-01 : f32
    %mul3A_37 = vector.broadcast %mul3A : f32 to vector<3200x128xf32>
    %mul3A_38 = arith.mulf %mul3A_37, %add3A_36 : vector<3200x128xf32>
    %max3A = arith.maximumf %add3A_36, %mul3A_38 : vector<3200x128xf32>
    %get3A_39 = arith.constant 0 : index
    %get3A_40 = arith.constant 0 : index
    %get3A_41 = vector.load %arg1[%get3A_39, %get3A_40] : memref<128x8xf32, #tpu.memory_space<vmem>>, vector<128x8xf32>
    %dot_general3A_42 = arith.constant dense<0.000000e+00> : vector<3200x8xf32>
    %dot_general3A_43 = tpu.matmul %max3A, %get3A_41, %dot_general3A_42 {dimension_numbers = #tpu.dot_dimension_numbers<[1], [0], [0], [1], [0, 0, 1, 1], [], []>, precision = #tpu.contract_precision<fp32>, transpose_lhs_hint = false} : vector<3200x128xf32>, vector<128x8xf32>, vector<3200x8xf32> -> vector<3200x8xf32>
    %exp3A = math.exp %dot_general3A_43 : vector<3200x8xf32>
    %get3A_44 = arith.constant 0 : index
    %get3A_45 = arith.constant 0 : index
    %get3A_46 = vector.load %arg2[%get3A_44, %get3A_45] : memref<8x128xf32, #tpu.memory_space<vmem>>, vector<8x128xf32>
    %dot_general3A_47 = arith.constant dense<0.000000e+00> : vector<3200x128xf32>
    %dot_general3A_48 = tpu.matmul %exp3A, %get3A_46, %dot_general3A_47 {dimension_numbers = #tpu.dot_dimension_numbers<[1], [0], [0], [1], [0, 0, 1, 1], [], []>, precision = #tpu.contract_precision<fp32>, transpose_lhs_hint = false} : vector<3200x8xf32>, vector<8x128xf32>, vector<3200x128xf32> -> vector<3200x128xf32>
    %mul3A_49 = arith.mulf %get3A_32, %dot_general3A_48 : vector<3200x128xf32>
    %swap3A = arith.constant 0 : index
    %swap3A_50 = arith.constant 0 : index
    %swap3A_51 = vector.load %arg10[%swap3A, %swap3A_50] : memref<3200x128xf32, #tpu.memory_space<vmem>>, vector<3200x128xf32>
    tpu.vector_store %arg10[%swap3A, %swap3A_50], %mul3A_49 {strides = array<i32>} : memref<3200x128xf32, #tpu.memory_space<vmem>>, vector<3200x128xf32>,
    %swap3A_52 = arith.constant 0 : index
    %swap3A_53 = arith.constant 0 : index
    %swap3A_54 = vector.load %arg12[%swap3A_52, %swap3A_53] : memref<3200x128xf32, #tpu.memory_space<vmem>>, vector<3200x128xf32>
    tpu.vector_store %arg12[%swap3A_52, %swap3A_53], %concatenate3A {strides = array<i32>} : memref<3200x128xf32, #tpu.memory_space<vmem>>, vector<3200x128xf32>,
    %broadcast_in_dim3A = arith.constant 1.000000e+00 : f32
    %broadcast_in_dim3A_55 = vector.broadcast %broadcast_in_dim3A : f32 to vector<3200x1xf32>
    %broadcast_in_dim3A_56 = arith.constant 0.000000e+00 : f32
    %broadcast_in_dim3A_57 = vector.broadcast %broadcast_in_dim3A_56 : f32 to vector<3200x29xf32>
    %slice3A = vector.extract_strided_slice %exp3A {offsets = [0, 0], sizes = [3200, 2], strides = [1, 1]} : vector<3200x8xf32> to vector<3200x2xf32>
    %slice3A_58 = vector.extract_strided_slice %exp3A {offsets = [0, 2], sizes = [3200, 2], strides = [1, 1]} : vector<3200x8xf32> to vector<3200x2xf32>
    %slice3A_59 = vector.extract_strided_slice %exp3A {offsets = [0, 4], sizes = [3200, 2], strides = [1, 1]} : vector<3200x8xf32> to vector<3200x2xf32>
    %slice3A_60 = vector.extract_strided_slice %exp3A {offsets = [0, 6], sizes = [3200, 2], strides = [1, 1]} : vector<3200x8xf32> to vector<3200x2xf32>
    %concatenate3A_61 = tpu.concatenate %slice3A, %broadcast_in_dim3A_55, %broadcast_in_dim3A_57, %slice3A_58, %broadcast_in_dim3A_55, %broadcast_in_dim3A_57, %slice3A_59, %broadcast_in_dim3A_55, %broadcast_in_dim3A_57, %slice3A_60, %broadcast_in_dim3A_55, %broadcast_in_dim3A_57 in 1 : vector<3200x2xf32>, vector<3200x1xf32>, vector<3200x29xf32>, vector<3200x2xf32>, vector<3200x1xf32>, vector<3200x29xf32>, vector<3200x2xf32>, vector<3200x1xf32>, vector<3200x29xf32>, vector<3200x2xf32>, vector<3200x1xf32>, vector<3200x29xf32> -> vector<3200x128xf32>
    %swap3A_62 = arith.constant 0 : index
    %swap3A_63 = arith.constant 0 : index
    %swap3A_64 = vector.load %arg11[%swap3A_62, %swap3A_63] : memref<3200x128xf32, #tpu.memory_space<vmem>>, vector<3200x128xf32>
    tpu.vector_store %arg11[%swap3A_62, %swap3A_63], %concatenate3A_61 {strides = array<i32>} : memref<3200x128xf32, #tpu.memory_space<vmem>>, vector<3200x128xf32>,
    return
  }
  func.func @transform_0(%arg0: i32) -> (i32, i32) {
    %c0_i32 = arith.constant 0 : i32
    %c0_i32_0 = arith.constant 0 : i32
    %c0_i32_1 = arith.constant 0 : i32
    return %c0_i32, %c0_i32_0 : i32, i32
  }
  func.func @transform_1(%arg0: i32) -> (i32, i32) {
    %c0_i32 = arith.constant 0 : i32
    %c0_i32_0 = arith.constant 0 : i32
    %c0_i32_1 = arith.constant 0 : i32
    return %c0_i32, %c0_i32_0 : i32, i32
  }
  func.func @transform_2(%arg0: i32) -> (i32, i32) {
    %c0_i32 = arith.constant 0 : i32
    %c0_i32_0 = arith.constant 0 : i32
    return %arg0, %c0_i32 : i32, i32
  }
  func.func @transform_3(%arg0: i32) -> (i32, i32) {
    %c0_i32 = arith.constant 0 : i32
    %c0_i32_0 = arith.constant 0 : i32
    return %arg0, %c0_i32 : i32, i32
  }
  func.func @transform_4(%arg0: i32) -> (i32, i32) {
    %c0_i32 = arith.constant 0 : i32
    %c0_i32_0 = arith.constant 0 : i32
    %c0_i32_1 = arith.constant 0 : i32
    return %c0_i32, %c0_i32_0 : i32, i32
  }
  func.func @transform_5(%arg0: i32) -> (i32, i32) {
    %add3A = arith.constant 0 : i32
    %add3A_0 = arith.addi %arg0, %add3A : i32
    %c0_i32 = arith.constant 0 : i32
    %c0_i32_1 = arith.constant 0 : i32
    return %c0_i32, %add3A_0 : i32, i32
  }
  func.func @transform_6(%arg0: i32) -> (i32, i32) {
    %add3A = arith.constant 50 : i32
    %add3A_0 = arith.addi %arg0, %add3A : i32
    %c0_i32 = arith.constant 0 : i32
    %c0_i32_1 = arith.constant 0 : i32
    return %c0_i32, %add3A_0 : i32, i32
  }
  func.func @transform_7(%arg0: i32) -> (i32, i32) {
    %add3A = arith.constant 100 : i32
    %add3A_0 = arith.addi %arg0, %add3A : i32
    %c0_i32 = arith.constant 0 : i32
    %c0_i32_1 = arith.constant 0 : i32
    return %c0_i32, %add3A_0 : i32, i32
  }
  func.func @transform_8(%arg0: i32) -> (i32, i32) {
    %add3A = arith.constant 150 : i32
    %add3A_0 = arith.addi %arg0, %add3A : i32
    %c0_i32 = arith.constant 0 : i32
    %c0_i32_1 = arith.constant 0 : i32
    return %c0_i32, %add3A_0 : i32, i32
  }
  func.func @transform_9(%arg0: i32) -> (i32, i32) {
    %c0_i32 = arith.constant 0 : i32
    %c0_i32_0 = arith.constant 0 : i32
    return %arg0, %c0_i32 : i32, i32
  }
  func.func @transform_10(%arg0: i32) -> (i32, i32) {
    %c0_i32 = arith.constant 0 : i32
    %c0_i32_0 = arith.constant 0 : i32
    return %arg0, %c0_i32 : i32, i32
  }
  func.func @transform_11(%arg0: i32) -> (i32, i32) {
    %c0_i32 = arith.constant 0 : i32
    %c0_i32_0 = arith.constant 0 : i32
    return %arg0, %c0_i32 : i32, i32
  }
}

module attributes {stable_mosaic.version = 14 : i64} {
  func.func @_node2_body(%arg0: i32, %arg1: memref<2x2000x32xf32, #tpu.memory_space<vmem>>, %arg2: memref<2x2000x32xf32, #tpu.memory_space<vmem>>, %arg3: memref<2x2000x32xf32, #tpu.memory_space<vmem>>, %arg4: memref<2000x32xf32, #tpu.memory_space<vmem>>, %arg5: memref<2000x32xf32, #tpu.memory_space<vmem>>, %arg6: memref<1x32xf32, #tpu.memory_space<vmem>>, %arg7: memref<1x32xf32, #tpu.memory_space<vmem>>, %arg8: memref<32x32xf32, #tpu.memory_space<vmem>>, %arg9: memref<1x32xf32, #tpu.memory_space<vmem>>, %arg10: memref<32x32xf32, #tpu.memory_space<vmem>>, %arg11: memref<1x32xf32, #tpu.memory_space<vmem>>, %arg12: memref<2000x32xf32, #tpu.memory_space<vmem>>, %arg13: memref<2000x32xf32, #tpu.memory_space<vmem>>) attributes {dimension_semantics = [#tpu.dimension_semantics<arbitrary>], iteration_bounds = array<i64: 5>, scalar_prefetch = 0 : i64, scratch_operands = 0 : i64, tpu.core_type = #tpu.core_type<tc>, window_params = [{transform_indices = @transform_0, window_bounds = array<i64: 2, 2000, 32>}, {transform_indices = @transform_1, window_bounds = array<i64: 2, 2000, 32>}, {transform_indices = @transform_2, window_bounds = array<i64: 2, 2000, 32>}, {transform_indices = @transform_3, window_bounds = array<i64: 2000, 32>}, {transform_indices = @transform_4, window_bounds = array<i64: 2000, 32>}, {pipeline_mode = #tpu.pipeline_mode<synchronous>, transform_indices = @transform_5, window_bounds = array<i64: 1, 32>}, {pipeline_mode = #tpu.pipeline_mode<synchronous>, transform_indices = @transform_6, window_bounds = array<i64: 1, 32>}, {pipeline_mode = #tpu.pipeline_mode<synchronous>, transform_indices = @transform_7, window_bounds = array<i64: 32, 32>}, {pipeline_mode = #tpu.pipeline_mode<synchronous>, transform_indices = @transform_8, window_bounds = array<i64: 1, 32>}, {pipeline_mode = #tpu.pipeline_mode<synchronous>, transform_indices = @transform_9, window_bounds = array<i64: 32, 32>}, {pipeline_mode = #tpu.pipeline_mode<synchronous>, transform_indices = @transform_10, window_bounds = array<i64: 1, 32>}, {transform_indices = @transform_11, window_bounds = array<i64: 2000, 32>}, {transform_indices = @transform_12, window_bounds = array<i64: 2000, 32>}]} {
    %get3A = arith.constant 0 : index
    %get3A_0 = arith.constant 0 : index
    %get3A_1 = vector.load %arg4[%get3A, %get3A_0] : memref<2000x32xf32, #tpu.memory_space<vmem>>, vector<2000x32xf32>
    %get3A_2 = arith.constant 0 : index
    %get3A_3 = arith.constant 0 : index
    %get3A_4 = vector.load %arg5[%get3A_2, %get3A_3] : memref<2000x32xf32, #tpu.memory_space<vmem>>, vector<2000x32xf32>
    %get3A_5 = arith.constant 0 : index
    %get3A_6 = arith.constant 0 : index
    %get3A_7 = vector.load %arg6[%get3A_5, %get3A_6] : memref<1x32xf32, #tpu.memory_space<vmem>>, vector<1x32xf32>
    %get3A_8 = arith.constant 0 : index
    %get3A_9 = arith.constant 0 : index
    %get3A_10 = vector.load %arg7[%get3A_8, %get3A_9] : memref<1x32xf32, #tpu.memory_space<vmem>>, vector<1x32xf32>
    %get3A_11 = arith.constant 0 : index
    %get3A_12 = arith.constant 0 : index
    %get3A_13 = arith.constant 0 : index
    %get3A_14 = vector.load %arg1[%get3A_11, %get3A_12, %get3A_13] : memref<2x2000x32xf32, #tpu.memory_space<vmem>>, vector<1x2000x32xf32>
    %get3A_15 = vector.shape_cast %get3A_14 : vector<1x2000x32xf32> to vector<2000x32xf32>
    %get3A_16 = arith.constant 1 : index
    %get3A_17 = arith.constant 0 : index
    %get3A_18 = arith.constant 0 : index
    %get3A_19 = vector.load %arg1[%get3A_16, %get3A_17, %get3A_18] : memref<2x2000x32xf32, #tpu.memory_space<vmem>>, vector<1x2000x32xf32>
    %get3A_20 = vector.shape_cast %get3A_19 : vector<1x2000x32xf32> to vector<2000x32xf32>
    %add3A = arith.addf %get3A_15, %get3A_20 : vector<2000x32xf32>
    %get3A_21 = arith.constant 0 : index
    %get3A_22 = arith.constant 0 : index
    %get3A_23 = arith.constant 0 : index
    %get3A_24 = vector.load %arg2[%get3A_21, %get3A_22, %get3A_23] : memref<2x2000x32xf32, #tpu.memory_space<vmem>>, vector<1x2000x32xf32>
    %get3A_25 = vector.shape_cast %get3A_24 : vector<1x2000x32xf32> to vector<2000x32xf32>
    %get3A_26 = arith.constant 1 : index
    %get3A_27 = arith.constant 0 : index
    %get3A_28 = arith.constant 0 : index
    %get3A_29 = vector.load %arg2[%get3A_26, %get3A_27, %get3A_28] : memref<2x2000x32xf32, #tpu.memory_space<vmem>>, vector<1x2000x32xf32>
    %get3A_30 = vector.shape_cast %get3A_29 : vector<1x2000x32xf32> to vector<2000x32xf32>
    %add3A_31 = arith.addf %get3A_25, %get3A_30 : vector<2000x32xf32>
    %get3A_32 = arith.constant 0 : index
    %get3A_33 = arith.constant 0 : index
    %get3A_34 = arith.constant 0 : index
    %get3A_35 = vector.load %arg3[%get3A_32, %get3A_33, %get3A_34] : memref<2x2000x32xf32, #tpu.memory_space<vmem>>, vector<1x2000x32xf32>
    %get3A_36 = vector.shape_cast %get3A_35 : vector<1x2000x32xf32> to vector<2000x32xf32>
    %get3A_37 = arith.constant 1 : index
    %get3A_38 = arith.constant 0 : index
    %get3A_39 = arith.constant 0 : index
    %get3A_40 = vector.load %arg3[%get3A_37, %get3A_38, %get3A_39] : memref<2x2000x32xf32, #tpu.memory_space<vmem>>, vector<1x2000x32xf32>
    %get3A_41 = vector.shape_cast %get3A_40 : vector<1x2000x32xf32> to vector<2000x32xf32>
    %add3A_42 = arith.addf %get3A_36, %get3A_41 : vector<2000x32xf32>
    %slice3A = vector.extract_strided_slice %add3A_31 {offsets = [0, 2], sizes = [2000, 1], strides = [1, 1]} : vector<2000x32xf32> to vector<2000x1xf32>
    %max3A = arith.constant 1.000000e+00 : f32
    %max3A_43 = vector.broadcast %max3A : f32 to vector<2000x1xf32>
    %max3A_44 = arith.maximumf %slice3A, %max3A_43 : vector<2000x1xf32>
    %div3A = vector.broadcast %max3A_44 : vector<2000x1xf32> to vector<2000x32xf32>
    %div3A_45 = arith.divf %add3A_42, %div3A : vector<2000x32xf32>
    %add3A_46 = arith.addf %get3A_1, %get3A_4 : vector<2000x32xf32>
    %add3A_47 = arith.addf %add3A_46, %div3A_45 : vector<2000x32xf32>
    %mul3A = arith.constant 2.000000e-01 : f32
    %mul3A_48 = vector.broadcast %mul3A : f32 to vector<2000x32xf32>
    %mul3A_49 = arith.mulf %mul3A_48, %add3A_47 : vector<2000x32xf32>
    %max3A_50 = arith.maximumf %add3A_47, %mul3A_49 : vector<2000x32xf32>
    %mul3A_51 = vector.broadcast %get3A_7 : vector<1x32xf32> to vector<2000x32xf32>
    %mul3A_52 = arith.mulf %max3A_50, %mul3A_51 : vector<2000x32xf32>
    %slice3A_53 = vector.extract_strided_slice %mul3A_52 {offsets = [0, 0], sizes = [2000, 16], strides = [1, 1]} : vector<2000x32xf32> to vector<2000x16xf32>
    %reduce_sum3A = arith.constant dense<0.000000e+00> : vector<2000xf32>
    %reduce_sum3A_54 = vector.multi_reduction <add>, %slice3A_53, %reduce_sum3A [1] : vector<2000x16xf32> to vector<2000xf32>
    %broadcast_in_dim3A = vector.shape_cast %reduce_sum3A_54 : vector<2000xf32> to vector<2000x1xf32>
    %slice3A_55 = vector.extract_strided_slice %mul3A_52 {offsets = [0, 16], sizes = [2000, 16], strides = [1, 1]} : vector<2000x32xf32> to vector<2000x16xf32>
    %reduce_sum3A_56 = arith.constant dense<0.000000e+00> : vector<2000xf32>
    %reduce_sum3A_57 = vector.multi_reduction <add>, %slice3A_55, %reduce_sum3A_56 [1] : vector<2000x16xf32> to vector<2000xf32>
    %broadcast_in_dim3A_58 = vector.shape_cast %reduce_sum3A_57 : vector<2000xf32> to vector<2000x1xf32>
    %exp3A = math.exp %broadcast_in_dim3A : vector<2000x1xf32>
    %exp3A_59 = math.exp %broadcast_in_dim3A_58 : vector<2000x1xf32>
    %slice3A_60 = vector.extract_strided_slice %add3A_31 {offsets = [0, 0], sizes = [2000, 1], strides = [1, 1]} : vector<2000x32xf32> to vector<2000x1xf32>
    %add3A_61 = arith.addf %slice3A_60, %exp3A : vector<2000x1xf32>
    %add3A_62 = arith.constant 1.000000e-16 : f32
    %add3A_63 = vector.broadcast %add3A_62 : f32 to vector<2000x1xf32>
    %add3A_64 = arith.addf %add3A_61, %add3A_63 : vector<2000x1xf32>
    %slice3A_65 = vector.extract_strided_slice %add3A_31 {offsets = [0, 1], sizes = [2000, 1], strides = [1, 1]} : vector<2000x32xf32> to vector<2000x1xf32>
    %add3A_66 = arith.addf %slice3A_65, %exp3A_59 : vector<2000x1xf32>
    %add3A_67 = arith.constant 1.000000e-16 : f32
    %add3A_68 = vector.broadcast %add3A_67 : f32 to vector<2000x1xf32>
    %add3A_69 = arith.addf %add3A_66, %add3A_68 : vector<2000x1xf32>
    %slice3A_70 = vector.extract_strided_slice %add3A {offsets = [0, 0], sizes = [2000, 16], strides = [1, 1]} : vector<2000x32xf32> to vector<2000x16xf32>
    %slice3A_71 = vector.extract_strided_slice %get3A_1 {offsets = [0, 0], sizes = [2000, 16], strides = [1, 1]} : vector<2000x32xf32> to vector<2000x16xf32>
    %mul3A_72 = vector.broadcast %exp3A : vector<2000x1xf32> to vector<2000x16xf32>
    %mul3A_73 = arith.mulf %slice3A_71, %mul3A_72 : vector<2000x16xf32>
    %add3A_74 = arith.addf %slice3A_70, %mul3A_73 : vector<2000x16xf32>
    %div3A_75 = vector.broadcast %add3A_64 : vector<2000x1xf32> to vector<2000x16xf32>
    %div3A_76 = arith.divf %add3A_74, %div3A_75 : vector<2000x16xf32>
    %slice3A_77 = vector.extract_strided_slice %add3A {offsets = [0, 16], sizes = [2000, 16], strides = [1, 1]} : vector<2000x32xf32> to vector<2000x16xf32>
    %slice3A_78 = vector.extract_strided_slice %get3A_1 {offsets = [0, 16], sizes = [2000, 16], strides = [1, 1]} : vector<2000x32xf32> to vector<2000x16xf32>
    %mul3A_79 = vector.broadcast %exp3A_59 : vector<2000x1xf32> to vector<2000x16xf32>
    %mul3A_80 = arith.mulf %slice3A_78, %mul3A_79 : vector<2000x16xf32>
    %add3A_81 = arith.addf %slice3A_77, %mul3A_80 : vector<2000x16xf32>
    %div3A_82 = vector.broadcast %add3A_69 : vector<2000x1xf32> to vector<2000x16xf32>
    %div3A_83 = arith.divf %add3A_81, %div3A_82 : vector<2000x16xf32>
    %concatenate3A = tpu.concatenate %div3A_76, %div3A_83 in 1 : vector<2000x16xf32>, vector<2000x16xf32> -> vector<2000x32xf32>
    %add3A_84 = vector.broadcast %get3A_10 : vector<1x32xf32> to vector<2000x32xf32>
    %add3A_85 = arith.addf %concatenate3A, %add3A_84 : vector<2000x32xf32>
    %get3A_86 = arith.constant 0 : index
    %get3A_87 = arith.constant 0 : index
    %get3A_88 = vector.load %arg8[%get3A_86, %get3A_87] : memref<32x32xf32, #tpu.memory_space<vmem>>, vector<32x32xf32>
    %dot_general3A = arith.constant dense<0.000000e+00> : vector<2000x32xf32>
    %dot_general3A_89 = tpu.matmul %add3A_85, %get3A_88, %dot_general3A {dimension_numbers = #tpu.dot_dimension_numbers<[1], [0], [0], [1], [0, 0, 1, 1], [], []>, transpose_lhs_hint = false} : vector<2000x32xf32>, vector<32x32xf32>, vector<2000x32xf32> -> vector<2000x32xf32>
    %get3A_90 = arith.constant 0 : index
    %get3A_91 = arith.constant 0 : index
    %get3A_92 = vector.load %arg9[%get3A_90, %get3A_91] : memref<1x32xf32, #tpu.memory_space<vmem>>, vector<1x32xf32>
    %add3A_93 = vector.broadcast %get3A_92 : vector<1x32xf32> to vector<2000x32xf32>
    %add3A_94 = arith.addf %dot_general3A_89, %add3A_93 : vector<2000x32xf32>
    %swap3A = arith.constant 0 : index
    %swap3A_95 = arith.constant 0 : index
    %swap3A_96 = vector.load %arg12[%swap3A, %swap3A_95] : memref<2000x32xf32, #tpu.memory_space<vmem>>, vector<2000x32xf32>
    tpu.vector_store %arg12[%swap3A, %swap3A_95], %add3A_94 {strides = array<i32>} : memref<2000x32xf32, #tpu.memory_space<vmem>>, vector<2000x32xf32>,
    %get3A_97 = arith.constant 0 : index
    %get3A_98 = arith.constant 0 : index
    %get3A_99 = vector.load %arg10[%get3A_97, %get3A_98] : memref<32x32xf32, #tpu.memory_space<vmem>>, vector<32x32xf32>
    %dot_general3A_100 = arith.constant dense<0.000000e+00> : vector<2000x32xf32>
    %dot_general3A_101 = tpu.matmul %add3A_85, %get3A_99, %dot_general3A_100 {dimension_numbers = #tpu.dot_dimension_numbers<[1], [0], [0], [1], [0, 0, 1, 1], [], []>, transpose_lhs_hint = false} : vector<2000x32xf32>, vector<32x32xf32>, vector<2000x32xf32> -> vector<2000x32xf32>
    %get3A_102 = arith.constant 0 : index
    %get3A_103 = arith.constant 0 : index
    %get3A_104 = vector.load %arg11[%get3A_102, %get3A_103] : memref<1x32xf32, #tpu.memory_space<vmem>>, vector<1x32xf32>
    %add3A_105 = vector.broadcast %get3A_104 : vector<1x32xf32> to vector<2000x32xf32>
    %add3A_106 = arith.addf %dot_general3A_101, %add3A_105 : vector<2000x32xf32>
    %swap3A_107 = arith.constant 0 : index
    %swap3A_108 = arith.constant 0 : index
    %swap3A_109 = vector.load %arg13[%swap3A_107, %swap3A_108] : memref<2000x32xf32, #tpu.memory_space<vmem>>, vector<2000x32xf32>
    tpu.vector_store %arg13[%swap3A_107, %swap3A_108], %add3A_106 {strides = array<i32>} : memref<2000x32xf32, #tpu.memory_space<vmem>>, vector<2000x32xf32>,
    return
  }
  func.func @transform_0(%arg0: i32) -> (i32, i32, i32) {
    %c0_i32 = arith.constant 0 : i32
    %c0_i32_0 = arith.constant 0 : i32
    %c0_i32_1 = arith.constant 0 : i32
    return %c0_i32, %arg0, %c0_i32_0 : i32, i32, i32
  }
  func.func @transform_1(%arg0: i32) -> (i32, i32, i32) {
    %c0_i32 = arith.constant 0 : i32
    %c0_i32_0 = arith.constant 0 : i32
    %c0_i32_1 = arith.constant 0 : i32
    return %c0_i32, %arg0, %c0_i32_0 : i32, i32, i32
  }
  func.func @transform_2(%arg0: i32) -> (i32, i32, i32) {
    %c0_i32 = arith.constant 0 : i32
    %c0_i32_0 = arith.constant 0 : i32
    %c0_i32_1 = arith.constant 0 : i32
    return %c0_i32, %arg0, %c0_i32_0 : i32, i32, i32
  }
  func.func @transform_3(%arg0: i32) -> (i32, i32) {
    %c0_i32 = arith.constant 0 : i32
    %c0_i32_0 = arith.constant 0 : i32
    return %arg0, %c0_i32 : i32, i32
  }
  func.func @transform_4(%arg0: i32) -> (i32, i32) {
    %c0_i32 = arith.constant 0 : i32
    %c0_i32_0 = arith.constant 0 : i32
    return %arg0, %c0_i32 : i32, i32
  }
  func.func @transform_5(%arg0: i32) -> (i32, i32) {
    %c0_i32 = arith.constant 0 : i32
    %c0_i32_0 = arith.constant 0 : i32
    %c0_i32_1 = arith.constant 0 : i32
    return %c0_i32, %c0_i32_0 : i32, i32
  }
  func.func @transform_6(%arg0: i32) -> (i32, i32) {
    %c0_i32 = arith.constant 0 : i32
    %c0_i32_0 = arith.constant 0 : i32
    %c0_i32_1 = arith.constant 0 : i32
    return %c0_i32, %c0_i32_0 : i32, i32
  }
  func.func @transform_7(%arg0: i32) -> (i32, i32) {
    %c0_i32 = arith.constant 0 : i32
    %c0_i32_0 = arith.constant 0 : i32
    %c0_i32_1 = arith.constant 0 : i32
    return %c0_i32, %c0_i32_0 : i32, i32
  }
  func.func @transform_8(%arg0: i32) -> (i32, i32) {
    %c0_i32 = arith.constant 0 : i32
    %c0_i32_0 = arith.constant 0 : i32
    %c0_i32_1 = arith.constant 0 : i32
    return %c0_i32, %c0_i32_0 : i32, i32
  }
  func.func @transform_9(%arg0: i32) -> (i32, i32) {
    %c0_i32 = arith.constant 0 : i32
    %c0_i32_0 = arith.constant 0 : i32
    %c0_i32_1 = arith.constant 0 : i32
    return %c0_i32, %c0_i32_0 : i32, i32
  }
  func.func @transform_10(%arg0: i32) -> (i32, i32) {
    %c0_i32 = arith.constant 0 : i32
    %c0_i32_0 = arith.constant 0 : i32
    %c0_i32_1 = arith.constant 0 : i32
    return %c0_i32, %c0_i32_0 : i32, i32
  }
  func.func @transform_11(%arg0: i32) -> (i32, i32) {
    %c0_i32 = arith.constant 0 : i32
    %c0_i32_0 = arith.constant 0 : i32
    return %arg0, %c0_i32 : i32, i32
  }
  func.func @transform_12(%arg0: i32) -> (i32, i32) {
    %c0_i32 = arith.constant 0 : i32
    %c0_i32_0 = arith.constant 0 : i32
    return %arg0, %c0_i32 : i32, i32
  }
}

module attributes {stable_mosaic.version = 14 : i64} {
  func.func @_final_body(%arg0: i32, %arg1: memref<2x2000x32xf32, #tpu.memory_space<vmem>>, %arg2: memref<2x2000x32xf32, #tpu.memory_space<vmem>>, %arg3: memref<2x2000x32xf32, #tpu.memory_space<vmem>>, %arg4: memref<2000x32xf32, #tpu.memory_space<vmem>>, %arg5: memref<2000x32xf32, #tpu.memory_space<vmem>>, %arg6: memref<1x32xf32, #tpu.memory_space<vmem>>, %arg7: memref<1x32xf32, #tpu.memory_space<vmem>>, %arg8: memref<32x32xf32, #tpu.memory_space<vmem>>, %arg9: memref<1x32xf32, #tpu.memory_space<vmem>>, %arg10: memref<32x2xf32, #tpu.memory_space<vmem>>, %arg11: memref<1x2xf32, #tpu.memory_space<vmem>>, %arg12: memref<2000x2xf32, #tpu.memory_space<vmem>>) attributes {dimension_semantics = [#tpu.dimension_semantics<arbitrary>], iteration_bounds = array<i64: 5>, scalar_prefetch = 0 : i64, scratch_operands = 0 : i64, tpu.core_type = #tpu.core_type<tc>, window_params = [{transform_indices = @transform_0, window_bounds = array<i64: 2, 2000, 32>}, {transform_indices = @transform_1, window_bounds = array<i64: 2, 2000, 32>}, {transform_indices = @transform_2, window_bounds = array<i64: 2, 2000, 32>}, {transform_indices = @transform_3, window_bounds = array<i64: 2000, 32>}, {transform_indices = @transform_4, window_bounds = array<i64: 2000, 32>}, {pipeline_mode = #tpu.pipeline_mode<synchronous>, transform_indices = @transform_5, window_bounds = array<i64: 1, 32>}, {pipeline_mode = #tpu.pipeline_mode<synchronous>, transform_indices = @transform_6, window_bounds = array<i64: 1, 32>}, {pipeline_mode = #tpu.pipeline_mode<synchronous>, transform_indices = @transform_7, window_bounds = array<i64: 32, 32>}, {pipeline_mode = #tpu.pipeline_mode<synchronous>, transform_indices = @transform_8, window_bounds = array<i64: 1, 32>}, {pipeline_mode = #tpu.pipeline_mode<synchronous>, transform_indices = @transform_9, window_bounds = array<i64: 32, 2>}, {pipeline_mode = #tpu.pipeline_mode<synchronous>, transform_indices = @transform_10, window_bounds = array<i64: 1, 2>}, {transform_indices = @transform_11, window_bounds = array<i64: 2000, 2>}]} {
    %get3A = arith.constant 0 : index
    %get3A_0 = arith.constant 0 : index
    %get3A_1 = vector.load %arg4[%get3A, %get3A_0] : memref<2000x32xf32, #tpu.memory_space<vmem>>, vector<2000x32xf32>
    %get3A_2 = arith.constant 0 : index
    %get3A_3 = arith.constant 0 : index
    %get3A_4 = vector.load %arg5[%get3A_2, %get3A_3] : memref<2000x32xf32, #tpu.memory_space<vmem>>, vector<2000x32xf32>
    %get3A_5 = arith.constant 0 : index
    %get3A_6 = arith.constant 0 : index
    %get3A_7 = vector.load %arg6[%get3A_5, %get3A_6] : memref<1x32xf32, #tpu.memory_space<vmem>>, vector<1x32xf32>
    %get3A_8 = arith.constant 0 : index
    %get3A_9 = arith.constant 0 : index
    %get3A_10 = vector.load %arg7[%get3A_8, %get3A_9] : memref<1x32xf32, #tpu.memory_space<vmem>>, vector<1x32xf32>
    %get3A_11 = arith.constant 0 : index
    %get3A_12 = arith.constant 0 : index
    %get3A_13 = arith.constant 0 : index
    %get3A_14 = vector.load %arg1[%get3A_11, %get3A_12, %get3A_13] : memref<2x2000x32xf32, #tpu.memory_space<vmem>>, vector<1x2000x32xf32>
    %get3A_15 = vector.shape_cast %get3A_14 : vector<1x2000x32xf32> to vector<2000x32xf32>
    %get3A_16 = arith.constant 1 : index
    %get3A_17 = arith.constant 0 : index
    %get3A_18 = arith.constant 0 : index
    %get3A_19 = vector.load %arg1[%get3A_16, %get3A_17, %get3A_18] : memref<2x2000x32xf32, #tpu.memory_space<vmem>>, vector<1x2000x32xf32>
    %get3A_20 = vector.shape_cast %get3A_19 : vector<1x2000x32xf32> to vector<2000x32xf32>
    %add3A = arith.addf %get3A_15, %get3A_20 : vector<2000x32xf32>
    %get3A_21 = arith.constant 0 : index
    %get3A_22 = arith.constant 0 : index
    %get3A_23 = arith.constant 0 : index
    %get3A_24 = vector.load %arg2[%get3A_21, %get3A_22, %get3A_23] : memref<2x2000x32xf32, #tpu.memory_space<vmem>>, vector<1x2000x32xf32>
    %get3A_25 = vector.shape_cast %get3A_24 : vector<1x2000x32xf32> to vector<2000x32xf32>
    %get3A_26 = arith.constant 1 : index
    %get3A_27 = arith.constant 0 : index
    %get3A_28 = arith.constant 0 : index
    %get3A_29 = vector.load %arg2[%get3A_26, %get3A_27, %get3A_28] : memref<2x2000x32xf32, #tpu.memory_space<vmem>>, vector<1x2000x32xf32>
    %get3A_30 = vector.shape_cast %get3A_29 : vector<1x2000x32xf32> to vector<2000x32xf32>
    %add3A_31 = arith.addf %get3A_25, %get3A_30 : vector<2000x32xf32>
    %get3A_32 = arith.constant 0 : index
    %get3A_33 = arith.constant 0 : index
    %get3A_34 = arith.constant 0 : index
    %get3A_35 = vector.load %arg3[%get3A_32, %get3A_33, %get3A_34] : memref<2x2000x32xf32, #tpu.memory_space<vmem>>, vector<1x2000x32xf32>
    %get3A_36 = vector.shape_cast %get3A_35 : vector<1x2000x32xf32> to vector<2000x32xf32>
    %get3A_37 = arith.constant 1 : index
    %get3A_38 = arith.constant 0 : index
    %get3A_39 = arith.constant 0 : index
    %get3A_40 = vector.load %arg3[%get3A_37, %get3A_38, %get3A_39] : memref<2x2000x32xf32, #tpu.memory_space<vmem>>, vector<1x2000x32xf32>
    %get3A_41 = vector.shape_cast %get3A_40 : vector<1x2000x32xf32> to vector<2000x32xf32>
    %add3A_42 = arith.addf %get3A_36, %get3A_41 : vector<2000x32xf32>
    %slice3A = vector.extract_strided_slice %add3A_31 {offsets = [0, 2], sizes = [2000, 1], strides = [1, 1]} : vector<2000x32xf32> to vector<2000x1xf32>
    %max3A = arith.constant 1.000000e+00 : f32
    %max3A_43 = vector.broadcast %max3A : f32 to vector<2000x1xf32>
    %max3A_44 = arith.maximumf %slice3A, %max3A_43 : vector<2000x1xf32>
    %div3A = vector.broadcast %max3A_44 : vector<2000x1xf32> to vector<2000x32xf32>
    %div3A_45 = arith.divf %add3A_42, %div3A : vector<2000x32xf32>
    %add3A_46 = arith.addf %get3A_1, %get3A_4 : vector<2000x32xf32>
    %add3A_47 = arith.addf %add3A_46, %div3A_45 : vector<2000x32xf32>
    %mul3A = arith.constant 2.000000e-01 : f32
    %mul3A_48 = vector.broadcast %mul3A : f32 to vector<2000x32xf32>
    %mul3A_49 = arith.mulf %mul3A_48, %add3A_47 : vector<2000x32xf32>
    %max3A_50 = arith.maximumf %add3A_47, %mul3A_49 : vector<2000x32xf32>
    %mul3A_51 = vector.broadcast %get3A_7 : vector<1x32xf32> to vector<2000x32xf32>
    %mul3A_52 = arith.mulf %max3A_50, %mul3A_51 : vector<2000x32xf32>
    %slice3A_53 = vector.extract_strided_slice %mul3A_52 {offsets = [0, 0], sizes = [2000, 16], strides = [1, 1]} : vector<2000x32xf32> to vector<2000x16xf32>
    %reduce_sum3A = arith.constant dense<0.000000e+00> : vector<2000xf32>
    %reduce_sum3A_54 = vector.multi_reduction <add>, %slice3A_53, %reduce_sum3A [1] : vector<2000x16xf32> to vector<2000xf32>
    %broadcast_in_dim3A = vector.shape_cast %reduce_sum3A_54 : vector<2000xf32> to vector<2000x1xf32>
    %slice3A_55 = vector.extract_strided_slice %mul3A_52 {offsets = [0, 16], sizes = [2000, 16], strides = [1, 1]} : vector<2000x32xf32> to vector<2000x16xf32>
    %reduce_sum3A_56 = arith.constant dense<0.000000e+00> : vector<2000xf32>
    %reduce_sum3A_57 = vector.multi_reduction <add>, %slice3A_55, %reduce_sum3A_56 [1] : vector<2000x16xf32> to vector<2000xf32>
    %broadcast_in_dim3A_58 = vector.shape_cast %reduce_sum3A_57 : vector<2000xf32> to vector<2000x1xf32>
    %exp3A = math.exp %broadcast_in_dim3A : vector<2000x1xf32>
    %exp3A_59 = math.exp %broadcast_in_dim3A_58 : vector<2000x1xf32>
    %slice3A_60 = vector.extract_strided_slice %add3A_31 {offsets = [0, 0], sizes = [2000, 1], strides = [1, 1]} : vector<2000x32xf32> to vector<2000x1xf32>
    %add3A_61 = arith.addf %slice3A_60, %exp3A : vector<2000x1xf32>
    %add3A_62 = arith.constant 1.000000e-16 : f32
    %add3A_63 = vector.broadcast %add3A_62 : f32 to vector<2000x1xf32>
    %add3A_64 = arith.addf %add3A_61, %add3A_63 : vector<2000x1xf32>
    %slice3A_65 = vector.extract_strided_slice %add3A_31 {offsets = [0, 1], sizes = [2000, 1], strides = [1, 1]} : vector<2000x32xf32> to vector<2000x1xf32>
    %add3A_66 = arith.addf %slice3A_65, %exp3A_59 : vector<2000x1xf32>
    %add3A_67 = arith.constant 1.000000e-16 : f32
    %add3A_68 = vector.broadcast %add3A_67 : f32 to vector<2000x1xf32>
    %add3A_69 = arith.addf %add3A_66, %add3A_68 : vector<2000x1xf32>
    %slice3A_70 = vector.extract_strided_slice %add3A {offsets = [0, 0], sizes = [2000, 16], strides = [1, 1]} : vector<2000x32xf32> to vector<2000x16xf32>
    %slice3A_71 = vector.extract_strided_slice %get3A_1 {offsets = [0, 0], sizes = [2000, 16], strides = [1, 1]} : vector<2000x32xf32> to vector<2000x16xf32>
    %mul3A_72 = vector.broadcast %exp3A : vector<2000x1xf32> to vector<2000x16xf32>
    %mul3A_73 = arith.mulf %slice3A_71, %mul3A_72 : vector<2000x16xf32>
    %add3A_74 = arith.addf %slice3A_70, %mul3A_73 : vector<2000x16xf32>
    %div3A_75 = vector.broadcast %add3A_64 : vector<2000x1xf32> to vector<2000x16xf32>
    %div3A_76 = arith.divf %add3A_74, %div3A_75 : vector<2000x16xf32>
    %slice3A_77 = vector.extract_strided_slice %add3A {offsets = [0, 16], sizes = [2000, 16], strides = [1, 1]} : vector<2000x32xf32> to vector<2000x16xf32>
    %slice3A_78 = vector.extract_strided_slice %get3A_1 {offsets = [0, 16], sizes = [2000, 16], strides = [1, 1]} : vector<2000x32xf32> to vector<2000x16xf32>
    %mul3A_79 = vector.broadcast %exp3A_59 : vector<2000x1xf32> to vector<2000x16xf32>
    %mul3A_80 = arith.mulf %slice3A_78, %mul3A_79 : vector<2000x16xf32>
    %add3A_81 = arith.addf %slice3A_77, %mul3A_80 : vector<2000x16xf32>
    %div3A_82 = vector.broadcast %add3A_69 : vector<2000x1xf32> to vector<2000x16xf32>
    %div3A_83 = arith.divf %add3A_81, %div3A_82 : vector<2000x16xf32>
    %concatenate3A = tpu.concatenate %div3A_76, %div3A_83 in 1 : vector<2000x16xf32>, vector<2000x16xf32> -> vector<2000x32xf32>
    %add3A_84 = vector.broadcast %get3A_10 : vector<1x32xf32> to vector<2000x32xf32>
    %add3A_85 = arith.addf %concatenate3A, %add3A_84 : vector<2000x32xf32>
    %get3A_86 = arith.constant 0 : index
    %get3A_87 = arith.constant 0 : index
    %get3A_88 = vector.load %arg8[%get3A_86, %get3A_87] : memref<32x32xf32, #tpu.memory_space<vmem>>, vector<32x32xf32>
    %dot_general3A = arith.constant dense<0.000000e+00> : vector<2000x32xf32>
    %dot_general3A_89 = tpu.matmul %add3A_85, %get3A_88, %dot_general3A {dimension_numbers = #tpu.dot_dimension_numbers<[1], [0], [0], [1], [0, 0, 1, 1], [], []>, transpose_lhs_hint = false} : vector<2000x32xf32>, vector<32x32xf32>, vector<2000x32xf32> -> vector<2000x32xf32>
    %get3A_90 = arith.constant 0 : index
    %get3A_91 = arith.constant 0 : index
    %get3A_92 = vector.load %arg9[%get3A_90, %get3A_91] : memref<1x32xf32, #tpu.memory_space<vmem>>, vector<1x32xf32>
    %add3A_93 = vector.broadcast %get3A_92 : vector<1x32xf32> to vector<2000x32xf32>
    %add3A_94 = arith.addf %dot_general3A_89, %add3A_93 : vector<2000x32xf32>
    %max3A_95 = arith.constant 0.000000e+00 : f32
    %max3A_96 = vector.broadcast %max3A_95 : f32 to vector<2000x32xf32>
    %max3A_97 = arith.maximumf %add3A_94, %max3A_96 : vector<2000x32xf32>
    %get3A_98 = arith.constant 0 : index
    %get3A_99 = arith.constant 0 : index
    %get3A_100 = vector.load %arg10[%get3A_98, %get3A_99] : memref<32x2xf32, #tpu.memory_space<vmem>>, vector<32x2xf32>
    %dot_general3A_101 = arith.constant dense<0.000000e+00> : vector<2000x2xf32>
    %dot_general3A_102 = tpu.matmul %max3A_97, %get3A_100, %dot_general3A_101 {dimension_numbers = #tpu.dot_dimension_numbers<[1], [0], [0], [1], [0, 0, 1, 1], [], []>, transpose_lhs_hint = false} : vector<2000x32xf32>, vector<32x2xf32>, vector<2000x2xf32> -> vector<2000x2xf32>
    %get3A_103 = arith.constant 0 : index
    %get3A_104 = arith.constant 0 : index
    %get3A_105 = vector.load %arg11[%get3A_103, %get3A_104] : memref<1x2xf32, #tpu.memory_space<vmem>>, vector<1x2xf32>
    %add3A_106 = vector.broadcast %get3A_105 : vector<1x2xf32> to vector<2000x2xf32>
    %add3A_107 = arith.addf %dot_general3A_102, %add3A_106 : vector<2000x2xf32>
    %swap3A = arith.constant 0 : index
    %swap3A_108 = arith.constant 0 : index
    %swap3A_109 = vector.load %arg12[%swap3A, %swap3A_108] : memref<2000x2xf32, #tpu.memory_space<vmem>>, vector<2000x2xf32>
    tpu.vector_store %arg12[%swap3A, %swap3A_108], %add3A_107 {strides = array<i32>} : memref<2000x2xf32, #tpu.memory_space<vmem>>, vector<2000x2xf32>,
    return
  }
  func.func @transform_0(%arg0: i32) -> (i32, i32, i32) {
    %c0_i32 = arith.constant 0 : i32
    %c0_i32_0 = arith.constant 0 : i32
    %c0_i32_1 = arith.constant 0 : i32
    return %c0_i32, %arg0, %c0_i32_0 : i32, i32, i32
  }
  func.func @transform_1(%arg0: i32) -> (i32, i32, i32) {
    %c0_i32 = arith.constant 0 : i32
    %c0_i32_0 = arith.constant 0 : i32
    %c0_i32_1 = arith.constant 0 : i32
    return %c0_i32, %arg0, %c0_i32_0 : i32, i32, i32
  }
  func.func @transform_2(%arg0: i32) -> (i32, i32, i32) {
    %c0_i32 = arith.constant 0 : i32
    %c0_i32_0 = arith.constant 0 : i32
    %c0_i32_1 = arith.constant 0 : i32
    return %c0_i32, %arg0, %c0_i32_0 : i32, i32, i32
  }
  func.func @transform_3(%arg0: i32) -> (i32, i32) {
    %c0_i32 = arith.constant 0 : i32
    %c0_i32_0 = arith.constant 0 : i32
    return %arg0, %c0_i32 : i32, i32
  }
  func.func @transform_4(%arg0: i32) -> (i32, i32) {
    %c0_i32 = arith.constant 0 : i32
    %c0_i32_0 = arith.constant 0 : i32
    return %arg0, %c0_i32 : i32, i32
  }
  func.func @transform_5(%arg0: i32) -> (i32, i32) {
    %c0_i32 = arith.constant 0 : i32
    %c0_i32_0 = arith.constant 0 : i32
    %c0_i32_1 = arith.constant 0 : i32
    return %c0_i32, %c0_i32_0 : i32, i32
  }
  func.func @transform_6(%arg0: i32) -> (i32, i32) {
    %c0_i32 = arith.constant 0 : i32
    %c0_i32_0 = arith.constant 0 : i32
    %c0_i32_1 = arith.constant 0 : i32
    return %c0_i32, %c0_i32_0 : i32, i32
  }
  func.func @transform_7(%arg0: i32) -> (i32, i32) {
    %c0_i32 = arith.constant 0 : i32
    %c0_i32_0 = arith.constant 0 : i32
    %c0_i32_1 = arith.constant 0 : i32
    return %c0_i32, %c0_i32_0 : i32, i32
  }
  func.func @transform_8(%arg0: i32) -> (i32, i32) {
    %c0_i32 = arith.constant 0 : i32
    %c0_i32_0 = arith.constant 0 : i32
    %c0_i32_1 = arith.constant 0 : i32
    return %c0_i32, %c0_i32_0 : i32, i32
  }
  func.func @transform_9(%arg0: i32) -> (i32, i32) {
    %c0_i32 = arith.constant 0 : i32
    %c0_i32_0 = arith.constant 0 : i32
    %c0_i32_1 = arith.constant 0 : i32
    return %c0_i32, %c0_i32_0 : i32, i32
  }
  func.func @transform_10(%arg0: i32) -> (i32, i32) {
    %c0_i32 = arith.constant 0 : i32
    %c0_i32_0 = arith.constant 0 : i32
    %c0_i32_1 = arith.constant 0 : i32
    return %c0_i32, %c0_i32_0 : i32, i32
  }
  func.func @transform_11(%arg0: i32) -> (i32, i32) {
    %c0_i32 = arith.constant 0 : i32
    %c0_i32_0 = arith.constant 0 : i32
    return %arg0, %c0_i32 : i32, i32
  }
}

</mosaic_0001>

<sc_bundles>
// kernel: kernel.11.cloned.1.call-start
scs
__scs_entry_jumppad:
0x0: {  	(pc) =	sbr.rel $0x88, $3  }
0x1: {  	(tag) =	ssettag $0x0;
	lr =	simm.s32 $0x1  }
0x2: {  	[smem:$0x3F8C] =	sst lr;
	_ =	strace $0xD0000000  }
0x3: {  	_ = 	snop  }
0x4: {  	_ = 	snop  }
0x5: {  	_ = 	snop  }
0x6: {  	_ = 	snop  }
0x7: {  	_ = 	snop  }
__scs_overlays_trampoline_lowered:
0x8: {  	[smem:$0x3F9B] =	sst s0  }
0x9: {  	[smem:$0x3F9C] =	sst s1  }
0xa: {  	[smem:$0x3F9D] =	sst s2  }
0xb: {  	[smem:$0x3F9E] =	sst s3  }
0xc: {  	[smem:$0x3F9F] =	sst s4  }
0xd: {  	[smem:$0x3FA0] =	sst s5  }
0xe: {  	[smem:$0x3FA1] =	sst s6  }
0xf: {  	[smem:$0x3FA2] =	sst s7  }
0x10: {  	[smem:$0x3FA3] =	sst s8  }
0x11: {  	[smem:$0x3FA4] =	sst s9;
	s0 =	simm.s32 @!p0 $0x0  }
0x12: {  	s1 =	sld [smem:$0x3F8A];
	s0 =	simm.s32 @p0 $0x1  }
0x13: {  	[smem:$0x3FA5] =	sst s0;
	s0 =	simm.s32 @!p1 $0x0  }
0x14: {  	s2 =	sld [smem:$0x3F89];
	s0 =	simm.s32 @p1 $0x1  }
0x15: {  	[smem:$0x3FA6] =	sst s0;
	s0 =	simm.s32 @!p2 $0x0  }
0x16: {  	s3 =	sld [smem:$0x3FDB];
	s0 =	simm.s32 @p2 $0x1  }
0x17: {  	s4 =	simm.s32 $0x1BF5;
	[smem:$0x3FA8] =	sst s0  }
0x18: {  	s0 =	sld [smem:$0x3F8B];
	_ =	swait.ge [sflag:s4], $0x0  }
0x19: {  	s7 =	sld [smem:$0x3F8C]  }
0x1a: {  	s8 =	sadd.s32 $0xFFFFE003, lr  }
0x1b: {  	s9 =	sadd.s32 $0xFFFFFEF7, lr;
	s5 =	simm.s32 $0xFFFFFFFF;
	p2 =	slt.u32 s8, $0xFFFFF086  }
0x1c: {  	p1 =	slt.u32 s9, $0xF7A;
	s5 =	simm.s32 @!p2 $0x0  }
0x1d: {  	s5 =	simm.s32 @p1 $0x1;
	p0 =	seq.s32 s7, s2  }
0x1e: {  	s7 =	smul.u32 @!p0 $0xF7A, s2;
	p2 =	seq.s32 @!p0 s5, $0x0  }
0x1f: {  	s9 =	smul.u32 $0xF7A, s1;
	s8 =	simm.s32 @!p0 $0x1BF5;
	p2 =	por !p2, p0  }
0x20: {  	[sflag:s8] =	ssyncset.s32 @!p0 $0xFFFFF086;
	s6 =	sadd.s32 @!p0 s3, s7;
	s7 =	simm.s32 @!p0 $0x108  }
0x21: {  	s3 =	sadd.s32 s3, s9;
	s6 =	sadd.s32 @!p0 $0x88, s6;
	s7 =	simm.s32 @p2 $0x1082  }
0x22: {  	[simem:s7], [sflag:s8] =	dma.local @!p0 [hbm:s6], $0xF7A  }
0x23: {  	s9 =	sor.u32 $0xD0000000, s2;
	s6 =	simm.s32 $0x108;
	_ =	swait.ge @!p0 [sflag:s8], $0x0  }
0x24: {  	s3 =	sadd.s32 $0x88, s3;
	s6 =	simm.s32 @!p1 $0x1082;
	[sflag:s4] =	ssyncset.s32 $0xFFFFF086  }
0x25: {  	[simem:s6], [sflag:s4] =	dma.local [hbm:s3], $0xF7A  }
0x26: {  	[smem:$0x3F8C] =	sst s1;
	(tag) =	ssettag s2;
	_ =	strace s9  }
0x27: {  	s1 =	sld [smem:$0x3F9C]  }
0x28: {  	s2 =	sld [smem:$0x3F9D]  }
0x29: {  	s4 =	sld [smem:$0x3F9F]  }
0x2a: {  	p0 =	seq.s32 s5, $0x0;
	s5 =	sld [smem:$0x3FA0]  }
0x2b: {  	s6 =	sld [smem:$0x3FA1]  }
0x2c: {  	s7 =	sld [smem:$0x3FA2]  }
0x2d: {  	s3 =	simm.s32 $0x108;
	s8 =	sld [smem:$0x3FA3]  }
0x2e: {  	s3 =	simm.s32 @!p0 $0x1082;
	s9 =	sld [smem:$0x3FA4]  }
0x2f: {  	lr =	sadd.s32 s0, s3;
	s0 =	sld [smem:$0x3F9B]  }
0x30: {  	s3 =	sld [smem:$0x3F9E]  }
0x31: {  	[smem:$0x3FA7] =	sst s10  }
0x32: {  	s10 =	sld [smem:$0x3FA5];
	_ =	sdelay $0x3  }
0x33: {  	p0 =	seq.s32 s10, $0x1;
	s10 =	sld [smem:$0x3FA7];
	_ =	sdelay $0x3  }
0x34: {  	[smem:$0x3FA7] =	sst s10  }
0x35: {  	s10 =	sld [smem:$0x3FA6];
	_ =	sdelay $0x3  }
0x36: {  	p1 =	seq.s32 s10, $0x1;
	s10 =	sld [smem:$0x3FA7];
	_ =	sdelay $0x3  }
0x37: {  	[smem:$0x3FA7] =	sst s10  }
0x38: {  	s10 =	sld [smem:$0x3FA8]  }
0x39: {  	_ = 	snop;
	(pc) =	sbr.ind lr, $3  }
0x3a: {  	_ = 	snop  }
0x3b: {  	_ = 	snop  }
0x3c: {  	p2 =	seq.s32 s10, $0x1;
	s10 =	sld [smem:$0x3FA7]  }
0x3d: {  	_ =	shalt  }
0x3e: {  	_ =	shalt  }
0x3f: {  	_ =	shalt  }
0x40: {  	_ =	shalt  }
0x41: {  	_ =	shalt  }
0x42: {  	_ =	shalt  }
0x43: {  	_ =	shalt  }
0x44: {  	_ =	shalt  }
0x45: {  	_ =	shalt  }
0x46: {  	_ =	shalt  }
0x47: {  	_ =	shalt  }
0x48: {  	_ =	shalt  }
0x49: {  	_ =	shalt  }
0x4a: {  	_ =	shalt  }
0x4b: {  	_ =	shalt  }
0x4c: {  	_ =	shalt  }
0x4d: {  	_ =	shalt  }
0x4e: {  	_ =	shalt  }
0x4f: {  	_ =	shalt  }
0x50: {  	_ =	shalt  }
0x51: {  	_ =	shalt  }
0x52: {  	_ =	shalt  }
0x53: {  	_ =	shalt  }
0x54: {  	_ =	shalt  }
0x55: {  	_ =	shalt  }
0x56: {  	_ =	shalt  }
0x57: {  	_ =	shalt  }
0x58: {  	_ =	shalt  }
0x59: {  	_ =	shalt  }
0x5a: {  	_ =	shalt  }
0x5b: {  	_ =	shalt  }
0x5c: {  	_ =	shalt  }
0x5d: {  	_ =	shalt  }
0x5e: {  	_ =	shalt  }
0x5f: {  	_ =	shalt  }
0x60: {  	_ =	shalt  }
0x61: {  	_ =	shalt  }
0x62: {  	_ =	shalt  }
0x63: {  	_ =	shalt  }
0x64: {  	_ =	shalt  }
0x65: {  	_ =	shalt  }
0x66: {  	_ =	shalt  }
0x67: {  	_ =	shalt  }
0x68: {  	_ =	shalt  }
0x69: {  	_ =	shalt  }
0x6a: {  	_ =	shalt  }
0x6b: {  	_ =	shalt  }
0x6c: {  	_ =	shalt  }
0x6d: {  	_ =	shalt  }
0x6e: {  	_ =	shalt  }
0x6f: {  	_ =	shalt  }
0x70: {  	_ =	shalt  }
0x71: {  	_ =	shalt  }
0x72: {  	_ =	shalt  }
0x73: {  	_ =	shalt  }
0x74: {  	_ =	shalt  }
0x75: {  	_ =	shalt  }
0x76: {  	_ =	shalt  }
0x77: {  	_ =	shalt  }
0x78: {  	_ =	shalt  }
0x79: {  	_ =	shalt  }
0x7a: {  	_ =	shalt  }
0x7b: {  	_ =	shalt  }
0x7c: {  	_ =	shalt  }
0x7d: {  	_ =	shalt  }
0x7e: {  	_ =	shalt  }
0x7f: {  	_ =	shalt  }
0x80: {  	_ =	shalt  }
0x81: {  	_ =	shalt  }
0x82: {  	_ =	shalt  }
0x83: {  	_ =	shalt  }
0x84: {  	_ =	shalt  }
0x85: {  	_ =	shalt  }
0x86: {  	_ =	shalt  }
0x87: {  	_ =	shalt  }
.Lfunc_end0:
.L_simem_size_0:
called_computation_lowered:
.L_overlay_start_0:
0x88: {  	s2 =	sld [smem:$0x3FD9]  }
0x89: {  	s3 =	sld [smem:$0x3FFE];
	_ =	sdelay $0x1  }
0x8a: {  	s1 =	srdreg.scid  }
0x8b: {  	s0 =	sand.u32 $0x1, s1  }
0x8c: {  	s16 =	sshll.u32 s0, $0xA;
	s2 =	sadd.s32 s3, s2  }
0x8d: {  	s2 =	sadd.s32 s2, s16  }
0x8e: {  	[smem:$0x3FB3] =	sst s2  }
0x8f: {  	_ = 	snop  }
0x90: {  	(tm) =	ssettm $0x1  }
0x91: {  	s17 =	sld [smem:$0x3FFB];
	_ =	sdelay $0x3  }
0x92: {  	_ =	strace s17  }
0x93: {  	s2 =	sld [smem:$0x3FFC];
	_ =	sdelay $0x3  }
0x94: {  	_ =	strace s2  }
0x95: {  	s2 =	sld [smem:$0x3FFD];
	_ =	sdelay $0x3  }
0x96: {  	_ =	strace s2  }
0x97: {  	_ =	strace $0x8FFFFFFF  }
0x98: {  	s18 =	sld [smem:$0x3FDB];
	_ =	sdelay $0x1  }
0x99: {  	s19 =	simm.s32 $_scs_section_size  }
0x9a: {  	s4 =	simm.s32 $_size__tile_overlayer_lowered;
	s5 =	simm.s32 $_tile_overlayer_lowered  }
0x9b: {  	s22 =	simm.s32 $0x1BFF;
	s21 =	sshll.u32 s5, $0x1;
	s2 =	sadd.s32 s19, s18  }
0x9c: {  	s6 =	simm.s32 $0x0;
	s20 =	sshll.u32 s4, $0x1;
	s4 =	sadd.s32 s21, s2  }
0x9d: {  	[timem:s6], [sflag:s22] =	dma.local [hbm:s4], s20  }
0x9e: {  	_ =	swait.ge [sflag:s22], s20  }
0x9f: {  	s3 =	ssub.s32 $0x0, s20;
	[sflag:s22] =	ssyncset.done $0x0  }
0xa0: {  	[sflag:s22] =	ssyncadd.s32 s3;
	_ =	sdelay $0x1  }
0xa1: {  	s23 =	simm.s32 $0x1B8B  }
0xa2: {  	_ =	swait.ge [sflag:s23], $0x1  }
0xa3: {  	[sflag:s23] =	ssyncset.done $0x0  }
0xa4: {  	s25 =	simm.s32 $0x1B8E;
	s24 =	sld [smem:$0x3FFE];
	[sflag:s23] =	ssyncadd.s32 $0xFFFFFFFF  }
0xa5: {  	s26 =	simm.s32 $execute0_lowered;
	[smem:$0x3FD2] =	sst s25  }
0xa6: {  	s4 =	sshll.u32 s26, $0x1;
	_ =	strace $0x80000046;
	[dreg:$0x1] =	wrdreg $0xFFFFFFFF  }
0xa7: {  	s28 =	simm.s32 $_size_execute0_lowered;
	s2 =	sadd.s32 s2, s4;
	[dreg:$0x0] =	wrdreg $0x0  }
0xa8: {  	s4 =	sshll.u32 s28, $0x1;
	[dreg:$0x2] =	wrdreg s2  }
0xa9: {  	[dreg:$0x3] =	wrdreg s4  }
0xaa: {  	[dreg:$0x4] =	wrdreg $0xC0  }
0xab: {  	_ =	task [dreg:s6], $0x5FFFF  }
0xac: {  	[dreg:$0x1] =	wrdreg $0xFFFFFFFF  }
0xad: {  	[dreg:$0x0] =	wrdreg $0x60  }
0xae: {  	[dreg:$0x2] =	wrdreg s24  }
0xaf: {  	[dreg:$0x3] =	wrdreg $0x9  }
0xb0: {  	_ =	task.clear_ibuf [dreg:s6], $0x4FFFF;
	_ =	strace $0x90000046  }
0xb1: {  	s29 =	simm.s32 $0x9;
	_ =	strace $0x80000048  }
0xb2: {  	_ =	swait.ge [sflag:s29], $0x1  }
0xb3: {  	[sflag:s29] =	ssyncadd.s32 $0xFFFFFFFF  }
0xb4: {  	_ =	strace $0x90000048  }
0xb5: {  	_ =	sfence  }
0xb6: {  	s30 =	sld [smem:$0x0];
	_ =	sdelay $0x2  }
0xb7: {  	s31 =	sshll.u32 s1, $0xD;
	s1 =	sshrl.u32 s1, $0x2  }
0xb8: {  	s3 =	sand.u32 $0x4000, s31;
	s1 =	sadd.s32 s1, s30  }
0xb9: {  	s0 =	sor.u32 s3, s0;
	s1 =	sshll.u32 s1, $0x11  }
0xba: {  	s0 =	sor.u32 s1, s0  }
0xbb: {  	s0 =	sadd.s32 $0x8F2B, s0  }
0xbc: {  	[sflag:s0] =	ssyncadd.remote.s32 $0x1  }
0xbd: {  	_ =	sfence.sel $0xFFFF  }
0xbe: {  	[dreg:$0x0] =	wrdreg $0xFFFFFFFF;
	(pc) =	sbr.abs _section_cstart, $3  }
0xbf: {  	[dreg:$0x1] =	wrdreg $0xFFFFFFFF  }
0xc0: {  	_ =	task.clear_ibuf [dreg:s6], $0x2FFFF;
	_ =	strace $0x9FFFFFFF  }
0xc1: {  	(tm) =	ssettm $0x7FFFFFFF  }
tec
execute0_lowered:
.L_overlay_start_1:
0x0: {  	(tag) =	ssettag $0x1  }
0x1: {  	s0 =	rddreg [dreg:$0x0];
	s2 =	simm.s32 $0x0  }
0x2: {  	s8 =	stileid.u32;
	s3 =	srdreg.scid;
	s11 =	simm.s32 $0x400  }
0x3: {  	s12 =	simm.s32 $0x1;
	s13 =	simm.s32 $0x80;
	s14 =	simm.s32 $0x800  }
0x4: {  	s15 =	simm.s32 $0x8800;
	s29 =	simm.s32 $0x4800;
	s30 =	simm.s32 $0x600  }
0x5: {  	s31 =	simm.s32 $0xC800;
	s10 =	simm.s32 $0x6800;
	s16 =	simm.s32 $0x700  }
0x6: {  	s17 =	simm.s32 $0xE800;
	s18 =	simm.s32 $0x380;
	s19 =	simm.s32 $0x7800  }
0x7: {  	s20 =	simm.s32 $0x780;
	s21 =	simm.s32 $0xF800;
	s23 =	simm.s32 $0x0  }
0x8: {  	[smem:$0x7FF] =	sst s2;
	s1 =	sshll.u32 s8, $0x8;
	s5 =	sand.u32 $0x1, s3  }
0x9: {  	s3 =	sadd.s32 $0x87E00, s0;
	s6 =	sshll.u32 s8, $0xD;
	s4 =	sadd.s32 $0x7E000, s0  }
0xa: {  	s8 =	sshll.u32 s8, $0x1;
	_ =	strace $0x80000047;
	s1 =	sadd.s32 s1, s0  }
0xb: {  	s7 =	ssub.s32 $0x2, s5;
	s0 =	sadd.s32 s6, s0;
	s25 =	sshll.u32 s5, $0x7  }
0xc: {  	s9 =	sshll.u32 s5, $0xC;
	s28 =	sor.u32 s5, s8;
	s5 =	simm.s32 $0x680  }
0xd: {  	s8 =	simm.s32 $0xD800;
	s24 =	sshrl.u32 s7, $0x1;
	s1 =	sadd.s32 s25, s1  }
.Ltmp0:
0xe: {  	s0 =	sadd.s32 s9, s0;
	[dreg:$0x5] =	wrdreg s28;
	(pc) =	sbr.rel .LBB2_1-.Ltmp0, $4  }
0xf: {  	s9 =	simm.s32 $0x300;
	s6 =	ssub.s32 s7, s24;
	s26 =	sadd.s32 $0x302C00, s0  }
0x10: {  	s7 =	sadd.s32 $0x1C200, s1;
	s0 =	sadd.s32 $0x91C00, s0;
	[dreg:$0x3] =	wrdreg s26  }
0x11: {  	s6 =	smax.u32 s6, $0x1;
	[dreg:$0x4] =	wrdreg s0;
	s0 =	simm.s32 $0x280  }
0x12: {  	[dreg:$0x2] =	wrdreg s6;
	s6 =	sadd.s32 $0x8800, s1;
	s1 =	simm.s32 $0x5800  }
.LBB2_5:
0x13: {  	s23 =	rddreg [dreg:$0x6]  }
0x14: {  	s22 =	rddreg [dreg:$0x2];
	s23 =	sadd.s32 $0x1, s23  }
0x15: {  	p0 =	sne.s32 s23, s22  }
.Ltmp1:
0x16: {  	_ = 	snop;
	(pc) =	sbr.rel @!p0 .LBB2_6-.Ltmp1, $1  }
0x17: {  	_ =	sdelay $0x3  }
.LBB2_1:
.Ltmp2:
0x18: {  	(pc) =	sbr.rel .LBB2_2-.Ltmp2, $4  }
0x19: {  	[dreg:$0x6] =	wrdreg s23  }
0x1a: {  	s23 =	rddreg [dreg:$0x5]  }
0x1b: {  	s24 =	rddreg [dreg:$0x4]  }
0x1c: {  	s22 =	rddreg [dreg:$0x3];
	s25 =	simm.s32 $0x0  }
.LBB2_4:
0x1d: {  	s25 =	sadd.s32 $0x1000, s25  }
0x1e: {  	p0 =	sne.s32 s25, $0x14000  }
.Ltmp3:
0x1f: {  	_ = 	snop;
	(pc) =	sbr.rel @!p0 .LBB2_5-.Ltmp3, $2  }
0x20: {  	_ =	sdelay $0x2  }
0x21: {  	s22 =	sadd.s32 $0x20000, s22;
	s24 =	sadd.s32 $0x20000, s24;
	s23 =	sadd.s32 $0x20, s23  }
.LBB2_2:
0x22: {  	p0 =	sgt.u32 s23, $0x270  }
.Ltmp4:
0x23: {  	_ = 	snop;
	(pc) =	sbr.rel @p0 .LBB2_4-.Ltmp4, $1  }
0x24: {  	_ =	sdelay $0x3  }
0x25: {  	s26 =	sadd.s32 s25, s7  }
0x26: {  	[tilespmem:s2], [sflag:$0x1] =	stream.linear.gather [hbm4b:s26+s2], $0x400, $0x38;
	[tilespmem:$0x10800] =	vst v63  }
0x27: {  	s28 =	sadd.s32 s25, s6  }
0x28: {  	[tilespmem:s11], [sflag:$0x1] =	stream.linear.gather [hbm4b:s28+s2], $0x400, $0x38;
	[tilespmem:$0x10800] =	vst v63  }
0x29: {  	_ =	swait.ge [sflag:s12], $0x400  }
0x2a: {  	[sflag:s12] =	ssyncset.done $0x0  }
0x2b: {  	[sflag:s12] =	ssyncadd.s32 $0xFFFFFC00  }
0x2c: {  	_ =	swait.ge [sflag:s12], $0x400  }
0x2d: {  	[sflag:s12] =	ssyncset.done $0x0  }
0x2e: {  	[sflag:s12] =	ssyncadd.s32 $0xFFFFFC00  }
0x2f: {  	[tilespmem:s14], [sflag:$0x1] =	stream.indirect.gather [hbm4b:s3+s13], $0x20, s2, s13, $0xb8;
	[tilespmem:$0x10800] =	vst v63  }
0x30: {  	_ = 	snop  }
0x31: {  	[tilespmem:s15], [sflag:$0x1] =	stream.indirect.gather [hbm4b:s4+s13], $0x20, s11, s13, $0xb8;
	[tilespmem:$0x10800] =	vst v63  }
0x32: {  	s28 =	simm.s32 $0x1800  }
0x33: {  	[tilespmem:s28], [sflag:$0x1] =	stream.indirect.gather [hbm4b:s3+s13], $0x20, s13, s13, $0xb8;
	[tilespmem:$0x10800] =	vst v63  }
0x34: {  	s26 =	simm.s32 $0x480;
	s28 =	simm.s32 $0x9800  }
0x35: {  	[tilespmem:s28], [sflag:$0x1] =	stream.indirect.gather [hbm4b:s4+s13], $0x20, s26, s13, $0xb8;
	[tilespmem:$0x10800] =	vst v63  }
0x36: {  	s26 =	simm.s32 $0x100;
	s28 =	simm.s32 $0x2800  }
0x37: {  	[tilespmem:s28], [sflag:$0x1] =	stream.indirect.gather [hbm4b:s3+s13], $0x20, s26, s13, $0xb8;
	[tilespmem:$0x10800] =	vst v63  }
0x38: {  	s26 =	simm.s32 $0x500;
	s28 =	simm.s32 $0xA800  }
0x39: {  	[tilespmem:s28], [sflag:$0x1] =	stream.indirect.gather [hbm4b:s4+s13], $0x20, s26, s13, $0xb8;
	[tilespmem:$0x10800] =	vst v63  }
0x3a: {  	s26 =	simm.s32 $0x180;
	s28 =	simm.s32 $0x3800  }
0x3b: {  	[tilespmem:s28], [sflag:$0x1] =	stream.indirect.gather [hbm4b:s3+s13], $0x20, s26, s13, $0xb8;
	[tilespmem:$0x10800] =	vst v63  }
0x3c: {  	s26 =	simm.s32 $0x580;
	s28 =	simm.s32 $0xB800  }
0x3d: {  	[tilespmem:s28], [sflag:$0x1] =	stream.indirect.gather [hbm4b:s4+s13], $0x20, s26, s13, $0xb8;
	[tilespmem:$0x10800] =	vst v63  }
0x3e: {  	s28 =	simm.s32 $0x200  }
0x3f: {  	[tilespmem:s29], [sflag:$0x1] =	stream.indirect.gather [hbm4b:s3+s13], $0x20, s28, s13, $0xb8;
	[tilespmem:$0x10800] =	vst v63  }
0x40: {  	_ = 	snop  }
0x41: {  	[tilespmem:s31], [sflag:$0x1] =	stream.indirect.gather [hbm4b:s4+s13], $0x20, s30, s13, $0xb8;
	[tilespmem:$0x10800] =	vst v63  }
0x42: {  	_ = 	snop  }
0x43: {  	[tilespmem:s1], [sflag:$0x1] =	stream.indirect.gather [hbm4b:s3+s13], $0x20, s0, s13, $0xb8;
	[tilespmem:$0x10800] =	vst v63  }
0x44: {  	_ = 	snop  }
0x45: {  	[tilespmem:s8], [sflag:$0x1] =	stream.indirect.gather [hbm4b:s4+s13], $0x20, s5, s13, $0xb8;
	[tilespmem:$0x10800] =	vst v63  }
0x46: {  	_ = 	snop  }
0x47: {  	[tilespmem:s10], [sflag:$0x1] =	stream.indirect.gather [hbm4b:s3+s13], $0x20, s9, s13, $0xb8;
	[tilespmem:$0x10800] =	vst v63  }
0x48: {  	_ = 	snop  }
0x49: {  	[tilespmem:s17], [sflag:$0x1] =	stream.indirect.gather [hbm4b:s4+s13], $0x20, s16, s13, $0xb8;
	[tilespmem:$0x10800] =	vst v63  }
0x4a: {  	_ = 	snop  }
0x4b: {  	[tilespmem:s19], [sflag:$0x1] =	stream.indirect.gather [hbm4b:s3+s13], $0x20, s18, s13, $0xb8;
	[tilespmem:$0x10800] =	vst v63  }
0x4c: {  	_ = 	snop  }
0x4d: {  	[tilespmem:s21], [sflag:$0x1] =	stream.indirect.gather [hbm4b:s4+s13], $0x20, s20, s13, $0xb8;
	[tilespmem:$0x10800] =	vst v63  }
0x4e: {  	_ =	swait.ge [sflag:s12], $0x1000  }
0x4f: {  	[sflag:s12] =	ssyncset.done $0x0  }
0x50: {  	[sflag:s12] =	ssyncadd.s32 $0xFFFFF000  }
0x51: {  	_ =	swait.ge [sflag:s12], $0x1000  }
0x52: {  	[sflag:s12] =	ssyncset.done $0x0  }
0x53: {  	[sflag:s12] =	ssyncadd.s32 $0xFFFFF000  }
0x54: {  	_ =	swait.ge [sflag:s12], $0x1000  }
0x55: {  	[sflag:s12] =	ssyncset.done $0x0  }
0x56: {  	[sflag:s12] =	ssyncadd.s32 $0xFFFFF000  }
0x57: {  	_ =	swait.ge [sflag:s12], $0x1000  }
0x58: {  	[sflag:s12] =	ssyncset.done $0x0  }
0x59: {  	[sflag:s12] =	ssyncadd.s32 $0xFFFFF000  }
0x5a: {  	_ =	swait.ge [sflag:s12], $0x1000  }
0x5b: {  	[sflag:s12] =	ssyncset.done $0x0  }
0x5c: {  	[sflag:s12] =	ssyncadd.s32 $0xFFFFF000  }
0x5d: {  	_ =	swait.ge [sflag:s12], $0x1000  }
0x5e: {  	[sflag:s12] =	ssyncset.done $0x0  }
0x5f: {  	[sflag:s12] =	ssyncadd.s32 $0xFFFFF000  }
0x60: {  	_ =	swait.ge [sflag:s12], $0x1000  }
0x61: {  	[sflag:s12] =	ssyncset.done $0x0  }
0x62: {  	[sflag:s12] =	ssyncadd.s32 $0xFFFFF000  }
0x63: {  	_ =	swait.ge [sflag:s12], $0x1000  }
0x64: {  	[sflag:s12] =	ssyncset.done $0x0  }
0x65: {  	[sflag:s12] =	ssyncadd.s32 $0xFFFFF000  }
0x66: {  	_ =	swait.ge [sflag:s12], $0x1000  }
0x67: {  	[sflag:s12] =	ssyncset.done $0x0  }
0x68: {  	[sflag:s12] =	ssyncadd.s32 $0xFFFFF000  }
0x69: {  	_ =	swait.ge [sflag:s12], $0x1000  }
0x6a: {  	[sflag:s12] =	ssyncset.done $0x0  }
0x6b: {  	[sflag:s12] =	ssyncadd.s32 $0xFFFFF000  }
0x6c: {  	_ =	swait.ge [sflag:s12], $0x1000  }
0x6d: {  	[sflag:s12] =	ssyncset.done $0x0  }
0x6e: {  	[sflag:s12] =	ssyncadd.s32 $0xFFFFF000  }
0x6f: {  	_ =	swait.ge [sflag:s12], $0x1000  }
0x70: {  	[sflag:s12] =	ssyncset.done $0x0  }
0x71: {  	[sflag:s12] =	ssyncadd.s32 $0xFFFFF000  }
0x72: {  	_ =	swait.ge [sflag:s12], $0x1000  }
0x73: {  	[sflag:s12] =	ssyncset.done $0x0  }
0x74: {  	[sflag:s12] =	ssyncadd.s32 $0xFFFFF000  }
0x75: {  	_ =	swait.ge [sflag:s12], $0x1000  }
0x76: {  	[sflag:s12] =	ssyncset.done $0x0  }
0x77: {  	[sflag:s12] =	ssyncadd.s32 $0xFFFFF000  }
0x78: {  	_ =	swait.ge [sflag:s12], $0x1000  }
0x79: {  	[sflag:s12] =	ssyncset.done $0x0  }
0x7a: {  	[sflag:s12] =	ssyncadd.s32 $0xFFFFF000  }
0x7b: {  	_ =	swait.ge [sflag:s12], $0x1000  }
0x7c: {  	[sflag:s12] =	ssyncset.done $0x0  }
0x7d: {  	[sflag:s12] =	ssyncadd.s32 $0xFFFFF000  }
0x7e: {  	[hbm4b:s24+s2] =	stream.linear.scatter [tilespmem:s14], [sflag:$0x1], $0x8000, $0x38;
	[tilespmem:$0x10800] =	vst v63  }
0x7f: {  	_ = 	snop  }
0x80: {  	[hbm4b:s22+s2] =	stream.linear.scatter [tilespmem:s15], [sflag:$0x1], $0x8000, $0x38;
	[tilespmem:$0x10800] =	vst v63  }
0x81: {  	_ =	swait.ge [sflag:s12], $0x8000  }
.Ltmp5:
0x82: {  	[sflag:s12] =	ssyncset.done $0x0;
	(pc) =	sbr.rel .LBB2_4-.Ltmp5, $4  }
0x83: {  	[sflag:s12] =	ssyncadd.s32 $0xFFFF8000  }
0x84: {  	_ =	swait.ge [sflag:s12], $0x8000  }
0x85: {  	[sflag:s12] =	ssyncset.done $0x0  }
0x86: {  	[sflag:s12] =	ssyncadd.s32 $0xFFFF8000  }
.LBB2_6:
0x87: {  	_ =	sfence.sel $0x180000  }
0x88: {  	[bflag:$0x0] =	sbarrier.arrive $0xFFFF  }
0x89: {  	_ =	strace $0x90000047  }
0x8a: {  	s0 =	stileid.u32;
	[bflag:$0x2] =	sbarrier.arrive $0xFFFF  }
0x8b: {  	p0 =	sne.s32 s0, $0x0;
	s0 =	rddreg [dreg:$0x1]  }
0x8c: {  	s0 =	sadd.s32 @!p0 $0x100000, s0  }
0x8d: {  	[sflag:s0] =	ssyncadd.tile.s32 @!p0 $0x1;
	_ =	shalt  }
.Lfunc_end2:
_tile_overlayer_lowered:
.L_overlay_start_2:
0x8e: {  	(tag) =	ssettag $0x2  }
0x8f: {  	s0 =	rddreg [dreg:$0x0];
	s2 =	stileid.u32  }
0x90: {  	s1 =	rddreg [dreg:$0x1];
	p0 =	sne.s32 s2, $0x0  }
0x91: {  	s3 =	rddreg [dreg:$0x2];
	[bflag:$0x3] =	sbarrier.arrive $0xFFFF;
	s2 =	simm.s32 @!p0 $0x1C02  }
0x92: {  	[timem:s3], [sflag:s2] =	dma.local @!p0 [hbm:s0], s1  }
0x93: {  	s0 =	simm.s32 @!p0 $0x2  }
0x94: {  	_ =	swait.ge @!p0 [sflag:s0], s1  }
0x95: {  	s1 =	ssub.s32 @!p0 $0x0, s1;
	[sflag:s0] =	ssyncset.done @!p0 $0x0  }
0x96: {  	[sflag:s0] =	ssyncadd.s32 @!p0 s1  }
0x97: {  	[bflag:$0x3] =	sbarrier.arrive $0xFFFF  }
0x98: {  	_ =	shalt  }

// kernel: kernel.14.cloned.1.call-start
scs
__scs_entry_jumppad:
0x0: {  	(pc) =	sbr.rel $0x88, $3  }
0x1: {  	(tag) =	ssettag $0x0;
	lr =	simm.s32 $0x1  }
0x2: {  	[smem:$0x3F8C] =	sst lr;
	_ =	strace $0xD0000000  }
0x3: {  	_ = 	snop  }
0x4: {  	_ = 	snop  }
0x5: {  	_ = 	snop  }
0x6: {  	_ = 	snop  }
0x7: {  	_ = 	snop  }
__scs_overlays_trampoline_lowered:
0x8: {  	[smem:$0x3F9B] =	sst s0  }
0x9: {  	[smem:$0x3F9C] =	sst s1  }
0xa: {  	[smem:$0x3F9D] =	sst s2  }
0xb: {  	[smem:$0x3F9E] =	sst s3  }
0xc: {  	[smem:$0x3F9F] =	sst s4  }
0xd: {  	[smem:$0x3FA0] =	sst s5  }
0xe: {  	[smem:$0x3FA1] =	sst s6  }
0xf: {  	[smem:$0x3FA2] =	sst s7  }
0x10: {  	[smem:$0x3FA3] =	sst s8  }
0x11: {  	[smem:$0x3FA4] =	sst s9;
	s0 =	simm.s32 @!p0 $0x0  }
0x12: {  	s1 =	sld [smem:$0x3F8A];
	s0 =	simm.s32 @p0 $0x1  }
0x13: {  	[smem:$0x3FA5] =	sst s0;
	s0 =	simm.s32 @!p1 $0x0  }
0x14: {  	s2 =	sld [smem:$0x3F89];
	s0 =	simm.s32 @p1 $0x1  }
0x15: {  	[smem:$0x3FA6] =	sst s0;
	s0 =	simm.s32 @!p2 $0x0  }
0x16: {  	s3 =	sld [smem:$0x3FDB];
	s0 =	simm.s32 @p2 $0x1  }
0x17: {  	s4 =	simm.s32 $0x1BF5;
	[smem:$0x3FA8] =	sst s0  }
0x18: {  	s0 =	sld [smem:$0x3F8B];
	_ =	swait.ge [sflag:s4], $0x0  }
0x19: {  	s7 =	sld [smem:$0x3F8C]  }
0x1a: {  	s8 =	sadd.s32 $0xFFFFE003, lr  }
0x1b: {  	s9 =	sadd.s32 $0xFFFFFEF7, lr;
	s5 =	simm.s32 $0xFFFFFFFF;
	p2 =	slt.u32 s8, $0xFFFFF086  }
0x1c: {  	p1 =	slt.u32 s9, $0xF7A;
	s5 =	simm.s32 @!p2 $0x0  }
0x1d: {  	s5 =	simm.s32 @p1 $0x1;
	p0 =	seq.s32 s7, s2  }
0x1e: {  	s7 =	smul.u32 @!p0 $0xF7A, s2;
	p2 =	seq.s32 @!p0 s5, $0x0  }
0x1f: {  	s9 =	smul.u32 $0xF7A, s1;
	s8 =	simm.s32 @!p0 $0x1BF5;
	p2 =	por !p2, p0  }
0x20: {  	[sflag:s8] =	ssyncset.s32 @!p0 $0xFFFFF086;
	s6 =	sadd.s32 @!p0 s3, s7;
	s7 =	simm.s32 @!p0 $0x108  }
0x21: {  	s3 =	sadd.s32 s3, s9;
	s6 =	sadd.s32 @!p0 $0x88, s6;
	s7 =	simm.s32 @p2 $0x1082  }
0x22: {  	[simem:s7], [sflag:s8] =	dma.local @!p0 [hbm:s6], $0xF7A  }
0x23: {  	s9 =	sor.u32 $0xD0000000, s2;
	s6 =	simm.s32 $0x108;
	_ =	swait.ge @!p0 [sflag:s8], $0x0  }
0x24: {  	s3 =	sadd.s32 $0x88, s3;
	s6 =	simm.s32 @!p1 $0x1082;
	[sflag:s4] =	ssyncset.s32 $0xFFFFF086  }
0x25: {  	[simem:s6], [sflag:s4] =	dma.local [hbm:s3], $0xF7A  }
0x26: {  	[smem:$0x3F8C] =	sst s1;
	(tag) =	ssettag s2;
	_ =	strace s9  }
0x27: {  	s1 =	sld [smem:$0x3F9C]  }
0x28: {  	s2 =	sld [smem:$0x3F9D]  }
0x29: {  	s4 =	sld [smem:$0x3F9F]  }
0x2a: {  	p0 =	seq.s32 s5, $0x0;
	s5 =	sld [smem:$0x3FA0]  }
0x2b: {  	s6 =	sld [smem:$0x3FA1]  }
0x2c: {  	s7 =	sld [smem:$0x3FA2]  }
0x2d: {  	s3 =	simm.s32 $0x108;
	s8 =	sld [smem:$0x3FA3]  }
0x2e: {  	s3 =	simm.s32 @!p0 $0x1082;
	s9 =	sld [smem:$0x3FA4]  }
0x2f: {  	lr =	sadd.s32 s0, s3;
	s0 =	sld [smem:$0x3F9B]  }
0x30: {  	s3 =	sld [smem:$0x3F9E]  }
0x31: {  	[smem:$0x3FA7] =	sst s10  }
0x32: {  	s10 =	sld [smem:$0x3FA5];
	_ =	sdelay $0x3  }
0x33: {  	p0 =	seq.s32 s10, $0x1;
	s10 =	sld [smem:$0x3FA7];
	_ =	sdelay $0x3  }
0x34: {  	[smem:$0x3FA7] =	sst s10  }
0x35: {  	s10 =	sld [smem:$0x3FA6];
	_ =	sdelay $0x3  }
0x36: {  	p1 =	seq.s32 s10, $0x1;
	s10 =	sld [smem:$0x3FA7];
	_ =	sdelay $0x3  }
0x37: {  	[smem:$0x3FA7] =	sst s10  }
0x38: {  	s10 =	sld [smem:$0x3FA8]  }
0x39: {  	_ = 	snop;
	(pc) =	sbr.ind lr, $3  }
0x3a: {  	_ = 	snop  }
0x3b: {  	_ = 	snop  }
0x3c: {  	p2 =	seq.s32 s10, $0x1;
	s10 =	sld [smem:$0x3FA7]  }
0x3d: {  	_ =	shalt  }
0x3e: {  	_ =	shalt  }
0x3f: {  	_ =	shalt  }
0x40: {  	_ =	shalt  }
0x41: {  	_ =	shalt  }
0x42: {  	_ =	shalt  }
0x43: {  	_ =	shalt  }
0x44: {  	_ =	shalt  }
0x45: {  	_ =	shalt  }
0x46: {  	_ =	shalt  }
0x47: {  	_ =	shalt  }
0x48: {  	_ =	shalt  }
0x49: {  	_ =	shalt  }
0x4a: {  	_ =	shalt  }
0x4b: {  	_ =	shalt  }
0x4c: {  	_ =	shalt  }
0x4d: {  	_ =	shalt  }
0x4e: {  	_ =	shalt  }
0x4f: {  	_ =	shalt  }
0x50: {  	_ =	shalt  }
0x51: {  	_ =	shalt  }
0x52: {  	_ =	shalt  }
0x53: {  	_ =	shalt  }
0x54: {  	_ =	shalt  }
0x55: {  	_ =	shalt  }
0x56: {  	_ =	shalt  }
0x57: {  	_ =	shalt  }
0x58: {  	_ =	shalt  }
0x59: {  	_ =	shalt  }
0x5a: {  	_ =	shalt  }
0x5b: {  	_ =	shalt  }
0x5c: {  	_ =	shalt  }
0x5d: {  	_ =	shalt  }
0x5e: {  	_ =	shalt  }
0x5f: {  	_ =	shalt  }
0x60: {  	_ =	shalt  }
0x61: {  	_ =	shalt  }
0x62: {  	_ =	shalt  }
0x63: {  	_ =	shalt  }
0x64: {  	_ =	shalt  }
0x65: {  	_ =	shalt  }
0x66: {  	_ =	shalt  }
0x67: {  	_ =	shalt  }
0x68: {  	_ =	shalt  }
0x69: {  	_ =	shalt  }
0x6a: {  	_ =	shalt  }
0x6b: {  	_ =	shalt  }
0x6c: {  	_ =	shalt  }
0x6d: {  	_ =	shalt  }
0x6e: {  	_ =	shalt  }
0x6f: {  	_ =	shalt  }
0x70: {  	_ =	shalt  }
0x71: {  	_ =	shalt  }
0x72: {  	_ =	shalt  }
0x73: {  	_ =	shalt  }
0x74: {  	_ =	shalt  }
0x75: {  	_ =	shalt  }
0x76: {  	_ =	shalt  }
0x77: {  	_ =	shalt  }
0x78: {  	_ =	shalt  }
0x79: {  	_ =	shalt  }
0x7a: {  	_ =	shalt  }
0x7b: {  	_ =	shalt  }
0x7c: {  	_ =	shalt  }
0x7d: {  	_ =	shalt  }
0x7e: {  	_ =	shalt  }
0x7f: {  	_ =	shalt  }
0x80: {  	_ =	shalt  }
0x81: {  	_ =	shalt  }
0x82: {  	_ =	shalt  }
0x83: {  	_ =	shalt  }
0x84: {  	_ =	shalt  }
0x85: {  	_ =	shalt  }
0x86: {  	_ =	shalt  }
0x87: {  	_ =	shalt  }
.Lfunc_end0:
.L_simem_size_0:
called_computation.1_lowered:
.L_overlay_start_0:
0x88: {  	s2 =	sld [smem:$0x3FD9]  }
0x89: {  	s3 =	sld [smem:$0x3FFE];
	_ =	sdelay $0x1  }
0x8a: {  	s1 =	srdreg.scid  }
0x8b: {  	s0 =	sand.u32 $0x1, s1  }
0x8c: {  	s16 =	sshll.u32 s0, $0xA;
	s2 =	sadd.s32 s3, s2  }
0x8d: {  	s2 =	sadd.s32 s2, s16  }
0x8e: {  	[smem:$0x3FB3] =	sst s2  }
0x8f: {  	_ = 	snop  }
0x90: {  	(tm) =	ssettm $0x1  }
0x91: {  	s17 =	sld [smem:$0x3FFB];
	_ =	sdelay $0x3  }
0x92: {  	_ =	strace s17  }
0x93: {  	s2 =	sld [smem:$0x3FFC];
	_ =	sdelay $0x3  }
0x94: {  	_ =	strace s2  }
0x95: {  	s2 =	sld [smem:$0x3FFD];
	_ =	sdelay $0x3  }
0x96: {  	_ =	strace s2  }
0x97: {  	_ =	strace $0x8FFFFFFF  }
0x98: {  	s18 =	sld [smem:$0x3FDB];
	_ =	sdelay $0x1  }
0x99: {  	s19 =	simm.s32 $_scs_section_size  }
0x9a: {  	s4 =	simm.s32 $_size__tile_overlayer_lowered;
	s5 =	simm.s32 $_tile_overlayer_lowered  }
0x9b: {  	s22 =	simm.s32 $0x1BFF;
	s21 =	sshll.u32 s5, $0x1;
	s2 =	sadd.s32 s19, s18  }
0x9c: {  	s6 =	simm.s32 $0x0;
	s20 =	sshll.u32 s4, $0x1;
	s4 =	sadd.s32 s21, s2  }
0x9d: {  	[timem:s6], [sflag:s22] =	dma.local [hbm:s4], s20  }
0x9e: {  	_ =	swait.ge [sflag:s22], s20  }
0x9f: {  	s3 =	ssub.s32 $0x0, s20;
	[sflag:s22] =	ssyncset.done $0x0  }
0xa0: {  	[sflag:s22] =	ssyncadd.s32 s3;
	_ =	sdelay $0x1  }
0xa1: {  	s23 =	simm.s32 $0x1B8B  }
0xa2: {  	_ =	swait.ge [sflag:s23], $0x1  }
0xa3: {  	[sflag:s23] =	ssyncset.done $0x0  }
0xa4: {  	s25 =	simm.s32 $0x1B8E;
	s24 =	sld [smem:$0x3FFE];
	[sflag:s23] =	ssyncadd.s32 $0xFFFFFFFF  }
0xa5: {  	s26 =	simm.s32 $execute0_lowered;
	[smem:$0x3FD2] =	sst s25  }
0xa6: {  	s4 =	sshll.u32 s26, $0x1;
	_ =	strace $0x80000049;
	[dreg:$0x1] =	wrdreg $0xFFFFFFFF  }
0xa7: {  	s28 =	simm.s32 $_size_execute0_lowered;
	s2 =	sadd.s32 s2, s4;
	[dreg:$0x0] =	wrdreg $0x0  }
0xa8: {  	s4 =	sshll.u32 s28, $0x1;
	[dreg:$0x2] =	wrdreg s2  }
0xa9: {  	[dreg:$0x3] =	wrdreg s4  }
0xaa: {  	[dreg:$0x4] =	wrdreg $0xC0  }
0xab: {  	_ =	task [dreg:s6], $0x5FFFF  }
0xac: {  	[dreg:$0x1] =	wrdreg $0xFFFFFFFF  }
0xad: {  	[dreg:$0x0] =	wrdreg $0x60  }
0xae: {  	[dreg:$0x2] =	wrdreg s24  }
0xaf: {  	[dreg:$0x3] =	wrdreg $0xC4000  }
0xb0: {  	[dreg:$0x4] =	wrdreg $0x114000  }
0xb1: {  	[dreg:$0x5] =	wrdreg $0x164000  }
0xb2: {  	[dreg:$0x6] =	wrdreg $0x9  }
0xb3: {  	_ =	task.clear_ibuf [dreg:s6], $0x7FFFF;
	_ =	strace $0x90000049  }
0xb4: {  	s29 =	simm.s32 $0x9;
	_ =	strace $0x8000004B  }
0xb5: {  	_ =	swait.ge [sflag:s29], $0x1  }
0xb6: {  	[sflag:s29] =	ssyncadd.s32 $0xFFFFFFFF  }
0xb7: {  	_ =	strace $0x9000004B  }
0xb8: {  	_ =	sfence  }
0xb9: {  	s30 =	sld [smem:$0x0];
	_ =	sdelay $0x2  }
0xba: {  	s31 =	sshll.u32 s1, $0xD;
	s1 =	sshrl.u32 s1, $0x2  }
0xbb: {  	s3 =	sand.u32 $0x4000, s31;
	s1 =	sadd.s32 s1, s30  }
0xbc: {  	s0 =	sor.u32 s3, s0;
	s1 =	sshll.u32 s1, $0x11  }
0xbd: {  	s0 =	sor.u32 s1, s0  }
0xbe: {  	s0 =	sadd.s32 $0x8F2B, s0  }
0xbf: {  	[sflag:s0] =	ssyncadd.remote.s32 $0x1  }
0xc0: {  	_ =	sfence.sel $0xFFFF  }
0xc1: {  	[dreg:$0x0] =	wrdreg $0xFFFFFFFF;
	(pc) =	sbr.abs _section_cstart, $3  }
0xc2: {  	[dreg:$0x1] =	wrdreg $0xFFFFFFFF  }
0xc3: {  	_ =	task.clear_ibuf [dreg:s6], $0x2FFFF;
	_ =	strace $0x9FFFFFFF  }
0xc4: {  	(tm) =	ssettm $0x7FFFFFFF  }
0xc5: {  	_ =	shalt  }
tec
execute0_lowered:
.L_overlay_start_1:
0x0: {  	(tag) =	ssettag $0x1  }
0x1: {  	s0 =	rddreg [dreg:$0x0]  }
0x2: {  	s1 =	rddreg [dreg:$0x1]  }
0x3: {  	s2 =	rddreg [dreg:$0x2]  }
0x4: {  	s3 =	rddreg [dreg:$0x3];
	s13 =	stileid.u32  }
0x5: {  	s4 =	srdreg.scid;
	s5 =	simm.s32 $0x0;
	s28 =	simm.s32 $0x80  }
0x6: {  	s29 =	simm.s32 $0x1400;
	s30 =	simm.s32 $0x5400;
	s31 =	simm.s32 $0x9400  }
0x7: {  	s4 =	sand.u32 $0x1, s4;
	s6 =	smul.u32 $0x5000, s13;
	[smem:$0x7FF] =	sst s5  }
0x8: {  	s7 =	sshll.u32 s13, $0x8;
	s9 =	sshll.u32 s13, $0xD;
	s11 =	sadd.s32 $0x7E000, s0  }
0x9: {  	s15 =	sshll.u32 s13, $0x1;
	p0 =	sne.s32 s13, $0x0;
	s8 =	smul.u32 $0x50000, s4  }
0xa: {  	_ =	strace $0x8000004A;
	s7 =	sadd.s32 s7, s0;
	s9 =	sadd.s32 s9, s0  }
0xb: {  	s10 =	ssub.s32 $0x2, s4;
	[dreg:$0x5] =	wrdreg s11;
	s19 =	sshll.u32 s4, $0x7  }
0xc: {  	s20 =	sshll.u32 s4, $0xC;
	s23 =	sor.u32 s4, s15;
	s4 =	simm.s32 $0x2400  }
0xd: {  	s11 =	simm.s32 $0x7400;
	s15 =	simm.s32 $0x280;
	s12 =	sshrl.u32 s10, $0x1  }
0xe: {  	s17 =	sadd.s32 s6, s1;
	s18 =	sadd.s32 s6, s2;
	s21 =	sadd.s32 s20, s9  }
0xf: {  	[dreg:$0xe] =	wrdreg s23;
	s20 =	simm.s32 $0x400;
	s9 =	simm.s32 $0x180  }
0x10: {  	s23 =	simm.s32 $0x380;
	s8 =	sadd.s32 s6, s8;
	s14 =	ssub.s32 s10, s12  }
0x11: {  	s6 =	sadd.s32 s6, s3;
	s22 =	sadd.s32 $0x7E5000, s21;
	s24 =	sshrl.u32 s17, $0x3  }
0x12: {  	s25 =	sshrl.u32 s18, $0x3;
	s10 =	simm.s32 $0x3400;
	[dreg:$0xc] =	wrdreg s22  }
0x13: {  	s17 =	simm.s32 $0x200;
	s18 =	simm.s32 $0x300;
	[dreg:$0x12] =	wrdreg s24  }
0x14: {  	s8 =	sshrl.u32 s8, $0x3;
	[dreg:$0x13] =	wrdreg s25;
	s26 =	sshrl.u32 s6, $0x3  }
0x15: {  	s0 =	sadd.s32 s8, s0;
	s8 =	smax.u32 s14, $0x1;
	[dreg:$0x14] =	wrdreg s26  }
0x16: {  	s22 =	simm.s32 $0x8400;
	s16 =	sadd.s32 $0xB0000, s0;
	[dreg:$0x9] =	wrdreg s8  }
0x17: {  	s26 =	simm.s32 $0x1;
	s12 =	sadd.s32 $0x9C000, s0;
	[dreg:$0x6] =	wrdreg s16  }
0x18: {  	s0 =	sadd.s32 $0x88000, s0;
	s8 =	simm.s32 $0xA400;
	[dreg:$0x7] =	wrdreg s12  }
0x19: {  	[dreg:$0x8] =	wrdreg s0;
	s0 =	sadd.s32 s19, s7;
	s7 =	sadd.s32 $0x574000, s21  }
0x1a: {  	s19 =	simm.s32 $0x2;
	s0 =	sadd.s32 $0x8800, s0;
	[dreg:$0xb] =	wrdreg s7  }
.Ltmp0:
0x1b: {  	[dreg:$0xa] =	wrdreg s0;
	s0 =	sadd.s32 $0xA56000, s21;
	(pc) =	sbr.rel .LBB2_1-.Ltmp0, $4  }
0x1c: {  	s16 =	simm.s32 $0xB400;
	[dreg:$0xd] =	wrdreg s0;
	s0 =	sshrl.u32 @!p0 s1, $0x3  }
0x1d: {  	s12 =	simm.s32 $0x0;
	[dreg:$0xf] =	wrdreg s0;
	s0 =	sshrl.u32 @!p0 s2, $0x3  }
0x1e: {  	s7 =	simm.s32 $0x6400;
	[dreg:$0x10] =	wrdreg s0;
	s0 =	sshrl.u32 @!p0 s3, $0x3  }
0x1f: {  	s21 =	simm.s32 $0x4400;
	[dreg:$0x11] =	wrdreg s0;
	s0 =	simm.s32 $0x100  }
.LBB2_5:
0x20: {  	s6 =	stileid.u32;
	[bflag:$0x0] =	sbarrier.arrive $0xFFFF  }
0x21: {  	s6 =	sshll.u32 s6, $0x6;
	s12 =	rddreg [dreg:$0x6]  }
0x22: {  	s13 =	rddreg [dreg:$0x12];
	s6 =	sor.u32 $0x1C02, s6  }
0x23: {  	[hbm:s12], [sflag:s6] =	dma.local [spmem:s13], $0xA00  }
0x24: {  	_ =	swait.ge [sflag:s19], $0xA00  }
0x25: {  	[sflag:s19] =	ssyncset.done $0x0;
	s24 =	rddreg [dreg:$0x7]  }
0x26: {  	s25 =	rddreg [dreg:$0x13];
	[sflag:s19] =	ssyncadd.s32 $0xFFFFF600  }
0x27: {  	[hbm:s24], [sflag:s6] =	dma.local [spmem:s25], $0xA00  }
0x28: {  	_ =	swait.ge [sflag:s19], $0xA00  }
0x29: {  	[sflag:s19] =	ssyncset.done $0x0;
	s13 =	rddreg [dreg:$0x8]  }
0x2a: {  	s14 =	rddreg [dreg:$0x14];
	[sflag:s19] =	ssyncadd.s32 $0xFFFFF600  }
0x2b: {  	[hbm:s13], [sflag:s6] =	dma.local [spmem:s14], $0xA00  }
0x2c: {  	_ =	swait.ge [sflag:s19], $0xA00  }
0x2d: {  	s24 =	rddreg [dreg:$0x15]  }
0x2e: {  	s25 =	rddreg [dreg:$0x9];
	s12 =	sadd.s32 $0x1, s24  }
0x2f: {  	p1 =	sne.s32 s12, s25  }
.Ltmp1:
0x30: {  	_ = 	snop;
	(pc) =	sbr.rel @!p1 .LBB2_6-.Ltmp1, $3  }
0x31: {  	_ =	sdelay $0x1  }
0x32: {  	[sflag:s19] =	ssyncset.done $0x0  }
0x33: {  	[sflag:s19] =	ssyncadd.s32 $0xFFFFF600  }
.LBB2_1:
0x34: {  	[dreg:$0x15] =	wrdreg s12  }
0x35: {  	s13 =	rddreg [dreg:$0x5]  }
0x36: {  	s6 =	simm.s32 @!p0 $0x1C02;
	s12 =	rddreg [dreg:$0xf]  }
0x37: {  	[spmem:s12], [sflag:s6] =	dma.local @!p0 [hbm:s13], $0xA000  }
0x38: {  	s12 =	simm.s32 @!p0 $0x2  }
0x39: {  	_ =	swait.ge @!p0 [sflag:s12], $0xA000  }
0x3a: {  	[sflag:s12] =	ssyncset.done @!p0 $0x0  }
0x3b: {  	s14 =	rddreg [dreg:$0x10];
	[sflag:s12] =	ssyncadd.s32 @!p0 $0xFFFF6000  }
0x3c: {  	[spmem:s14], [sflag:s6] =	dma.local @!p0 [hbm:s13], $0xA000  }
0x3d: {  	_ =	swait.ge @!p0 [sflag:s12], $0xA000  }
0x3e: {  	[sflag:s12] =	ssyncset.done @!p0 $0x0  }
0x3f: {  	s14 =	rddreg [dreg:$0x11];
	[sflag:s12] =	ssyncadd.s32 @!p0 $0xFFFF6000  }
0x40: {  	[spmem:s14], [sflag:s6] =	dma.local @!p0 [hbm:s13], $0xA000  }
0x41: {  	_ =	swait.ge @!p0 [sflag:s12], $0xA000  }
.Ltmp2:
0x42: {  	[sflag:s12] =	ssyncset.done @!p0 $0x0;
	(pc) =	sbr.rel .LBB2_2-.Ltmp2, $4  }
0x43: {  	[sflag:s12] =	ssyncadd.s32 @!p0 $0xFFFF6000  }
0x44: {  	[bflag:$0x0] =	sbarrier.arrive $0xFFFF  }
0x45: {  	s25 =	rddreg [dreg:$0xe]  }
0x46: {  	s24 =	simm.s32 $0x0;
	s6 =	rddreg [dreg:$0xa]  }
.LBB2_4:
0x47: {  	s24 =	sadd.s32 $0x20000, s24  }
0x48: {  	p1 =	sne.s32 s24, $0x280000  }
.Ltmp3:
0x49: {  	_ = 	snop;
	(pc) =	sbr.rel @!p1 .LBB2_5-.Ltmp3, $2  }
0x4a: {  	_ =	sdelay $0x2  }
0x4b: {  	s6 =	sadd.s32 $0x1000, s6;
	s25 =	sadd.s32 $0x20, s25  }
.LBB2_2:
0x4c: {  	p1 =	sgt.u32 s25, $0x270  }
.Ltmp4:
0x4d: {  	_ = 	snop;
	(pc) =	sbr.rel @p1 .LBB2_4-.Ltmp4, $1  }
0x4e: {  	_ =	sdelay $0x3  }
0x4f: {  	[tilespmem:s5], [sflag:$0x2] =	stream.linear.gather [hbm4b:s6+s5], $0x400, $0x38;
	[tilespmem:$0x1B400] =	vst v63  }
0x50: {  	_ =	swait.ge [sflag:s19], $0x400  }
0x51: {  	[sflag:s19] =	ssyncset.done $0x0;
	s12 =	rddreg [dreg:$0xb]  }
0x52: {  	s13 =	rddreg [dreg:$0xc];
	[sflag:s19] =	ssyncadd.s32 $0xFFFFFC00;
	s12 =	sadd.s32 s24, s12  }
0x53: {  	[tilespmem:s20], [sflag:$0x1] =	stream.linear.gather [hbm4b:s12+s5], $0x4000, $0x38;
	[tilespmem:$0x1B400] =	vst v63  }
0x54: {  	s14 =	rddreg [dreg:$0xd];
	s13 =	sadd.s32 s24, s13  }
0x55: {  	[tilespmem:s21], [sflag:$0x1] =	stream.linear.gather [hbm4b:s13+s5], $0x4000, $0x38;
	[tilespmem:$0x1B400] =	vst v63  }
0x56: {  	s14 =	sadd.s32 s24, s14  }
0x57: {  	[tilespmem:s22], [sflag:$0x1] =	stream.linear.gather [hbm4b:s14+s5], $0x4000, $0x38;
	[tilespmem:$0x1B400] =	vst v63  }
0x58: {  	_ =	swait.ge [sflag:s26], $0x4000  }
0x59: {  	[sflag:s26] =	ssyncset.done $0x0  }
0x5a: {  	[sflag:s26] =	ssyncadd.s32 $0xFFFFC000  }
0x5b: {  	_ =	swait.ge [sflag:s26], $0x4000  }
0x5c: {  	[sflag:s26] =	ssyncset.done $0x0  }
0x5d: {  	[sflag:s26] =	ssyncadd.s32 $0xFFFFC000  }
0x5e: {  	_ =	swait.ge [sflag:s26], $0x4000  }
0x5f: {  	[sflag:s26] =	ssyncset.done $0x0  }
0x60: {  	[sflag:s26] =	ssyncadd.s32 $0xFFFFC000  }
0x61: {  	[spmem:s1] =	stream.indirect.scatter.add.f32 [tilespmem:s20], [sflag:$0x1], $0x20, s5, s28, $0xb8;
	[tilespmem:$0x1B400] =	vst v63  }
0x62: {  	_ = 	snop  }
0x63: {  	[spmem:s2] =	stream.indirect.scatter.add.f32 [tilespmem:s21], [sflag:$0x1], $0x20, s5, s28, $0xb8;
	[tilespmem:$0x1B400] =	vst v63  }
0x64: {  	_ = 	snop  }
0x65: {  	[spmem:s3] =	stream.indirect.scatter.add.f32 [tilespmem:s22], [sflag:$0x1], $0x20, s5, s28, $0xb8;
	[tilespmem:$0x1B400] =	vst v63  }
0x66: {  	_ = 	snop  }
0x67: {  	[spmem:s1] =	stream.indirect.scatter.add.f32 [tilespmem:s29], [sflag:$0x1], $0x20, s28, s28, $0xb8;
	[tilespmem:$0x1B400] =	vst v63  }
0x68: {  	_ = 	snop  }
0x69: {  	[spmem:s2] =	stream.indirect.scatter.add.f32 [tilespmem:s30], [sflag:$0x1], $0x20, s28, s28, $0xb8;
	[tilespmem:$0x1B400] =	vst v63  }
0x6a: {  	_ = 	snop  }
0x6b: {  	[spmem:s3] =	stream.indirect.scatter.add.f32 [tilespmem:s31], [sflag:$0x1], $0x20, s28, s28, $0xb8;
	[tilespmem:$0x1B400] =	vst v63  }
0x6c: {  	_ = 	snop  }
0x6d: {  	[spmem:s1] =	stream.indirect.scatter.add.f32 [tilespmem:s4], [sflag:$0x1], $0x20, s0, s28, $0xb8;
	[tilespmem:$0x1B400] =	vst v63  }
0x6e: {  	_ = 	snop  }
0x6f: {  	[spmem:s2] =	stream.indirect.scatter.add.f32 [tilespmem:s7], [sflag:$0x1], $0x20, s0, s28, $0xb8;
	[tilespmem:$0x1B400] =	vst v63  }
0x70: {  	_ = 	snop  }
0x71: {  	[spmem:s3] =	stream.indirect.scatter.add.f32 [tilespmem:s8], [sflag:$0x1], $0x20, s0, s28, $0xb8;
	[tilespmem:$0x1B400] =	vst v63  }
0x72: {  	_ = 	snop  }
0x73: {  	[spmem:s1] =	stream.indirect.scatter.add.f32 [tilespmem:s10], [sflag:$0x1], $0x20, s9, s28, $0xb8;
	[tilespmem:$0x1B400] =	vst v63  }
0x74: {  	_ = 	snop  }
0x75: {  	[spmem:s2] =	stream.indirect.scatter.add.f32 [tilespmem:s11], [sflag:$0x1], $0x20, s9, s28, $0xb8;
	[tilespmem:$0x1B400] =	vst v63  }
0x76: {  	_ = 	snop  }
0x77: {  	[spmem:s3] =	stream.indirect.scatter.add.f32 [tilespmem:s16], [sflag:$0x1], $0x20, s9, s28, $0xb8;
	[tilespmem:$0x1B400] =	vst v63  }
0x78: {  	_ =	swait.ge [sflag:s26], $0x1000  }
0x79: {  	[sflag:s26] =	ssyncset.done $0x0  }
0x7a: {  	[sflag:s26] =	ssyncadd.s32 $0xFFFFF000  }
0x7b: {  	_ =	swait.ge [sflag:s26], $0x1000  }
0x7c: {  	[sflag:s26] =	ssyncset.done $0x0  }
0x7d: {  	[sflag:s26] =	ssyncadd.s32 $0xFFFFF000  }
0x7e: {  	_ =	swait.ge [sflag:s26], $0x1000  }
0x7f: {  	[sflag:s26] =	ssyncset.done $0x0  }
0x80: {  	[sflag:s26] =	ssyncadd.s32 $0xFFFFF000  }
0x81: {  	_ =	swait.ge [sflag:s26], $0x1000  }
0x82: {  	[sflag:s26] =	ssyncset.done $0x0  }
0x83: {  	[sflag:s26] =	ssyncadd.s32 $0xFFFFF000  }
0x84: {  	_ =	swait.ge [sflag:s26], $0x1000  }
0x85: {  	[sflag:s26] =	ssyncset.done $0x0  }
0x86: {  	[sflag:s26] =	ssyncadd.s32 $0xFFFFF000  }
0x87: {  	_ =	swait.ge [sflag:s26], $0x1000  }
0x88: {  	[sflag:s26] =	ssyncset.done $0x0  }
0x89: {  	[sflag:s26] =	ssyncadd.s32 $0xFFFFF000  }
0x8a: {  	_ =	swait.ge [sflag:s26], $0x1000  }
0x8b: {  	[sflag:s26] =	ssyncset.done $0x0  }
0x8c: {  	[sflag:s26] =	ssyncadd.s32 $0xFFFFF000  }
0x8d: {  	_ =	swait.ge [sflag:s26], $0x1000  }
0x8e: {  	[sflag:s26] =	ssyncset.done $0x0  }
0x8f: {  	[sflag:s26] =	ssyncadd.s32 $0xFFFFF000  }
0x90: {  	_ =	swait.ge [sflag:s26], $0x1000  }
0x91: {  	[sflag:s26] =	ssyncset.done $0x0  }
0x92: {  	[sflag:s26] =	ssyncadd.s32 $0xFFFFF000  }
0x93: {  	_ =	swait.ge [sflag:s26], $0x1000  }
0x94: {  	[sflag:s26] =	ssyncset.done $0x0  }
0x95: {  	[sflag:s26] =	ssyncadd.s32 $0xFFFFF000  }
0x96: {  	_ =	swait.ge [sflag:s26], $0x1000  }
0x97: {  	[sflag:s26] =	ssyncset.done $0x0  }
0x98: {  	[sflag:s26] =	ssyncadd.s32 $0xFFFFF000  }
0x99: {  	_ =	swait.ge [sflag:s26], $0x1000  }
0x9a: {  	[sflag:s26] =	ssyncset.done $0x0  }
0x9b: {  	s12 =	sadd.s32 $0x800, s12;
	[sflag:s26] =	ssyncadd.s32 $0xFFFFF000  }
0x9c: {  	[tilespmem:s20], [sflag:$0x1] =	stream.linear.gather [hbm4b:s12+s5], $0x4000, $0x38;
	[tilespmem:$0x1B400] =	vst v63  }
0x9d: {  	s13 =	sadd.s32 $0x800, s13  }
0x9e: {  	[tilespmem:s21], [sflag:$0x1] =	stream.linear.gather [hbm4b:s13+s5], $0x4000, $0x38;
	[tilespmem:$0x1B400] =	vst v63  }
0x9f: {  	s14 =	sadd.s32 $0x800, s14  }
0xa0: {  	[tilespmem:s22], [sflag:$0x1] =	stream.linear.gather [hbm4b:s14+s5], $0x4000, $0x38;
	[tilespmem:$0x1B400] =	vst v63  }
0xa1: {  	_ =	swait.ge [sflag:s26], $0x4000  }
0xa2: {  	[sflag:s26] =	ssyncset.done $0x0  }
0xa3: {  	[sflag:s26] =	ssyncadd.s32 $0xFFFFC000  }
0xa4: {  	_ =	swait.ge [sflag:s26], $0x4000  }
0xa5: {  	[sflag:s26] =	ssyncset.done $0x0  }
0xa6: {  	[sflag:s26] =	ssyncadd.s32 $0xFFFFC000  }
0xa7: {  	_ =	swait.ge [sflag:s26], $0x4000  }
0xa8: {  	[sflag:s26] =	ssyncset.done $0x0  }
0xa9: {  	[sflag:s26] =	ssyncadd.s32 $0xFFFFC000  }
0xaa: {  	[spmem:s1] =	stream.indirect.scatter.add.f32 [tilespmem:s20], [sflag:$0x1], $0x20, s17, s28, $0xb8;
	[tilespmem:$0x1B400] =	vst v63  }
0xab: {  	_ = 	snop  }
0xac: {  	[spmem:s2] =	stream.indirect.scatter.add.f32 [tilespmem:s21], [sflag:$0x1], $0x20, s17, s28, $0xb8;
	[tilespmem:$0x1B400] =	vst v63  }
0xad: {  	_ = 	snop  }
0xae: {  	[spmem:s3] =	stream.indirect.scatter.add.f32 [tilespmem:s22], [sflag:$0x1], $0x20, s17, s28, $0xb8;
	[tilespmem:$0x1B400] =	vst v63  }
0xaf: {  	_ = 	snop  }
0xb0: {  	[spmem:s1] =	stream.indirect.scatter.add.f32 [tilespmem:s29], [sflag:$0x1], $0x20, s15, s28, $0xb8;
	[tilespmem:$0x1B400] =	vst v63  }
0xb1: {  	_ = 	snop  }
0xb2: {  	[spmem:s2] =	stream.indirect.scatter.add.f32 [tilespmem:s30], [sflag:$0x1], $0x20, s15, s28, $0xb8;
	[tilespmem:$0x1B400] =	vst v63  }
0xb3: {  	_ = 	snop  }
0xb4: {  	[spmem:s3] =	stream.indirect.scatter.add.f32 [tilespmem:s31], [sflag:$0x1], $0x20, s15, s28, $0xb8;
	[tilespmem:$0x1B400] =	vst v63  }
0xb5: {  	_ = 	snop  }
0xb6: {  	[spmem:s1] =	stream.indirect.scatter.add.f32 [tilespmem:s4], [sflag:$0x1], $0x20, s18, s28, $0xb8;
	[tilespmem:$0x1B400] =	vst v63  }
0xb7: {  	_ = 	snop  }
0xb8: {  	[spmem:s2] =	stream.indirect.scatter.add.f32 [tilespmem:s7], [sflag:$0x1], $0x20, s18, s28, $0xb8;
	[tilespmem:$0x1B400] =	vst v63  }
0xb9: {  	_ = 	snop  }
0xba: {  	[spmem:s3] =	stream.indirect.scatter.add.f32 [tilespmem:s8], [sflag:$0x1], $0x20, s18, s28, $0xb8;
	[tilespmem:$0x1B400] =	vst v63  }
0xbb: {  	_ = 	snop  }
0xbc: {  	[spmem:s1] =	stream.indirect.scatter.add.f32 [tilespmem:s10], [sflag:$0x1], $0x20, s23, s28, $0xb8;
	[tilespmem:$0x1B400] =	vst v63  }
0xbd: {  	_ = 	snop  }
0xbe: {  	[spmem:s2] =	stream.indirect.scatter.add.f32 [tilespmem:s11], [sflag:$0x1], $0x20, s23, s28, $0xb8;
	[tilespmem:$0x1B400] =	vst v63  }
0xbf: {  	_ = 	snop  }
0xc0: {  	[spmem:s3] =	stream.indirect.scatter.add.f32 [tilespmem:s16], [sflag:$0x1], $0x20, s23, s28, $0xb8;
	[tilespmem:$0x1B400] =	vst v63  }
0xc1: {  	_ =	swait.ge [sflag:s26], $0x1000  }
0xc2: {  	[sflag:s26] =	ssyncset.done $0x0  }
0xc3: {  	[sflag:s26] =	ssyncadd.s32 $0xFFFFF000  }
0xc4: {  	_ =	swait.ge [sflag:s26], $0x1000  }
0xc5: {  	[sflag:s26] =	ssyncset.done $0x0  }
0xc6: {  	[sflag:s26] =	ssyncadd.s32 $0xFFFFF000  }
0xc7: {  	_ =	swait.ge [sflag:s26], $0x1000  }
0xc8: {  	[sflag:s26] =	ssyncset.done $0x0  }
0xc9: {  	[sflag:s26] =	ssyncadd.s32 $0xFFFFF000  }
0xca: {  	_ =	swait.ge [sflag:s26], $0x1000  }
0xcb: {  	[sflag:s26] =	ssyncset.done $0x0  }
0xcc: {  	[sflag:s26] =	ssyncadd.s32 $0xFFFFF000  }
0xcd: {  	_ =	swait.ge [sflag:s26], $0x1000  }
0xce: {  	[sflag:s26] =	ssyncset.done $0x0  }
0xcf: {  	[sflag:s26] =	ssyncadd.s32 $0xFFFFF000  }
0xd0: {  	_ =	swait.ge [sflag:s26], $0x1000  }
0xd1: {  	[sflag:s26] =	ssyncset.done $0x0  }
0xd2: {  	[sflag:s26] =	ssyncadd.s32 $0xFFFFF000  }
0xd3: {  	_ =	swait.ge [sflag:s26], $0x1000  }
0xd4: {  	[sflag:s26] =	ssyncset.done $0x0  }
0xd5: {  	[sflag:s26] =	ssyncadd.s32 $0xFFFFF000  }
0xd6: {  	_ =	swait.ge [sflag:s26], $0x1000  }
0xd7: {  	[sflag:s26] =	ssyncset.done $0x0  }
0xd8: {  	[sflag:s26] =	ssyncadd.s32 $0xFFFFF000  }
0xd9: {  	_ =	swait.ge [sflag:s26], $0x1000  }
0xda: {  	[sflag:s26] =	ssyncset.done $0x0  }
0xdb: {  	[sflag:s26] =	ssyncadd.s32 $0xFFFFF000  }
0xdc: {  	_ =	swait.ge [sflag:s26], $0x1000  }
0xdd: {  	[sflag:s26] =	ssyncset.done $0x0  }
0xde: {  	[sflag:s26] =	ssyncadd.s32 $0xFFFFF000  }
0xdf: {  	_ =	swait.ge [sflag:s26], $0x1000  }
.Ltmp5:
0xe0: {  	[sflag:s26] =	ssyncset.done $0x0;
	(pc) =	sbr.rel .LBB2_4-.Ltmp5, $4  }
0xe1: {  	[sflag:s26] =	ssyncadd.s32 $0xFFFFF000  }
0xe2: {  	_ =	swait.ge [sflag:s26], $0x1000  }
0xe3: {  	[sflag:s26] =	ssyncset.done $0x0  }
0xe4: {  	[sflag:s26] =	ssyncadd.s32 $0xFFFFF000  }
.LBB2_6:
0xe5: {  	_ =	sfence.sel $0x180000  }
0xe6: {  	[bflag:$0x0] =	sbarrier.arrive $0xFFFF  }
0xe7: {  	_ =	strace $0x9000004A  }
0xe8: {  	[bflag:$0x2] =	sbarrier.arrive $0xFFFF  }
0xe9: {  	s0 =	rddreg [dreg:$0x4]  }
0xea: {  	s0 =	sadd.s32 @!p0 $0x100000, s0  }
0xeb: {  	[sflag:s0] =	ssyncadd.tile.s32 @!p0 $0x1;
	_ =	shalt  }
.Lfunc_end2:
_tile_overlayer_lowered:
.L_overlay_start_2:
0xec: {  	(tag) =	ssettag $0x2  }
0xed: {  	s0 =	rddreg [dreg:$0x0];
	s2 =	stileid.u32  }
0xee: {  	s1 =	rddreg [dreg:$0x1];
	p0 =	sne.s32 s2, $0x0  }
0xef: {  	s3 =	rddreg [dreg:$0x2];
	[bflag:$0x3] =	sbarrier.arrive $0xFFFF;
	s2 =	simm.s32 @!p0 $0x1C02  }
0xf0: {  	[timem:s3], [sflag:s2] =	dma.local @!p0 [hbm:s0], s1  }
0xf1: {  	s0 =	simm.s32 @!p0 $0x2  }
0xf2: {  	_ =	swait.ge @!p0 [sflag:s0], s1  }
0xf3: {  	s1 =	ssub.s32 @!p0 $0x0, s1;
	[sflag:s0] =	ssyncset.done @!p0 $0x0  }
0xf4: {  	[sflag:s0] =	ssyncadd.s32 @!p0 s1  }
0xf5: {  	[bflag:$0x3] =	sbarrier.arrive $0xFFFF  }
0xf6: {  	_ =	shalt  }

// kernel: kernel.17.cloned.1.call-start
scs
__scs_entry_jumppad:
0x0: {  	(pc) =	sbr.rel $0x88, $3  }
0x1: {  	(tag) =	ssettag $0x0;
	lr =	simm.s32 $0x1  }
0x2: {  	[smem:$0x3F8C] =	sst lr;
	_ =	strace $0xD0000000  }
0x3: {  	_ = 	snop  }
0x4: {  	_ = 	snop  }
0x5: {  	_ = 	snop  }
0x6: {  	_ = 	snop  }
0x7: {  	_ = 	snop  }
__scs_overlays_trampoline_lowered:
0x8: {  	[smem:$0x3F9B] =	sst s0  }
0x9: {  	[smem:$0x3F9C] =	sst s1  }
0xa: {  	[smem:$0x3F9D] =	sst s2  }
0xb: {  	[smem:$0x3F9E] =	sst s3  }
0xc: {  	[smem:$0x3F9F] =	sst s4  }
0xd: {  	[smem:$0x3FA0] =	sst s5  }
0xe: {  	[smem:$0x3FA1] =	sst s6  }
0xf: {  	[smem:$0x3FA2] =	sst s7  }
0x10: {  	[smem:$0x3FA3] =	sst s8  }
0x11: {  	[smem:$0x3FA4] =	sst s9;
	s0 =	simm.s32 @!p0 $0x0  }
0x12: {  	s1 =	sld [smem:$0x3F8A];
	s0 =	simm.s32 @p0 $0x1  }
0x13: {  	[smem:$0x3FA5] =	sst s0;
	s0 =	simm.s32 @!p1 $0x0  }
0x14: {  	s2 =	sld [smem:$0x3F89];
	s0 =	simm.s32 @p1 $0x1  }
0x15: {  	[smem:$0x3FA6] =	sst s0;
	s0 =	simm.s32 @!p2 $0x0  }
0x16: {  	s3 =	sld [smem:$0x3FDB];
	s0 =	simm.s32 @p2 $0x1  }
0x17: {  	s4 =	simm.s32 $0x1BF5;
	[smem:$0x3FA8] =	sst s0  }
0x18: {  	s0 =	sld [smem:$0x3F8B];
	_ =	swait.ge [sflag:s4], $0x0  }
0x19: {  	s7 =	sld [smem:$0x3F8C]  }
0x1a: {  	s8 =	sadd.s32 $0xFFFFE003, lr  }
0x1b: {  	s9 =	sadd.s32 $0xFFFFFEF7, lr;
	s5 =	simm.s32 $0xFFFFFFFF;
	p2 =	slt.u32 s8, $0xFFFFF086  }
0x1c: {  	p1 =	slt.u32 s9, $0xF7A;
	s5 =	simm.s32 @!p2 $0x0  }
0x1d: {  	s5 =	simm.s32 @p1 $0x1;
	p0 =	seq.s32 s7, s2  }
0x1e: {  	s7 =	smul.u32 @!p0 $0xF7A, s2;
	p2 =	seq.s32 @!p0 s5, $0x0  }
0x1f: {  	s9 =	smul.u32 $0xF7A, s1;
	s8 =	simm.s32 @!p0 $0x1BF5;
	p2 =	por !p2, p0  }
0x20: {  	[sflag:s8] =	ssyncset.s32 @!p0 $0xFFFFF086;
	s6 =	sadd.s32 @!p0 s3, s7;
	s7 =	simm.s32 @!p0 $0x108  }
0x21: {  	s3 =	sadd.s32 s3, s9;
	s6 =	sadd.s32 @!p0 $0x88, s6;
	s7 =	simm.s32 @p2 $0x1082  }
0x22: {  	[simem:s7], [sflag:s8] =	dma.local @!p0 [hbm:s6], $0xF7A  }
0x23: {  	s9 =	sor.u32 $0xD0000000, s2;
	s6 =	simm.s32 $0x108;
	_ =	swait.ge @!p0 [sflag:s8], $0x0  }
0x24: {  	s3 =	sadd.s32 $0x88, s3;
	s6 =	simm.s32 @!p1 $0x1082;
	[sflag:s4] =	ssyncset.s32 $0xFFFFF086  }
0x25: {  	[simem:s6], [sflag:s4] =	dma.local [hbm:s3], $0xF7A  }
0x26: {  	[smem:$0x3F8C] =	sst s1;
	(tag) =	ssettag s2;
	_ =	strace s9  }
0x27: {  	s1 =	sld [smem:$0x3F9C]  }
0x28: {  	s2 =	sld [smem:$0x3F9D]  }
0x29: {  	s4 =	sld [smem:$0x3F9F]  }
0x2a: {  	p0 =	seq.s32 s5, $0x0;
	s5 =	sld [smem:$0x3FA0]  }
0x2b: {  	s6 =	sld [smem:$0x3FA1]  }
0x2c: {  	s7 =	sld [smem:$0x3FA2]  }
0x2d: {  	s3 =	simm.s32 $0x108;
	s8 =	sld [smem:$0x3FA3]  }
0x2e: {  	s3 =	simm.s32 @!p0 $0x1082;
	s9 =	sld [smem:$0x3FA4]  }
0x2f: {  	lr =	sadd.s32 s0, s3;
	s0 =	sld [smem:$0x3F9B]  }
0x30: {  	s3 =	sld [smem:$0x3F9E]  }
0x31: {  	[smem:$0x3FA7] =	sst s10  }
0x32: {  	s10 =	sld [smem:$0x3FA5];
	_ =	sdelay $0x3  }
0x33: {  	p0 =	seq.s32 s10, $0x1;
	s10 =	sld [smem:$0x3FA7];
	_ =	sdelay $0x3  }
0x34: {  	[smem:$0x3FA7] =	sst s10  }
0x35: {  	s10 =	sld [smem:$0x3FA6];
	_ =	sdelay $0x3  }
0x36: {  	p1 =	seq.s32 s10, $0x1;
	s10 =	sld [smem:$0x3FA7];
	_ =	sdelay $0x3  }
0x37: {  	[smem:$0x3FA7] =	sst s10  }
0x38: {  	s10 =	sld [smem:$0x3FA8]  }
0x39: {  	_ = 	snop;
	(pc) =	sbr.ind lr, $3  }
0x3a: {  	_ = 	snop  }
0x3b: {  	_ = 	snop  }
0x3c: {  	p2 =	seq.s32 s10, $0x1;
	s10 =	sld [smem:$0x3FA7]  }
0x3d: {  	_ =	shalt  }
0x3e: {  	_ =	shalt  }
0x3f: {  	_ =	shalt  }
0x40: {  	_ =	shalt  }
0x41: {  	_ =	shalt  }
0x42: {  	_ =	shalt  }
0x43: {  	_ =	shalt  }
0x44: {  	_ =	shalt  }
0x45: {  	_ =	shalt  }
0x46: {  	_ =	shalt  }
0x47: {  	_ =	shalt  }
0x48: {  	_ =	shalt  }
0x49: {  	_ =	shalt  }
0x4a: {  	_ =	shalt  }
0x4b: {  	_ =	shalt  }
0x4c: {  	_ =	shalt  }
0x4d: {  	_ =	shalt  }
0x4e: {  	_ =	shalt  }
0x4f: {  	_ =	shalt  }
0x50: {  	_ =	shalt  }
0x51: {  	_ =	shalt  }
0x52: {  	_ =	shalt  }
0x53: {  	_ =	shalt  }
0x54: {  	_ =	shalt  }
0x55: {  	_ =	shalt  }
0x56: {  	_ =	shalt  }
0x57: {  	_ =	shalt  }
0x58: {  	_ =	shalt  }
0x59: {  	_ =	shalt  }
0x5a: {  	_ =	shalt  }
0x5b: {  	_ =	shalt  }
0x5c: {  	_ =	shalt  }
0x5d: {  	_ =	shalt  }
0x5e: {  	_ =	shalt  }
0x5f: {  	_ =	shalt  }
0x60: {  	_ =	shalt  }
0x61: {  	_ =	shalt  }
0x62: {  	_ =	shalt  }
0x63: {  	_ =	shalt  }
0x64: {  	_ =	shalt  }
0x65: {  	_ =	shalt  }
0x66: {  	_ =	shalt  }
0x67: {  	_ =	shalt  }
0x68: {  	_ =	shalt  }
0x69: {  	_ =	shalt  }
0x6a: {  	_ =	shalt  }
0x6b: {  	_ =	shalt  }
0x6c: {  	_ =	shalt  }
0x6d: {  	_ =	shalt  }
0x6e: {  	_ =	shalt  }
0x6f: {  	_ =	shalt  }
0x70: {  	_ =	shalt  }
0x71: {  	_ =	shalt  }
0x72: {  	_ =	shalt  }
0x73: {  	_ =	shalt  }
0x74: {  	_ =	shalt  }
0x75: {  	_ =	shalt  }
0x76: {  	_ =	shalt  }
0x77: {  	_ =	shalt  }
0x78: {  	_ =	shalt  }
0x79: {  	_ =	shalt  }
0x7a: {  	_ =	shalt  }
0x7b: {  	_ =	shalt  }
0x7c: {  	_ =	shalt  }
0x7d: {  	_ =	shalt  }
0x7e: {  	_ =	shalt  }
0x7f: {  	_ =	shalt  }
0x80: {  	_ =	shalt  }
0x81: {  	_ =	shalt  }
0x82: {  	_ =	shalt  }
0x83: {  	_ =	shalt  }
0x84: {  	_ =	shalt  }
0x85: {  	_ =	shalt  }
0x86: {  	_ =	shalt  }
0x87: {  	_ =	shalt  }
.Lfunc_end0:
.L_simem_size_0:
called_computation.2_lowered:
.L_overlay_start_0:
0x88: {  	s2 =	sld [smem:$0x3FD9]  }
0x89: {  	s3 =	sld [smem:$0x3FFE];
	_ =	sdelay $0x1  }
0x8a: {  	s1 =	srdreg.scid  }
0x8b: {  	s0 =	sand.u32 $0x1, s1  }
0x8c: {  	s16 =	sshll.u32 s0, $0xA;
	s2 =	sadd.s32 s3, s2  }
0x8d: {  	s2 =	sadd.s32 s2, s16  }
0x8e: {  	[smem:$0x3FB3] =	sst s2  }
0x8f: {  	_ = 	snop  }
0x90: {  	(tm) =	ssettm $0x1  }
0x91: {  	s17 =	sld [smem:$0x3FFB];
	_ =	sdelay $0x3  }
0x92: {  	_ =	strace s17  }
0x93: {  	s2 =	sld [smem:$0x3FFC];
	_ =	sdelay $0x3  }
0x94: {  	_ =	strace s2  }
0x95: {  	s2 =	sld [smem:$0x3FFD];
	_ =	sdelay $0x3  }
0x96: {  	_ =	strace s2  }
0x97: {  	_ =	strace $0x8FFFFFFF  }
0x98: {  	s18 =	sld [smem:$0x3FDB];
	_ =	sdelay $0x1  }
0x99: {  	s19 =	simm.s32 $_scs_section_size  }
0x9a: {  	s4 =	simm.s32 $_size__tile_overlayer_lowered;
	s5 =	simm.s32 $_tile_overlayer_lowered  }
0x9b: {  	s22 =	simm.s32 $0x1BFF;
	s21 =	sshll.u32 s5, $0x1;
	s2 =	sadd.s32 s19, s18  }
0x9c: {  	s6 =	simm.s32 $0x0;
	s20 =	sshll.u32 s4, $0x1;
	s4 =	sadd.s32 s21, s2  }
0x9d: {  	[timem:s6], [sflag:s22] =	dma.local [hbm:s4], s20  }
0x9e: {  	_ =	swait.ge [sflag:s22], s20  }
0x9f: {  	s3 =	ssub.s32 $0x0, s20;
	[sflag:s22] =	ssyncset.done $0x0  }
0xa0: {  	[sflag:s22] =	ssyncadd.s32 s3;
	_ =	sdelay $0x1  }
0xa1: {  	s23 =	simm.s32 $0x1B8B  }
0xa2: {  	_ =	swait.ge [sflag:s23], $0x1  }
0xa3: {  	[sflag:s23] =	ssyncset.done $0x0  }
0xa4: {  	s25 =	simm.s32 $0x1B8E;
	s24 =	sld [smem:$0x3FFE];
	[sflag:s23] =	ssyncadd.s32 $0xFFFFFFFF  }
0xa5: {  	s26 =	simm.s32 $execute0_lowered;
	[smem:$0x3FD2] =	sst s25  }
0xa6: {  	s4 =	sshll.u32 s26, $0x1;
	_ =	strace $0x8000004C;
	[dreg:$0x1] =	wrdreg $0xFFFFFFFF  }
0xa7: {  	s28 =	simm.s32 $_size_execute0_lowered;
	s2 =	sadd.s32 s2, s4;
	[dreg:$0x0] =	wrdreg $0x0  }
0xa8: {  	s4 =	sshll.u32 s28, $0x1;
	[dreg:$0x2] =	wrdreg s2  }
0xa9: {  	[dreg:$0x3] =	wrdreg s4  }
0xaa: {  	[dreg:$0x4] =	wrdreg $0xC0  }
0xab: {  	_ =	task [dreg:s6], $0x5FFFF  }
0xac: {  	[dreg:$0x1] =	wrdreg $0xFFFFFFFF  }
0xad: {  	[dreg:$0x0] =	wrdreg $0x60  }
0xae: {  	[dreg:$0x2] =	wrdreg s24  }
0xaf: {  	[dreg:$0x3] =	wrdreg $0x9  }
0xb0: {  	_ =	task.clear_ibuf [dreg:s6], $0x4FFFF;
	_ =	strace $0x9000004C  }
0xb1: {  	s29 =	simm.s32 $0x9;
	_ =	strace $0x8000004E  }
0xb2: {  	_ =	swait.ge [sflag:s29], $0x1  }
0xb3: {  	[sflag:s29] =	ssyncadd.s32 $0xFFFFFFFF  }
0xb4: {  	_ =	strace $0x9000004E  }
0xb5: {  	_ =	sfence  }
0xb6: {  	s30 =	sld [smem:$0x0];
	_ =	sdelay $0x2  }
0xb7: {  	s31 =	sshll.u32 s1, $0xD;
	s1 =	sshrl.u32 s1, $0x2  }
0xb8: {  	s3 =	sand.u32 $0x4000, s31;
	s1 =	sadd.s32 s1, s30  }
0xb9: {  	s0 =	sor.u32 s3, s0;
	s1 =	sshll.u32 s1, $0x11  }
0xba: {  	s0 =	sor.u32 s1, s0  }
0xbb: {  	s0 =	sadd.s32 $0x8F2B, s0  }
0xbc: {  	[sflag:s0] =	ssyncadd.remote.s32 $0x1  }
0xbd: {  	_ =	sfence.sel $0xFFFF  }
0xbe: {  	[dreg:$0x0] =	wrdreg $0xFFFFFFFF;
	(pc) =	sbr.abs _section_cstart, $3  }
0xbf: {  	[dreg:$0x1] =	wrdreg $0xFFFFFFFF  }
0xc0: {  	_ =	task.clear_ibuf [dreg:s6], $0x2FFFF;
	_ =	strace $0x9FFFFFFF  }
0xc1: {  	(tm) =	ssettm $0x7FFFFFFF  }
tec
execute0_lowered:
.L_overlay_start_1:
0x0: {  	(tag) =	ssettag $0x1  }
0x1: {  	s0 =	rddreg [dreg:$0x0];
	s2 =	simm.s32 $0x0  }
0x2: {  	s8 =	stileid.u32;
	s3 =	srdreg.scid;
	s11 =	simm.s32 $0x400  }
0x3: {  	s12 =	simm.s32 $0x1;
	s13 =	simm.s32 $0x80;
	s14 =	simm.s32 $0x800  }
0x4: {  	s15 =	simm.s32 $0x8800;
	s29 =	simm.s32 $0x4800;
	s30 =	simm.s32 $0x600  }
0x5: {  	s31 =	simm.s32 $0xC800;
	s10 =	simm.s32 $0x6800;
	s16 =	simm.s32 $0x700  }
0x6: {  	s17 =	simm.s32 $0xE800;
	s18 =	simm.s32 $0x380;
	s19 =	simm.s32 $0x7800  }
0x7: {  	s20 =	simm.s32 $0x780;
	s21 =	simm.s32 $0xF800;
	s23 =	simm.s32 $0x0  }
0x8: {  	[smem:$0x7FF] =	sst s2;
	s1 =	sshll.u32 s8, $0x8;
	s5 =	sand.u32 $0x1, s3  }
0x9: {  	s3 =	sadd.s32 $0x88000, s0;
	s6 =	sshll.u32 s8, $0xD;
	s4 =	sadd.s32 $0x91E00, s0  }
0xa: {  	s8 =	sshll.u32 s8, $0x1;
	_ =	strace $0x8000004D;
	s1 =	sadd.s32 s1, s0  }
0xb: {  	s7 =	ssub.s32 $0x2, s5;
	s0 =	sadd.s32 s6, s0;
	s25 =	sshll.u32 s5, $0x7  }
0xc: {  	s9 =	sshll.u32 s5, $0xC;
	s28 =	sor.u32 s5, s8;
	s5 =	simm.s32 $0x680  }
0xd: {  	s8 =	simm.s32 $0xD800;
	s24 =	sshrl.u32 s7, $0x1;
	s1 =	sadd.s32 s25, s1  }
.Ltmp0:
0xe: {  	s0 =	sadd.s32 s9, s0;
	[dreg:$0x5] =	wrdreg s28;
	(pc) =	sbr.rel .LBB2_1-.Ltmp0, $4  }
0xf: {  	s9 =	simm.s32 $0x300;
	s6 =	ssub.s32 s7, s24;
	s26 =	sadd.s32 $0x574000, s0  }
0x10: {  	s7 =	sadd.s32 $0x1C200, s1;
	s0 =	sadd.s32 $0x9BC00, s0;
	[dreg:$0x3] =	wrdreg s26  }
0x11: {  	s6 =	smax.u32 s6, $0x1;
	[dreg:$0x4] =	wrdreg s0;
	s0 =	simm.s32 $0x280  }
0x12: {  	[dreg:$0x2] =	wrdreg s6;
	s6 =	sadd.s32 $0x8800, s1;
	s1 =	simm.s32 $0x5800  }
.LBB2_5:
0x13: {  	s23 =	rddreg [dreg:$0x6]  }
0x14: {  	s22 =	rddreg [dreg:$0x2];
	s23 =	sadd.s32 $0x1, s23  }
0x15: {  	p0 =	sne.s32 s23, s22  }
.Ltmp1:
0x16: {  	_ = 	snop;
	(pc) =	sbr.rel @!p0 .LBB2_6-.Ltmp1, $1  }
0x17: {  	_ =	sdelay $0x3  }
.LBB2_1:
.Ltmp2:
0x18: {  	(pc) =	sbr.rel .LBB2_2-.Ltmp2, $4  }
0x19: {  	[dreg:$0x6] =	wrdreg s23  }
0x1a: {  	s23 =	rddreg [dreg:$0x5]  }
0x1b: {  	s24 =	rddreg [dreg:$0x4]  }
0x1c: {  	s22 =	rddreg [dreg:$0x3];
	s25 =	simm.s32 $0x0  }
.LBB2_4:
0x1d: {  	s25 =	sadd.s32 $0x1000, s25  }
0x1e: {  	p0 =	sne.s32 s25, $0x14000  }
.Ltmp3:
0x1f: {  	_ = 	snop;
	(pc) =	sbr.rel @!p0 .LBB2_5-.Ltmp3, $2  }
0x20: {  	_ =	sdelay $0x2  }
0x21: {  	s22 =	sadd.s32 $0x20000, s22;
	s24 =	sadd.s32 $0x20000, s24;
	s23 =	sadd.s32 $0x20, s23  }
.LBB2_2:
0x22: {  	p0 =	sgt.u32 s23, $0x270  }
.Ltmp4:
0x23: {  	_ = 	snop;
	(pc) =	sbr.rel @p0 .LBB2_4-.Ltmp4, $1  }
0x24: {  	_ =	sdelay $0x3  }
0x25: {  	s26 =	sadd.s32 s25, s7  }
0x26: {  	[tilespmem:s2], [sflag:$0x1] =	stream.linear.gather [hbm4b:s26+s2], $0x400, $0x38;
	[tilespmem:$0x10800] =	vst v63  }
0x27: {  	s28 =	sadd.s32 s25, s6  }
0x28: {  	[tilespmem:s11], [sflag:$0x1] =	stream.linear.gather [hbm4b:s28+s2], $0x400, $0x38;
	[tilespmem:$0x10800] =	vst v63  }
0x29: {  	_ =	swait.ge [sflag:s12], $0x400  }
0x2a: {  	[sflag:s12] =	ssyncset.done $0x0  }
0x2b: {  	[sflag:s12] =	ssyncadd.s32 $0xFFFFFC00  }
0x2c: {  	_ =	swait.ge [sflag:s12], $0x400  }
0x2d: {  	[sflag:s12] =	ssyncset.done $0x0  }
0x2e: {  	[sflag:s12] =	ssyncadd.s32 $0xFFFFFC00  }
0x2f: {  	[tilespmem:s14], [sflag:$0x1] =	stream.indirect.gather [hbm4b:s3+s13], $0x20, s2, s13, $0xb8;
	[tilespmem:$0x10800] =	vst v63  }
0x30: {  	_ = 	snop  }
0x31: {  	[tilespmem:s15], [sflag:$0x1] =	stream.indirect.gather [hbm4b:s4+s13], $0x20, s11, s13, $0xb8;
	[tilespmem:$0x10800] =	vst v63  }
0x32: {  	s28 =	simm.s32 $0x1800  }
0x33: {  	[tilespmem:s28], [sflag:$0x1] =	stream.indirect.gather [hbm4b:s3+s13], $0x20, s13, s13, $0xb8;
	[tilespmem:$0x10800] =	vst v63  }
0x34: {  	s26 =	simm.s32 $0x480;
	s28 =	simm.s32 $0x9800  }
0x35: {  	[tilespmem:s28], [sflag:$0x1] =	stream.indirect.gather [hbm4b:s4+s13], $0x20, s26, s13, $0xb8;
	[tilespmem:$0x10800] =	vst v63  }
0x36: {  	s26 =	simm.s32 $0x100;
	s28 =	simm.s32 $0x2800  }
0x37: {  	[tilespmem:s28], [sflag:$0x1] =	stream.indirect.gather [hbm4b:s3+s13], $0x20, s26, s13, $0xb8;
	[tilespmem:$0x10800] =	vst v63  }
0x38: {  	s26 =	simm.s32 $0x500;
	s28 =	simm.s32 $0xA800  }
0x39: {  	[tilespmem:s28], [sflag:$0x1] =	stream.indirect.gather [hbm4b:s4+s13], $0x20, s26, s13, $0xb8;
	[tilespmem:$0x10800] =	vst v63  }
0x3a: {  	s26 =	simm.s32 $0x180;
	s28 =	simm.s32 $0x3800  }
0x3b: {  	[tilespmem:s28], [sflag:$0x1] =	stream.indirect.gather [hbm4b:s3+s13], $0x20, s26, s13, $0xb8;
	[tilespmem:$0x10800] =	vst v63  }
0x3c: {  	s26 =	simm.s32 $0x580;
	s28 =	simm.s32 $0xB800  }
0x3d: {  	[tilespmem:s28], [sflag:$0x1] =	stream.indirect.gather [hbm4b:s4+s13], $0x20, s26, s13, $0xb8;
	[tilespmem:$0x10800] =	vst v63  }
0x3e: {  	s28 =	simm.s32 $0x200  }
0x3f: {  	[tilespmem:s29], [sflag:$0x1] =	stream.indirect.gather [hbm4b:s3+s13], $0x20, s28, s13, $0xb8;
	[tilespmem:$0x10800] =	vst v63  }
0x40: {  	_ = 	snop  }
0x41: {  	[tilespmem:s31], [sflag:$0x1] =	stream.indirect.gather [hbm4b:s4+s13], $0x20, s30, s13, $0xb8;
	[tilespmem:$0x10800] =	vst v63  }
0x42: {  	_ = 	snop  }
0x43: {  	[tilespmem:s1], [sflag:$0x1] =	stream.indirect.gather [hbm4b:s3+s13], $0x20, s0, s13, $0xb8;
	[tilespmem:$0x10800] =	vst v63  }
0x44: {  	_ = 	snop  }
0x45: {  	[tilespmem:s8], [sflag:$0x1] =	stream.indirect.gather [hbm4b:s4+s13], $0x20, s5, s13, $0xb8;
	[tilespmem:$0x10800] =	vst v63  }
0x46: {  	_ = 	snop  }
0x47: {  	[tilespmem:s10], [sflag:$0x1] =	stream.indirect.gather [hbm4b:s3+s13], $0x20, s9, s13, $0xb8;
	[tilespmem:$0x10800] =	vst v63  }
0x48: {  	_ = 	snop  }
0x49: {  	[tilespmem:s17], [sflag:$0x1] =	stream.indirect.gather [hbm4b:s4+s13], $0x20, s16, s13, $0xb8;
	[tilespmem:$0x10800] =	vst v63  }
0x4a: {  	_ = 	snop  }
0x4b: {  	[tilespmem:s19], [sflag:$0x1] =	stream.indirect.gather [hbm4b:s3+s13], $0x20, s18, s13, $0xb8;
	[tilespmem:$0x10800] =	vst v63  }
0x4c: {  	_ = 	snop  }
0x4d: {  	[tilespmem:s21], [sflag:$0x1] =	stream.indirect.gather [hbm4b:s4+s13], $0x20, s20, s13, $0xb8;
	[tilespmem:$0x10800] =	vst v63  }
0x4e: {  	_ =	swait.ge [sflag:s12], $0x1000  }
0x4f: {  	[sflag:s12] =	ssyncset.done $0x0  }
0x50: {  	[sflag:s12] =	ssyncadd.s32 $0xFFFFF000  }
0x51: {  	_ =	swait.ge [sflag:s12], $0x1000  }
0x52: {  	[sflag:s12] =	ssyncset.done $0x0  }
0x53: {  	[sflag:s12] =	ssyncadd.s32 $0xFFFFF000  }
0x54: {  	_ =	swait.ge [sflag:s12], $0x1000  }
0x55: {  	[sflag:s12] =	ssyncset.done $0x0  }
0x56: {  	[sflag:s12] =	ssyncadd.s32 $0xFFFFF000  }
0x57: {  	_ =	swait.ge [sflag:s12], $0x1000  }
0x58: {  	[sflag:s12] =	ssyncset.done $0x0  }
0x59: {  	[sflag:s12] =	ssyncadd.s32 $0xFFFFF000  }
0x5a: {  	_ =	swait.ge [sflag:s12], $0x1000  }
0x5b: {  	[sflag:s12] =	ssyncset.done $0x0  }
0x5c: {  	[sflag:s12] =	ssyncadd.s32 $0xFFFFF000  }
0x5d: {  	_ =	swait.ge [sflag:s12], $0x1000  }
0x5e: {  	[sflag:s12] =	ssyncset.done $0x0  }
0x5f: {  	[sflag:s12] =	ssyncadd.s32 $0xFFFFF000  }
0x60: {  	_ =	swait.ge [sflag:s12], $0x1000  }
0x61: {  	[sflag:s12] =	ssyncset.done $0x0  }
0x62: {  	[sflag:s12] =	ssyncadd.s32 $0xFFFFF000  }
0x63: {  	_ =	swait.ge [sflag:s12], $0x1000  }
0x64: {  	[sflag:s12] =	ssyncset.done $0x0  }
0x65: {  	[sflag:s12] =	ssyncadd.s32 $0xFFFFF000  }
0x66: {  	_ =	swait.ge [sflag:s12], $0x1000  }
0x67: {  	[sflag:s12] =	ssyncset.done $0x0  }
0x68: {  	[sflag:s12] =	ssyncadd.s32 $0xFFFFF000  }
0x69: {  	_ =	swait.ge [sflag:s12], $0x1000  }
0x6a: {  	[sflag:s12] =	ssyncset.done $0x0  }
0x6b: {  	[sflag:s12] =	ssyncadd.s32 $0xFFFFF000  }
0x6c: {  	_ =	swait.ge [sflag:s12], $0x1000  }
0x6d: {  	[sflag:s12] =	ssyncset.done $0x0  }
0x6e: {  	[sflag:s12] =	ssyncadd.s32 $0xFFFFF000  }
0x6f: {  	_ =	swait.ge [sflag:s12], $0x1000  }
0x70: {  	[sflag:s12] =	ssyncset.done $0x0  }
0x71: {  	[sflag:s12] =	ssyncadd.s32 $0xFFFFF000  }
0x72: {  	_ =	swait.ge [sflag:s12], $0x1000  }
0x73: {  	[sflag:s12] =	ssyncset.done $0x0  }
0x74: {  	[sflag:s12] =	ssyncadd.s32 $0xFFFFF000  }
0x75: {  	_ =	swait.ge [sflag:s12], $0x1000  }
0x76: {  	[sflag:s12] =	ssyncset.done $0x0  }
0x77: {  	[sflag:s12] =	ssyncadd.s32 $0xFFFFF000  }
0x78: {  	_ =	swait.ge [sflag:s12], $0x1000  }
0x79: {  	[sflag:s12] =	ssyncset.done $0x0  }
0x7a: {  	[sflag:s12] =	ssyncadd.s32 $0xFFFFF000  }
0x7b: {  	_ =	swait.ge [sflag:s12], $0x1000  }
0x7c: {  	[sflag:s12] =	ssyncset.done $0x0  }
0x7d: {  	[sflag:s12] =	ssyncadd.s32 $0xFFFFF000  }
0x7e: {  	[hbm4b:s24+s2] =	stream.linear.scatter [tilespmem:s14], [sflag:$0x1], $0x8000, $0x38;
	[tilespmem:$0x10800] =	vst v63  }
0x7f: {  	_ = 	snop  }
0x80: {  	[hbm4b:s22+s2] =	stream.linear.scatter [tilespmem:s15], [sflag:$0x1], $0x8000, $0x38;
	[tilespmem:$0x10800] =	vst v63  }
0x81: {  	_ =	swait.ge [sflag:s12], $0x8000  }
.Ltmp5:
0x82: {  	[sflag:s12] =	ssyncset.done $0x0;
	(pc) =	sbr.rel .LBB2_4-.Ltmp5, $4  }
0x83: {  	[sflag:s12] =	ssyncadd.s32 $0xFFFF8000  }
0x84: {  	_ =	swait.ge [sflag:s12], $0x8000  }
0x85: {  	[sflag:s12] =	ssyncset.done $0x0  }
0x86: {  	[sflag:s12] =	ssyncadd.s32 $0xFFFF8000  }
.LBB2_6:
0x87: {  	_ =	sfence.sel $0x180000  }
0x88: {  	[bflag:$0x0] =	sbarrier.arrive $0xFFFF  }
0x89: {  	_ =	strace $0x9000004D  }
0x8a: {  	s0 =	stileid.u32;
	[bflag:$0x2] =	sbarrier.arrive $0xFFFF  }
0x8b: {  	p0 =	sne.s32 s0, $0x0;
	s0 =	rddreg [dreg:$0x1]  }
0x8c: {  	s0 =	sadd.s32 @!p0 $0x100000, s0  }
0x8d: {  	[sflag:s0] =	ssyncadd.tile.s32 @!p0 $0x1;
	_ =	shalt  }
.Lfunc_end2:
_tile_overlayer_lowered:
.L_overlay_start_2:
0x8e: {  	(tag) =	ssettag $0x2  }
0x8f: {  	s0 =	rddreg [dreg:$0x0];
	s2 =	stileid.u32  }
0x90: {  	s1 =	rddreg [dreg:$0x1];
	p0 =	sne.s32 s2, $0x0  }
0x91: {  	s3 =	rddreg [dreg:$0x2];
	[bflag:$0x3] =	sbarrier.arrive $0xFFFF;
	s2 =	simm.s32 @!p0 $0x1C02  }
0x92: {  	[timem:s3], [sflag:s2] =	dma.local @!p0 [hbm:s0], s1  }
0x93: {  	s0 =	simm.s32 @!p0 $0x2  }
0x94: {  	_ =	swait.ge @!p0 [sflag:s0], s1  }
0x95: {  	s1 =	ssub.s32 @!p0 $0x0, s1;
	[sflag:s0] =	ssyncset.done @!p0 $0x0  }
0x96: {  	[sflag:s0] =	ssyncadd.s32 @!p0 s1  }
0x97: {  	[bflag:$0x3] =	sbarrier.arrive $0xFFFF  }
0x98: {  	_ =	shalt  }

// kernel: kernel.20.cloned.1.call-start
scs
__scs_entry_jumppad:
0x0: {  	(pc) =	sbr.rel $0x88, $3  }
0x1: {  	(tag) =	ssettag $0x0;
	lr =	simm.s32 $0x1  }
0x2: {  	[smem:$0x3F8C] =	sst lr;
	_ =	strace $0xD0000000  }
0x3: {  	_ = 	snop  }
0x4: {  	_ = 	snop  }
0x5: {  	_ = 	snop  }
0x6: {  	_ = 	snop  }
0x7: {  	_ = 	snop  }
__scs_overlays_trampoline_lowered:
0x8: {  	[smem:$0x3F9B] =	sst s0  }
0x9: {  	[smem:$0x3F9C] =	sst s1  }
0xa: {  	[smem:$0x3F9D] =	sst s2  }
0xb: {  	[smem:$0x3F9E] =	sst s3  }
0xc: {  	[smem:$0x3F9F] =	sst s4  }
0xd: {  	[smem:$0x3FA0] =	sst s5  }
0xe: {  	[smem:$0x3FA1] =	sst s6  }
0xf: {  	[smem:$0x3FA2] =	sst s7  }
0x10: {  	[smem:$0x3FA3] =	sst s8  }
0x11: {  	[smem:$0x3FA4] =	sst s9;
	s0 =	simm.s32 @!p0 $0x0  }
0x12: {  	s1 =	sld [smem:$0x3F8A];
	s0 =	simm.s32 @p0 $0x1  }
0x13: {  	[smem:$0x3FA5] =	sst s0;
	s0 =	simm.s32 @!p1 $0x0  }
0x14: {  	s2 =	sld [smem:$0x3F89];
	s0 =	simm.s32 @p1 $0x1  }
0x15: {  	[smem:$0x3FA6] =	sst s0;
	s0 =	simm.s32 @!p2 $0x0  }
0x16: {  	s3 =	sld [smem:$0x3FDB];
	s0 =	simm.s32 @p2 $0x1  }
0x17: {  	s4 =	simm.s32 $0x1BF5;
	[smem:$0x3FA8] =	sst s0  }
0x18: {  	s0 =	sld [smem:$0x3F8B];
	_ =	swait.ge [sflag:s4], $0x0  }
0x19: {  	s7 =	sld [smem:$0x3F8C]  }
0x1a: {  	s8 =	sadd.s32 $0xFFFFE003, lr  }
0x1b: {  	s9 =	sadd.s32 $0xFFFFFEF7, lr;
	s5 =	simm.s32 $0xFFFFFFFF;
	p2 =	slt.u32 s8, $0xFFFFF086  }
0x1c: {  	p1 =	slt.u32 s9, $0xF7A;
	s5 =	simm.s32 @!p2 $0x0  }
0x1d: {  	s5 =	simm.s32 @p1 $0x1;
	p0 =	seq.s32 s7, s2  }
0x1e: {  	s7 =	smul.u32 @!p0 $0xF7A, s2;
	p2 =	seq.s32 @!p0 s5, $0x0  }
0x1f: {  	s9 =	smul.u32 $0xF7A, s1;
	s8 =	simm.s32 @!p0 $0x1BF5;
	p2 =	por !p2, p0  }
0x20: {  	[sflag:s8] =	ssyncset.s32 @!p0 $0xFFFFF086;
	s6 =	sadd.s32 @!p0 s3, s7;
	s7 =	simm.s32 @!p0 $0x108  }
0x21: {  	s3 =	sadd.s32 s3, s9;
	s6 =	sadd.s32 @!p0 $0x88, s6;
	s7 =	simm.s32 @p2 $0x1082  }
0x22: {  	[simem:s7], [sflag:s8] =	dma.local @!p0 [hbm:s6], $0xF7A  }
0x23: {  	s9 =	sor.u32 $0xD0000000, s2;
	s6 =	simm.s32 $0x108;
	_ =	swait.ge @!p0 [sflag:s8], $0x0  }
0x24: {  	s3 =	sadd.s32 $0x88, s3;
	s6 =	simm.s32 @!p1 $0x1082;
	[sflag:s4] =	ssyncset.s32 $0xFFFFF086  }
0x25: {  	[simem:s6], [sflag:s4] =	dma.local [hbm:s3], $0xF7A  }
0x26: {  	[smem:$0x3F8C] =	sst s1;
	(tag) =	ssettag s2;
	_ =	strace s9  }
0x27: {  	s1 =	sld [smem:$0x3F9C]  }
0x28: {  	s2 =	sld [smem:$0x3F9D]  }
0x29: {  	s4 =	sld [smem:$0x3F9F]  }
0x2a: {  	p0 =	seq.s32 s5, $0x0;
	s5 =	sld [smem:$0x3FA0]  }
0x2b: {  	s6 =	sld [smem:$0x3FA1]  }
0x2c: {  	s7 =	sld [smem:$0x3FA2]  }
0x2d: {  	s3 =	simm.s32 $0x108;
	s8 =	sld [smem:$0x3FA3]  }
0x2e: {  	s3 =	simm.s32 @!p0 $0x1082;
	s9 =	sld [smem:$0x3FA4]  }
0x2f: {  	lr =	sadd.s32 s0, s3;
	s0 =	sld [smem:$0x3F9B]  }
0x30: {  	s3 =	sld [smem:$0x3F9E]  }
0x31: {  	[smem:$0x3FA7] =	sst s10  }
0x32: {  	s10 =	sld [smem:$0x3FA5];
	_ =	sdelay $0x3  }
0x33: {  	p0 =	seq.s32 s10, $0x1;
	s10 =	sld [smem:$0x3FA7];
	_ =	sdelay $0x3  }
0x34: {  	[smem:$0x3FA7] =	sst s10  }
0x35: {  	s10 =	sld [smem:$0x3FA6];
	_ =	sdelay $0x3  }
0x36: {  	p1 =	seq.s32 s10, $0x1;
	s10 =	sld [smem:$0x3FA7];
	_ =	sdelay $0x3  }
0x37: {  	[smem:$0x3FA7] =	sst s10  }
0x38: {  	s10 =	sld [smem:$0x3FA8]  }
0x39: {  	_ = 	snop;
	(pc) =	sbr.ind lr, $3  }
0x3a: {  	_ = 	snop  }
0x3b: {  	_ = 	snop  }
0x3c: {  	p2 =	seq.s32 s10, $0x1;
	s10 =	sld [smem:$0x3FA7]  }
0x3d: {  	_ =	shalt  }
0x3e: {  	_ =	shalt  }
0x3f: {  	_ =	shalt  }
0x40: {  	_ =	shalt  }
0x41: {  	_ =	shalt  }
0x42: {  	_ =	shalt  }
0x43: {  	_ =	shalt  }
0x44: {  	_ =	shalt  }
0x45: {  	_ =	shalt  }
0x46: {  	_ =	shalt  }
0x47: {  	_ =	shalt  }
0x48: {  	_ =	shalt  }
0x49: {  	_ =	shalt  }
0x4a: {  	_ =	shalt  }
0x4b: {  	_ =	shalt  }
0x4c: {  	_ =	shalt  }
0x4d: {  	_ =	shalt  }
0x4e: {  	_ =	shalt  }
0x4f: {  	_ =	shalt  }
0x50: {  	_ =	shalt  }
0x51: {  	_ =	shalt  }
0x52: {  	_ =	shalt  }
0x53: {  	_ =	shalt  }
0x54: {  	_ =	shalt  }
0x55: {  	_ =	shalt  }
0x56: {  	_ =	shalt  }
0x57: {  	_ =	shalt  }
0x58: {  	_ =	shalt  }
0x59: {  	_ =	shalt  }
0x5a: {  	_ =	shalt  }
0x5b: {  	_ =	shalt  }
0x5c: {  	_ =	shalt  }
0x5d: {  	_ =	shalt  }
0x5e: {  	_ =	shalt  }
0x5f: {  	_ =	shalt  }
0x60: {  	_ =	shalt  }
0x61: {  	_ =	shalt  }
0x62: {  	_ =	shalt  }
0x63: {  	_ =	shalt  }
0x64: {  	_ =	shalt  }
0x65: {  	_ =	shalt  }
0x66: {  	_ =	shalt  }
0x67: {  	_ =	shalt  }
0x68: {  	_ =	shalt  }
0x69: {  	_ =	shalt  }
0x6a: {  	_ =	shalt  }
0x6b: {  	_ =	shalt  }
0x6c: {  	_ =	shalt  }
0x6d: {  	_ =	shalt  }
0x6e: {  	_ =	shalt  }
0x6f: {  	_ =	shalt  }
0x70: {  	_ =	shalt  }
0x71: {  	_ =	shalt  }
0x72: {  	_ =	shalt  }
0x73: {  	_ =	shalt  }
0x74: {  	_ =	shalt  }
0x75: {  	_ =	shalt  }
0x76: {  	_ =	shalt  }
0x77: {  	_ =	shalt  }
0x78: {  	_ =	shalt  }
0x79: {  	_ =	shalt  }
0x7a: {  	_ =	shalt  }
0x7b: {  	_ =	shalt  }
0x7c: {  	_ =	shalt  }
0x7d: {  	_ =	shalt  }
0x7e: {  	_ =	shalt  }
0x7f: {  	_ =	shalt  }
0x80: {  	_ =	shalt  }
0x81: {  	_ =	shalt  }
0x82: {  	_ =	shalt  }
0x83: {  	_ =	shalt  }
0x84: {  	_ =	shalt  }
0x85: {  	_ =	shalt  }
0x86: {  	_ =	shalt  }
0x87: {  	_ =	shalt  }
.Lfunc_end0:
.L_simem_size_0:
called_computation.3_lowered:
.L_overlay_start_0:
0x88: {  	s2 =	sld [smem:$0x3FD9]  }
0x89: {  	s3 =	sld [smem:$0x3FFE];
	_ =	sdelay $0x1  }
0x8a: {  	s1 =	srdreg.scid  }
0x8b: {  	s0 =	sand.u32 $0x1, s1  }
0x8c: {  	s16 =	sshll.u32 s0, $0xA;
	s2 =	sadd.s32 s3, s2  }
0x8d: {  	s2 =	sadd.s32 s2, s16  }
0x8e: {  	[smem:$0x3FB3] =	sst s2  }
0x8f: {  	_ = 	snop  }
0x90: {  	(tm) =	ssettm $0x1  }
0x91: {  	s17 =	sld [smem:$0x3FFB];
	_ =	sdelay $0x3  }
0x92: {  	_ =	strace s17  }
0x93: {  	s2 =	sld [smem:$0x3FFC];
	_ =	sdelay $0x3  }
0x94: {  	_ =	strace s2  }
0x95: {  	s2 =	sld [smem:$0x3FFD];
	_ =	sdelay $0x3  }
0x96: {  	_ =	strace s2  }
0x97: {  	_ =	strace $0x8FFFFFFF  }
0x98: {  	s18 =	sld [smem:$0x3FDB];
	_ =	sdelay $0x1  }
0x99: {  	s19 =	simm.s32 $_scs_section_size  }
0x9a: {  	s4 =	simm.s32 $_size__tile_overlayer_lowered;
	s5 =	simm.s32 $_tile_overlayer_lowered  }
0x9b: {  	s22 =	simm.s32 $0x1BFF;
	s21 =	sshll.u32 s5, $0x1;
	s2 =	sadd.s32 s19, s18  }
0x9c: {  	s6 =	simm.s32 $0x0;
	s20 =	sshll.u32 s4, $0x1;
	s4 =	sadd.s32 s21, s2  }
0x9d: {  	[timem:s6], [sflag:s22] =	dma.local [hbm:s4], s20  }
0x9e: {  	_ =	swait.ge [sflag:s22], s20  }
0x9f: {  	s3 =	ssub.s32 $0x0, s20;
	[sflag:s22] =	ssyncset.done $0x0  }
0xa0: {  	[sflag:s22] =	ssyncadd.s32 s3;
	_ =	sdelay $0x1  }
0xa1: {  	s23 =	simm.s32 $0x1B8B  }
0xa2: {  	_ =	swait.ge [sflag:s23], $0x1  }
0xa3: {  	[sflag:s23] =	ssyncset.done $0x0  }
0xa4: {  	s25 =	simm.s32 $0x1B8E;
	s24 =	sld [smem:$0x3FFE];
	[sflag:s23] =	ssyncadd.s32 $0xFFFFFFFF  }
0xa5: {  	s26 =	simm.s32 $execute0_lowered;
	[smem:$0x3FD2] =	sst s25  }
0xa6: {  	s4 =	sshll.u32 s26, $0x1;
	_ =	strace $0x8000004F;
	[dreg:$0x1] =	wrdreg $0xFFFFFFFF  }
0xa7: {  	s28 =	simm.s32 $_size_execute0_lowered;
	s2 =	sadd.s32 s2, s4;
	[dreg:$0x0] =	wrdreg $0x0  }
0xa8: {  	s4 =	sshll.u32 s28, $0x1;
	[dreg:$0x2] =	wrdreg s2  }
0xa9: {  	[dreg:$0x3] =	wrdreg s4  }
0xaa: {  	[dreg:$0x4] =	wrdreg $0xC0  }
0xab: {  	_ =	task [dreg:s6], $0x5FFFF  }
0xac: {  	[dreg:$0x1] =	wrdreg $0xFFFFFFFF  }
0xad: {  	[dreg:$0x0] =	wrdreg $0x60  }
0xae: {  	[dreg:$0x2] =	wrdreg s24  }
0xaf: {  	[dreg:$0x3] =	wrdreg $0xC4000  }
0xb0: {  	[dreg:$0x4] =	wrdreg $0x114000  }
0xb1: {  	[dreg:$0x5] =	wrdreg $0x164000  }
0xb2: {  	[dreg:$0x6] =	wrdreg $0x9  }
0xb3: {  	_ =	task.clear_ibuf [dreg:s6], $0x7FFFF;
	_ =	strace $0x9000004F  }
0xb4: {  	s29 =	simm.s32 $0x9;
	_ =	strace $0x80000051  }
0xb5: {  	_ =	swait.ge [sflag:s29], $0x1  }
0xb6: {  	[sflag:s29] =	ssyncadd.s32 $0xFFFFFFFF  }
0xb7: {  	_ =	strace $0x90000051  }
0xb8: {  	_ =	sfence  }
0xb9: {  	s30 =	sld [smem:$0x0];
	_ =	sdelay $0x2  }
0xba: {  	s31 =	sshll.u32 s1, $0xD;
	s1 =	sshrl.u32 s1, $0x2  }
0xbb: {  	s3 =	sand.u32 $0x4000, s31;
	s1 =	sadd.s32 s1, s30  }
0xbc: {  	s0 =	sor.u32 s3, s0;
	s1 =	sshll.u32 s1, $0x11  }
0xbd: {  	s0 =	sor.u32 s1, s0  }
0xbe: {  	s0 =	sadd.s32 $0x8F2B, s0  }
0xbf: {  	[sflag:s0] =	ssyncadd.remote.s32 $0x1  }
0xc0: {  	_ =	sfence.sel $0xFFFF  }
0xc1: {  	[dreg:$0x0] =	wrdreg $0xFFFFFFFF;
	(pc) =	sbr.abs _section_cstart, $3  }
0xc2: {  	[dreg:$0x1] =	wrdreg $0xFFFFFFFF  }
0xc3: {  	_ =	task.clear_ibuf [dreg:s6], $0x2FFFF;
	_ =	strace $0x9FFFFFFF  }
0xc4: {  	(tm) =	ssettm $0x7FFFFFFF  }
0xc5: {  	_ =	shalt  }
tec
execute0_lowered:
.L_overlay_start_1:
0x0: {  	(tag) =	ssettag $0x1  }
0x1: {  	s0 =	rddreg [dreg:$0x0]  }
0x2: {  	s1 =	rddreg [dreg:$0x1]  }
0x3: {  	s2 =	rddreg [dreg:$0x2]  }
0x4: {  	s3 =	rddreg [dreg:$0x3];
	s13 =	stileid.u32  }
0x5: {  	s4 =	srdreg.scid;
	s5 =	simm.s32 $0x0;
	s28 =	simm.s32 $0x80  }
0x6: {  	s29 =	simm.s32 $0x1400;
	s30 =	simm.s32 $0x5400;
	s31 =	simm.s32 $0x9400  }
0x7: {  	s4 =	sand.u32 $0x1, s4;
	s6 =	smul.u32 $0x5000, s13;
	[smem:$0x7FF] =	sst s5  }
0x8: {  	s7 =	sshll.u32 s13, $0x8;
	s9 =	sshll.u32 s13, $0xD;
	s11 =	sadd.s32 $0x7E000, s0  }
0x9: {  	s15 =	sshll.u32 s13, $0x1;
	p0 =	sne.s32 s13, $0x0;
	s8 =	smul.u32 $0x50000, s4  }
0xa: {  	_ =	strace $0x80000050;
	s7 =	sadd.s32 s7, s0;
	s9 =	sadd.s32 s9, s0  }
0xb: {  	s10 =	ssub.s32 $0x2, s4;
	[dreg:$0x5] =	wrdreg s11;
	s19 =	sshll.u32 s4, $0x7  }
0xc: {  	s20 =	sshll.u32 s4, $0xC;
	s23 =	sor.u32 s4, s15;
	s4 =	simm.s32 $0x2400  }
0xd: {  	s11 =	simm.s32 $0x7400;
	s15 =	simm.s32 $0x280;
	s12 =	sshrl.u32 s10, $0x1  }
0xe: {  	s17 =	sadd.s32 s6, s1;
	s18 =	sadd.s32 s6, s2;
	s21 =	sadd.s32 s20, s9  }
0xf: {  	[dreg:$0xe] =	wrdreg s23;
	s20 =	simm.s32 $0x400;
	s9 =	simm.s32 $0x180  }
0x10: {  	s23 =	simm.s32 $0x380;
	s8 =	sadd.s32 s6, s8;
	s14 =	ssub.s32 s10, s12  }
0x11: {  	s6 =	sadd.s32 s6, s3;
	s22 =	sadd.s32 $0xA56000, s21;
	s24 =	sshrl.u32 s17, $0x3  }
0x12: {  	s25 =	sshrl.u32 s18, $0x3;
	s10 =	simm.s32 $0x3400;
	[dreg:$0xc] =	wrdreg s22  }
0x13: {  	s17 =	simm.s32 $0x200;
	s18 =	simm.s32 $0x300;
	[dreg:$0x12] =	wrdreg s24  }
0x14: {  	s8 =	sshrl.u32 s8, $0x3;
	[dreg:$0x13] =	wrdreg s25;
	s26 =	sshrl.u32 s6, $0x3  }
0x15: {  	s0 =	sadd.s32 s8, s0;
	s8 =	smax.u32 s14, $0x1;
	[dreg:$0x14] =	wrdreg s26  }
0x16: {  	s22 =	simm.s32 $0x8400;
	s16 =	sadd.s32 $0xB0000, s0;
	[dreg:$0x9] =	wrdreg s8  }
0x17: {  	s26 =	simm.s32 $0x1;
	s12 =	sadd.s32 $0x9C000, s0;
	[dreg:$0x6] =	wrdreg s16  }
0x18: {  	s0 =	sadd.s32 $0x88000, s0;
	s8 =	simm.s32 $0xA400;
	[dreg:$0x7] =	wrdreg s12  }
0x19: {  	[dreg:$0x8] =	wrdreg s0;
	s0 =	sadd.s32 s19, s7;
	s7 =	sadd.s32 $0x7E5000, s21  }
0x1a: {  	s19 =	simm.s32 $0x2;
	s0 =	sadd.s32 $0x8800, s0;
	[dreg:$0xb] =	wrdreg s7  }
.Ltmp0:
0x1b: {  	[dreg:$0xa] =	wrdreg s0;
	s0 =	sadd.s32 $0xCC7000, s21;
	(pc) =	sbr.rel .LBB2_1-.Ltmp0, $4  }
0x1c: {  	s16 =	simm.s32 $0xB400;
	[dreg:$0xd] =	wrdreg s0;
	s0 =	sshrl.u32 @!p0 s1, $0x3  }
0x1d: {  	s12 =	simm.s32 $0x0;
	[dreg:$0xf] =	wrdreg s0;
	s0 =	sshrl.u32 @!p0 s2, $0x3  }
0x1e: {  	s7 =	simm.s32 $0x6400;
	[dreg:$0x10] =	wrdreg s0;
	s0 =	sshrl.u32 @!p0 s3, $0x3  }
0x1f: {  	s21 =	simm.s32 $0x4400;
	[dreg:$0x11] =	wrdreg s0;
	s0 =	simm.s32 $0x100  }
.LBB2_5:
0x20: {  	s6 =	stileid.u32;
	[bflag:$0x0] =	sbarrier.arrive $0xFFFF  }
0x21: {  	s6 =	sshll.u32 s6, $0x6;
	s12 =	rddreg [dreg:$0x6]  }
0x22: {  	s13 =	rddreg [dreg:$0x12];
	s6 =	sor.u32 $0x1C02, s6  }
0x23: {  	[hbm:s12], [sflag:s6] =	dma.local [spmem:s13], $0xA00  }
0x24: {  	_ =	swait.ge [sflag:s19], $0xA00  }
0x25: {  	[sflag:s19] =	ssyncset.done $0x0;
	s24 =	rddreg [dreg:$0x7]  }
0x26: {  	s25 =	rddreg [dreg:$0x13];
	[sflag:s19] =	ssyncadd.s32 $0xFFFFF600  }
0x27: {  	[hbm:s24], [sflag:s6] =	dma.local [spmem:s25], $0xA00  }
0x28: {  	_ =	swait.ge [sflag:s19], $0xA00  }
0x29: {  	[sflag:s19] =	ssyncset.done $0x0;
	s13 =	rddreg [dreg:$0x8]  }
0x2a: {  	s14 =	rddreg [dreg:$0x14];
	[sflag:s19] =	ssyncadd.s32 $0xFFFFF600  }
0x2b: {  	[hbm:s13], [sflag:s6] =	dma.local [spmem:s14], $0xA00  }
0x2c: {  	_ =	swait.ge [sflag:s19], $0xA00  }
0x2d: {  	s24 =	rddreg [dreg:$0x15]  }
0x2e: {  	s25 =	rddreg [dreg:$0x9];
	s12 =	sadd.s32 $0x1, s24  }
0x2f: {  	p1 =	sne.s32 s12, s25  }
.Ltmp1:
0x30: {  	_ = 	snop;
	(pc) =	sbr.rel @!p1 .LBB2_6-.Ltmp1, $3  }
0x31: {  	_ =	sdelay $0x1  }
0x32: {  	[sflag:s19] =	ssyncset.done $0x0  }
0x33: {  	[sflag:s19] =	ssyncadd.s32 $0xFFFFF600  }
.LBB2_1:
0x34: {  	[dreg:$0x15] =	wrdreg s12  }
0x35: {  	s13 =	rddreg [dreg:$0x5]  }
0x36: {  	s6 =	simm.s32 @!p0 $0x1C02;
	s12 =	rddreg [dreg:$0xf]  }
0x37: {  	[spmem:s12], [sflag:s6] =	dma.local @!p0 [hbm:s13], $0xA000  }
0x38: {  	s12 =	simm.s32 @!p0 $0x2  }
0x39: {  	_ =	swait.ge @!p0 [sflag:s12], $0xA000  }
0x3a: {  	[sflag:s12] =	ssyncset.done @!p0 $0x0  }
0x3b: {  	s14 =	rddreg [dreg:$0x10];
	[sflag:s12] =	ssyncadd.s32 @!p0 $0xFFFF6000  }
0x3c: {  	[spmem:s14], [sflag:s6] =	dma.local @!p0 [hbm:s13], $0xA000  }
0x3d: {  	_ =	swait.ge @!p0 [sflag:s12], $0xA000  }
0x3e: {  	[sflag:s12] =	ssyncset.done @!p0 $0x0  }
0x3f: {  	s14 =	rddreg [dreg:$0x11];
	[sflag:s12] =	ssyncadd.s32 @!p0 $0xFFFF6000  }
0x40: {  	[spmem:s14], [sflag:s6] =	dma.local @!p0 [hbm:s13], $0xA000  }
0x41: {  	_ =	swait.ge @!p0 [sflag:s12], $0xA000  }
.Ltmp2:
0x42: {  	[sflag:s12] =	ssyncset.done @!p0 $0x0;
	(pc) =	sbr.rel .LBB2_2-.Ltmp2, $4  }
0x43: {  	[sflag:s12] =	ssyncadd.s32 @!p0 $0xFFFF6000  }
0x44: {  	[bflag:$0x0] =	sbarrier.arrive $0xFFFF  }
0x45: {  	s25 =	rddreg [dreg:$0xe]  }
0x46: {  	s24 =	simm.s32 $0x0;
	s6 =	rddreg [dreg:$0xa]  }
.LBB2_4:
0x47: {  	s24 =	sadd.s32 $0x20000, s24  }
0x48: {  	p1 =	sne.s32 s24, $0x280000  }
.Ltmp3:
0x49: {  	_ = 	snop;
	(pc) =	sbr.rel @!p1 .LBB2_5-.Ltmp3, $2  }
0x4a: {  	_ =	sdelay $0x2  }
0x4b: {  	s6 =	sadd.s32 $0x1000, s6;
	s25 =	sadd.s32 $0x20, s25  }
.LBB2_2:
0x4c: {  	p1 =	sgt.u32 s25, $0x270  }
.Ltmp4:
0x4d: {  	_ = 	snop;
	(pc) =	sbr.rel @p1 .LBB2_4-.Ltmp4, $1  }
0x4e: {  	_ =	sdelay $0x3  }
0x4f: {  	[tilespmem:s5], [sflag:$0x2] =	stream.linear.gather [hbm4b:s6+s5], $0x400, $0x38;
	[tilespmem:$0x1B400] =	vst v63  }
0x50: {  	_ =	swait.ge [sflag:s19], $0x400  }
0x51: {  	[sflag:s19] =	ssyncset.done $0x0;
	s12 =	rddreg [dreg:$0xb]  }
0x52: {  	s13 =	rddreg [dreg:$0xc];
	[sflag:s19] =	ssyncadd.s32 $0xFFFFFC00;
	s12 =	sadd.s32 s24, s12  }
0x53: {  	[tilespmem:s20], [sflag:$0x1] =	stream.linear.gather [hbm4b:s12+s5], $0x4000, $0x38;
	[tilespmem:$0x1B400] =	vst v63  }
0x54: {  	s14 =	rddreg [dreg:$0xd];
	s13 =	sadd.s32 s24, s13  }
0x55: {  	[tilespmem:s21], [sflag:$0x1] =	stream.linear.gather [hbm4b:s13+s5], $0x4000, $0x38;
	[tilespmem:$0x1B400] =	vst v63  }
0x56: {  	s14 =	sadd.s32 s24, s14  }
0x57: {  	[tilespmem:s22], [sflag:$0x1] =	stream.linear.gather [hbm4b:s14+s5], $0x4000, $0x38;
	[tilespmem:$0x1B400] =	vst v63  }
0x58: {  	_ =	swait.ge [sflag:s26], $0x4000  }
0x59: {  	[sflag:s26] =	ssyncset.done $0x0  }
0x5a: {  	[sflag:s26] =	ssyncadd.s32 $0xFFFFC000  }
0x5b: {  	_ =	swait.ge [sflag:s26], $0x4000  }
0x5c: {  	[sflag:s26] =	ssyncset.done $0x0  }
0x5d: {  	[sflag:s26] =	ssyncadd.s32 $0xFFFFC000  }
0x5e: {  	_ =	swait.ge [sflag:s26], $0x4000  }
0x5f: {  	[sflag:s26] =	ssyncset.done $0x0  }
0x60: {  	[sflag:s26] =	ssyncadd.s32 $0xFFFFC000  }
0x61: {  	[spmem:s1] =	stream.indirect.scatter.add.f32 [tilespmem:s20], [sflag:$0x1], $0x20, s5, s28, $0xb8;
	[tilespmem:$0x1B400] =	vst v63  }
0x62: {  	_ = 	snop  }
0x63: {  	[spmem:s2] =	stream.indirect.scatter.add.f32 [tilespmem:s21], [sflag:$0x1], $0x20, s5, s28, $0xb8;
	[tilespmem:$0x1B400] =	vst v63  }
0x64: {  	_ = 	snop  }
0x65: {  	[spmem:s3] =	stream.indirect.scatter.add.f32 [tilespmem:s22], [sflag:$0x1], $0x20, s5, s28, $0xb8;
	[tilespmem:$0x1B400] =	vst v63  }
0x66: {  	_ = 	snop  }
0x67: {  	[spmem:s1] =	stream.indirect.scatter.add.f32 [tilespmem:s29], [sflag:$0x1], $0x20, s28, s28, $0xb8;
	[tilespmem:$0x1B400] =	vst v63  }
0x68: {  	_ = 	snop  }
0x69: {  	[spmem:s2] =	stream.indirect.scatter.add.f32 [tilespmem:s30], [sflag:$0x1], $0x20, s28, s28, $0xb8;
	[tilespmem:$0x1B400] =	vst v63  }
0x6a: {  	_ = 	snop  }
0x6b: {  	[spmem:s3] =	stream.indirect.scatter.add.f32 [tilespmem:s31], [sflag:$0x1], $0x20, s28, s28, $0xb8;
	[tilespmem:$0x1B400] =	vst v63  }
0x6c: {  	_ = 	snop  }
0x6d: {  	[spmem:s1] =	stream.indirect.scatter.add.f32 [tilespmem:s4], [sflag:$0x1], $0x20, s0, s28, $0xb8;
	[tilespmem:$0x1B400] =	vst v63  }
0x6e: {  	_ = 	snop  }
0x6f: {  	[spmem:s2] =	stream.indirect.scatter.add.f32 [tilespmem:s7], [sflag:$0x1], $0x20, s0, s28, $0xb8;
	[tilespmem:$0x1B400] =	vst v63  }
0x70: {  	_ = 	snop  }
0x71: {  	[spmem:s3] =	stream.indirect.scatter.add.f32 [tilespmem:s8], [sflag:$0x1], $0x20, s0, s28, $0xb8;
	[tilespmem:$0x1B400] =	vst v63  }
0x72: {  	_ = 	snop  }
0x73: {  	[spmem:s1] =	stream.indirect.scatter.add.f32 [tilespmem:s10], [sflag:$0x1], $0x20, s9, s28, $0xb8;
	[tilespmem:$0x1B400] =	vst v63  }
0x74: {  	_ = 	snop  }
0x75: {  	[spmem:s2] =	stream.indirect.scatter.add.f32 [tilespmem:s11], [sflag:$0x1], $0x20, s9, s28, $0xb8;
	[tilespmem:$0x1B400] =	vst v63  }
0x76: {  	_ = 	snop  }
0x77: {  	[spmem:s3] =	stream.indirect.scatter.add.f32 [tilespmem:s16], [sflag:$0x1], $0x20, s9, s28, $0xb8;
	[tilespmem:$0x1B400] =	vst v63  }
0x78: {  	_ =	swait.ge [sflag:s26], $0x1000  }
0x79: {  	[sflag:s26] =	ssyncset.done $0x0  }
0x7a: {  	[sflag:s26] =	ssyncadd.s32 $0xFFFFF000  }
0x7b: {  	_ =	swait.ge [sflag:s26], $0x1000  }
0x7c: {  	[sflag:s26] =	ssyncset.done $0x0  }
0x7d: {  	[sflag:s26] =	ssyncadd.s32 $0xFFFFF000  }
0x7e: {  	_ =	swait.ge [sflag:s26], $0x1000  }
0x7f: {  	[sflag:s26] =	ssyncset.done $0x0  }
0x80: {  	[sflag:s26] =	ssyncadd.s32 $0xFFFFF000  }
0x81: {  	_ =	swait.ge [sflag:s26], $0x1000  }
0x82: {  	[sflag:s26] =	ssyncset.done $0x0  }
0x83: {  	[sflag:s26] =	ssyncadd.s32 $0xFFFFF000  }
0x84: {  	_ =	swait.ge [sflag:s26], $0x1000  }
0x85: {  	[sflag:s26] =	ssyncset.done $0x0  }
0x86: {  	[sflag:s26] =	ssyncadd.s32 $0xFFFFF000  }
0x87: {  	_ =	swait.ge [sflag:s26], $0x1000  }
0x88: {  	[sflag:s26] =	ssyncset.done $0x0  }
0x89: {  	[sflag:s26] =	ssyncadd.s32 $0xFFFFF000  }
0x8a: {  	_ =	swait.ge [sflag:s26], $0x1000  }
0x8b: {  	[sflag:s26] =	ssyncset.done $0x0  }
0x8c: {  	[sflag:s26] =	ssyncadd.s32 $0xFFFFF000  }
0x8d: {  	_ =	swait.ge [sflag:s26], $0x1000  }
0x8e: {  	[sflag:s26] =	ssyncset.done $0x0  }
0x8f: {  	[sflag:s26] =	ssyncadd.s32 $0xFFFFF000  }
0x90: {  	_ =	swait.ge [sflag:s26], $0x1000  }
0x91: {  	[sflag:s26] =	ssyncset.done $0x0  }
0x92: {  	[sflag:s26] =	ssyncadd.s32 $0xFFFFF000  }
0x93: {  	_ =	swait.ge [sflag:s26], $0x1000  }
0x94: {  	[sflag:s26] =	ssyncset.done $0x0  }
0x95: {  	[sflag:s26] =	ssyncadd.s32 $0xFFFFF000  }
0x96: {  	_ =	swait.ge [sflag:s26], $0x1000  }
0x97: {  	[sflag:s26] =	ssyncset.done $0x0  }
0x98: {  	[sflag:s26] =	ssyncadd.s32 $0xFFFFF000  }
0x99: {  	_ =	swait.ge [sflag:s26], $0x1000  }
0x9a: {  	[sflag:s26] =	ssyncset.done $0x0  }
0x9b: {  	s12 =	sadd.s32 $0x800, s12;
	[sflag:s26] =	ssyncadd.s32 $0xFFFFF000  }
0x9c: {  	[tilespmem:s20], [sflag:$0x1] =	stream.linear.gather [hbm4b:s12+s5], $0x4000, $0x38;
	[tilespmem:$0x1B400] =	vst v63  }
0x9d: {  	s13 =	sadd.s32 $0x800, s13  }
0x9e: {  	[tilespmem:s21], [sflag:$0x1] =	stream.linear.gather [hbm4b:s13+s5], $0x4000, $0x38;
	[tilespmem:$0x1B400] =	vst v63  }
0x9f: {  	s14 =	sadd.s32 $0x800, s14  }
0xa0: {  	[tilespmem:s22], [sflag:$0x1] =	stream.linear.gather [hbm4b:s14+s5], $0x4000, $0x38;
	[tilespmem:$0x1B400] =	vst v63  }
0xa1: {  	_ =	swait.ge [sflag:s26], $0x4000  }
0xa2: {  	[sflag:s26] =	ssyncset.done $0x0  }
0xa3: {  	[sflag:s26] =	ssyncadd.s32 $0xFFFFC000  }
0xa4: {  	_ =	swait.ge [sflag:s26], $0x4000  }
0xa5: {  	[sflag:s26] =	ssyncset.done $0x0  }
0xa6: {  	[sflag:s26] =	ssyncadd.s32 $0xFFFFC000  }
0xa7: {  	_ =	swait.ge [sflag:s26], $0x4000  }
0xa8: {  	[sflag:s26] =	ssyncset.done $0x0  }
0xa9: {  	[sflag:s26] =	ssyncadd.s32 $0xFFFFC000  }
0xaa: {  	[spmem:s1] =	stream.indirect.scatter.add.f32 [tilespmem:s20], [sflag:$0x1], $0x20, s17, s28, $0xb8;
	[tilespmem:$0x1B400] =	vst v63  }
0xab: {  	_ = 	snop  }
0xac: {  	[spmem:s2] =	stream.indirect.scatter.add.f32 [tilespmem:s21], [sflag:$0x1], $0x20, s17, s28, $0xb8;
	[tilespmem:$0x1B400] =	vst v63  }
0xad: {  	_ = 	snop  }
0xae: {  	[spmem:s3] =	stream.indirect.scatter.add.f32 [tilespmem:s22], [sflag:$0x1], $0x20, s17, s28, $0xb8;
	[tilespmem:$0x1B400] =	vst v63  }
0xaf: {  	_ = 	snop  }
0xb0: {  	[spmem:s1] =	stream.indirect.scatter.add.f32 [tilespmem:s29], [sflag:$0x1], $0x20, s15, s28, $0xb8;
	[tilespmem:$0x1B400] =	vst v63  }
0xb1: {  	_ = 	snop  }
0xb2: {  	[spmem:s2] =	stream.indirect.scatter.add.f32 [tilespmem:s30], [sflag:$0x1], $0x20, s15, s28, $0xb8;
	[tilespmem:$0x1B400] =	vst v63  }
0xb3: {  	_ = 	snop  }
0xb4: {  	[spmem:s3] =	stream.indirect.scatter.add.f32 [tilespmem:s31], [sflag:$0x1], $0x20, s15, s28, $0xb8;
	[tilespmem:$0x1B400] =	vst v63  }
0xb5: {  	_ = 	snop  }
0xb6: {  	[spmem:s1] =	stream.indirect.scatter.add.f32 [tilespmem:s4], [sflag:$0x1], $0x20, s18, s28, $0xb8;
	[tilespmem:$0x1B400] =	vst v63  }
0xb7: {  	_ = 	snop  }
0xb8: {  	[spmem:s2] =	stream.indirect.scatter.add.f32 [tilespmem:s7], [sflag:$0x1], $0x20, s18, s28, $0xb8;
	[tilespmem:$0x1B400] =	vst v63  }
0xb9: {  	_ = 	snop  }
0xba: {  	[spmem:s3] =	stream.indirect.scatter.add.f32 [tilespmem:s8], [sflag:$0x1], $0x20, s18, s28, $0xb8;
	[tilespmem:$0x1B400] =	vst v63  }
0xbb: {  	_ = 	snop  }
0xbc: {  	[spmem:s1] =	stream.indirect.scatter.add.f32 [tilespmem:s10], [sflag:$0x1], $0x20, s23, s28, $0xb8;
	[tilespmem:$0x1B400] =	vst v63  }
0xbd: {  	_ = 	snop  }
0xbe: {  	[spmem:s2] =	stream.indirect.scatter.add.f32 [tilespmem:s11], [sflag:$0x1], $0x20, s23, s28, $0xb8;
	[tilespmem:$0x1B400] =	vst v63  }
0xbf: {  	_ = 	snop  }
0xc0: {  	[spmem:s3] =	stream.indirect.scatter.add.f32 [tilespmem:s16], [sflag:$0x1], $0x20, s23, s28, $0xb8;
	[tilespmem:$0x1B400] =	vst v63  }
0xc1: {  	_ =	swait.ge [sflag:s26], $0x1000  }
0xc2: {  	[sflag:s26] =	ssyncset.done $0x0  }
0xc3: {  	[sflag:s26] =	ssyncadd.s32 $0xFFFFF000  }
0xc4: {  	_ =	swait.ge [sflag:s26], $0x1000  }
0xc5: {  	[sflag:s26] =	ssyncset.done $0x0  }
0xc6: {  	[sflag:s26] =	ssyncadd.s32 $0xFFFFF000  }
0xc7: {  	_ =	swait.ge [sflag:s26], $0x1000  }
0xc8: {  	[sflag:s26] =	ssyncset.done $0x0  }
0xc9: {  	[sflag:s26] =	ssyncadd.s32 $0xFFFFF000  }
0xca: {  	_ =	swait.ge [sflag:s26], $0x1000  }
0xcb: {  	[sflag:s26] =	ssyncset.done $0x0  }
0xcc: {  	[sflag:s26] =	ssyncadd.s32 $0xFFFFF000  }
0xcd: {  	_ =	swait.ge [sflag:s26], $0x1000  }
0xce: {  	[sflag:s26] =	ssyncset.done $0x0  }
0xcf: {  	[sflag:s26] =	ssyncadd.s32 $0xFFFFF000  }
0xd0: {  	_ =	swait.ge [sflag:s26], $0x1000  }
0xd1: {  	[sflag:s26] =	ssyncset.done $0x0  }
0xd2: {  	[sflag:s26] =	ssyncadd.s32 $0xFFFFF000  }
0xd3: {  	_ =	swait.ge [sflag:s26], $0x1000  }
0xd4: {  	[sflag:s26] =	ssyncset.done $0x0  }
0xd5: {  	[sflag:s26] =	ssyncadd.s32 $0xFFFFF000  }
0xd6: {  	_ =	swait.ge [sflag:s26], $0x1000  }
0xd7: {  	[sflag:s26] =	ssyncset.done $0x0  }
0xd8: {  	[sflag:s26] =	ssyncadd.s32 $0xFFFFF000  }
0xd9: {  	_ =	swait.ge [sflag:s26], $0x1000  }
0xda: {  	[sflag:s26] =	ssyncset.done $0x0  }
0xdb: {  	[sflag:s26] =	ssyncadd.s32 $0xFFFFF000  }
0xdc: {  	_ =	swait.ge [sflag:s26], $0x1000  }
0xdd: {  	[sflag:s26] =	ssyncset.done $0x0  }
0xde: {  	[sflag:s26] =	ssyncadd.s32 $0xFFFFF000  }
0xdf: {  	_ =	swait.ge [sflag:s26], $0x1000  }
.Ltmp5:
0xe0: {  	[sflag:s26] =	ssyncset.done $0x0;
	(pc) =	sbr.rel .LBB2_4-.Ltmp5, $4  }
0xe1: {  	[sflag:s26] =	ssyncadd.s32 $0xFFFFF000  }
0xe2: {  	_ =	swait.ge [sflag:s26], $0x1000  }
0xe3: {  	[sflag:s26] =	ssyncset.done $0x0  }
0xe4: {  	[sflag:s26] =	ssyncadd.s32 $0xFFFFF000  }
.LBB2_6:
0xe5: {  	_ =	sfence.sel $0x180000  }
0xe6: {  	[bflag:$0x0] =	sbarrier.arrive $0xFFFF  }
0xe7: {  	_ =	strace $0x90000050  }
0xe8: {  	[bflag:$0x2] =	sbarrier.arrive $0xFFFF  }
0xe9: {  	s0 =	rddreg [dreg:$0x4]  }
0xea: {  	s0 =	sadd.s32 @!p0 $0x100000, s0  }
0xeb: {  	[sflag:s0] =	ssyncadd.tile.s32 @!p0 $0x1;
	_ =	shalt  }
.Lfunc_end2:
_tile_overlayer_lowered:
.L_overlay_start_2:
0xec: {  	(tag) =	ssettag $0x2  }
0xed: {  	s0 =	rddreg [dreg:$0x0];
	s2 =	stileid.u32  }
0xee: {  	s1 =	rddreg [dreg:$0x1];
	p0 =	sne.s32 s2, $0x0  }
0xef: {  	s3 =	rddreg [dreg:$0x2];
	[bflag:$0x3] =	sbarrier.arrive $0xFFFF;
	s2 =	simm.s32 @!p0 $0x1C02  }
0xf0: {  	[timem:s3], [sflag:s2] =	dma.local @!p0 [hbm:s0], s1  }
0xf1: {  	s0 =	simm.s32 @!p0 $0x2  }
0xf2: {  	_ =	swait.ge @!p0 [sflag:s0], s1  }
0xf3: {  	s1 =	ssub.s32 @!p0 $0x0, s1;
	[sflag:s0] =	ssyncset.done @!p0 $0x0  }
0xf4: {  	[sflag:s0] =	ssyncadd.s32 @!p0 s1  }
0xf5: {  	[bflag:$0x3] =	sbarrier.arrive $0xFFFF  }
0xf6: {  	_ =	shalt  }

</sc_bundles>
